<compile_context>
chip_gen: v7x
topology: tpu7x:2x2x1
jax: 0.10.2.dev20260603
libtpu: 0.0.44.dev20260713+nightly
codegen_flags: <defaults>
</compile_context>

<pallas_src>
import functools

import jax
import jax.numpy as jnp
from jax import lax
from jax.experimental import pallas as pl
from jax.experimental.pallas import tpu as pltpu
import jax.experimental.pallas.tpu_sc as plsc

N = 10000
D = 128
G = 128
H = D // 2
NC = 2
NS = 16
CHUNK = 64

NPAD = 10112
ROWS_PER_TILE = NPAD // NS
DUMMY_ROW = N
NSLOT = 8


def _make_sc_agg(kpt):
  assert kpt % NSLOT == 0
  nq = kpt // NSLOT
  mesh = plsc.VectorSubcoreMesh(core_axis_name="c", subcore_axis_name="s")

  @functools.partial(
      pl.kernel,
      out_type=jax.ShapeDtypeStruct((NC, NPAD, H), jnp.float32),
      mesh=mesh,
      scratch_types=[
          pltpu.VMEM((2 * NSLOT, CHUNK), jnp.int32),
          pltpu.VMEM((2 * NSLOT, CHUNK), jnp.int32),
          pltpu.VMEM_SHARED((NPAD, H), jnp.float32),
          pltpu.VMEM_SHARED((N, H), jnp.float32),
      ] + [pltpu.VMEM((CHUNK, H), jnp.float32)] * NSLOT
        + [pltpu.SemaphoreType.DMA] * (2 * NSLOT + 1),
      compiler_params=pltpu.CompilerParams(use_tc_tiling_on_sc=False),
  )
  def sc_agg(h2_hbm, srcs_hbm, dsts_hbm, zeros_hbm, out_hbm,
             src_v, dst_v, acc_sh, h_sh, *rest):
    gbuf = rest[:NSLOT]
    gsem = rest[NSLOT:2 * NSLOT]
    ssem = rest[2 * NSLOT:3 * NSLOT]
    isem = rest[3 * NSLOT]
    c = lax.axis_index("c")
    s = lax.axis_index("s")
    pltpu.sync_copy(zeros_hbm,
                    acc_sh.at[pl.ds(s * ROWS_PER_TILE, ROWS_PER_TILE)])
    pltpu.sync_copy(h2_hbm.at[c, pl.ds(s * (N // NS), N // NS)],
                    h_sh.at[pl.ds(s * (N // NS), N // NS)])
    pltpu.async_copy(srcs_hbm.at[s, pl.ds(0, NSLOT)],
                     src_v.at[pl.ds(0, NSLOT)], isem)
    pltpu.async_copy(dsts_hbm.at[s, pl.ds(0, NSLOT)],
                     dst_v.at[pl.ds(0, NSLOT)], isem)
    plsc.subcore_barrier()

    def body(q, carry):
      p = lax.rem(q, 2)
      mybase = p * NSLOT
      nxbase = NSLOT - mybase
      @pl.when(q > 0)
      def _():
        for b in range(NSLOT):
          pltpu.make_async_copy(gbuf[b], acc_sh.at[dst_v.at[0]],
                                ssem[b]).wait()
      pltpu.make_async_copy(srcs_hbm.at[s, pl.ds(0, NSLOT)],
                            src_v.at[pl.ds(0, NSLOT)], isem).wait()
      pltpu.make_async_copy(srcs_hbm.at[s, pl.ds(0, NSLOT)],
                            src_v.at[pl.ds(0, NSLOT)], isem).wait()
      pltpu.async_copy(srcs_hbm.at[s, pl.ds((q + 1) * NSLOT, NSLOT)],
                       src_v.at[pl.ds(nxbase, NSLOT)], isem)
      pltpu.async_copy(dsts_hbm.at[s, pl.ds((q + 1) * NSLOT, NSLOT)],
                       dst_v.at[pl.ds(nxbase, NSLOT)], isem)
      for b in range(NSLOT):
        pltpu.async_copy(h_sh.at[src_v.at[mybase + b]], gbuf[b], gsem[b])
      for b in range(NSLOT):
        pltpu.make_async_copy(h_sh.at[src_v.at[0]], gbuf[b], gsem[b]).wait()
        pltpu.async_copy(gbuf[b], acc_sh.at[dst_v.at[mybase + b]],
                         ssem[b], add=True)
      return carry

    lax.fori_loop(0, nq, body, 0)
    for b in range(NSLOT):
      pltpu.make_async_copy(gbuf[b], acc_sh.at[dst_v.at[0]], ssem[b]).wait()
    pltpu.make_async_copy(srcs_hbm.at[s, pl.ds(0, NSLOT)],
                          src_v.at[pl.ds(0, NSLOT)], isem).wait()
    pltpu.make_async_copy(srcs_hbm.at[s, pl.ds(0, NSLOT)],
                          src_v.at[pl.ds(0, NSLOT)], isem).wait()
    plsc.subcore_barrier()
    pltpu.sync_copy(acc_sh.at[pl.ds(s * ROWS_PER_TILE, ROWS_PER_TILE)],
                    out_hbm.at[c, pl.ds(s * ROWS_PER_TILE, ROWS_PER_TILE)])

  return sc_agg


def _layer_math(h, p0, p1, w1, b1, w2, b2, g, b):
  u = jnp.concatenate([h[:, :H] + p0, h[:, H:] + p1], axis=1)
  a = jnp.maximum(
      jnp.dot(u, w1, preferred_element_type=jnp.float32) + b1, 0.0)
  v = jnp.dot(a, w2, preferred_element_type=jnp.float32) + b2
  r = jnp.maximum(v, 0.0)
  mu = jnp.mean(r, axis=0, keepdims=True)
  var = jnp.mean(jnp.square(r - mu), axis=0, keepdims=True)
  return g * (r - mu) * lax.rsqrt(var + 1e-5) + b


def _tc_layer_body(h_ref, part_ref, w1_ref, b1_ref, w2_ref, b2_ref,
                   g_ref, b_ref, o_ref):
  h = jnp.concatenate([h_ref[0], h_ref[1]], axis=1)
  hn = _layer_math(h, part_ref[0, :N, :], part_ref[1, :N, :],
                   w1_ref[...], b1_ref[...], w2_ref[...], b2_ref[...],
                   g_ref[...], b_ref[...])
  o_ref[0] = hn[:, :H]
  o_ref[1] = hn[:, H:]


_tc_layer = pl.pallas_call(
    _tc_layer_body,
    out_shape=jax.ShapeDtypeStruct((NC, N, H), jnp.float32),
)


def _tc_last_body(h_ref, part_ref, w1_ref, b1_ref, w2_ref, b2_ref,
                  g_ref, b_ref, batch_ref, lw_ref, lb_ref, h_out, o_out):
  h = jnp.concatenate([h_ref[0], h_ref[1]], axis=1)
  hn = _layer_math(h, part_ref[0, :N, :], part_ref[1, :N, :],
                   w1_ref[...], b1_ref[...], w2_ref[...], b2_ref[...],
                   g_ref[...], b_ref[...])
  h_out[...] = hn
  ids = batch_ref[...]
  oh = (ids == lax.broadcasted_iota(jnp.int32, (N, G), 1)).astype(jnp.float32)
  xpool = lax.dot_general(oh, hn,
                          dimension_numbers=(((0,), (0,)), ((), ())),
                          preferred_element_type=jnp.float32)
  o_out[...] = jnp.dot(xpool, lw_ref[...],
                       preferred_element_type=jnp.float32) + lb_ref[...]


_tc_last = pl.pallas_call(
    _tc_last_body,
    out_shape=(jax.ShapeDtypeStruct((N, D), jnp.float32),
               jax.ShapeDtypeStruct((G, 2 * D), jnp.float32)),
)


@jax.jit
def kernel(x, edge_index, batch, c0_W1, c0_b1, c0_W2, c0_b2, c1_W1, c1_b1,
           c1_W2, c1_b2, c2_W1, c2_b1, c2_W2, c2_b2, bn0_g, bn0_b, bn1_g,
           bn1_b, bn2_g, bn2_b, lin0_W, lin0_b):
  src = edge_index[0].astype(jnp.int32)
  dst = edge_index[1].astype(jnp.int32)
  e = src.shape[0]
  kpt = -(-e // (NS * CHUNK * NSLOT)) * NSLOT
  e_pad = kpt * NS * CHUNK
  src_p = jnp.concatenate(
      [src, jnp.zeros((e_pad - e,), jnp.int32)]).reshape(NS, kpt, CHUNK)
  pad_dst = DUMMY_ROW + jnp.arange(e_pad - e, dtype=jnp.int32) % (NPAD - N)
  dst_p = jnp.concatenate([dst, pad_dst]).reshape(NS, kpt, CHUNK)
  src_p = jnp.concatenate(
      [src_p, jnp.zeros((NS, NSLOT, CHUNK), jnp.int32)], axis=1)
  dst_p = jnp.concatenate(
      [dst_p, jnp.full((NS, NSLOT, CHUNK), DUMMY_ROW, jnp.int32)], axis=1)
  zeros = jnp.zeros((ROWS_PER_TILE, H), jnp.float32)
  sc_agg = _make_sc_agg(kpt)

  layers = [
      (c0_W1, c0_b1, c0_W2, c0_b2, bn0_g, bn0_b),
      (c1_W1, c1_b1, c1_W2, c1_b2, bn1_g, bn1_b),
      (c2_W1, c2_b1, c2_W2, c2_b2, bn2_g, bn2_b),
  ]
  h2 = jnp.stack([x[:, :H], x[:, H:]])
  for (w1, b1, w2, b2, g, b) in layers[:2]:
    part = sc_agg(h2, src_p, dst_p, zeros)
    h2 = _tc_layer(h2, part, w1, b1.reshape(1, D), w2, b2.reshape(1, D),
                   g.reshape(1, D), b.reshape(1, D))
  (w1, b1, w2, b2, g, b) = layers[2]
  part = sc_agg(h2, src_p, dst_p, zeros)
  h, out = _tc_last(h2, part, w1, b1.reshape(1, D), w2, b2.reshape(1, D),
                    g.reshape(1, D), b.reshape(1, D),
                    batch.astype(jnp.int32).reshape(N, 1), lin0_W,
                    lin0_b.reshape(1, 2 * D))
  return (out, h)

# --- scband reference (transcript-rebuilt; emitter-appended) ---
"""Pipeline reference for scband-ginencoder-17205638988406 (READ-ONLY COPY).

The authoritative reference and input builder live on the scoring server;
editing this copy changes nothing except your own understanding.
"""

import jax, jax.numpy as jnp
import numpy as np

N = 10000
E = 320000
D = 128
G = 128

def setup_inputs(seed: int = 0):
    key = jax.random.key(seed)
    ks = jax.random.split(key, 20)
    inp = {}
    inp['x'] = jax.random.normal(ks[0], (N, D), dtype=jnp.float32)
    src = jax.random.randint(ks[1], (E,), 0, N)
    dst = jax.random.randint(ks[2], (E,), 0, N)
    inp['edge_index'] = jnp.stack([src, dst], axis=0)
    inp['batch'] = jnp.sort(jax.random.randint(ks[3], (N,), 0, G))
    def lin(k, fi, fo):
        kw, kb = jax.random.split(k)
        s = 1.0 / np.sqrt(fi)
        W = jax.random.uniform(kw, (fi, fo), minval=-s, maxval=s, dtype=jnp.float32)
        b = jax.random.uniform(kb, (fo,), minval=-s, maxval=s, dtype=jnp.float32)
        return W, b
    inp['c0_W1'], inp['c0_b1'] = lin(ks[4], D, D)
    inp['c0_W2'], inp['c0_b2'] = lin(ks[5], D, D)
    inp['c1_W1'], inp['c1_b1'] = lin(ks[6], D, D)
    inp['c1_W2'], inp['c1_b2'] = lin(ks[7], D, D)
    inp['c2_W1'], inp['c2_b1'] = lin(ks[8], D, D)
    inp['c2_W2'], inp['c2_b2'] = lin(ks[9], D, D)
    for i in range(3):
        inp['bn%d_g' % i] = jnp.ones((D,), dtype=jnp.float32)
        inp['bn%d_b' % i] = jnp.zeros((D,), dtype=jnp.float32)
    inp['lin0_W'], inp['lin0_b'] = lin(ks[10], D, 2 * D)
    return inp

def _gin_conv(x, src, dst, W1, b1, W2, b2):
    # GINConv with eps=0 (PyG default): nn((1+eps)*x + sum_{j in N(i)} x_j)
    agg = jax.ops.segment_sum(x[src], dst, num_segments=x.shape[0])
    h = x + agg
    h = jnp.maximum(h @ W1 + b1, 0.0)
    return h @ W2 + b2

def _bn(x, g, b):
    # BatchNorm1d in training mode: batch statistics, biased variance
    mu = jnp.mean(x, axis=0)
    var = jnp.var(x, axis=0)
    return g * (x - mu) / jnp.sqrt(var + 1e-5) + b

def reference(x, edge_index, batch, c0_W1, c0_b1, c0_W2, c0_b2, c1_W1, c1_b1, c1_W2, c1_b2, c2_W1, c2_b1, c2_W2, c2_b2, bn0_g, bn0_b, bn1_g, bn1_b, bn2_g, bn2_b, lin0_W, lin0_b):
    src, dst = edge_index[0], edge_index[1]
    h = x
    layers = [
        (c0_W1, c0_b1, c0_W2, c0_b2, bn0_g, bn0_b),
        (c1_W1, c1_b1, c1_W2, c1_b2, bn1_g, bn1_b),
        (c2_W1, c2_b1, c2_W2, c2_b2, bn2_g, bn2_b),
    ]
    for (W1, b1, W2, b2, g, b) in layers:
        h = jnp.maximum(_gin_conv(h, src, dst, W1, b1, W2, b2), 0.0)
        h = _bn(h, g, b)
    xpool = jax.ops.segment_sum(h, batch, num_segments=G)
    out = xpool @ lin0_W + lin0_b
    return (out, h)

if __name__ == "__main__":
    import jax
    _d = setup_inputs()
    print(jax.jit(kernel)(*tuple(_d.values())))

</pallas_src>

<mosaic_0001>
#map = affine_map<(d0, d1) -> (0, 0, 0)>
#map1 = affine_map<(d0, d1) -> (0, 0)>
module attributes {stable_mosaic.version = 14 : i64} {
  func.func @sc_agg(%arg0: i32, %arg1: i32, %arg2: memref<2x10000x64xf32, #tpu.memory_space<hbm>>, %arg3: memref<16x328x64xi32, #tpu.memory_space<hbm>>, %arg4: memref<16x328x64xi32, #tpu.memory_space<hbm>>, %arg5: memref<632x64xf32, #tpu.memory_space<hbm>>, %arg6: memref<2x10112x64xf32, #tpu.memory_space<hbm>>, %arg7: memref<16x64xi32, #tpu.memory_space<vmem>>, %arg8: memref<16x64xi32, #tpu.memory_space<vmem>>, %arg9: memref<10112x64xf32, #tpu.memory_space<vmem_shared>>, %arg10: memref<10000x64xf32, #tpu.memory_space<vmem_shared>>, %arg11: memref<64x64xf32, #tpu.memory_space<vmem>>, %arg12: memref<64x64xf32, #tpu.memory_space<vmem>>, %arg13: memref<64x64xf32, #tpu.memory_space<vmem>>, %arg14: memref<64x64xf32, #tpu.memory_space<vmem>>, %arg15: memref<64x64xf32, #tpu.memory_space<vmem>>, %arg16: memref<64x64xf32, #tpu.memory_space<vmem>>, %arg17: memref<64x64xf32, #tpu.memory_space<vmem>>, %arg18: memref<64x64xf32, #tpu.memory_space<vmem>>, %arg19: memref<!tpu.dma_semaphore, #tpu.memory_space<semaphore_mem>>, %arg20: memref<!tpu.dma_semaphore, #tpu.memory_space<semaphore_mem>>, %arg21: memref<!tpu.dma_semaphore, #tpu.memory_space<semaphore_mem>>, %arg22: memref<!tpu.dma_semaphore, #tpu.memory_space<semaphore_mem>>, %arg23: memref<!tpu.dma_semaphore, #tpu.memory_space<semaphore_mem>>, %arg24: memref<!tpu.dma_semaphore, #tpu.memory_space<semaphore_mem>>, %arg25: memref<!tpu.dma_semaphore, #tpu.memory_space<semaphore_mem>>, %arg26: memref<!tpu.dma_semaphore, #tpu.memory_space<semaphore_mem>>, %arg27: memref<!tpu.dma_semaphore, #tpu.memory_space<semaphore_mem>>, %arg28: memref<!tpu.dma_semaphore, #tpu.memory_space<semaphore_mem>>, %arg29: memref<!tpu.dma_semaphore, #tpu.memory_space<semaphore_mem>>, %arg30: memref<!tpu.dma_semaphore, #tpu.memory_space<semaphore_mem>>, %arg31: memref<!tpu.dma_semaphore, #tpu.memory_space<semaphore_mem>>, %arg32: memref<!tpu.dma_semaphore, #tpu.memory_space<semaphore_mem>>, %arg33: memref<!tpu.dma_semaphore, #tpu.memory_space<semaphore_mem>>, %arg34: memref<!tpu.dma_semaphore, #tpu.memory_space<semaphore_mem>>, %arg35: memref<!tpu.dma_semaphore, #tpu.memory_space<semaphore_mem>>) attributes {dimension_semantics = [#tpu.dimension_semantics<core_parallel>, #tpu.dimension_semantics<subcore_parallel>], iteration_bounds = array<i64: 2, 16>, scalar_prefetch = 0 : i64, scratch_operands = 29 : i64, tpu.core_type = #tpu.core_type<sc_vector_subcore>, window_params = [{transform_indices = #map}, {transform_indices = #map}, {transform_indices = #map}, {transform_indices = #map1}, {transform_indices = #map}]} {
    %mul3A = arith.constant 632 : i32
    %mul3A_0 = arith.muli %arg1, %mul3A : i32
    "tpu.region"() ({
      %run_scoped3A = tpu.sem_alloc : memref<!tpu.dma_semaphore, #tpu.memory_space<semaphore_mem>>
      %dma_start3A_125 = arith.constant 0 : i32
      %dma_start3A_126 = tpu.memref_slice %arg9[%mul3A_0, %dma_start3A_125] : memref<10112x64xf32, #tpu.memory_space<vmem_shared>> -> memref<632x64xf32, #tpu.memory_space<vmem_shared>>
      tpu.enqueue_dma source(%arg5 : memref<632x64xf32, #tpu.memory_space<hbm>>) target(%dma_start3A_126 : memref<632x64xf32, #tpu.memory_space<vmem_shared>>) target_semaphore(%run_scoped3A : memref<!tpu.dma_semaphore, #tpu.memory_space<semaphore_mem>>)
      %dma_wait3A_127 = arith.constant 0 : i32
      %dma_wait3A_128 = tpu.memref_slice %arg9[%mul3A_0, %dma_wait3A_127] : memref<10112x64xf32, #tpu.memory_space<vmem_shared>> -> memref<632x64xf32, #tpu.memory_space<vmem_shared>>
      tpu.wait_dma2 semaphore(%run_scoped3A : memref<!tpu.dma_semaphore, #tpu.memory_space<semaphore_mem>>) src(%arg5 : memref<632x64xf32, #tpu.memory_space<hbm>>) dst(%dma_wait3A_128 : memref<632x64xf32, #tpu.memory_space<vmem_shared>>)
      tpu.yield
    }) : () -> ()
    %mul3A_1 = arith.constant 625 : i32
    %mul3A_2 = arith.muli %arg1, %mul3A_1 : i32
    %mul3A_3 = arith.constant 625 : i32
    %mul3A_4 = arith.muli %arg1, %mul3A_3 : i32
    "tpu.region"() ({
      %run_scoped3A = tpu.sem_alloc : memref<!tpu.dma_semaphore, #tpu.memory_space<semaphore_mem>>
      %dma_start3A_125 = arith.constant 0 : i32
      %dma_start3A_126 = tpu.memref_slice %arg10[%mul3A_4, %dma_start3A_125] : memref<10000x64xf32, #tpu.memory_space<vmem_shared>> -> memref<625x64xf32, #tpu.memory_space<vmem_shared>>
      %dma_start3A_127 = arith.constant 0 : i32
      %dma_start3A_128 = tpu.memref_slice %arg2[%arg0, %mul3A_2, %dma_start3A_127] : memref<2x10000x64xf32, #tpu.memory_space<hbm>> -> memref<1x625x64xf32, #tpu.memory_space<hbm>>
      %dma_start3A_129 = tpu.memref_squeeze %dma_start3A_128 : memref<1x625x64xf32, #tpu.memory_space<hbm>> -> memref<625x64xf32, #tpu.memory_space<hbm>>
      tpu.enqueue_dma source(%dma_start3A_129 : memref<625x64xf32, #tpu.memory_space<hbm>>) target(%dma_start3A_126 : memref<625x64xf32, #tpu.memory_space<vmem_shared>>) target_semaphore(%run_scoped3A : memref<!tpu.dma_semaphore, #tpu.memory_space<semaphore_mem>>)
      %dma_wait3A_130 = arith.constant 0 : i32
      %dma_wait3A_131 = tpu.memref_slice %arg10[%mul3A_4, %dma_wait3A_130] : memref<10000x64xf32, #tpu.memory_space<vmem_shared>> -> memref<625x64xf32, #tpu.memory_space<vmem_shared>>
      %dma_wait3A_132 = arith.constant 0 : i32
      %dma_wait3A_133 = tpu.memref_slice %arg2[%arg0, %mul3A_2, %dma_wait3A_132] : memref<2x10000x64xf32, #tpu.memory_space<hbm>> -> memref<1x625x64xf32, #tpu.memory_space<hbm>>
      %dma_wait3A_134 = tpu.memref_squeeze %dma_wait3A_133 : memref<1x625x64xf32, #tpu.memory_space<hbm>> -> memref<625x64xf32, #tpu.memory_space<hbm>>
      tpu.wait_dma2 semaphore(%run_scoped3A : memref<!tpu.dma_semaphore, #tpu.memory_space<semaphore_mem>>) src(%dma_wait3A_134 : memref<625x64xf32, #tpu.memory_space<hbm>>) dst(%dma_wait3A_131 : memref<625x64xf32, #tpu.memory_space<vmem_shared>>)
      tpu.yield
    }) : () -> ()
    %dma_start3A = arith.constant 0 : i32
    %dma_start3A_5 = arith.constant 0 : i32
    %dma_start3A_6 = tpu.memref_slice %arg7[%dma_start3A, %dma_start3A_5] : memref<16x64xi32, #tpu.memory_space<vmem>> -> memref<8x64xi32, #tpu.memory_space<vmem>>
    %dma_start3A_7 = arith.constant 0 : i32
    %dma_start3A_8 = arith.constant 0 : i32
    %dma_start3A_9 = tpu.memref_slice %arg3[%arg1, %dma_start3A_7, %dma_start3A_8] : memref<16x328x64xi32, #tpu.memory_space<hbm>> -> memref<1x8x64xi32, #tpu.memory_space<hbm>>
    %dma_start3A_10 = tpu.memref_squeeze %dma_start3A_9 : memref<1x8x64xi32, #tpu.memory_space<hbm>> -> memref<8x64xi32, #tpu.memory_space<hbm>>
    %dma_start3A_11 = arith.constant 0 : i32
    %dma_start3A_12 = arith.constant 0 : i32
    %dma_start3A_13 = tpu.memref_slice %arg7[%dma_start3A_11, %dma_start3A_12] : memref<16x64xi32, #tpu.memory_space<vmem>> -> memref<8x64xi32, #tpu.memory_space<vmem>>
    %dma_start3A_14 = arith.constant 0 : i32
    %dma_start3A_15 = arith.constant 0 : i32
    %dma_start3A_16 = tpu.memref_slice %arg3[%arg1, %dma_start3A_14, %dma_start3A_15] : memref<16x328x64xi32, #tpu.memory_space<hbm>> -> memref<1x8x64xi32, #tpu.memory_space<hbm>>
    %dma_start3A_17 = tpu.memref_squeeze %dma_start3A_16 : memref<1x8x64xi32, #tpu.memory_space<hbm>> -> memref<8x64xi32, #tpu.memory_space<hbm>>
    tpu.enqueue_dma source(%dma_start3A_17 : memref<8x64xi32, #tpu.memory_space<hbm>>) target(%dma_start3A_13 : memref<8x64xi32, #tpu.memory_space<vmem>>) target_semaphore(%arg35 : memref<!tpu.dma_semaphore, #tpu.memory_space<semaphore_mem>>)
    %dma_start3A_18 = arith.constant 0 : i32
    %dma_start3A_19 = arith.constant 0 : i32
    %dma_start3A_20 = tpu.memref_slice %arg8[%dma_start3A_18, %dma_start3A_19] : memref<16x64xi32, #tpu.memory_space<vmem>> -> memref<8x64xi32, #tpu.memory_space<vmem>>
    %dma_start3A_21 = arith.constant 0 : i32
    %dma_start3A_22 = arith.constant 0 : i32
    %dma_start3A_23 = tpu.memref_slice %arg4[%arg1, %dma_start3A_21, %dma_start3A_22] : memref<16x328x64xi32, #tpu.memory_space<hbm>> -> memref<1x8x64xi32, #tpu.memory_space<hbm>>
    %dma_start3A_24 = tpu.memref_squeeze %dma_start3A_23 : memref<1x8x64xi32, #tpu.memory_space<hbm>> -> memref<8x64xi32, #tpu.memory_space<hbm>>
    %dma_start3A_25 = arith.constant 0 : i32
    %dma_start3A_26 = arith.constant 0 : i32
    %dma_start3A_27 = tpu.memref_slice %arg8[%dma_start3A_25, %dma_start3A_26] : memref<16x64xi32, #tpu.memory_space<vmem>> -> memref<8x64xi32, #tpu.memory_space<vmem>>
    %dma_start3A_28 = arith.constant 0 : i32
    %dma_start3A_29 = arith.constant 0 : i32
    %dma_start3A_30 = tpu.memref_slice %arg4[%arg1, %dma_start3A_28, %dma_start3A_29] : memref<16x328x64xi32, #tpu.memory_space<hbm>> -> memref<1x8x64xi32, #tpu.memory_space<hbm>>
    %dma_start3A_31 = tpu.memref_squeeze %dma_start3A_30 : memref<1x8x64xi32, #tpu.memory_space<hbm>> -> memref<8x64xi32, #tpu.memory_space<hbm>>
    tpu.enqueue_dma source(%dma_start3A_31 : memref<8x64xi32, #tpu.memory_space<hbm>>) target(%dma_start3A_27 : memref<8x64xi32, #tpu.memory_space<vmem>>) target_semaphore(%arg35 : memref<!tpu.dma_semaphore, #tpu.memory_space<semaphore_mem>>)
    %barrier3A = arith.constant 0 : index
    tpu.barrier barrier_id(%barrier3A)
    %scan3A = arith.constant 0 : i32
    %scan3A_32 = arith.constant 0 : i32
    %scan3A_33 = arith.constant 40 : i32
    %scan3A_34 = arith.addi %scan3A_32, %scan3A_33 : i32
    %scan3A_35 = arith.constant 1 : i32
    scf.for %scan3A_125 = %scan3A_32 to %scan3A_34 step %scan3A_35  : i32 {
      %rem3A = arith.constant 2 : i32
      %rem3A_126 = arith.remsi %scan3A_125, %rem3A : i32
      %mul3A_127 = arith.constant 8 : i32
      %mul3A_128 = arith.muli %rem3A_126, %mul3A_127 : i32
      %sub3A = arith.constant 8 : i32
      %sub3A_129 = arith.subi %sub3A, %mul3A_128 : i32
      %gt3A = arith.constant 0 : i32
      %gt3A_130 = arith.cmpi sgt, %scan3A_125, %gt3A : i32
      %convert_element_type3A = arith.extui %gt3A_130 : i1 to i32
      %cond3A = arith.constant 0 : i32
      %cond3A_131 = arith.cmpi ne, %convert_element_type3A, %cond3A : i32
      scf.if %cond3A_131 {
        %dma_wait3A_371 = arith.constant 0 : i32
        %dma_wait3A_372 = arith.constant 0 : i32
        %dma_wait3A_373 = tpu.memref_slice %arg8[%dma_wait3A_371, %dma_wait3A_372] : memref<16x64xi32, #tpu.memory_space<vmem>> -> memref<1x64xi32, #tpu.memory_space<vmem>>
        %dma_wait3A_374 = tpu.memref_squeeze %dma_wait3A_373 : memref<1x64xi32, #tpu.memory_space<vmem>> -> memref<64xi32, #tpu.memory_space<vmem>>
        %dma_wait3A_375 = arith.constant 0 : i32
        %dma_wait3A_376 = arith.constant 0 : i32
        %dma_wait3A_377 = tpu.memref_slice %arg9[%dma_wait3A_375, %dma_wait3A_376] : memref<10112x64xf32, #tpu.memory_space<vmem_shared>> -> memref<10112x64xf32, #tpu.memory_space<vmem_shared>>
        tpu.wait_indirect_dma semaphore(%arg27 : memref<!tpu.dma_semaphore, #tpu.memory_space<semaphore_mem>>) src(%arg11 : memref<64x64xf32, #tpu.memory_space<vmem>>) dst(%dma_wait3A_377 : memref<10112x64xf32, #tpu.memory_space<vmem_shared>>)
        %dma_wait3A_378 = arith.constant 0 : i32
        %dma_wait3A_379 = arith.constant 0 : i32
        %dma_wait3A_380 = tpu.memref_slice %arg8[%dma_wait3A_378, %dma_wait3A_379] : memref<16x64xi32, #tpu.memory_space<vmem>> -> memref<1x64xi32, #tpu.memory_space<vmem>>
        %dma_wait3A_381 = tpu.memref_squeeze %dma_wait3A_380 : memref<1x64xi32, #tpu.memory_space<vmem>> -> memref<64xi32, #tpu.memory_space<vmem>>
        %dma_wait3A_382 = arith.constant 0 : i32
        %dma_wait3A_383 = arith.constant 0 : i32
        %dma_wait3A_384 = tpu.memref_slice %arg9[%dma_wait3A_382, %dma_wait3A_383] : memref<10112x64xf32, #tpu.memory_space<vmem_shared>> -> memref<10112x64xf32, #tpu.memory_space<vmem_shared>>
        tpu.wait_indirect_dma semaphore(%arg28 : memref<!tpu.dma_semaphore, #tpu.memory_space<semaphore_mem>>) src(%arg12 : memref<64x64xf32, #tpu.memory_space<vmem>>) dst(%dma_wait3A_384 : memref<10112x64xf32, #tpu.memory_space<vmem_shared>>)
        %dma_wait3A_385 = arith.constant 0 : i32
        %dma_wait3A_386 = arith.constant 0 : i32
        %dma_wait3A_387 = tpu.memref_slice %arg8[%dma_wait3A_385, %dma_wait3A_386] : memref<16x64xi32, #tpu.memory_space<vmem>> -> memref<1x64xi32, #tpu.memory_space<vmem>>
        %dma_wait3A_388 = tpu.memref_squeeze %dma_wait3A_387 : memref<1x64xi32, #tpu.memory_space<vmem>> -> memref<64xi32, #tpu.memory_space<vmem>>
        %dma_wait3A_389 = arith.constant 0 : i32
        %dma_wait3A_390 = arith.constant 0 : i32
        %dma_wait3A_391 = tpu.memref_slice %arg9[%dma_wait3A_389, %dma_wait3A_390] : memref<10112x64xf32, #tpu.memory_space<vmem_shared>> -> memref<10112x64xf32, #tpu.memory_space<vmem_shared>>
        tpu.wait_indirect_dma semaphore(%arg29 : memref<!tpu.dma_semaphore, #tpu.memory_space<semaphore_mem>>) src(%arg13 : memref<64x64xf32, #tpu.memory_space<vmem>>) dst(%dma_wait3A_391 : memref<10112x64xf32, #tpu.memory_space<vmem_shared>>)
        %dma_wait3A_392 = arith.constant 0 : i32
        %dma_wait3A_393 = arith.constant 0 : i32
        %dma_wait3A_394 = tpu.memref_slice %arg8[%dma_wait3A_392, %dma_wait3A_393] : memref<16x64xi32, #tpu.memory_space<vmem>> -> memref<1x64xi32, #tpu.memory_space<vmem>>
        %dma_wait3A_395 = tpu.memref_squeeze %dma_wait3A_394 : memref<1x64xi32, #tpu.memory_space<vmem>> -> memref<64xi32, #tpu.memory_space<vmem>>
        %dma_wait3A_396 = arith.constant 0 : i32
        %dma_wait3A_397 = arith.constant 0 : i32
        %dma_wait3A_398 = tpu.memref_slice %arg9[%dma_wait3A_396, %dma_wait3A_397] : memref<10112x64xf32, #tpu.memory_space<vmem_shared>> -> memref<10112x64xf32, #tpu.memory_space<vmem_shared>>
        tpu.wait_indirect_dma semaphore(%arg30 : memref<!tpu.dma_semaphore, #tpu.memory_space<semaphore_mem>>) src(%arg14 : memref<64x64xf32, #tpu.memory_space<vmem>>) dst(%dma_wait3A_398 : memref<10112x64xf32, #tpu.memory_space<vmem_shared>>)
        %dma_wait3A_399 = arith.constant 0 : i32
        %dma_wait3A_400 = arith.constant 0 : i32
        %dma_wait3A_401 = tpu.memref_slice %arg8[%dma_wait3A_399, %dma_wait3A_400] : memref<16x64xi32, #tpu.memory_space<vmem>> -> memref<1x64xi32, #tpu.memory_space<vmem>>
        %dma_wait3A_402 = tpu.memref_squeeze %dma_wait3A_401 : memref<1x64xi32, #tpu.memory_space<vmem>> -> memref<64xi32, #tpu.memory_space<vmem>>
        %dma_wait3A_403 = arith.constant 0 : i32
        %dma_wait3A_404 = arith.constant 0 : i32
        %dma_wait3A_405 = tpu.memref_slice %arg9[%dma_wait3A_403, %dma_wait3A_404] : memref<10112x64xf32, #tpu.memory_space<vmem_shared>> -> memref<10112x64xf32, #tpu.memory_space<vmem_shared>>
        tpu.wait_indirect_dma semaphore(%arg31 : memref<!tpu.dma_semaphore, #tpu.memory_space<semaphore_mem>>) src(%arg15 : memref<64x64xf32, #tpu.memory_space<vmem>>) dst(%dma_wait3A_405 : memref<10112x64xf32, #tpu.memory_space<vmem_shared>>)
        %dma_wait3A_406 = arith.constant 0 : i32
        %dma_wait3A_407 = arith.constant 0 : i32
        %dma_wait3A_408 = tpu.memref_slice %arg8[%dma_wait3A_406, %dma_wait3A_407] : memref<16x64xi32, #tpu.memory_space<vmem>> -> memref<1x64xi32, #tpu.memory_space<vmem>>
        %dma_wait3A_409 = tpu.memref_squeeze %dma_wait3A_408 : memref<1x64xi32, #tpu.memory_space<vmem>> -> memref<64xi32, #tpu.memory_space<vmem>>
        %dma_wait3A_410 = arith.constant 0 : i32
        %dma_wait3A_411 = arith.constant 0 : i32
        %dma_wait3A_412 = tpu.memref_slice %arg9[%dma_wait3A_410, %dma_wait3A_411] : memref<10112x64xf32, #tpu.memory_space<vmem_shared>> -> memref<10112x64xf32, #tpu.memory_space<vmem_shared>>
        tpu.wait_indirect_dma semaphore(%arg32 : memref<!tpu.dma_semaphore, #tpu.memory_space<semaphore_mem>>) src(%arg16 : memref<64x64xf32, #tpu.memory_space<vmem>>) dst(%dma_wait3A_412 : memref<10112x64xf32, #tpu.memory_space<vmem_shared>>)
        %dma_wait3A_413 = arith.constant 0 : i32
        %dma_wait3A_414 = arith.constant 0 : i32
        %dma_wait3A_415 = tpu.memref_slice %arg8[%dma_wait3A_413, %dma_wait3A_414] : memref<16x64xi32, #tpu.memory_space<vmem>> -> memref<1x64xi32, #tpu.memory_space<vmem>>
        %dma_wait3A_416 = tpu.memref_squeeze %dma_wait3A_415 : memref<1x64xi32, #tpu.memory_space<vmem>> -> memref<64xi32, #tpu.memory_space<vmem>>
        %dma_wait3A_417 = arith.constant 0 : i32
        %dma_wait3A_418 = arith.constant 0 : i32
        %dma_wait3A_419 = tpu.memref_slice %arg9[%dma_wait3A_417, %dma_wait3A_418] : memref<10112x64xf32, #tpu.memory_space<vmem_shared>> -> memref<10112x64xf32, #tpu.memory_space<vmem_shared>>
        tpu.wait_indirect_dma semaphore(%arg33 : memref<!tpu.dma_semaphore, #tpu.memory_space<semaphore_mem>>) src(%arg17 : memref<64x64xf32, #tpu.memory_space<vmem>>) dst(%dma_wait3A_419 : memref<10112x64xf32, #tpu.memory_space<vmem_shared>>)
        %dma_wait3A_420 = arith.constant 0 : i32
        %dma_wait3A_421 = arith.constant 0 : i32
        %dma_wait3A_422 = tpu.memref_slice %arg8[%dma_wait3A_420, %dma_wait3A_421] : memref<16x64xi32, #tpu.memory_space<vmem>> -> memref<1x64xi32, #tpu.memory_space<vmem>>
        %dma_wait3A_423 = tpu.memref_squeeze %dma_wait3A_422 : memref<1x64xi32, #tpu.memory_space<vmem>> -> memref<64xi32, #tpu.memory_space<vmem>>
        %dma_wait3A_424 = arith.constant 0 : i32
        %dma_wait3A_425 = arith.constant 0 : i32
        %dma_wait3A_426 = tpu.memref_slice %arg9[%dma_wait3A_424, %dma_wait3A_425] : memref<10112x64xf32, #tpu.memory_space<vmem_shared>> -> memref<10112x64xf32, #tpu.memory_space<vmem_shared>>
        tpu.wait_indirect_dma semaphore(%arg34 : memref<!tpu.dma_semaphore, #tpu.memory_space<semaphore_mem>>) src(%arg18 : memref<64x64xf32, #tpu.memory_space<vmem>>) dst(%dma_wait3A_426 : memref<10112x64xf32, #tpu.memory_space<vmem_shared>>)
      } else {
      }
      %dma_wait3A_132 = arith.constant 0 : i32
      %dma_wait3A_133 = arith.constant 0 : i32
      %dma_wait3A_134 = tpu.memref_slice %arg7[%dma_wait3A_132, %dma_wait3A_133] : memref<16x64xi32, #tpu.memory_space<vmem>> -> memref<8x64xi32, #tpu.memory_space<vmem>>
      %dma_wait3A_135 = arith.constant 0 : i32
      %dma_wait3A_136 = arith.constant 0 : i32
      %dma_wait3A_137 = tpu.memref_slice %arg3[%arg1, %dma_wait3A_135, %dma_wait3A_136] : memref<16x328x64xi32, #tpu.memory_space<hbm>> -> memref<1x8x64xi32, #tpu.memory_space<hbm>>
      %dma_wait3A_138 = tpu.memref_squeeze %dma_wait3A_137 : memref<1x8x64xi32, #tpu.memory_space<hbm>> -> memref<8x64xi32, #tpu.memory_space<hbm>>
      %dma_wait3A_139 = arith.constant 0 : i32
      %dma_wait3A_140 = arith.constant 0 : i32
      %dma_wait3A_141 = tpu.memref_slice %arg7[%dma_wait3A_139, %dma_wait3A_140] : memref<16x64xi32, #tpu.memory_space<vmem>> -> memref<8x64xi32, #tpu.memory_space<vmem>>
      %dma_wait3A_142 = arith.constant 0 : i32
      %dma_wait3A_143 = arith.constant 0 : i32
      %dma_wait3A_144 = tpu.memref_slice %arg3[%arg1, %dma_wait3A_142, %dma_wait3A_143] : memref<16x328x64xi32, #tpu.memory_space<hbm>> -> memref<1x8x64xi32, #tpu.memory_space<hbm>>
      %dma_wait3A_145 = tpu.memref_squeeze %dma_wait3A_144 : memref<1x8x64xi32, #tpu.memory_space<hbm>> -> memref<8x64xi32, #tpu.memory_space<hbm>>
      tpu.wait_dma2 semaphore(%arg35 : memref<!tpu.dma_semaphore, #tpu.memory_space<semaphore_mem>>) src(%dma_wait3A_145 : memref<8x64xi32, #tpu.memory_space<hbm>>) dst(%dma_wait3A_141 : memref<8x64xi32, #tpu.memory_space<vmem>>)
      %dma_wait3A_146 = arith.constant 0 : i32
      %dma_wait3A_147 = arith.constant 0 : i32
      %dma_wait3A_148 = tpu.memref_slice %arg7[%dma_wait3A_146, %dma_wait3A_147] : memref<16x64xi32, #tpu.memory_space<vmem>> -> memref<8x64xi32, #tpu.memory_space<vmem>>
      %dma_wait3A_149 = arith.constant 0 : i32
      %dma_wait3A_150 = arith.constant 0 : i32
      %dma_wait3A_151 = tpu.memref_slice %arg3[%arg1, %dma_wait3A_149, %dma_wait3A_150] : memref<16x328x64xi32, #tpu.memory_space<hbm>> -> memref<1x8x64xi32, #tpu.memory_space<hbm>>
      %dma_wait3A_152 = tpu.memref_squeeze %dma_wait3A_151 : memref<1x8x64xi32, #tpu.memory_space<hbm>> -> memref<8x64xi32, #tpu.memory_space<hbm>>
      %dma_wait3A_153 = arith.constant 0 : i32
      %dma_wait3A_154 = arith.constant 0 : i32
      %dma_wait3A_155 = tpu.memref_slice %arg7[%dma_wait3A_153, %dma_wait3A_154] : memref<16x64xi32, #tpu.memory_space<vmem>> -> memref<8x64xi32, #tpu.memory_space<vmem>>
      %dma_wait3A_156 = arith.constant 0 : i32
      %dma_wait3A_157 = arith.constant 0 : i32
      %dma_wait3A_158 = tpu.memref_slice %arg3[%arg1, %dma_wait3A_156, %dma_wait3A_157] : memref<16x328x64xi32, #tpu.memory_space<hbm>> -> memref<1x8x64xi32, #tpu.memory_space<hbm>>
      %dma_wait3A_159 = tpu.memref_squeeze %dma_wait3A_158 : memref<1x8x64xi32, #tpu.memory_space<hbm>> -> memref<8x64xi32, #tpu.memory_space<hbm>>
      tpu.wait_dma2 semaphore(%arg35 : memref<!tpu.dma_semaphore, #tpu.memory_space<semaphore_mem>>) src(%dma_wait3A_159 : memref<8x64xi32, #tpu.memory_space<hbm>>) dst(%dma_wait3A_155 : memref<8x64xi32, #tpu.memory_space<vmem>>)
      %add3A = arith.constant 1 : i32
      %add3A_160 = arith.addi %scan3A_125, %add3A : i32
      %mul3A_161 = arith.constant 8 : i32
      %mul3A_162 = arith.muli %add3A_160, %mul3A_161 : i32
      %dma_start3A_163 = arith.constant 0 : i32
      %dma_start3A_164 = tpu.memref_slice %arg7[%sub3A_129, %dma_start3A_163] : memref<16x64xi32, #tpu.memory_space<vmem>> -> memref<8x64xi32, #tpu.memory_space<vmem>>
      %dma_start3A_165 = arith.constant 0 : i32
      %dma_start3A_166 = tpu.memref_slice %arg3[%arg1, %mul3A_162, %dma_start3A_165] : memref<16x328x64xi32, #tpu.memory_space<hbm>> -> memref<1x8x64xi32, #tpu.memory_space<hbm>>
      %dma_start3A_167 = tpu.memref_squeeze %dma_start3A_166 : memref<1x8x64xi32, #tpu.memory_space<hbm>> -> memref<8x64xi32, #tpu.memory_space<hbm>>
      %dma_start3A_168 = arith.constant 0 : i32
      %dma_start3A_169 = tpu.memref_slice %arg7[%sub3A_129, %dma_start3A_168] : memref<16x64xi32, #tpu.memory_space<vmem>> -> memref<8x64xi32, #tpu.memory_space<vmem>>
      %dma_start3A_170 = arith.constant 0 : i32
      %dma_start3A_171 = tpu.memref_slice %arg3[%arg1, %mul3A_162, %dma_start3A_170] : memref<16x328x64xi32, #tpu.memory_space<hbm>> -> memref<1x8x64xi32, #tpu.memory_space<hbm>>
      %dma_start3A_172 = tpu.memref_squeeze %dma_start3A_171 : memref<1x8x64xi32, #tpu.memory_space<hbm>> -> memref<8x64xi32, #tpu.memory_space<hbm>>
      tpu.enqueue_dma source(%dma_start3A_172 : memref<8x64xi32, #tpu.memory_space<hbm>>) target(%dma_start3A_169 : memref<8x64xi32, #tpu.memory_space<vmem>>) target_semaphore(%arg35 : memref<!tpu.dma_semaphore, #tpu.memory_space<semaphore_mem>>)
      %add3A_173 = arith.constant 1 : i32
      %add3A_174 = arith.addi %scan3A_125, %add3A_173 : i32
      %mul3A_175 = arith.constant 8 : i32
      %mul3A_176 = arith.muli %add3A_174, %mul3A_175 : i32
      %dma_start3A_177 = arith.constant 0 : i32
      %dma_start3A_178 = tpu.memref_slice %arg8[%sub3A_129, %dma_start3A_177] : memref<16x64xi32, #tpu.memory_space<vmem>> -> memref<8x64xi32, #tpu.memory_space<vmem>>
      %dma_start3A_179 = arith.constant 0 : i32
      %dma_start3A_180 = tpu.memref_slice %arg4[%arg1, %mul3A_176, %dma_start3A_179] : memref<16x328x64xi32, #tpu.memory_space<hbm>> -> memref<1x8x64xi32, #tpu.memory_space<hbm>>
      %dma_start3A_181 = tpu.memref_squeeze %dma_start3A_180 : memref<1x8x64xi32, #tpu.memory_space<hbm>> -> memref<8x64xi32, #tpu.memory_space<hbm>>
      %dma_start3A_182 = arith.constant 0 : i32
      %dma_start3A_183 = tpu.memref_slice %arg8[%sub3A_129, %dma_start3A_182] : memref<16x64xi32, #tpu.memory_space<vmem>> -> memref<8x64xi32, #tpu.memory_space<vmem>>
      %dma_start3A_184 = arith.constant 0 : i32
      %dma_start3A_185 = tpu.memref_slice %arg4[%arg1, %mul3A_176, %dma_start3A_184] : memref<16x328x64xi32, #tpu.memory_space<hbm>> -> memref<1x8x64xi32, #tpu.memory_space<hbm>>
      %dma_start3A_186 = tpu.memref_squeeze %dma_start3A_185 : memref<1x8x64xi32, #tpu.memory_space<hbm>> -> memref<8x64xi32, #tpu.memory_space<hbm>>
      tpu.enqueue_dma source(%dma_start3A_186 : memref<8x64xi32, #tpu.memory_space<hbm>>) target(%dma_start3A_183 : memref<8x64xi32, #tpu.memory_space<vmem>>) target_semaphore(%arg35 : memref<!tpu.dma_semaphore, #tpu.memory_space<semaphore_mem>>)
      %add3A_187 = arith.constant 0 : i32
      %add3A_188 = arith.addi %mul3A_128, %add3A_187 : i32
      %dma_start3A_189 = arith.constant 0 : i32
      %dma_start3A_190 = tpu.memref_slice %arg7[%add3A_188, %dma_start3A_189] : memref<16x64xi32, #tpu.memory_space<vmem>> -> memref<1x64xi32, #tpu.memory_space<vmem>>
      %dma_start3A_191 = tpu.memref_squeeze %dma_start3A_190 : memref<1x64xi32, #tpu.memory_space<vmem>> -> memref<64xi32, #tpu.memory_space<vmem>>
      %dma_start3A_192 = arith.constant 0 : i32
      %dma_start3A_193 = arith.constant 0 : i32
      %dma_start3A_194 = tpu.memref_slice %arg10[%dma_start3A_192, %dma_start3A_193] : memref<10000x64xf32, #tpu.memory_space<vmem_shared>> -> memref<10000x64xf32, #tpu.memory_space<vmem_shared>>
      tpu.enqueue_indirect_dma source(%dma_start3A_194 : memref<10000x64xf32, #tpu.memory_space<vmem_shared>>) target(%arg11 : memref<64x64xf32, #tpu.memory_space<vmem>>) offsets(%dma_start3A_191 : memref<64xi32, #tpu.memory_space<vmem>>) semaphore(%arg19 : memref<!tpu.dma_semaphore, #tpu.memory_space<semaphore_mem>>)
      %add3A_195 = arith.constant 1 : i32
      %add3A_196 = arith.addi %mul3A_128, %add3A_195 : i32
      %dma_start3A_197 = arith.constant 0 : i32
      %dma_start3A_198 = tpu.memref_slice %arg7[%add3A_196, %dma_start3A_197] : memref<16x64xi32, #tpu.memory_space<vmem>> -> memref<1x64xi32, #tpu.memory_space<vmem>>
      %dma_start3A_199 = tpu.memref_squeeze %dma_start3A_198 : memref<1x64xi32, #tpu.memory_space<vmem>> -> memref<64xi32, #tpu.memory_space<vmem>>
      %dma_start3A_200 = arith.constant 0 : i32
      %dma_start3A_201 = arith.constant 0 : i32
      %dma_start3A_202 = tpu.memref_slice %arg10[%dma_start3A_200, %dma_start3A_201] : memref<10000x64xf32, #tpu.memory_space<vmem_shared>> -> memref<10000x64xf32, #tpu.memory_space<vmem_shared>>
      tpu.enqueue_indirect_dma source(%dma_start3A_202 : memref<10000x64xf32, #tpu.memory_space<vmem_shared>>) target(%arg12 : memref<64x64xf32, #tpu.memory_space<vmem>>) offsets(%dma_start3A_199 : memref<64xi32, #tpu.memory_space<vmem>>) semaphore(%arg20 : memref<!tpu.dma_semaphore, #tpu.memory_space<semaphore_mem>>)
      %add3A_203 = arith.constant 2 : i32
      %add3A_204 = arith.addi %mul3A_128, %add3A_203 : i32
      %dma_start3A_205 = arith.constant 0 : i32
      %dma_start3A_206 = tpu.memref_slice %arg7[%add3A_204, %dma_start3A_205] : memref<16x64xi32, #tpu.memory_space<vmem>> -> memref<1x64xi32, #tpu.memory_space<vmem>>
      %dma_start3A_207 = tpu.memref_squeeze %dma_start3A_206 : memref<1x64xi32, #tpu.memory_space<vmem>> -> memref<64xi32, #tpu.memory_space<vmem>>
      %dma_start3A_208 = arith.constant 0 : i32
      %dma_start3A_209 = arith.constant 0 : i32
      %dma_start3A_210 = tpu.memref_slice %arg10[%dma_start3A_208, %dma_start3A_209] : memref<10000x64xf32, #tpu.memory_space<vmem_shared>> -> memref<10000x64xf32, #tpu.memory_space<vmem_shared>>
      tpu.enqueue_indirect_dma source(%dma_start3A_210 : memref<10000x64xf32, #tpu.memory_space<vmem_shared>>) target(%arg13 : memref<64x64xf32, #tpu.memory_space<vmem>>) offsets(%dma_start3A_207 : memref<64xi32, #tpu.memory_space<vmem>>) semaphore(%arg21 : memref<!tpu.dma_semaphore, #tpu.memory_space<semaphore_mem>>)
      %add3A_211 = arith.constant 3 : i32
      %add3A_212 = arith.addi %mul3A_128, %add3A_211 : i32
      %dma_start3A_213 = arith.constant 0 : i32
      %dma_start3A_214 = tpu.memref_slice %arg7[%add3A_212, %dma_start3A_213] : memref<16x64xi32, #tpu.memory_space<vmem>> -> memref<1x64xi32, #tpu.memory_space<vmem>>
      %dma_start3A_215 = tpu.memref_squeeze %dma_start3A_214 : memref<1x64xi32, #tpu.memory_space<vmem>> -> memref<64xi32, #tpu.memory_space<vmem>>
      %dma_start3A_216 = arith.constant 0 : i32
      %dma_start3A_217 = arith.constant 0 : i32
      %dma_start3A_218 = tpu.memref_slice %arg10[%dma_start3A_216, %dma_start3A_217] : memref<10000x64xf32, #tpu.memory_space<vmem_shared>> -> memref<10000x64xf32, #tpu.memory_space<vmem_shared>>
      tpu.enqueue_indirect_dma source(%dma_start3A_218 : memref<10000x64xf32, #tpu.memory_space<vmem_shared>>) target(%arg14 : memref<64x64xf32, #tpu.memory_space<vmem>>) offsets(%dma_start3A_215 : memref<64xi32, #tpu.memory_space<vmem>>) semaphore(%arg22 : memref<!tpu.dma_semaphore, #tpu.memory_space<semaphore_mem>>)
      %add3A_219 = arith.constant 4 : i32
      %add3A_220 = arith.addi %mul3A_128, %add3A_219 : i32
      %dma_start3A_221 = arith.constant 0 : i32
      %dma_start3A_222 = tpu.memref_slice %arg7[%add3A_220, %dma_start3A_221] : memref<16x64xi32, #tpu.memory_space<vmem>> -> memref<1x64xi32, #tpu.memory_space<vmem>>
      %dma_start3A_223 = tpu.memref_squeeze %dma_start3A_222 : memref<1x64xi32, #tpu.memory_space<vmem>> -> memref<64xi32, #tpu.memory_space<vmem>>
      %dma_start3A_224 = arith.constant 0 : i32
      %dma_start3A_225 = arith.constant 0 : i32
      %dma_start3A_226 = tpu.memref_slice %arg10[%dma_start3A_224, %dma_start3A_225] : memref<10000x64xf32, #tpu.memory_space<vmem_shared>> -> memref<10000x64xf32, #tpu.memory_space<vmem_shared>>
      tpu.enqueue_indirect_dma source(%dma_start3A_226 : memref<10000x64xf32, #tpu.memory_space<vmem_shared>>) target(%arg15 : memref<64x64xf32, #tpu.memory_space<vmem>>) offsets(%dma_start3A_223 : memref<64xi32, #tpu.memory_space<vmem>>) semaphore(%arg23 : memref<!tpu.dma_semaphore, #tpu.memory_space<semaphore_mem>>)
      %add3A_227 = arith.constant 5 : i32
      %add3A_228 = arith.addi %mul3A_128, %add3A_227 : i32
      %dma_start3A_229 = arith.constant 0 : i32
      %dma_start3A_230 = tpu.memref_slice %arg7[%add3A_228, %dma_start3A_229] : memref<16x64xi32, #tpu.memory_space<vmem>> -> memref<1x64xi32, #tpu.memory_space<vmem>>
      %dma_start3A_231 = tpu.memref_squeeze %dma_start3A_230 : memref<1x64xi32, #tpu.memory_space<vmem>> -> memref<64xi32, #tpu.memory_space<vmem>>
      %dma_start3A_232 = arith.constant 0 : i32
      %dma_start3A_233 = arith.constant 0 : i32
      %dma_start3A_234 = tpu.memref_slice %arg10[%dma_start3A_232, %dma_start3A_233] : memref<10000x64xf32, #tpu.memory_space<vmem_shared>> -> memref<10000x64xf32, #tpu.memory_space<vmem_shared>>
      tpu.enqueue_indirect_dma source(%dma_start3A_234 : memref<10000x64xf32, #tpu.memory_space<vmem_shared>>) target(%arg16 : memref<64x64xf32, #tpu.memory_space<vmem>>) offsets(%dma_start3A_231 : memref<64xi32, #tpu.memory_space<vmem>>) semaphore(%arg24 : memref<!tpu.dma_semaphore, #tpu.memory_space<semaphore_mem>>)
      %add3A_235 = arith.constant 6 : i32
      %add3A_236 = arith.addi %mul3A_128, %add3A_235 : i32
      %dma_start3A_237 = arith.constant 0 : i32
      %dma_start3A_238 = tpu.memref_slice %arg7[%add3A_236, %dma_start3A_237] : memref<16x64xi32, #tpu.memory_space<vmem>> -> memref<1x64xi32, #tpu.memory_space<vmem>>
      %dma_start3A_239 = tpu.memref_squeeze %dma_start3A_238 : memref<1x64xi32, #tpu.memory_space<vmem>> -> memref<64xi32, #tpu.memory_space<vmem>>
      %dma_start3A_240 = arith.constant 0 : i32
      %dma_start3A_241 = arith.constant 0 : i32
      %dma_start3A_242 = tpu.memref_slice %arg10[%dma_start3A_240, %dma_start3A_241] : memref<10000x64xf32, #tpu.memory_space<vmem_shared>> -> memref<10000x64xf32, #tpu.memory_space<vmem_shared>>
      tpu.enqueue_indirect_dma source(%dma_start3A_242 : memref<10000x64xf32, #tpu.memory_space<vmem_shared>>) target(%arg17 : memref<64x64xf32, #tpu.memory_space<vmem>>) offsets(%dma_start3A_239 : memref<64xi32, #tpu.memory_space<vmem>>) semaphore(%arg25 : memref<!tpu.dma_semaphore, #tpu.memory_space<semaphore_mem>>)
      %add3A_243 = arith.constant 7 : i32
      %add3A_244 = arith.addi %mul3A_128, %add3A_243 : i32
      %dma_start3A_245 = arith.constant 0 : i32
      %dma_start3A_246 = tpu.memref_slice %arg7[%add3A_244, %dma_start3A_245] : memref<16x64xi32, #tpu.memory_space<vmem>> -> memref<1x64xi32, #tpu.memory_space<vmem>>
      %dma_start3A_247 = tpu.memref_squeeze %dma_start3A_246 : memref<1x64xi32, #tpu.memory_space<vmem>> -> memref<64xi32, #tpu.memory_space<vmem>>
      %dma_start3A_248 = arith.constant 0 : i32
      %dma_start3A_249 = arith.constant 0 : i32
      %dma_start3A_250 = tpu.memref_slice %arg10[%dma_start3A_248, %dma_start3A_249] : memref<10000x64xf32, #tpu.memory_space<vmem_shared>> -> memref<10000x64xf32, #tpu.memory_space<vmem_shared>>
      tpu.enqueue_indirect_dma source(%dma_start3A_250 : memref<10000x64xf32, #tpu.memory_space<vmem_shared>>) target(%arg18 : memref<64x64xf32, #tpu.memory_space<vmem>>) offsets(%dma_start3A_247 : memref<64xi32, #tpu.memory_space<vmem>>) semaphore(%arg26 : memref<!tpu.dma_semaphore, #tpu.memory_space<semaphore_mem>>)
      %dma_wait3A_251 = arith.constant 0 : i32
      %dma_wait3A_252 = arith.constant 0 : i32
      %dma_wait3A_253 = tpu.memref_slice %arg7[%dma_wait3A_251, %dma_wait3A_252] : memref<16x64xi32, #tpu.memory_space<vmem>> -> memref<1x64xi32, #tpu.memory_space<vmem>>
      %dma_wait3A_254 = tpu.memref_squeeze %dma_wait3A_253 : memref<1x64xi32, #tpu.memory_space<vmem>> -> memref<64xi32, #tpu.memory_space<vmem>>
      %dma_wait3A_255 = arith.constant 0 : i32
      %dma_wait3A_256 = arith.constant 0 : i32
      %dma_wait3A_257 = tpu.memref_slice %arg10[%dma_wait3A_255, %dma_wait3A_256] : memref<10000x64xf32, #tpu.memory_space<vmem_shared>> -> memref<10000x64xf32, #tpu.memory_space<vmem_shared>>
      tpu.wait_indirect_dma semaphore(%arg19 : memref<!tpu.dma_semaphore, #tpu.memory_space<semaphore_mem>>) src(%dma_wait3A_257 : memref<10000x64xf32, #tpu.memory_space<vmem_shared>>) dst(%arg11 : memref<64x64xf32, #tpu.memory_space<vmem>>)
      %add3A_258 = arith.constant 0 : i32
      %add3A_259 = arith.addi %mul3A_128, %add3A_258 : i32
      %dma_start3A_260 = arith.constant 0 : i32
      %dma_start3A_261 = tpu.memref_slice %arg8[%add3A_259, %dma_start3A_260] : memref<16x64xi32, #tpu.memory_space<vmem>> -> memref<1x64xi32, #tpu.memory_space<vmem>>
      %dma_start3A_262 = tpu.memref_squeeze %dma_start3A_261 : memref<1x64xi32, #tpu.memory_space<vmem>> -> memref<64xi32, #tpu.memory_space<vmem>>
      %dma_start3A_263 = arith.constant 0 : i32
      %dma_start3A_264 = arith.constant 0 : i32
      %dma_start3A_265 = tpu.memref_slice %arg9[%dma_start3A_263, %dma_start3A_264] : memref<10112x64xf32, #tpu.memory_space<vmem_shared>> -> memref<10112x64xf32, #tpu.memory_space<vmem_shared>>
      tpu.enqueue_indirect_dma source(%arg11 : memref<64x64xf32, #tpu.memory_space<vmem>>) target(%dma_start3A_265 : memref<10112x64xf32, #tpu.memory_space<vmem_shared>>) offsets(%dma_start3A_262 : memref<64xi32, #tpu.memory_space<vmem>>) semaphore(%arg27 : memref<!tpu.dma_semaphore, #tpu.memory_space<semaphore_mem>>) {add = true}
      %dma_wait3A_266 = arith.constant 0 : i32
      %dma_wait3A_267 = arith.constant 0 : i32
      %dma_wait3A_268 = tpu.memref_slice %arg7[%dma_wait3A_266, %dma_wait3A_267] : memref<16x64xi32, #tpu.memory_space<vmem>> -> memref<1x64xi32, #tpu.memory_space<vmem>>
      %dma_wait3A_269 = tpu.memref_squeeze %dma_wait3A_268 : memref<1x64xi32, #tpu.memory_space<vmem>> -> memref<64xi32, #tpu.memory_space<vmem>>
      %dma_wait3A_270 = arith.constant 0 : i32
      %dma_wait3A_271 = arith.constant 0 : i32
      %dma_wait3A_272 = tpu.memref_slice %arg10[%dma_wait3A_270, %dma_wait3A_271] : memref<10000x64xf32, #tpu.memory_space<vmem_shared>> -> memref<10000x64xf32, #tpu.memory_space<vmem_shared>>
      tpu.wait_indirect_dma semaphore(%arg20 : memref<!tpu.dma_semaphore, #tpu.memory_space<semaphore_mem>>) src(%dma_wait3A_272 : memref<10000x64xf32, #tpu.memory_space<vmem_shared>>) dst(%arg12 : memref<64x64xf32, #tpu.memory_space<vmem>>)
      %add3A_273 = arith.constant 1 : i32
      %add3A_274 = arith.addi %mul3A_128, %add3A_273 : i32
      %dma_start3A_275 = arith.constant 0 : i32
      %dma_start3A_276 = tpu.memref_slice %arg8[%add3A_274, %dma_start3A_275] : memref<16x64xi32, #tpu.memory_space<vmem>> -> memref<1x64xi32, #tpu.memory_space<vmem>>
      %dma_start3A_277 = tpu.memref_squeeze %dma_start3A_276 : memref<1x64xi32, #tpu.memory_space<vmem>> -> memref<64xi32, #tpu.memory_space<vmem>>
      %dma_start3A_278 = arith.constant 0 : i32
      %dma_start3A_279 = arith.constant 0 : i32
      %dma_start3A_280 = tpu.memref_slice %arg9[%dma_start3A_278, %dma_start3A_279] : memref<10112x64xf32, #tpu.memory_space<vmem_shared>> -> memref<10112x64xf32, #tpu.memory_space<vmem_shared>>
      tpu.enqueue_indirect_dma source(%arg12 : memref<64x64xf32, #tpu.memory_space<vmem>>) target(%dma_start3A_280 : memref<10112x64xf32, #tpu.memory_space<vmem_shared>>) offsets(%dma_start3A_277 : memref<64xi32, #tpu.memory_space<vmem>>) semaphore(%arg28 : memref<!tpu.dma_semaphore, #tpu.memory_space<semaphore_mem>>) {add = true}
      %dma_wait3A_281 = arith.constant 0 : i32
      %dma_wait3A_282 = arith.constant 0 : i32
      %dma_wait3A_283 = tpu.memref_slice %arg7[%dma_wait3A_281, %dma_wait3A_282] : memref<16x64xi32, #tpu.memory_space<vmem>> -> memref<1x64xi32, #tpu.memory_space<vmem>>
      %dma_wait3A_284 = tpu.memref_squeeze %dma_wait3A_283 : memref<1x64xi32, #tpu.memory_space<vmem>> -> memref<64xi32, #tpu.memory_space<vmem>>
      %dma_wait3A_285 = arith.constant 0 : i32
      %dma_wait3A_286 = arith.constant 0 : i32
      %dma_wait3A_287 = tpu.memref_slice %arg10[%dma_wait3A_285, %dma_wait3A_286] : memref<10000x64xf32, #tpu.memory_space<vmem_shared>> -> memref<10000x64xf32, #tpu.memory_space<vmem_shared>>
      tpu.wait_indirect_dma semaphore(%arg21 : memref<!tpu.dma_semaphore, #tpu.memory_space<semaphore_mem>>) src(%dma_wait3A_287 : memref<10000x64xf32, #tpu.memory_space<vmem_shared>>) dst(%arg13 : memref<64x64xf32, #tpu.memory_space<vmem>>)
      %add3A_288 = arith.constant 2 : i32
      %add3A_289 = arith.addi %mul3A_128, %add3A_288 : i32
      %dma_start3A_290 = arith.constant 0 : i32
      %dma_start3A_291 = tpu.memref_slice %arg8[%add3A_289, %dma_start3A_290] : memref<16x64xi32, #tpu.memory_space<vmem>> -> memref<1x64xi32, #tpu.memory_space<vmem>>
      %dma_start3A_292 = tpu.memref_squeeze %dma_start3A_291 : memref<1x64xi32, #tpu.memory_space<vmem>> -> memref<64xi32, #tpu.memory_space<vmem>>
      %dma_start3A_293 = arith.constant 0 : i32
      %dma_start3A_294 = arith.constant 0 : i32
      %dma_start3A_295 = tpu.memref_slice %arg9[%dma_start3A_293, %dma_start3A_294] : memref<10112x64xf32, #tpu.memory_space<vmem_shared>> -> memref<10112x64xf32, #tpu.memory_space<vmem_shared>>
      tpu.enqueue_indirect_dma source(%arg13 : memref<64x64xf32, #tpu.memory_space<vmem>>) target(%dma_start3A_295 : memref<10112x64xf32, #tpu.memory_space<vmem_shared>>) offsets(%dma_start3A_292 : memref<64xi32, #tpu.memory_space<vmem>>) semaphore(%arg29 : memref<!tpu.dma_semaphore, #tpu.memory_space<semaphore_mem>>) {add = true}
      %dma_wait3A_296 = arith.constant 0 : i32
      %dma_wait3A_297 = arith.constant 0 : i32
      %dma_wait3A_298 = tpu.memref_slice %arg7[%dma_wait3A_296, %dma_wait3A_297] : memref<16x64xi32, #tpu.memory_space<vmem>> -> memref<1x64xi32, #tpu.memory_space<vmem>>
      %dma_wait3A_299 = tpu.memref_squeeze %dma_wait3A_298 : memref<1x64xi32, #tpu.memory_space<vmem>> -> memref<64xi32, #tpu.memory_space<vmem>>
      %dma_wait3A_300 = arith.constant 0 : i32
      %dma_wait3A_301 = arith.constant 0 : i32
      %dma_wait3A_302 = tpu.memref_slice %arg10[%dma_wait3A_300, %dma_wait3A_301] : memref<10000x64xf32, #tpu.memory_space<vmem_shared>> -> memref<10000x64xf32, #tpu.memory_space<vmem_shared>>
      tpu.wait_indirect_dma semaphore(%arg22 : memref<!tpu.dma_semaphore, #tpu.memory_space<semaphore_mem>>) src(%dma_wait3A_302 : memref<10000x64xf32, #tpu.memory_space<vmem_shared>>) dst(%arg14 : memref<64x64xf32, #tpu.memory_space<vmem>>)
      %add3A_303 = arith.constant 3 : i32
      %add3A_304 = arith.addi %mul3A_128, %add3A_303 : i32
      %dma_start3A_305 = arith.constant 0 : i32
      %dma_start3A_306 = tpu.memref_slice %arg8[%add3A_304, %dma_start3A_305] : memref<16x64xi32, #tpu.memory_space<vmem>> -> memref<1x64xi32, #tpu.memory_space<vmem>>
      %dma_start3A_307 = tpu.memref_squeeze %dma_start3A_306 : memref<1x64xi32, #tpu.memory_space<vmem>> -> memref<64xi32, #tpu.memory_space<vmem>>
      %dma_start3A_308 = arith.constant 0 : i32
      %dma_start3A_309 = arith.constant 0 : i32
      %dma_start3A_310 = tpu.memref_slice %arg9[%dma_start3A_308, %dma_start3A_309] : memref<10112x64xf32, #tpu.memory_space<vmem_shared>> -> memref<10112x64xf32, #tpu.memory_space<vmem_shared>>
      tpu.enqueue_indirect_dma source(%arg14 : memref<64x64xf32, #tpu.memory_space<vmem>>) target(%dma_start3A_310 : memref<10112x64xf32, #tpu.memory_space<vmem_shared>>) offsets(%dma_start3A_307 : memref<64xi32, #tpu.memory_space<vmem>>) semaphore(%arg30 : memref<!tpu.dma_semaphore, #tpu.memory_space<semaphore_mem>>) {add = true}
      %dma_wait3A_311 = arith.constant 0 : i32
      %dma_wait3A_312 = arith.constant 0 : i32
      %dma_wait3A_313 = tpu.memref_slice %arg7[%dma_wait3A_311, %dma_wait3A_312] : memref<16x64xi32, #tpu.memory_space<vmem>> -> memref<1x64xi32, #tpu.memory_space<vmem>>
      %dma_wait3A_314 = tpu.memref_squeeze %dma_wait3A_313 : memref<1x64xi32, #tpu.memory_space<vmem>> -> memref<64xi32, #tpu.memory_space<vmem>>
      %dma_wait3A_315 = arith.constant 0 : i32
      %dma_wait3A_316 = arith.constant 0 : i32
      %dma_wait3A_317 = tpu.memref_slice %arg10[%dma_wait3A_315, %dma_wait3A_316] : memref<10000x64xf32, #tpu.memory_space<vmem_shared>> -> memref<10000x64xf32, #tpu.memory_space<vmem_shared>>
      tpu.wait_indirect_dma semaphore(%arg23 : memref<!tpu.dma_semaphore, #tpu.memory_space<semaphore_mem>>) src(%dma_wait3A_317 : memref<10000x64xf32, #tpu.memory_space<vmem_shared>>) dst(%arg15 : memref<64x64xf32, #tpu.memory_space<vmem>>)
      %add3A_318 = arith.constant 4 : i32
      %add3A_319 = arith.addi %mul3A_128, %add3A_318 : i32
      %dma_start3A_320 = arith.constant 0 : i32
      %dma_start3A_321 = tpu.memref_slice %arg8[%add3A_319, %dma_start3A_320] : memref<16x64xi32, #tpu.memory_space<vmem>> -> memref<1x64xi32, #tpu.memory_space<vmem>>
      %dma_start3A_322 = tpu.memref_squeeze %dma_start3A_321 : memref<1x64xi32, #tpu.memory_space<vmem>> -> memref<64xi32, #tpu.memory_space<vmem>>
      %dma_start3A_323 = arith.constant 0 : i32
      %dma_start3A_324 = arith.constant 0 : i32
      %dma_start3A_325 = tpu.memref_slice %arg9[%dma_start3A_323, %dma_start3A_324] : memref<10112x64xf32, #tpu.memory_space<vmem_shared>> -> memref<10112x64xf32, #tpu.memory_space<vmem_shared>>
      tpu.enqueue_indirect_dma source(%arg15 : memref<64x64xf32, #tpu.memory_space<vmem>>) target(%dma_start3A_325 : memref<10112x64xf32, #tpu.memory_space<vmem_shared>>) offsets(%dma_start3A_322 : memref<64xi32, #tpu.memory_space<vmem>>) semaphore(%arg31 : memref<!tpu.dma_semaphore, #tpu.memory_space<semaphore_mem>>) {add = true}
      %dma_wait3A_326 = arith.constant 0 : i32
      %dma_wait3A_327 = arith.constant 0 : i32
      %dma_wait3A_328 = tpu.memref_slice %arg7[%dma_wait3A_326, %dma_wait3A_327] : memref<16x64xi32, #tpu.memory_space<vmem>> -> memref<1x64xi32, #tpu.memory_space<vmem>>
      %dma_wait3A_329 = tpu.memref_squeeze %dma_wait3A_328 : memref<1x64xi32, #tpu.memory_space<vmem>> -> memref<64xi32, #tpu.memory_space<vmem>>
      %dma_wait3A_330 = arith.constant 0 : i32
      %dma_wait3A_331 = arith.constant 0 : i32
      %dma_wait3A_332 = tpu.memref_slice %arg10[%dma_wait3A_330, %dma_wait3A_331] : memref<10000x64xf32, #tpu.memory_space<vmem_shared>> -> memref<10000x64xf32, #tpu.memory_space<vmem_shared>>
      tpu.wait_indirect_dma semaphore(%arg24 : memref<!tpu.dma_semaphore, #tpu.memory_space<semaphore_mem>>) src(%dma_wait3A_332 : memref<10000x64xf32, #tpu.memory_space<vmem_shared>>) dst(%arg16 : memref<64x64xf32, #tpu.memory_space<vmem>>)
      %add3A_333 = arith.constant 5 : i32
      %add3A_334 = arith.addi %mul3A_128, %add3A_333 : i32
      %dma_start3A_335 = arith.constant 0 : i32
      %dma_start3A_336 = tpu.memref_slice %arg8[%add3A_334, %dma_start3A_335] : memref<16x64xi32, #tpu.memory_space<vmem>> -> memref<1x64xi32, #tpu.memory_space<vmem>>
      %dma_start3A_337 = tpu.memref_squeeze %dma_start3A_336 : memref<1x64xi32, #tpu.memory_space<vmem>> -> memref<64xi32, #tpu.memory_space<vmem>>
      %dma_start3A_338 = arith.constant 0 : i32
      %dma_start3A_339 = arith.constant 0 : i32
      %dma_start3A_340 = tpu.memref_slice %arg9[%dma_start3A_338, %dma_start3A_339] : memref<10112x64xf32, #tpu.memory_space<vmem_shared>> -> memref<10112x64xf32, #tpu.memory_space<vmem_shared>>
      tpu.enqueue_indirect_dma source(%arg16 : memref<64x64xf32, #tpu.memory_space<vmem>>) target(%dma_start3A_340 : memref<10112x64xf32, #tpu.memory_space<vmem_shared>>) offsets(%dma_start3A_337 : memref<64xi32, #tpu.memory_space<vmem>>) semaphore(%arg32 : memref<!tpu.dma_semaphore, #tpu.memory_space<semaphore_mem>>) {add = true}
      %dma_wait3A_341 = arith.constant 0 : i32
      %dma_wait3A_342 = arith.constant 0 : i32
      %dma_wait3A_343 = tpu.memref_slice %arg7[%dma_wait3A_341, %dma_wait3A_342] : memref<16x64xi32, #tpu.memory_space<vmem>> -> memref<1x64xi32, #tpu.memory_space<vmem>>
      %dma_wait3A_344 = tpu.memref_squeeze %dma_wait3A_343 : memref<1x64xi32, #tpu.memory_space<vmem>> -> memref<64xi32, #tpu.memory_space<vmem>>
      %dma_wait3A_345 = arith.constant 0 : i32
      %dma_wait3A_346 = arith.constant 0 : i32
      %dma_wait3A_347 = tpu.memref_slice %arg10[%dma_wait3A_345, %dma_wait3A_346] : memref<10000x64xf32, #tpu.memory_space<vmem_shared>> -> memref<10000x64xf32, #tpu.memory_space<vmem_shared>>
      tpu.wait_indirect_dma semaphore(%arg25 : memref<!tpu.dma_semaphore, #tpu.memory_space<semaphore_mem>>) src(%dma_wait3A_347 : memref<10000x64xf32, #tpu.memory_space<vmem_shared>>) dst(%arg17 : memref<64x64xf32, #tpu.memory_space<vmem>>)
      %add3A_348 = arith.constant 6 : i32
      %add3A_349 = arith.addi %mul3A_128, %add3A_348 : i32
      %dma_start3A_350 = arith.constant 0 : i32
      %dma_start3A_351 = tpu.memref_slice %arg8[%add3A_349, %dma_start3A_350] : memref<16x64xi32, #tpu.memory_space<vmem>> -> memref<1x64xi32, #tpu.memory_space<vmem>>
      %dma_start3A_352 = tpu.memref_squeeze %dma_start3A_351 : memref<1x64xi32, #tpu.memory_space<vmem>> -> memref<64xi32, #tpu.memory_space<vmem>>
      %dma_start3A_353 = arith.constant 0 : i32
      %dma_start3A_354 = arith.constant 0 : i32
      %dma_start3A_355 = tpu.memref_slice %arg9[%dma_start3A_353, %dma_start3A_354] : memref<10112x64xf32, #tpu.memory_space<vmem_shared>> -> memref<10112x64xf32, #tpu.memory_space<vmem_shared>>
      tpu.enqueue_indirect_dma source(%arg17 : memref<64x64xf32, #tpu.memory_space<vmem>>) target(%dma_start3A_355 : memref<10112x64xf32, #tpu.memory_space<vmem_shared>>) offsets(%dma_start3A_352 : memref<64xi32, #tpu.memory_space<vmem>>) semaphore(%arg33 : memref<!tpu.dma_semaphore, #tpu.memory_space<semaphore_mem>>) {add = true}
      %dma_wait3A_356 = arith.constant 0 : i32
      %dma_wait3A_357 = arith.constant 0 : i32
      %dma_wait3A_358 = tpu.memref_slice %arg7[%dma_wait3A_356, %dma_wait3A_357] : memref<16x64xi32, #tpu.memory_space<vmem>> -> memref<1x64xi32, #tpu.memory_space<vmem>>
      %dma_wait3A_359 = tpu.memref_squeeze %dma_wait3A_358 : memref<1x64xi32, #tpu.memory_space<vmem>> -> memref<64xi32, #tpu.memory_space<vmem>>
      %dma_wait3A_360 = arith.constant 0 : i32
      %dma_wait3A_361 = arith.constant 0 : i32
      %dma_wait3A_362 = tpu.memref_slice %arg10[%dma_wait3A_360, %dma_wait3A_361] : memref<10000x64xf32, #tpu.memory_space<vmem_shared>> -> memref<10000x64xf32, #tpu.memory_space<vmem_shared>>
      tpu.wait_indirect_dma semaphore(%arg26 : memref<!tpu.dma_semaphore, #tpu.memory_space<semaphore_mem>>) src(%dma_wait3A_362 : memref<10000x64xf32, #tpu.memory_space<vmem_shared>>) dst(%arg18 : memref<64x64xf32, #tpu.memory_space<vmem>>)
      %add3A_363 = arith.constant 7 : i32
      %add3A_364 = arith.addi %mul3A_128, %add3A_363 : i32
      %dma_start3A_365 = arith.constant 0 : i32
      %dma_start3A_366 = tpu.memref_slice %arg8[%add3A_364, %dma_start3A_365] : memref<16x64xi32, #tpu.memory_space<vmem>> -> memref<1x64xi32, #tpu.memory_space<vmem>>
      %dma_start3A_367 = tpu.memref_squeeze %dma_start3A_366 : memref<1x64xi32, #tpu.memory_space<vmem>> -> memref<64xi32, #tpu.memory_space<vmem>>
      %dma_start3A_368 = arith.constant 0 : i32
      %dma_start3A_369 = arith.constant 0 : i32
      %dma_start3A_370 = tpu.memref_slice %arg9[%dma_start3A_368, %dma_start3A_369] : memref<10112x64xf32, #tpu.memory_space<vmem_shared>> -> memref<10112x64xf32, #tpu.memory_space<vmem_shared>>
      tpu.enqueue_indirect_dma source(%arg18 : memref<64x64xf32, #tpu.memory_space<vmem>>) target(%dma_start3A_370 : memref<10112x64xf32, #tpu.memory_space<vmem_shared>>) offsets(%dma_start3A_367 : memref<64xi32, #tpu.memory_space<vmem>>) semaphore(%arg34 : memref<!tpu.dma_semaphore, #tpu.memory_space<semaphore_mem>>) {add = true}
    }
    %scan3A_36 = arith.constant 40 : i32
    %dma_wait3A = arith.constant 0 : i32
    %dma_wait3A_37 = arith.constant 0 : i32
    %dma_wait3A_38 = tpu.memref_slice %arg8[%dma_wait3A, %dma_wait3A_37] : memref<16x64xi32, #tpu.memory_space<vmem>> -> memref<1x64xi32, #tpu.memory_space<vmem>>
    %dma_wait3A_39 = tpu.memref_squeeze %dma_wait3A_38 : memref<1x64xi32, #tpu.memory_space<vmem>> -> memref<64xi32, #tpu.memory_space<vmem>>
    %dma_wait3A_40 = arith.constant 0 : i32
    %dma_wait3A_41 = arith.constant 0 : i32
    %dma_wait3A_42 = tpu.memref_slice %arg9[%dma_wait3A_40, %dma_wait3A_41] : memref<10112x64xf32, #tpu.memory_space<vmem_shared>> -> memref<10112x64xf32, #tpu.memory_space<vmem_shared>>
    tpu.wait_indirect_dma semaphore(%arg27 : memref<!tpu.dma_semaphore, #tpu.memory_space<semaphore_mem>>) src(%arg11 : memref<64x64xf32, #tpu.memory_space<vmem>>) dst(%dma_wait3A_42 : memref<10112x64xf32, #tpu.memory_space<vmem_shared>>)
    %dma_wait3A_43 = arith.constant 0 : i32
    %dma_wait3A_44 = arith.constant 0 : i32
    %dma_wait3A_45 = tpu.memref_slice %arg8[%dma_wait3A_43, %dma_wait3A_44] : memref<16x64xi32, #tpu.memory_space<vmem>> -> memref<1x64xi32, #tpu.memory_space<vmem>>
    %dma_wait3A_46 = tpu.memref_squeeze %dma_wait3A_45 : memref<1x64xi32, #tpu.memory_space<vmem>> -> memref<64xi32, #tpu.memory_space<vmem>>
    %dma_wait3A_47 = arith.constant 0 : i32
    %dma_wait3A_48 = arith.constant 0 : i32
    %dma_wait3A_49 = tpu.memref_slice %arg9[%dma_wait3A_47, %dma_wait3A_48] : memref<10112x64xf32, #tpu.memory_space<vmem_shared>> -> memref<10112x64xf32, #tpu.memory_space<vmem_shared>>
    tpu.wait_indirect_dma semaphore(%arg28 : memref<!tpu.dma_semaphore, #tpu.memory_space<semaphore_mem>>) src(%arg12 : memref<64x64xf32, #tpu.memory_space<vmem>>) dst(%dma_wait3A_49 : memref<10112x64xf32, #tpu.memory_space<vmem_shared>>)
    %dma_wait3A_50 = arith.constant 0 : i32
    %dma_wait3A_51 = arith.constant 0 : i32
    %dma_wait3A_52 = tpu.memref_slice %arg8[%dma_wait3A_50, %dma_wait3A_51] : memref<16x64xi32, #tpu.memory_space<vmem>> -> memref<1x64xi32, #tpu.memory_space<vmem>>
    %dma_wait3A_53 = tpu.memref_squeeze %dma_wait3A_52 : memref<1x64xi32, #tpu.memory_space<vmem>> -> memref<64xi32, #tpu.memory_space<vmem>>
    %dma_wait3A_54 = arith.constant 0 : i32
    %dma_wait3A_55 = arith.constant 0 : i32
    %dma_wait3A_56 = tpu.memref_slice %arg9[%dma_wait3A_54, %dma_wait3A_55] : memref<10112x64xf32, #tpu.memory_space<vmem_shared>> -> memref<10112x64xf32, #tpu.memory_space<vmem_shared>>
    tpu.wait_indirect_dma semaphore(%arg29 : memref<!tpu.dma_semaphore, #tpu.memory_space<semaphore_mem>>) src(%arg13 : memref<64x64xf32, #tpu.memory_space<vmem>>) dst(%dma_wait3A_56 : memref<10112x64xf32, #tpu.memory_space<vmem_shared>>)
    %dma_wait3A_57 = arith.constant 0 : i32
    %dma_wait3A_58 = arith.constant 0 : i32
    %dma_wait3A_59 = tpu.memref_slice %arg8[%dma_wait3A_57, %dma_wait3A_58] : memref<16x64xi32, #tpu.memory_space<vmem>> -> memref<1x64xi32, #tpu.memory_space<vmem>>
    %dma_wait3A_60 = tpu.memref_squeeze %dma_wait3A_59 : memref<1x64xi32, #tpu.memory_space<vmem>> -> memref<64xi32, #tpu.memory_space<vmem>>
    %dma_wait3A_61 = arith.constant 0 : i32
    %dma_wait3A_62 = arith.constant 0 : i32
    %dma_wait3A_63 = tpu.memref_slice %arg9[%dma_wait3A_61, %dma_wait3A_62] : memref<10112x64xf32, #tpu.memory_space<vmem_shared>> -> memref<10112x64xf32, #tpu.memory_space<vmem_shared>>
    tpu.wait_indirect_dma semaphore(%arg30 : memref<!tpu.dma_semaphore, #tpu.memory_space<semaphore_mem>>) src(%arg14 : memref<64x64xf32, #tpu.memory_space<vmem>>) dst(%dma_wait3A_63 : memref<10112x64xf32, #tpu.memory_space<vmem_shared>>)
    %dma_wait3A_64 = arith.constant 0 : i32
    %dma_wait3A_65 = arith.constant 0 : i32
    %dma_wait3A_66 = tpu.memref_slice %arg8[%dma_wait3A_64, %dma_wait3A_65] : memref<16x64xi32, #tpu.memory_space<vmem>> -> memref<1x64xi32, #tpu.memory_space<vmem>>
    %dma_wait3A_67 = tpu.memref_squeeze %dma_wait3A_66 : memref<1x64xi32, #tpu.memory_space<vmem>> -> memref<64xi32, #tpu.memory_space<vmem>>
    %dma_wait3A_68 = arith.constant 0 : i32
    %dma_wait3A_69 = arith.constant 0 : i32
    %dma_wait3A_70 = tpu.memref_slice %arg9[%dma_wait3A_68, %dma_wait3A_69] : memref<10112x64xf32, #tpu.memory_space<vmem_shared>> -> memref<10112x64xf32, #tpu.memory_space<vmem_shared>>
    tpu.wait_indirect_dma semaphore(%arg31 : memref<!tpu.dma_semaphore, #tpu.memory_space<semaphore_mem>>) src(%arg15 : memref<64x64xf32, #tpu.memory_space<vmem>>) dst(%dma_wait3A_70 : memref<10112x64xf32, #tpu.memory_space<vmem_shared>>)
    %dma_wait3A_71 = arith.constant 0 : i32
    %dma_wait3A_72 = arith.constant 0 : i32
    %dma_wait3A_73 = tpu.memref_slice %arg8[%dma_wait3A_71, %dma_wait3A_72] : memref<16x64xi32, #tpu.memory_space<vmem>> -> memref<1x64xi32, #tpu.memory_space<vmem>>
    %dma_wait3A_74 = tpu.memref_squeeze %dma_wait3A_73 : memref<1x64xi32, #tpu.memory_space<vmem>> -> memref<64xi32, #tpu.memory_space<vmem>>
    %dma_wait3A_75 = arith.constant 0 : i32
    %dma_wait3A_76 = arith.constant 0 : i32
    %dma_wait3A_77 = tpu.memref_slice %arg9[%dma_wait3A_75, %dma_wait3A_76] : memref<10112x64xf32, #tpu.memory_space<vmem_shared>> -> memref<10112x64xf32, #tpu.memory_space<vmem_shared>>
    tpu.wait_indirect_dma semaphore(%arg32 : memref<!tpu.dma_semaphore, #tpu.memory_space<semaphore_mem>>) src(%arg16 : memref<64x64xf32, #tpu.memory_space<vmem>>) dst(%dma_wait3A_77 : memref<10112x64xf32, #tpu.memory_space<vmem_shared>>)
    %dma_wait3A_78 = arith.constant 0 : i32
    %dma_wait3A_79 = arith.constant 0 : i32
    %dma_wait3A_80 = tpu.memref_slice %arg8[%dma_wait3A_78, %dma_wait3A_79] : memref<16x64xi32, #tpu.memory_space<vmem>> -> memref<1x64xi32, #tpu.memory_space<vmem>>
    %dma_wait3A_81 = tpu.memref_squeeze %dma_wait3A_80 : memref<1x64xi32, #tpu.memory_space<vmem>> -> memref<64xi32, #tpu.memory_space<vmem>>
    %dma_wait3A_82 = arith.constant 0 : i32
    %dma_wait3A_83 = arith.constant 0 : i32
    %dma_wait3A_84 = tpu.memref_slice %arg9[%dma_wait3A_82, %dma_wait3A_83] : memref<10112x64xf32, #tpu.memory_space<vmem_shared>> -> memref<10112x64xf32, #tpu.memory_space<vmem_shared>>
    tpu.wait_indirect_dma semaphore(%arg33 : memref<!tpu.dma_semaphore, #tpu.memory_space<semaphore_mem>>) src(%arg17 : memref<64x64xf32, #tpu.memory_space<vmem>>) dst(%dma_wait3A_84 : memref<10112x64xf32, #tpu.memory_space<vmem_shared>>)
    %dma_wait3A_85 = arith.constant 0 : i32
    %dma_wait3A_86 = arith.constant 0 : i32
    %dma_wait3A_87 = tpu.memref_slice %arg8[%dma_wait3A_85, %dma_wait3A_86] : memref<16x64xi32, #tpu.memory_space<vmem>> -> memref<1x64xi32, #tpu.memory_space<vmem>>
    %dma_wait3A_88 = tpu.memref_squeeze %dma_wait3A_87 : memref<1x64xi32, #tpu.memory_space<vmem>> -> memref<64xi32, #tpu.memory_space<vmem>>
    %dma_wait3A_89 = arith.constant 0 : i32
    %dma_wait3A_90 = arith.constant 0 : i32
    %dma_wait3A_91 = tpu.memref_slice %arg9[%dma_wait3A_89, %dma_wait3A_90] : memref<10112x64xf32, #tpu.memory_space<vmem_shared>> -> memref<10112x64xf32, #tpu.memory_space<vmem_shared>>
    tpu.wait_indirect_dma semaphore(%arg34 : memref<!tpu.dma_semaphore, #tpu.memory_space<semaphore_mem>>) src(%arg18 : memref<64x64xf32, #tpu.memory_space<vmem>>) dst(%dma_wait3A_91 : memref<10112x64xf32, #tpu.memory_space<vmem_shared>>)
    %dma_wait3A_92 = arith.constant 0 : i32
    %dma_wait3A_93 = arith.constant 0 : i32
    %dma_wait3A_94 = tpu.memref_slice %arg7[%dma_wait3A_92, %dma_wait3A_93] : memref<16x64xi32, #tpu.memory_space<vmem>> -> memref<8x64xi32, #tpu.memory_space<vmem>>
    %dma_wait3A_95 = arith.constant 0 : i32
    %dma_wait3A_96 = arith.constant 0 : i32
    %dma_wait3A_97 = tpu.memref_slice %arg3[%arg1, %dma_wait3A_95, %dma_wait3A_96] : memref<16x328x64xi32, #tpu.memory_space<hbm>> -> memref<1x8x64xi32, #tpu.memory_space<hbm>>
    %dma_wait3A_98 = tpu.memref_squeeze %dma_wait3A_97 : memref<1x8x64xi32, #tpu.memory_space<hbm>> -> memref<8x64xi32, #tpu.memory_space<hbm>>
    %dma_wait3A_99 = arith.constant 0 : i32
    %dma_wait3A_100 = arith.constant 0 : i32
    %dma_wait3A_101 = tpu.memref_slice %arg7[%dma_wait3A_99, %dma_wait3A_100] : memref<16x64xi32, #tpu.memory_space<vmem>> -> memref<8x64xi32, #tpu.memory_space<vmem>>
    %dma_wait3A_102 = arith.constant 0 : i32
    %dma_wait3A_103 = arith.constant 0 : i32
    %dma_wait3A_104 = tpu.memref_slice %arg3[%arg1, %dma_wait3A_102, %dma_wait3A_103] : memref<16x328x64xi32, #tpu.memory_space<hbm>> -> memref<1x8x64xi32, #tpu.memory_space<hbm>>
    %dma_wait3A_105 = tpu.memref_squeeze %dma_wait3A_104 : memref<1x8x64xi32, #tpu.memory_space<hbm>> -> memref<8x64xi32, #tpu.memory_space<hbm>>
    tpu.wait_dma2 semaphore(%arg35 : memref<!tpu.dma_semaphore, #tpu.memory_space<semaphore_mem>>) src(%dma_wait3A_105 : memref<8x64xi32, #tpu.memory_space<hbm>>) dst(%dma_wait3A_101 : memref<8x64xi32, #tpu.memory_space<vmem>>)
    %dma_wait3A_106 = arith.constant 0 : i32
    %dma_wait3A_107 = arith.constant 0 : i32
    %dma_wait3A_108 = tpu.memref_slice %arg7[%dma_wait3A_106, %dma_wait3A_107] : memref<16x64xi32, #tpu.memory_space<vmem>> -> memref<8x64xi32, #tpu.memory_space<vmem>>
    %dma_wait3A_109 = arith.constant 0 : i32
    %dma_wait3A_110 = arith.constant 0 : i32
    %dma_wait3A_111 = tpu.memref_slice %arg3[%arg1, %dma_wait3A_109, %dma_wait3A_110] : memref<16x328x64xi32, #tpu.memory_space<hbm>> -> memref<1x8x64xi32, #tpu.memory_space<hbm>>
    %dma_wait3A_112 = tpu.memref_squeeze %dma_wait3A_111 : memref<1x8x64xi32, #tpu.memory_space<hbm>> -> memref<8x64xi32, #tpu.memory_space<hbm>>
    %dma_wait3A_113 = arith.constant 0 : i32
    %dma_wait3A_114 = arith.constant 0 : i32
    %dma_wait3A_115 = tpu.memref_slice %arg7[%dma_wait3A_113, %dma_wait3A_114] : memref<16x64xi32, #tpu.memory_space<vmem>> -> memref<8x64xi32, #tpu.memory_space<vmem>>
    %dma_wait3A_116 = arith.constant 0 : i32
    %dma_wait3A_117 = arith.constant 0 : i32
    %dma_wait3A_118 = tpu.memref_slice %arg3[%arg1, %dma_wait3A_116, %dma_wait3A_117] : memref<16x328x64xi32, #tpu.memory_space<hbm>> -> memref<1x8x64xi32, #tpu.memory_space<hbm>>
    %dma_wait3A_119 = tpu.memref_squeeze %dma_wait3A_118 : memref<1x8x64xi32, #tpu.memory_space<hbm>> -> memref<8x64xi32, #tpu.memory_space<hbm>>
    tpu.wait_dma2 semaphore(%arg35 : memref<!tpu.dma_semaphore, #tpu.memory_space<semaphore_mem>>) src(%dma_wait3A_119 : memref<8x64xi32, #tpu.memory_space<hbm>>) dst(%dma_wait3A_115 : memref<8x64xi32, #tpu.memory_space<vmem>>)
    %barrier3A_120 = arith.constant 0 : index
    tpu.barrier barrier_id(%barrier3A_120)
    %mul3A_121 = arith.constant 632 : i32
    %mul3A_122 = arith.muli %arg1, %mul3A_121 : i32
    %mul3A_123 = arith.constant 632 : i32
    %mul3A_124 = arith.muli %arg1, %mul3A_123 : i32
    "tpu.region"() ({
      %run_scoped3A = tpu.sem_alloc : memref<!tpu.dma_semaphore, #tpu.memory_space<semaphore_mem>>
      %dma_start3A_125 = arith.constant 0 : i32
      %dma_start3A_126 = tpu.memref_slice %arg6[%arg0, %mul3A_124, %dma_start3A_125] : memref<2x10112x64xf32, #tpu.memory_space<hbm>> -> memref<1x632x64xf32, #tpu.memory_space<hbm>>
      %dma_start3A_127 = tpu.memref_squeeze %dma_start3A_126 : memref<1x632x64xf32, #tpu.memory_space<hbm>> -> memref<632x64xf32, #tpu.memory_space<hbm>>
      %dma_start3A_128 = arith.constant 0 : i32
      %dma_start3A_129 = tpu.memref_slice %arg9[%mul3A_122, %dma_start3A_128] : memref<10112x64xf32, #tpu.memory_space<vmem_shared>> -> memref<632x64xf32, #tpu.memory_space<vmem_shared>>
      tpu.enqueue_dma source(%dma_start3A_129 : memref<632x64xf32, #tpu.memory_space<vmem_shared>>) target(%dma_start3A_127 : memref<632x64xf32, #tpu.memory_space<hbm>>) target_semaphore(%run_scoped3A : memref<!tpu.dma_semaphore, #tpu.memory_space<semaphore_mem>>)
      %dma_wait3A_130 = arith.constant 0 : i32
      %dma_wait3A_131 = tpu.memref_slice %arg6[%arg0, %mul3A_124, %dma_wait3A_130] : memref<2x10112x64xf32, #tpu.memory_space<hbm>> -> memref<1x632x64xf32, #tpu.memory_space<hbm>>
      %dma_wait3A_132 = tpu.memref_squeeze %dma_wait3A_131 : memref<1x632x64xf32, #tpu.memory_space<hbm>> -> memref<632x64xf32, #tpu.memory_space<hbm>>
      %dma_wait3A_133 = arith.constant 0 : i32
      %dma_wait3A_134 = tpu.memref_slice %arg9[%mul3A_122, %dma_wait3A_133] : memref<10112x64xf32, #tpu.memory_space<vmem_shared>> -> memref<632x64xf32, #tpu.memory_space<vmem_shared>>
      tpu.wait_dma2 semaphore(%run_scoped3A : memref<!tpu.dma_semaphore, #tpu.memory_space<semaphore_mem>>) src(%dma_wait3A_134 : memref<632x64xf32, #tpu.memory_space<vmem_shared>>) dst(%dma_wait3A_132 : memref<632x64xf32, #tpu.memory_space<hbm>>)
      tpu.yield
    }) : () -> ()
    return
  }
}

#map = affine_map<(d0, d1) -> (0, 0, 0)>
#map1 = affine_map<(d0, d1) -> (0, 0)>
module attributes {stable_mosaic.version = 14 : i64} {
  func.func @sc_agg(%arg0: i32, %arg1: i32, %arg2: memref<2x10000x64xf32, #tpu.memory_space<hbm>>, %arg3: memref<16x328x64xi32, #tpu.memory_space<hbm>>, %arg4: memref<16x328x64xi32, #tpu.memory_space<hbm>>, %arg5: memref<632x64xf32, #tpu.memory_space<hbm>>, %arg6: memref<2x10112x64xf32, #tpu.memory_space<hbm>>, %arg7: memref<16x64xi32, #tpu.memory_space<vmem>>, %arg8: memref<16x64xi32, #tpu.memory_space<vmem>>, %arg9: memref<10112x64xf32, #tpu.memory_space<vmem_shared>>, %arg10: memref<10000x64xf32, #tpu.memory_space<vmem_shared>>, %arg11: memref<64x64xf32, #tpu.memory_space<vmem>>, %arg12: memref<64x64xf32, #tpu.memory_space<vmem>>, %arg13: memref<64x64xf32, #tpu.memory_space<vmem>>, %arg14: memref<64x64xf32, #tpu.memory_space<vmem>>, %arg15: memref<64x64xf32, #tpu.memory_space<vmem>>, %arg16: memref<64x64xf32, #tpu.memory_space<vmem>>, %arg17: memref<64x64xf32, #tpu.memory_space<vmem>>, %arg18: memref<64x64xf32, #tpu.memory_space<vmem>>, %arg19: memref<!tpu.dma_semaphore, #tpu.memory_space<semaphore_mem>>, %arg20: memref<!tpu.dma_semaphore, #tpu.memory_space<semaphore_mem>>, %arg21: memref<!tpu.dma_semaphore, #tpu.memory_space<semaphore_mem>>, %arg22: memref<!tpu.dma_semaphore, #tpu.memory_space<semaphore_mem>>, %arg23: memref<!tpu.dma_semaphore, #tpu.memory_space<semaphore_mem>>, %arg24: memref<!tpu.dma_semaphore, #tpu.memory_space<semaphore_mem>>, %arg25: memref<!tpu.dma_semaphore, #tpu.memory_space<semaphore_mem>>, %arg26: memref<!tpu.dma_semaphore, #tpu.memory_space<semaphore_mem>>, %arg27: memref<!tpu.dma_semaphore, #tpu.memory_space<semaphore_mem>>, %arg28: memref<!tpu.dma_semaphore, #tpu.memory_space<semaphore_mem>>, %arg29: memref<!tpu.dma_semaphore, #tpu.memory_space<semaphore_mem>>, %arg30: memref<!tpu.dma_semaphore, #tpu.memory_space<semaphore_mem>>, %arg31: memref<!tpu.dma_semaphore, #tpu.memory_space<semaphore_mem>>, %arg32: memref<!tpu.dma_semaphore, #tpu.memory_space<semaphore_mem>>, %arg33: memref<!tpu.dma_semaphore, #tpu.memory_space<semaphore_mem>>, %arg34: memref<!tpu.dma_semaphore, #tpu.memory_space<semaphore_mem>>, %arg35: memref<!tpu.dma_semaphore, #tpu.memory_space<semaphore_mem>>) attributes {dimension_semantics = [#tpu.dimension_semantics<core_parallel>, #tpu.dimension_semantics<subcore_parallel>], iteration_bounds = array<i64: 2, 16>, scalar_prefetch = 0 : i64, scratch_operands = 29 : i64, tpu.core_type = #tpu.core_type<sc_vector_subcore>, window_params = [{transform_indices = #map}, {transform_indices = #map}, {transform_indices = #map}, {transform_indices = #map1}, {transform_indices = #map}]} {
    %mul3A = arith.constant 632 : i32
    %mul3A_0 = arith.muli %arg1, %mul3A : i32
    "tpu.region"() ({
      %run_scoped3A = tpu.sem_alloc : memref<!tpu.dma_semaphore, #tpu.memory_space<semaphore_mem>>
      %dma_start3A_125 = arith.constant 0 : i32
      %dma_start3A_126 = tpu.memref_slice %arg9[%mul3A_0, %dma_start3A_125] : memref<10112x64xf32, #tpu.memory_space<vmem_shared>> -> memref<632x64xf32, #tpu.memory_space<vmem_shared>>
      tpu.enqueue_dma source(%arg5 : memref<632x64xf32, #tpu.memory_space<hbm>>) target(%dma_start3A_126 : memref<632x64xf32, #tpu.memory_space<vmem_shared>>) target_semaphore(%run_scoped3A : memref<!tpu.dma_semaphore, #tpu.memory_space<semaphore_mem>>)
      %dma_wait3A_127 = arith.constant 0 : i32
      %dma_wait3A_128 = tpu.memref_slice %arg9[%mul3A_0, %dma_wait3A_127] : memref<10112x64xf32, #tpu.memory_space<vmem_shared>> -> memref<632x64xf32, #tpu.memory_space<vmem_shared>>
      tpu.wait_dma2 semaphore(%run_scoped3A : memref<!tpu.dma_semaphore, #tpu.memory_space<semaphore_mem>>) src(%arg5 : memref<632x64xf32, #tpu.memory_space<hbm>>) dst(%dma_wait3A_128 : memref<632x64xf32, #tpu.memory_space<vmem_shared>>)
      tpu.yield
    }) : () -> ()
    %mul3A_1 = arith.constant 625 : i32
    %mul3A_2 = arith.muli %arg1, %mul3A_1 : i32
    %mul3A_3 = arith.constant 625 : i32
    %mul3A_4 = arith.muli %arg1, %mul3A_3 : i32
    "tpu.region"() ({
      %run_scoped3A = tpu.sem_alloc : memref<!tpu.dma_semaphore, #tpu.memory_space<semaphore_mem>>
      %dma_start3A_125 = arith.constant 0 : i32
      %dma_start3A_126 = tpu.memref_slice %arg10[%mul3A_4, %dma_start3A_125] : memref<10000x64xf32, #tpu.memory_space<vmem_shared>> -> memref<625x64xf32, #tpu.memory_space<vmem_shared>>
      %dma_start3A_127 = arith.constant 0 : i32
      %dma_start3A_128 = tpu.memref_slice %arg2[%arg0, %mul3A_2, %dma_start3A_127] : memref<2x10000x64xf32, #tpu.memory_space<hbm>> -> memref<1x625x64xf32, #tpu.memory_space<hbm>>
      %dma_start3A_129 = tpu.memref_squeeze %dma_start3A_128 : memref<1x625x64xf32, #tpu.memory_space<hbm>> -> memref<625x64xf32, #tpu.memory_space<hbm>>
      tpu.enqueue_dma source(%dma_start3A_129 : memref<625x64xf32, #tpu.memory_space<hbm>>) target(%dma_start3A_126 : memref<625x64xf32, #tpu.memory_space<vmem_shared>>) target_semaphore(%run_scoped3A : memref<!tpu.dma_semaphore, #tpu.memory_space<semaphore_mem>>)
      %dma_wait3A_130 = arith.constant 0 : i32
      %dma_wait3A_131 = tpu.memref_slice %arg10[%mul3A_4, %dma_wait3A_130] : memref<10000x64xf32, #tpu.memory_space<vmem_shared>> -> memref<625x64xf32, #tpu.memory_space<vmem_shared>>
      %dma_wait3A_132 = arith.constant 0 : i32
      %dma_wait3A_133 = tpu.memref_slice %arg2[%arg0, %mul3A_2, %dma_wait3A_132] : memref<2x10000x64xf32, #tpu.memory_space<hbm>> -> memref<1x625x64xf32, #tpu.memory_space<hbm>>
      %dma_wait3A_134 = tpu.memref_squeeze %dma_wait3A_133 : memref<1x625x64xf32, #tpu.memory_space<hbm>> -> memref<625x64xf32, #tpu.memory_space<hbm>>
      tpu.wait_dma2 semaphore(%run_scoped3A : memref<!tpu.dma_semaphore, #tpu.memory_space<semaphore_mem>>) src(%dma_wait3A_134 : memref<625x64xf32, #tpu.memory_space<hbm>>) dst(%dma_wait3A_131 : memref<625x64xf32, #tpu.memory_space<vmem_shared>>)
      tpu.yield
    }) : () -> ()
    %dma_start3A = arith.constant 0 : i32
    %dma_start3A_5 = arith.constant 0 : i32
    %dma_start3A_6 = tpu.memref_slice %arg7[%dma_start3A, %dma_start3A_5] : memref<16x64xi32, #tpu.memory_space<vmem>> -> memref<8x64xi32, #tpu.memory_space<vmem>>
    %dma_start3A_7 = arith.constant 0 : i32
    %dma_start3A_8 = arith.constant 0 : i32
    %dma_start3A_9 = tpu.memref_slice %arg3[%arg1, %dma_start3A_7, %dma_start3A_8] : memref<16x328x64xi32, #tpu.memory_space<hbm>> -> memref<1x8x64xi32, #tpu.memory_space<hbm>>
    %dma_start3A_10 = tpu.memref_squeeze %dma_start3A_9 : memref<1x8x64xi32, #tpu.memory_space<hbm>> -> memref<8x64xi32, #tpu.memory_space<hbm>>
    %dma_start3A_11 = arith.constant 0 : i32
    %dma_start3A_12 = arith.constant 0 : i32
    %dma_start3A_13 = tpu.memref_slice %arg7[%dma_start3A_11, %dma_start3A_12] : memref<16x64xi32, #tpu.memory_space<vmem>> -> memref<8x64xi32, #tpu.memory_space<vmem>>
    %dma_start3A_14 = arith.constant 0 : i32
    %dma_start3A_15 = arith.constant 0 : i32
    %dma_start3A_16 = tpu.memref_slice %arg3[%arg1, %dma_start3A_14, %dma_start3A_15] : memref<16x328x64xi32, #tpu.memory_space<hbm>> -> memref<1x8x64xi32, #tpu.memory_space<hbm>>
    %dma_start3A_17 = tpu.memref_squeeze %dma_start3A_16 : memref<1x8x64xi32, #tpu.memory_space<hbm>> -> memref<8x64xi32, #tpu.memory_space<hbm>>
    tpu.enqueue_dma source(%dma_start3A_17 : memref<8x64xi32, #tpu.memory_space<hbm>>) target(%dma_start3A_13 : memref<8x64xi32, #tpu.memory_space<vmem>>) target_semaphore(%arg35 : memref<!tpu.dma_semaphore, #tpu.memory_space<semaphore_mem>>)
    %dma_start3A_18 = arith.constant 0 : i32
    %dma_start3A_19 = arith.constant 0 : i32
    %dma_start3A_20 = tpu.memref_slice %arg8[%dma_start3A_18, %dma_start3A_19] : memref<16x64xi32, #tpu.memory_space<vmem>> -> memref<8x64xi32, #tpu.memory_space<vmem>>
    %dma_start3A_21 = arith.constant 0 : i32
    %dma_start3A_22 = arith.constant 0 : i32
    %dma_start3A_23 = tpu.memref_slice %arg4[%arg1, %dma_start3A_21, %dma_start3A_22] : memref<16x328x64xi32, #tpu.memory_space<hbm>> -> memref<1x8x64xi32, #tpu.memory_space<hbm>>
    %dma_start3A_24 = tpu.memref_squeeze %dma_start3A_23 : memref<1x8x64xi32, #tpu.memory_space<hbm>> -> memref<8x64xi32, #tpu.memory_space<hbm>>
    %dma_start3A_25 = arith.constant 0 : i32
    %dma_start3A_26 = arith.constant 0 : i32
    %dma_start3A_27 = tpu.memref_slice %arg8[%dma_start3A_25, %dma_start3A_26] : memref<16x64xi32, #tpu.memory_space<vmem>> -> memref<8x64xi32, #tpu.memory_space<vmem>>
    %dma_start3A_28 = arith.constant 0 : i32
    %dma_start3A_29 = arith.constant 0 : i32
    %dma_start3A_30 = tpu.memref_slice %arg4[%arg1, %dma_start3A_28, %dma_start3A_29] : memref<16x328x64xi32, #tpu.memory_space<hbm>> -> memref<1x8x64xi32, #tpu.memory_space<hbm>>
    %dma_start3A_31 = tpu.memref_squeeze %dma_start3A_30 : memref<1x8x64xi32, #tpu.memory_space<hbm>> -> memref<8x64xi32, #tpu.memory_space<hbm>>
    tpu.enqueue_dma source(%dma_start3A_31 : memref<8x64xi32, #tpu.memory_space<hbm>>) target(%dma_start3A_27 : memref<8x64xi32, #tpu.memory_space<vmem>>) target_semaphore(%arg35 : memref<!tpu.dma_semaphore, #tpu.memory_space<semaphore_mem>>)
    %barrier3A = arith.constant 0 : index
    tpu.barrier barrier_id(%barrier3A)
    %scan3A = arith.constant 0 : i32
    %scan3A_32 = arith.constant 0 : i32
    %scan3A_33 = arith.constant 40 : i32
    %scan3A_34 = arith.addi %scan3A_32, %scan3A_33 : i32
    %scan3A_35 = arith.constant 1 : i32
    scf.for %scan3A_125 = %scan3A_32 to %scan3A_34 step %scan3A_35  : i32 {
      %rem3A = arith.constant 2 : i32
      %rem3A_126 = arith.remsi %scan3A_125, %rem3A : i32
      %mul3A_127 = arith.constant 8 : i32
      %mul3A_128 = arith.muli %rem3A_126, %mul3A_127 : i32
      %sub3A = arith.constant 8 : i32
      %sub3A_129 = arith.subi %sub3A, %mul3A_128 : i32
      %gt3A = arith.constant 0 : i32
      %gt3A_130 = arith.cmpi sgt, %scan3A_125, %gt3A : i32
      %convert_element_type3A = arith.extui %gt3A_130 : i1 to i32
      %cond3A = arith.constant 0 : i32
      %cond3A_131 = arith.cmpi ne, %convert_element_type3A, %cond3A : i32
      scf.if %cond3A_131 {
        %dma_wait3A_371 = arith.constant 0 : i32
        %dma_wait3A_372 = arith.constant 0 : i32
        %dma_wait3A_373 = tpu.memref_slice %arg8[%dma_wait3A_371, %dma_wait3A_372] : memref<16x64xi32, #tpu.memory_space<vmem>> -> memref<1x64xi32, #tpu.memory_space<vmem>>
        %dma_wait3A_374 = tpu.memref_squeeze %dma_wait3A_373 : memref<1x64xi32, #tpu.memory_space<vmem>> -> memref<64xi32, #tpu.memory_space<vmem>>
        %dma_wait3A_375 = arith.constant 0 : i32
        %dma_wait3A_376 = arith.constant 0 : i32
        %dma_wait3A_377 = tpu.memref_slice %arg9[%dma_wait3A_375, %dma_wait3A_376] : memref<10112x64xf32, #tpu.memory_space<vmem_shared>> -> memref<10112x64xf32, #tpu.memory_space<vmem_shared>>
        tpu.wait_indirect_dma semaphore(%arg27 : memref<!tpu.dma_semaphore, #tpu.memory_space<semaphore_mem>>) src(%arg11 : memref<64x64xf32, #tpu.memory_space<vmem>>) dst(%dma_wait3A_377 : memref<10112x64xf32, #tpu.memory_space<vmem_shared>>)
        %dma_wait3A_378 = arith.constant 0 : i32
        %dma_wait3A_379 = arith.constant 0 : i32
        %dma_wait3A_380 = tpu.memref_slice %arg8[%dma_wait3A_378, %dma_wait3A_379] : memref<16x64xi32, #tpu.memory_space<vmem>> -> memref<1x64xi32, #tpu.memory_space<vmem>>
        %dma_wait3A_381 = tpu.memref_squeeze %dma_wait3A_380 : memref<1x64xi32, #tpu.memory_space<vmem>> -> memref<64xi32, #tpu.memory_space<vmem>>
        %dma_wait3A_382 = arith.constant 0 : i32
        %dma_wait3A_383 = arith.constant 0 : i32
        %dma_wait3A_384 = tpu.memref_slice %arg9[%dma_wait3A_382, %dma_wait3A_383] : memref<10112x64xf32, #tpu.memory_space<vmem_shared>> -> memref<10112x64xf32, #tpu.memory_space<vmem_shared>>
        tpu.wait_indirect_dma semaphore(%arg28 : memref<!tpu.dma_semaphore, #tpu.memory_space<semaphore_mem>>) src(%arg12 : memref<64x64xf32, #tpu.memory_space<vmem>>) dst(%dma_wait3A_384 : memref<10112x64xf32, #tpu.memory_space<vmem_shared>>)
        %dma_wait3A_385 = arith.constant 0 : i32
        %dma_wait3A_386 = arith.constant 0 : i32
        %dma_wait3A_387 = tpu.memref_slice %arg8[%dma_wait3A_385, %dma_wait3A_386] : memref<16x64xi32, #tpu.memory_space<vmem>> -> memref<1x64xi32, #tpu.memory_space<vmem>>
        %dma_wait3A_388 = tpu.memref_squeeze %dma_wait3A_387 : memref<1x64xi32, #tpu.memory_space<vmem>> -> memref<64xi32, #tpu.memory_space<vmem>>
        %dma_wait3A_389 = arith.constant 0 : i32
        %dma_wait3A_390 = arith.constant 0 : i32
        %dma_wait3A_391 = tpu.memref_slice %arg9[%dma_wait3A_389, %dma_wait3A_390] : memref<10112x64xf32, #tpu.memory_space<vmem_shared>> -> memref<10112x64xf32, #tpu.memory_space<vmem_shared>>
        tpu.wait_indirect_dma semaphore(%arg29 : memref<!tpu.dma_semaphore, #tpu.memory_space<semaphore_mem>>) src(%arg13 : memref<64x64xf32, #tpu.memory_space<vmem>>) dst(%dma_wait3A_391 : memref<10112x64xf32, #tpu.memory_space<vmem_shared>>)
        %dma_wait3A_392 = arith.constant 0 : i32
        %dma_wait3A_393 = arith.constant 0 : i32
        %dma_wait3A_394 = tpu.memref_slice %arg8[%dma_wait3A_392, %dma_wait3A_393] : memref<16x64xi32, #tpu.memory_space<vmem>> -> memref<1x64xi32, #tpu.memory_space<vmem>>
        %dma_wait3A_395 = tpu.memref_squeeze %dma_wait3A_394 : memref<1x64xi32, #tpu.memory_space<vmem>> -> memref<64xi32, #tpu.memory_space<vmem>>
        %dma_wait3A_396 = arith.constant 0 : i32
        %dma_wait3A_397 = arith.constant 0 : i32
        %dma_wait3A_398 = tpu.memref_slice %arg9[%dma_wait3A_396, %dma_wait3A_397] : memref<10112x64xf32, #tpu.memory_space<vmem_shared>> -> memref<10112x64xf32, #tpu.memory_space<vmem_shared>>
        tpu.wait_indirect_dma semaphore(%arg30 : memref<!tpu.dma_semaphore, #tpu.memory_space<semaphore_mem>>) src(%arg14 : memref<64x64xf32, #tpu.memory_space<vmem>>) dst(%dma_wait3A_398 : memref<10112x64xf32, #tpu.memory_space<vmem_shared>>)
        %dma_wait3A_399 = arith.constant 0 : i32
        %dma_wait3A_400 = arith.constant 0 : i32
        %dma_wait3A_401 = tpu.memref_slice %arg8[%dma_wait3A_399, %dma_wait3A_400] : memref<16x64xi32, #tpu.memory_space<vmem>> -> memref<1x64xi32, #tpu.memory_space<vmem>>
        %dma_wait3A_402 = tpu.memref_squeeze %dma_wait3A_401 : memref<1x64xi32, #tpu.memory_space<vmem>> -> memref<64xi32, #tpu.memory_space<vmem>>
        %dma_wait3A_403 = arith.constant 0 : i32
        %dma_wait3A_404 = arith.constant 0 : i32
        %dma_wait3A_405 = tpu.memref_slice %arg9[%dma_wait3A_403, %dma_wait3A_404] : memref<10112x64xf32, #tpu.memory_space<vmem_shared>> -> memref<10112x64xf32, #tpu.memory_space<vmem_shared>>
        tpu.wait_indirect_dma semaphore(%arg31 : memref<!tpu.dma_semaphore, #tpu.memory_space<semaphore_mem>>) src(%arg15 : memref<64x64xf32, #tpu.memory_space<vmem>>) dst(%dma_wait3A_405 : memref<10112x64xf32, #tpu.memory_space<vmem_shared>>)
        %dma_wait3A_406 = arith.constant 0 : i32
        %dma_wait3A_407 = arith.constant 0 : i32
        %dma_wait3A_408 = tpu.memref_slice %arg8[%dma_wait3A_406, %dma_wait3A_407] : memref<16x64xi32, #tpu.memory_space<vmem>> -> memref<1x64xi32, #tpu.memory_space<vmem>>
        %dma_wait3A_409 = tpu.memref_squeeze %dma_wait3A_408 : memref<1x64xi32, #tpu.memory_space<vmem>> -> memref<64xi32, #tpu.memory_space<vmem>>
        %dma_wait3A_410 = arith.constant 0 : i32
        %dma_wait3A_411 = arith.constant 0 : i32
        %dma_wait3A_412 = tpu.memref_slice %arg9[%dma_wait3A_410, %dma_wait3A_411] : memref<10112x64xf32, #tpu.memory_space<vmem_shared>> -> memref<10112x64xf32, #tpu.memory_space<vmem_shared>>
        tpu.wait_indirect_dma semaphore(%arg32 : memref<!tpu.dma_semaphore, #tpu.memory_space<semaphore_mem>>) src(%arg16 : memref<64x64xf32, #tpu.memory_space<vmem>>) dst(%dma_wait3A_412 : memref<10112x64xf32, #tpu.memory_space<vmem_shared>>)
        %dma_wait3A_413 = arith.constant 0 : i32
        %dma_wait3A_414 = arith.constant 0 : i32
        %dma_wait3A_415 = tpu.memref_slice %arg8[%dma_wait3A_413, %dma_wait3A_414] : memref<16x64xi32, #tpu.memory_space<vmem>> -> memref<1x64xi32, #tpu.memory_space<vmem>>
        %dma_wait3A_416 = tpu.memref_squeeze %dma_wait3A_415 : memref<1x64xi32, #tpu.memory_space<vmem>> -> memref<64xi32, #tpu.memory_space<vmem>>
        %dma_wait3A_417 = arith.constant 0 : i32
        %dma_wait3A_418 = arith.constant 0 : i32
        %dma_wait3A_419 = tpu.memref_slice %arg9[%dma_wait3A_417, %dma_wait3A_418] : memref<10112x64xf32, #tpu.memory_space<vmem_shared>> -> memref<10112x64xf32, #tpu.memory_space<vmem_shared>>
        tpu.wait_indirect_dma semaphore(%arg33 : memref<!tpu.dma_semaphore, #tpu.memory_space<semaphore_mem>>) src(%arg17 : memref<64x64xf32, #tpu.memory_space<vmem>>) dst(%dma_wait3A_419 : memref<10112x64xf32, #tpu.memory_space<vmem_shared>>)
        %dma_wait3A_420 = arith.constant 0 : i32
        %dma_wait3A_421 = arith.constant 0 : i32
        %dma_wait3A_422 = tpu.memref_slice %arg8[%dma_wait3A_420, %dma_wait3A_421] : memref<16x64xi32, #tpu.memory_space<vmem>> -> memref<1x64xi32, #tpu.memory_space<vmem>>
        %dma_wait3A_423 = tpu.memref_squeeze %dma_wait3A_422 : memref<1x64xi32, #tpu.memory_space<vmem>> -> memref<64xi32, #tpu.memory_space<vmem>>
        %dma_wait3A_424 = arith.constant 0 : i32
        %dma_wait3A_425 = arith.constant 0 : i32
        %dma_wait3A_426 = tpu.memref_slice %arg9[%dma_wait3A_424, %dma_wait3A_425] : memref<10112x64xf32, #tpu.memory_space<vmem_shared>> -> memref<10112x64xf32, #tpu.memory_space<vmem_shared>>
        tpu.wait_indirect_dma semaphore(%arg34 : memref<!tpu.dma_semaphore, #tpu.memory_space<semaphore_mem>>) src(%arg18 : memref<64x64xf32, #tpu.memory_space<vmem>>) dst(%dma_wait3A_426 : memref<10112x64xf32, #tpu.memory_space<vmem_shared>>)
      } else {
      }
      %dma_wait3A_132 = arith.constant 0 : i32
      %dma_wait3A_133 = arith.constant 0 : i32
      %dma_wait3A_134 = tpu.memref_slice %arg7[%dma_wait3A_132, %dma_wait3A_133] : memref<16x64xi32, #tpu.memory_space<vmem>> -> memref<8x64xi32, #tpu.memory_space<vmem>>
      %dma_wait3A_135 = arith.constant 0 : i32
      %dma_wait3A_136 = arith.constant 0 : i32
      %dma_wait3A_137 = tpu.memref_slice %arg3[%arg1, %dma_wait3A_135, %dma_wait3A_136] : memref<16x328x64xi32, #tpu.memory_space<hbm>> -> memref<1x8x64xi32, #tpu.memory_space<hbm>>
      %dma_wait3A_138 = tpu.memref_squeeze %dma_wait3A_137 : memref<1x8x64xi32, #tpu.memory_space<hbm>> -> memref<8x64xi32, #tpu.memory_space<hbm>>
      %dma_wait3A_139 = arith.constant 0 : i32
      %dma_wait3A_140 = arith.constant 0 : i32
      %dma_wait3A_141 = tpu.memref_slice %arg7[%dma_wait3A_139, %dma_wait3A_140] : memref<16x64xi32, #tpu.memory_space<vmem>> -> memref<8x64xi32, #tpu.memory_space<vmem>>
      %dma_wait3A_142 = arith.constant 0 : i32
      %dma_wait3A_143 = arith.constant 0 : i32
      %dma_wait3A_144 = tpu.memref_slice %arg3[%arg1, %dma_wait3A_142, %dma_wait3A_143] : memref<16x328x64xi32, #tpu.memory_space<hbm>> -> memref<1x8x64xi32, #tpu.memory_space<hbm>>
      %dma_wait3A_145 = tpu.memref_squeeze %dma_wait3A_144 : memref<1x8x64xi32, #tpu.memory_space<hbm>> -> memref<8x64xi32, #tpu.memory_space<hbm>>
      tpu.wait_dma2 semaphore(%arg35 : memref<!tpu.dma_semaphore, #tpu.memory_space<semaphore_mem>>) src(%dma_wait3A_145 : memref<8x64xi32, #tpu.memory_space<hbm>>) dst(%dma_wait3A_141 : memref<8x64xi32, #tpu.memory_space<vmem>>)
      %dma_wait3A_146 = arith.constant 0 : i32
      %dma_wait3A_147 = arith.constant 0 : i32
      %dma_wait3A_148 = tpu.memref_slice %arg7[%dma_wait3A_146, %dma_wait3A_147] : memref<16x64xi32, #tpu.memory_space<vmem>> -> memref<8x64xi32, #tpu.memory_space<vmem>>
      %dma_wait3A_149 = arith.constant 0 : i32
      %dma_wait3A_150 = arith.constant 0 : i32
      %dma_wait3A_151 = tpu.memref_slice %arg3[%arg1, %dma_wait3A_149, %dma_wait3A_150] : memref<16x328x64xi32, #tpu.memory_space<hbm>> -> memref<1x8x64xi32, #tpu.memory_space<hbm>>
      %dma_wait3A_152 = tpu.memref_squeeze %dma_wait3A_151 : memref<1x8x64xi32, #tpu.memory_space<hbm>> -> memref<8x64xi32, #tpu.memory_space<hbm>>
      %dma_wait3A_153 = arith.constant 0 : i32
      %dma_wait3A_154 = arith.constant 0 : i32
      %dma_wait3A_155 = tpu.memref_slice %arg7[%dma_wait3A_153, %dma_wait3A_154] : memref<16x64xi32, #tpu.memory_space<vmem>> -> memref<8x64xi32, #tpu.memory_space<vmem>>
      %dma_wait3A_156 = arith.constant 0 : i32
      %dma_wait3A_157 = arith.constant 0 : i32
      %dma_wait3A_158 = tpu.memref_slice %arg3[%arg1, %dma_wait3A_156, %dma_wait3A_157] : memref<16x328x64xi32, #tpu.memory_space<hbm>> -> memref<1x8x64xi32, #tpu.memory_space<hbm>>
      %dma_wait3A_159 = tpu.memref_squeeze %dma_wait3A_158 : memref<1x8x64xi32, #tpu.memory_space<hbm>> -> memref<8x64xi32, #tpu.memory_space<hbm>>
      tpu.wait_dma2 semaphore(%arg35 : memref<!tpu.dma_semaphore, #tpu.memory_space<semaphore_mem>>) src(%dma_wait3A_159 : memref<8x64xi32, #tpu.memory_space<hbm>>) dst(%dma_wait3A_155 : memref<8x64xi32, #tpu.memory_space<vmem>>)
      %add3A = arith.constant 1 : i32
      %add3A_160 = arith.addi %scan3A_125, %add3A : i32
      %mul3A_161 = arith.constant 8 : i32
      %mul3A_162 = arith.muli %add3A_160, %mul3A_161 : i32
      %dma_start3A_163 = arith.constant 0 : i32
      %dma_start3A_164 = tpu.memref_slice %arg7[%sub3A_129, %dma_start3A_163] : memref<16x64xi32, #tpu.memory_space<vmem>> -> memref<8x64xi32, #tpu.memory_space<vmem>>
      %dma_start3A_165 = arith.constant 0 : i32
      %dma_start3A_166 = tpu.memref_slice %arg3[%arg1, %mul3A_162, %dma_start3A_165] : memref<16x328x64xi32, #tpu.memory_space<hbm>> -> memref<1x8x64xi32, #tpu.memory_space<hbm>>
      %dma_start3A_167 = tpu.memref_squeeze %dma_start3A_166 : memref<1x8x64xi32, #tpu.memory_space<hbm>> -> memref<8x64xi32, #tpu.memory_space<hbm>>
      %dma_start3A_168 = arith.constant 0 : i32
      %dma_start3A_169 = tpu.memref_slice %arg7[%sub3A_129, %dma_start3A_168] : memref<16x64xi32, #tpu.memory_space<vmem>> -> memref<8x64xi32, #tpu.memory_space<vmem>>
      %dma_start3A_170 = arith.constant 0 : i32
      %dma_start3A_171 = tpu.memref_slice %arg3[%arg1, %mul3A_162, %dma_start3A_170] : memref<16x328x64xi32, #tpu.memory_space<hbm>> -> memref<1x8x64xi32, #tpu.memory_space<hbm>>
      %dma_start3A_172 = tpu.memref_squeeze %dma_start3A_171 : memref<1x8x64xi32, #tpu.memory_space<hbm>> -> memref<8x64xi32, #tpu.memory_space<hbm>>
      tpu.enqueue_dma source(%dma_start3A_172 : memref<8x64xi32, #tpu.memory_space<hbm>>) target(%dma_start3A_169 : memref<8x64xi32, #tpu.memory_space<vmem>>) target_semaphore(%arg35 : memref<!tpu.dma_semaphore, #tpu.memory_space<semaphore_mem>>)
      %add3A_173 = arith.constant 1 : i32
      %add3A_174 = arith.addi %scan3A_125, %add3A_173 : i32
      %mul3A_175 = arith.constant 8 : i32
      %mul3A_176 = arith.muli %add3A_174, %mul3A_175 : i32
      %dma_start3A_177 = arith.constant 0 : i32
      %dma_start3A_178 = tpu.memref_slice %arg8[%sub3A_129, %dma_start3A_177] : memref<16x64xi32, #tpu.memory_space<vmem>> -> memref<8x64xi32, #tpu.memory_space<vmem>>
      %dma_start3A_179 = arith.constant 0 : i32
      %dma_start3A_180 = tpu.memref_slice %arg4[%arg1, %mul3A_176, %dma_start3A_179] : memref<16x328x64xi32, #tpu.memory_space<hbm>> -> memref<1x8x64xi32, #tpu.memory_space<hbm>>
      %dma_start3A_181 = tpu.memref_squeeze %dma_start3A_180 : memref<1x8x64xi32, #tpu.memory_space<hbm>> -> memref<8x64xi32, #tpu.memory_space<hbm>>
      %dma_start3A_182 = arith.constant 0 : i32
      %dma_start3A_183 = tpu.memref_slice %arg8[%sub3A_129, %dma_start3A_182] : memref<16x64xi32, #tpu.memory_space<vmem>> -> memref<8x64xi32, #tpu.memory_space<vmem>>
      %dma_start3A_184 = arith.constant 0 : i32
      %dma_start3A_185 = tpu.memref_slice %arg4[%arg1, %mul3A_176, %dma_start3A_184] : memref<16x328x64xi32, #tpu.memory_space<hbm>> -> memref<1x8x64xi32, #tpu.memory_space<hbm>>
      %dma_start3A_186 = tpu.memref_squeeze %dma_start3A_185 : memref<1x8x64xi32, #tpu.memory_space<hbm>> -> memref<8x64xi32, #tpu.memory_space<hbm>>
      tpu.enqueue_dma source(%dma_start3A_186 : memref<8x64xi32, #tpu.memory_space<hbm>>) target(%dma_start3A_183 : memref<8x64xi32, #tpu.memory_space<vmem>>) target_semaphore(%arg35 : memref<!tpu.dma_semaphore, #tpu.memory_space<semaphore_mem>>)
      %add3A_187 = arith.constant 0 : i32
      %add3A_188 = arith.addi %mul3A_128, %add3A_187 : i32
      %dma_start3A_189 = arith.constant 0 : i32
      %dma_start3A_190 = tpu.memref_slice %arg7[%add3A_188, %dma_start3A_189] : memref<16x64xi32, #tpu.memory_space<vmem>> -> memref<1x64xi32, #tpu.memory_space<vmem>>
      %dma_start3A_191 = tpu.memref_squeeze %dma_start3A_190 : memref<1x64xi32, #tpu.memory_space<vmem>> -> memref<64xi32, #tpu.memory_space<vmem>>
      %dma_start3A_192 = arith.constant 0 : i32
      %dma_start3A_193 = arith.constant 0 : i32
      %dma_start3A_194 = tpu.memref_slice %arg10[%dma_start3A_192, %dma_start3A_193] : memref<10000x64xf32, #tpu.memory_space<vmem_shared>> -> memref<10000x64xf32, #tpu.memory_space<vmem_shared>>
      tpu.enqueue_indirect_dma source(%dma_start3A_194 : memref<10000x64xf32, #tpu.memory_space<vmem_shared>>) target(%arg11 : memref<64x64xf32, #tpu.memory_space<vmem>>) offsets(%dma_start3A_191 : memref<64xi32, #tpu.memory_space<vmem>>) semaphore(%arg19 : memref<!tpu.dma_semaphore, #tpu.memory_space<semaphore_mem>>)
      %add3A_195 = arith.constant 1 : i32
      %add3A_196 = arith.addi %mul3A_128, %add3A_195 : i32
      %dma_start3A_197 = arith.constant 0 : i32
      %dma_start3A_198 = tpu.memref_slice %arg7[%add3A_196, %dma_start3A_197] : memref<16x64xi32, #tpu.memory_space<vmem>> -> memref<1x64xi32, #tpu.memory_space<vmem>>
      %dma_start3A_199 = tpu.memref_squeeze %dma_start3A_198 : memref<1x64xi32, #tpu.memory_space<vmem>> -> memref<64xi32, #tpu.memory_space<vmem>>
      %dma_start3A_200 = arith.constant 0 : i32
      %dma_start3A_201 = arith.constant 0 : i32
      %dma_start3A_202 = tpu.memref_slice %arg10[%dma_start3A_200, %dma_start3A_201] : memref<10000x64xf32, #tpu.memory_space<vmem_shared>> -> memref<10000x64xf32, #tpu.memory_space<vmem_shared>>
      tpu.enqueue_indirect_dma source(%dma_start3A_202 : memref<10000x64xf32, #tpu.memory_space<vmem_shared>>) target(%arg12 : memref<64x64xf32, #tpu.memory_space<vmem>>) offsets(%dma_start3A_199 : memref<64xi32, #tpu.memory_space<vmem>>) semaphore(%arg20 : memref<!tpu.dma_semaphore, #tpu.memory_space<semaphore_mem>>)
      %add3A_203 = arith.constant 2 : i32
      %add3A_204 = arith.addi %mul3A_128, %add3A_203 : i32
      %dma_start3A_205 = arith.constant 0 : i32
      %dma_start3A_206 = tpu.memref_slice %arg7[%add3A_204, %dma_start3A_205] : memref<16x64xi32, #tpu.memory_space<vmem>> -> memref<1x64xi32, #tpu.memory_space<vmem>>
      %dma_start3A_207 = tpu.memref_squeeze %dma_start3A_206 : memref<1x64xi32, #tpu.memory_space<vmem>> -> memref<64xi32, #tpu.memory_space<vmem>>
      %dma_start3A_208 = arith.constant 0 : i32
      %dma_start3A_209 = arith.constant 0 : i32
      %dma_start3A_210 = tpu.memref_slice %arg10[%dma_start3A_208, %dma_start3A_209] : memref<10000x64xf32, #tpu.memory_space<vmem_shared>> -> memref<10000x64xf32, #tpu.memory_space<vmem_shared>>
      tpu.enqueue_indirect_dma source(%dma_start3A_210 : memref<10000x64xf32, #tpu.memory_space<vmem_shared>>) target(%arg13 : memref<64x64xf32, #tpu.memory_space<vmem>>) offsets(%dma_start3A_207 : memref<64xi32, #tpu.memory_space<vmem>>) semaphore(%arg21 : memref<!tpu.dma_semaphore, #tpu.memory_space<semaphore_mem>>)
      %add3A_211 = arith.constant 3 : i32
      %add3A_212 = arith.addi %mul3A_128, %add3A_211 : i32
      %dma_start3A_213 = arith.constant 0 : i32
      %dma_start3A_214 = tpu.memref_slice %arg7[%add3A_212, %dma_start3A_213] : memref<16x64xi32, #tpu.memory_space<vmem>> -> memref<1x64xi32, #tpu.memory_space<vmem>>
      %dma_start3A_215 = tpu.memref_squeeze %dma_start3A_214 : memref<1x64xi32, #tpu.memory_space<vmem>> -> memref<64xi32, #tpu.memory_space<vmem>>
      %dma_start3A_216 = arith.constant 0 : i32
      %dma_start3A_217 = arith.constant 0 : i32
      %dma_start3A_218 = tpu.memref_slice %arg10[%dma_start3A_216, %dma_start3A_217] : memref<10000x64xf32, #tpu.memory_space<vmem_shared>> -> memref<10000x64xf32, #tpu.memory_space<vmem_shared>>
      tpu.enqueue_indirect_dma source(%dma_start3A_218 : memref<10000x64xf32, #tpu.memory_space<vmem_shared>>) target(%arg14 : memref<64x64xf32, #tpu.memory_space<vmem>>) offsets(%dma_start3A_215 : memref<64xi32, #tpu.memory_space<vmem>>) semaphore(%arg22 : memref<!tpu.dma_semaphore, #tpu.memory_space<semaphore_mem>>)
      %add3A_219 = arith.constant 4 : i32
      %add3A_220 = arith.addi %mul3A_128, %add3A_219 : i32
      %dma_start3A_221 = arith.constant 0 : i32
      %dma_start3A_222 = tpu.memref_slice %arg7[%add3A_220, %dma_start3A_221] : memref<16x64xi32, #tpu.memory_space<vmem>> -> memref<1x64xi32, #tpu.memory_space<vmem>>
      %dma_start3A_223 = tpu.memref_squeeze %dma_start3A_222 : memref<1x64xi32, #tpu.memory_space<vmem>> -> memref<64xi32, #tpu.memory_space<vmem>>
      %dma_start3A_224 = arith.constant 0 : i32
      %dma_start3A_225 = arith.constant 0 : i32
      %dma_start3A_226 = tpu.memref_slice %arg10[%dma_start3A_224, %dma_start3A_225] : memref<10000x64xf32, #tpu.memory_space<vmem_shared>> -> memref<10000x64xf32, #tpu.memory_space<vmem_shared>>
      tpu.enqueue_indirect_dma source(%dma_start3A_226 : memref<10000x64xf32, #tpu.memory_space<vmem_shared>>) target(%arg15 : memref<64x64xf32, #tpu.memory_space<vmem>>) offsets(%dma_start3A_223 : memref<64xi32, #tpu.memory_space<vmem>>) semaphore(%arg23 : memref<!tpu.dma_semaphore, #tpu.memory_space<semaphore_mem>>)
      %add3A_227 = arith.constant 5 : i32
      %add3A_228 = arith.addi %mul3A_128, %add3A_227 : i32
      %dma_start3A_229 = arith.constant 0 : i32
      %dma_start3A_230 = tpu.memref_slice %arg7[%add3A_228, %dma_start3A_229] : memref<16x64xi32, #tpu.memory_space<vmem>> -> memref<1x64xi32, #tpu.memory_space<vmem>>
      %dma_start3A_231 = tpu.memref_squeeze %dma_start3A_230 : memref<1x64xi32, #tpu.memory_space<vmem>> -> memref<64xi32, #tpu.memory_space<vmem>>
      %dma_start3A_232 = arith.constant 0 : i32
      %dma_start3A_233 = arith.constant 0 : i32
      %dma_start3A_234 = tpu.memref_slice %arg10[%dma_start3A_232, %dma_start3A_233] : memref<10000x64xf32, #tpu.memory_space<vmem_shared>> -> memref<10000x64xf32, #tpu.memory_space<vmem_shared>>
      tpu.enqueue_indirect_dma source(%dma_start3A_234 : memref<10000x64xf32, #tpu.memory_space<vmem_shared>>) target(%arg16 : memref<64x64xf32, #tpu.memory_space<vmem>>) offsets(%dma_start3A_231 : memref<64xi32, #tpu.memory_space<vmem>>) semaphore(%arg24 : memref<!tpu.dma_semaphore, #tpu.memory_space<semaphore_mem>>)
      %add3A_235 = arith.constant 6 : i32
      %add3A_236 = arith.addi %mul3A_128, %add3A_235 : i32
      %dma_start3A_237 = arith.constant 0 : i32
      %dma_start3A_238 = tpu.memref_slice %arg7[%add3A_236, %dma_start3A_237] : memref<16x64xi32, #tpu.memory_space<vmem>> -> memref<1x64xi32, #tpu.memory_space<vmem>>
      %dma_start3A_239 = tpu.memref_squeeze %dma_start3A_238 : memref<1x64xi32, #tpu.memory_space<vmem>> -> memref<64xi32, #tpu.memory_space<vmem>>
      %dma_start3A_240 = arith.constant 0 : i32
      %dma_start3A_241 = arith.constant 0 : i32
      %dma_start3A_242 = tpu.memref_slice %arg10[%dma_start3A_240, %dma_start3A_241] : memref<10000x64xf32, #tpu.memory_space<vmem_shared>> -> memref<10000x64xf32, #tpu.memory_space<vmem_shared>>
      tpu.enqueue_indirect_dma source(%dma_start3A_242 : memref<10000x64xf32, #tpu.memory_space<vmem_shared>>) target(%arg17 : memref<64x64xf32, #tpu.memory_space<vmem>>) offsets(%dma_start3A_239 : memref<64xi32, #tpu.memory_space<vmem>>) semaphore(%arg25 : memref<!tpu.dma_semaphore, #tpu.memory_space<semaphore_mem>>)
      %add3A_243 = arith.constant 7 : i32
      %add3A_244 = arith.addi %mul3A_128, %add3A_243 : i32
      %dma_start3A_245 = arith.constant 0 : i32
      %dma_start3A_246 = tpu.memref_slice %arg7[%add3A_244, %dma_start3A_245] : memref<16x64xi32, #tpu.memory_space<vmem>> -> memref<1x64xi32, #tpu.memory_space<vmem>>
      %dma_start3A_247 = tpu.memref_squeeze %dma_start3A_246 : memref<1x64xi32, #tpu.memory_space<vmem>> -> memref<64xi32, #tpu.memory_space<vmem>>
      %dma_start3A_248 = arith.constant 0 : i32
      %dma_start3A_249 = arith.constant 0 : i32
      %dma_start3A_250 = tpu.memref_slice %arg10[%dma_start3A_248, %dma_start3A_249] : memref<10000x64xf32, #tpu.memory_space<vmem_shared>> -> memref<10000x64xf32, #tpu.memory_space<vmem_shared>>
      tpu.enqueue_indirect_dma source(%dma_start3A_250 : memref<10000x64xf32, #tpu.memory_space<vmem_shared>>) target(%arg18 : memref<64x64xf32, #tpu.memory_space<vmem>>) offsets(%dma_start3A_247 : memref<64xi32, #tpu.memory_space<vmem>>) semaphore(%arg26 : memref<!tpu.dma_semaphore, #tpu.memory_space<semaphore_mem>>)
      %dma_wait3A_251 = arith.constant 0 : i32
      %dma_wait3A_252 = arith.constant 0 : i32
      %dma_wait3A_253 = tpu.memref_slice %arg7[%dma_wait3A_251, %dma_wait3A_252] : memref<16x64xi32, #tpu.memory_space<vmem>> -> memref<1x64xi32, #tpu.memory_space<vmem>>
      %dma_wait3A_254 = tpu.memref_squeeze %dma_wait3A_253 : memref<1x64xi32, #tpu.memory_space<vmem>> -> memref<64xi32, #tpu.memory_space<vmem>>
      %dma_wait3A_255 = arith.constant 0 : i32
      %dma_wait3A_256 = arith.constant 0 : i32
      %dma_wait3A_257 = tpu.memref_slice %arg10[%dma_wait3A_255, %dma_wait3A_256] : memref<10000x64xf32, #tpu.memory_space<vmem_shared>> -> memref<10000x64xf32, #tpu.memory_space<vmem_shared>>
      tpu.wait_indirect_dma semaphore(%arg19 : memref<!tpu.dma_semaphore, #tpu.memory_space<semaphore_mem>>) src(%dma_wait3A_257 : memref<10000x64xf32, #tpu.memory_space<vmem_shared>>) dst(%arg11 : memref<64x64xf32, #tpu.memory_space<vmem>>)
      %add3A_258 = arith.constant 0 : i32
      %add3A_259 = arith.addi %mul3A_128, %add3A_258 : i32
      %dma_start3A_260 = arith.constant 0 : i32
      %dma_start3A_261 = tpu.memref_slice %arg8[%add3A_259, %dma_start3A_260] : memref<16x64xi32, #tpu.memory_space<vmem>> -> memref<1x64xi32, #tpu.memory_space<vmem>>
      %dma_start3A_262 = tpu.memref_squeeze %dma_start3A_261 : memref<1x64xi32, #tpu.memory_space<vmem>> -> memref<64xi32, #tpu.memory_space<vmem>>
      %dma_start3A_263 = arith.constant 0 : i32
      %dma_start3A_264 = arith.constant 0 : i32
      %dma_start3A_265 = tpu.memref_slice %arg9[%dma_start3A_263, %dma_start3A_264] : memref<10112x64xf32, #tpu.memory_space<vmem_shared>> -> memref<10112x64xf32, #tpu.memory_space<vmem_shared>>
      tpu.enqueue_indirect_dma source(%arg11 : memref<64x64xf32, #tpu.memory_space<vmem>>) target(%dma_start3A_265 : memref<10112x64xf32, #tpu.memory_space<vmem_shared>>) offsets(%dma_start3A_262 : memref<64xi32, #tpu.memory_space<vmem>>) semaphore(%arg27 : memref<!tpu.dma_semaphore, #tpu.memory_space<semaphore_mem>>) {add = true}
      %dma_wait3A_266 = arith.constant 0 : i32
      %dma_wait3A_267 = arith.constant 0 : i32
      %dma_wait3A_268 = tpu.memref_slice %arg7[%dma_wait3A_266, %dma_wait3A_267] : memref<16x64xi32, #tpu.memory_space<vmem>> -> memref<1x64xi32, #tpu.memory_space<vmem>>
      %dma_wait3A_269 = tpu.memref_squeeze %dma_wait3A_268 : memref<1x64xi32, #tpu.memory_space<vmem>> -> memref<64xi32, #tpu.memory_space<vmem>>
      %dma_wait3A_270 = arith.constant 0 : i32
      %dma_wait3A_271 = arith.constant 0 : i32
      %dma_wait3A_272 = tpu.memref_slice %arg10[%dma_wait3A_270, %dma_wait3A_271] : memref<10000x64xf32, #tpu.memory_space<vmem_shared>> -> memref<10000x64xf32, #tpu.memory_space<vmem_shared>>
      tpu.wait_indirect_dma semaphore(%arg20 : memref<!tpu.dma_semaphore, #tpu.memory_space<semaphore_mem>>) src(%dma_wait3A_272 : memref<10000x64xf32, #tpu.memory_space<vmem_shared>>) dst(%arg12 : memref<64x64xf32, #tpu.memory_space<vmem>>)
      %add3A_273 = arith.constant 1 : i32
      %add3A_274 = arith.addi %mul3A_128, %add3A_273 : i32
      %dma_start3A_275 = arith.constant 0 : i32
      %dma_start3A_276 = tpu.memref_slice %arg8[%add3A_274, %dma_start3A_275] : memref<16x64xi32, #tpu.memory_space<vmem>> -> memref<1x64xi32, #tpu.memory_space<vmem>>
      %dma_start3A_277 = tpu.memref_squeeze %dma_start3A_276 : memref<1x64xi32, #tpu.memory_space<vmem>> -> memref<64xi32, #tpu.memory_space<vmem>>
      %dma_start3A_278 = arith.constant 0 : i32
      %dma_start3A_279 = arith.constant 0 : i32
      %dma_start3A_280 = tpu.memref_slice %arg9[%dma_start3A_278, %dma_start3A_279] : memref<10112x64xf32, #tpu.memory_space<vmem_shared>> -> memref<10112x64xf32, #tpu.memory_space<vmem_shared>>
      tpu.enqueue_indirect_dma source(%arg12 : memref<64x64xf32, #tpu.memory_space<vmem>>) target(%dma_start3A_280 : memref<10112x64xf32, #tpu.memory_space<vmem_shared>>) offsets(%dma_start3A_277 : memref<64xi32, #tpu.memory_space<vmem>>) semaphore(%arg28 : memref<!tpu.dma_semaphore, #tpu.memory_space<semaphore_mem>>) {add = true}
      %dma_wait3A_281 = arith.constant 0 : i32
      %dma_wait3A_282 = arith.constant 0 : i32
      %dma_wait3A_283 = tpu.memref_slice %arg7[%dma_wait3A_281, %dma_wait3A_282] : memref<16x64xi32, #tpu.memory_space<vmem>> -> memref<1x64xi32, #tpu.memory_space<vmem>>
      %dma_wait3A_284 = tpu.memref_squeeze %dma_wait3A_283 : memref<1x64xi32, #tpu.memory_space<vmem>> -> memref<64xi32, #tpu.memory_space<vmem>>
      %dma_wait3A_285 = arith.constant 0 : i32
      %dma_wait3A_286 = arith.constant 0 : i32
      %dma_wait3A_287 = tpu.memref_slice %arg10[%dma_wait3A_285, %dma_wait3A_286] : memref<10000x64xf32, #tpu.memory_space<vmem_shared>> -> memref<10000x64xf32, #tpu.memory_space<vmem_shared>>
      tpu.wait_indirect_dma semaphore(%arg21 : memref<!tpu.dma_semaphore, #tpu.memory_space<semaphore_mem>>) src(%dma_wait3A_287 : memref<10000x64xf32, #tpu.memory_space<vmem_shared>>) dst(%arg13 : memref<64x64xf32, #tpu.memory_space<vmem>>)
      %add3A_288 = arith.constant 2 : i32
      %add3A_289 = arith.addi %mul3A_128, %add3A_288 : i32
      %dma_start3A_290 = arith.constant 0 : i32
      %dma_start3A_291 = tpu.memref_slice %arg8[%add3A_289, %dma_start3A_290] : memref<16x64xi32, #tpu.memory_space<vmem>> -> memref<1x64xi32, #tpu.memory_space<vmem>>
      %dma_start3A_292 = tpu.memref_squeeze %dma_start3A_291 : memref<1x64xi32, #tpu.memory_space<vmem>> -> memref<64xi32, #tpu.memory_space<vmem>>
      %dma_start3A_293 = arith.constant 0 : i32
      %dma_start3A_294 = arith.constant 0 : i32
      %dma_start3A_295 = tpu.memref_slice %arg9[%dma_start3A_293, %dma_start3A_294] : memref<10112x64xf32, #tpu.memory_space<vmem_shared>> -> memref<10112x64xf32, #tpu.memory_space<vmem_shared>>
      tpu.enqueue_indirect_dma source(%arg13 : memref<64x64xf32, #tpu.memory_space<vmem>>) target(%dma_start3A_295 : memref<10112x64xf32, #tpu.memory_space<vmem_shared>>) offsets(%dma_start3A_292 : memref<64xi32, #tpu.memory_space<vmem>>) semaphore(%arg29 : memref<!tpu.dma_semaphore, #tpu.memory_space<semaphore_mem>>) {add = true}
      %dma_wait3A_296 = arith.constant 0 : i32
      %dma_wait3A_297 = arith.constant 0 : i32
      %dma_wait3A_298 = tpu.memref_slice %arg7[%dma_wait3A_296, %dma_wait3A_297] : memref<16x64xi32, #tpu.memory_space<vmem>> -> memref<1x64xi32, #tpu.memory_space<vmem>>
      %dma_wait3A_299 = tpu.memref_squeeze %dma_wait3A_298 : memref<1x64xi32, #tpu.memory_space<vmem>> -> memref<64xi32, #tpu.memory_space<vmem>>
      %dma_wait3A_300 = arith.constant 0 : i32
      %dma_wait3A_301 = arith.constant 0 : i32
      %dma_wait3A_302 = tpu.memref_slice %arg10[%dma_wait3A_300, %dma_wait3A_301] : memref<10000x64xf32, #tpu.memory_space<vmem_shared>> -> memref<10000x64xf32, #tpu.memory_space<vmem_shared>>
      tpu.wait_indirect_dma semaphore(%arg22 : memref<!tpu.dma_semaphore, #tpu.memory_space<semaphore_mem>>) src(%dma_wait3A_302 : memref<10000x64xf32, #tpu.memory_space<vmem_shared>>) dst(%arg14 : memref<64x64xf32, #tpu.memory_space<vmem>>)
      %add3A_303 = arith.constant 3 : i32
      %add3A_304 = arith.addi %mul3A_128, %add3A_303 : i32
      %dma_start3A_305 = arith.constant 0 : i32
      %dma_start3A_306 = tpu.memref_slice %arg8[%add3A_304, %dma_start3A_305] : memref<16x64xi32, #tpu.memory_space<vmem>> -> memref<1x64xi32, #tpu.memory_space<vmem>>
      %dma_start3A_307 = tpu.memref_squeeze %dma_start3A_306 : memref<1x64xi32, #tpu.memory_space<vmem>> -> memref<64xi32, #tpu.memory_space<vmem>>
      %dma_start3A_308 = arith.constant 0 : i32
      %dma_start3A_309 = arith.constant 0 : i32
      %dma_start3A_310 = tpu.memref_slice %arg9[%dma_start3A_308, %dma_start3A_309] : memref<10112x64xf32, #tpu.memory_space<vmem_shared>> -> memref<10112x64xf32, #tpu.memory_space<vmem_shared>>
      tpu.enqueue_indirect_dma source(%arg14 : memref<64x64xf32, #tpu.memory_space<vmem>>) target(%dma_start3A_310 : memref<10112x64xf32, #tpu.memory_space<vmem_shared>>) offsets(%dma_start3A_307 : memref<64xi32, #tpu.memory_space<vmem>>) semaphore(%arg30 : memref<!tpu.dma_semaphore, #tpu.memory_space<semaphore_mem>>) {add = true}
      %dma_wait3A_311 = arith.constant 0 : i32
      %dma_wait3A_312 = arith.constant 0 : i32
      %dma_wait3A_313 = tpu.memref_slice %arg7[%dma_wait3A_311, %dma_wait3A_312] : memref<16x64xi32, #tpu.memory_space<vmem>> -> memref<1x64xi32, #tpu.memory_space<vmem>>
      %dma_wait3A_314 = tpu.memref_squeeze %dma_wait3A_313 : memref<1x64xi32, #tpu.memory_space<vmem>> -> memref<64xi32, #tpu.memory_space<vmem>>
      %dma_wait3A_315 = arith.constant 0 : i32
      %dma_wait3A_316 = arith.constant 0 : i32
      %dma_wait3A_317 = tpu.memref_slice %arg10[%dma_wait3A_315, %dma_wait3A_316] : memref<10000x64xf32, #tpu.memory_space<vmem_shared>> -> memref<10000x64xf32, #tpu.memory_space<vmem_shared>>
      tpu.wait_indirect_dma semaphore(%arg23 : memref<!tpu.dma_semaphore, #tpu.memory_space<semaphore_mem>>) src(%dma_wait3A_317 : memref<10000x64xf32, #tpu.memory_space<vmem_shared>>) dst(%arg15 : memref<64x64xf32, #tpu.memory_space<vmem>>)
      %add3A_318 = arith.constant 4 : i32
      %add3A_319 = arith.addi %mul3A_128, %add3A_318 : i32
      %dma_start3A_320 = arith.constant 0 : i32
      %dma_start3A_321 = tpu.memref_slice %arg8[%add3A_319, %dma_start3A_320] : memref<16x64xi32, #tpu.memory_space<vmem>> -> memref<1x64xi32, #tpu.memory_space<vmem>>
      %dma_start3A_322 = tpu.memref_squeeze %dma_start3A_321 : memref<1x64xi32, #tpu.memory_space<vmem>> -> memref<64xi32, #tpu.memory_space<vmem>>
      %dma_start3A_323 = arith.constant 0 : i32
      %dma_start3A_324 = arith.constant 0 : i32
      %dma_start3A_325 = tpu.memref_slice %arg9[%dma_start3A_323, %dma_start3A_324] : memref<10112x64xf32, #tpu.memory_space<vmem_shared>> -> memref<10112x64xf32, #tpu.memory_space<vmem_shared>>
      tpu.enqueue_indirect_dma source(%arg15 : memref<64x64xf32, #tpu.memory_space<vmem>>) target(%dma_start3A_325 : memref<10112x64xf32, #tpu.memory_space<vmem_shared>>) offsets(%dma_start3A_322 : memref<64xi32, #tpu.memory_space<vmem>>) semaphore(%arg31 : memref<!tpu.dma_semaphore, #tpu.memory_space<semaphore_mem>>) {add = true}
      %dma_wait3A_326 = arith.constant 0 : i32
      %dma_wait3A_327 = arith.constant 0 : i32
      %dma_wait3A_328 = tpu.memref_slice %arg7[%dma_wait3A_326, %dma_wait3A_327] : memref<16x64xi32, #tpu.memory_space<vmem>> -> memref<1x64xi32, #tpu.memory_space<vmem>>
      %dma_wait3A_329 = tpu.memref_squeeze %dma_wait3A_328 : memref<1x64xi32, #tpu.memory_space<vmem>> -> memref<64xi32, #tpu.memory_space<vmem>>
      %dma_wait3A_330 = arith.constant 0 : i32
      %dma_wait3A_331 = arith.constant 0 : i32
      %dma_wait3A_332 = tpu.memref_slice %arg10[%dma_wait3A_330, %dma_wait3A_331] : memref<10000x64xf32, #tpu.memory_space<vmem_shared>> -> memref<10000x64xf32, #tpu.memory_space<vmem_shared>>
      tpu.wait_indirect_dma semaphore(%arg24 : memref<!tpu.dma_semaphore, #tpu.memory_space<semaphore_mem>>) src(%dma_wait3A_332 : memref<10000x64xf32, #tpu.memory_space<vmem_shared>>) dst(%arg16 : memref<64x64xf32, #tpu.memory_space<vmem>>)
      %add3A_333 = arith.constant 5 : i32
      %add3A_334 = arith.addi %mul3A_128, %add3A_333 : i32
      %dma_start3A_335 = arith.constant 0 : i32
      %dma_start3A_336 = tpu.memref_slice %arg8[%add3A_334, %dma_start3A_335] : memref<16x64xi32, #tpu.memory_space<vmem>> -> memref<1x64xi32, #tpu.memory_space<vmem>>
      %dma_start3A_337 = tpu.memref_squeeze %dma_start3A_336 : memref<1x64xi32, #tpu.memory_space<vmem>> -> memref<64xi32, #tpu.memory_space<vmem>>
      %dma_start3A_338 = arith.constant 0 : i32
      %dma_start3A_339 = arith.constant 0 : i32
      %dma_start3A_340 = tpu.memref_slice %arg9[%dma_start3A_338, %dma_start3A_339] : memref<10112x64xf32, #tpu.memory_space<vmem_shared>> -> memref<10112x64xf32, #tpu.memory_space<vmem_shared>>
      tpu.enqueue_indirect_dma source(%arg16 : memref<64x64xf32, #tpu.memory_space<vmem>>) target(%dma_start3A_340 : memref<10112x64xf32, #tpu.memory_space<vmem_shared>>) offsets(%dma_start3A_337 : memref<64xi32, #tpu.memory_space<vmem>>) semaphore(%arg32 : memref<!tpu.dma_semaphore, #tpu.memory_space<semaphore_mem>>) {add = true}
      %dma_wait3A_341 = arith.constant 0 : i32
      %dma_wait3A_342 = arith.constant 0 : i32
      %dma_wait3A_343 = tpu.memref_slice %arg7[%dma_wait3A_341, %dma_wait3A_342] : memref<16x64xi32, #tpu.memory_space<vmem>> -> memref<1x64xi32, #tpu.memory_space<vmem>>
      %dma_wait3A_344 = tpu.memref_squeeze %dma_wait3A_343 : memref<1x64xi32, #tpu.memory_space<vmem>> -> memref<64xi32, #tpu.memory_space<vmem>>
      %dma_wait3A_345 = arith.constant 0 : i32
      %dma_wait3A_346 = arith.constant 0 : i32
      %dma_wait3A_347 = tpu.memref_slice %arg10[%dma_wait3A_345, %dma_wait3A_346] : memref<10000x64xf32, #tpu.memory_space<vmem_shared>> -> memref<10000x64xf32, #tpu.memory_space<vmem_shared>>
      tpu.wait_indirect_dma semaphore(%arg25 : memref<!tpu.dma_semaphore, #tpu.memory_space<semaphore_mem>>) src(%dma_wait3A_347 : memref<10000x64xf32, #tpu.memory_space<vmem_shared>>) dst(%arg17 : memref<64x64xf32, #tpu.memory_space<vmem>>)
      %add3A_348 = arith.constant 6 : i32
      %add3A_349 = arith.addi %mul3A_128, %add3A_348 : i32
      %dma_start3A_350 = arith.constant 0 : i32
      %dma_start3A_351 = tpu.memref_slice %arg8[%add3A_349, %dma_start3A_350] : memref<16x64xi32, #tpu.memory_space<vmem>> -> memref<1x64xi32, #tpu.memory_space<vmem>>
      %dma_start3A_352 = tpu.memref_squeeze %dma_start3A_351 : memref<1x64xi32, #tpu.memory_space<vmem>> -> memref<64xi32, #tpu.memory_space<vmem>>
      %dma_start3A_353 = arith.constant 0 : i32
      %dma_start3A_354 = arith.constant 0 : i32
      %dma_start3A_355 = tpu.memref_slice %arg9[%dma_start3A_353, %dma_start3A_354] : memref<10112x64xf32, #tpu.memory_space<vmem_shared>> -> memref<10112x64xf32, #tpu.memory_space<vmem_shared>>
      tpu.enqueue_indirect_dma source(%arg17 : memref<64x64xf32, #tpu.memory_space<vmem>>) target(%dma_start3A_355 : memref<10112x64xf32, #tpu.memory_space<vmem_shared>>) offsets(%dma_start3A_352 : memref<64xi32, #tpu.memory_space<vmem>>) semaphore(%arg33 : memref<!tpu.dma_semaphore, #tpu.memory_space<semaphore_mem>>) {add = true}
      %dma_wait3A_356 = arith.constant 0 : i32
      %dma_wait3A_357 = arith.constant 0 : i32
      %dma_wait3A_358 = tpu.memref_slice %arg7[%dma_wait3A_356, %dma_wait3A_357] : memref<16x64xi32, #tpu.memory_space<vmem>> -> memref<1x64xi32, #tpu.memory_space<vmem>>
      %dma_wait3A_359 = tpu.memref_squeeze %dma_wait3A_358 : memref<1x64xi32, #tpu.memory_space<vmem>> -> memref<64xi32, #tpu.memory_space<vmem>>
      %dma_wait3A_360 = arith.constant 0 : i32
      %dma_wait3A_361 = arith.constant 0 : i32
      %dma_wait3A_362 = tpu.memref_slice %arg10[%dma_wait3A_360, %dma_wait3A_361] : memref<10000x64xf32, #tpu.memory_space<vmem_shared>> -> memref<10000x64xf32, #tpu.memory_space<vmem_shared>>
      tpu.wait_indirect_dma semaphore(%arg26 : memref<!tpu.dma_semaphore, #tpu.memory_space<semaphore_mem>>) src(%dma_wait3A_362 : memref<10000x64xf32, #tpu.memory_space<vmem_shared>>) dst(%arg18 : memref<64x64xf32, #tpu.memory_space<vmem>>)
      %add3A_363 = arith.constant 7 : i32
      %add3A_364 = arith.addi %mul3A_128, %add3A_363 : i32
      %dma_start3A_365 = arith.constant 0 : i32
      %dma_start3A_366 = tpu.memref_slice %arg8[%add3A_364, %dma_start3A_365] : memref<16x64xi32, #tpu.memory_space<vmem>> -> memref<1x64xi32, #tpu.memory_space<vmem>>
      %dma_start3A_367 = tpu.memref_squeeze %dma_start3A_366 : memref<1x64xi32, #tpu.memory_space<vmem>> -> memref<64xi32, #tpu.memory_space<vmem>>
      %dma_start3A_368 = arith.constant 0 : i32
      %dma_start3A_369 = arith.constant 0 : i32
      %dma_start3A_370 = tpu.memref_slice %arg9[%dma_start3A_368, %dma_start3A_369] : memref<10112x64xf32, #tpu.memory_space<vmem_shared>> -> memref<10112x64xf32, #tpu.memory_space<vmem_shared>>
      tpu.enqueue_indirect_dma source(%arg18 : memref<64x64xf32, #tpu.memory_space<vmem>>) target(%dma_start3A_370 : memref<10112x64xf32, #tpu.memory_space<vmem_shared>>) offsets(%dma_start3A_367 : memref<64xi32, #tpu.memory_space<vmem>>) semaphore(%arg34 : memref<!tpu.dma_semaphore, #tpu.memory_space<semaphore_mem>>) {add = true}
    }
    %scan3A_36 = arith.constant 40 : i32
    %dma_wait3A = arith.constant 0 : i32
    %dma_wait3A_37 = arith.constant 0 : i32
    %dma_wait3A_38 = tpu.memref_slice %arg8[%dma_wait3A, %dma_wait3A_37] : memref<16x64xi32, #tpu.memory_space<vmem>> -> memref<1x64xi32, #tpu.memory_space<vmem>>
    %dma_wait3A_39 = tpu.memref_squeeze %dma_wait3A_38 : memref<1x64xi32, #tpu.memory_space<vmem>> -> memref<64xi32, #tpu.memory_space<vmem>>
    %dma_wait3A_40 = arith.constant 0 : i32
    %dma_wait3A_41 = arith.constant 0 : i32
    %dma_wait3A_42 = tpu.memref_slice %arg9[%dma_wait3A_40, %dma_wait3A_41] : memref<10112x64xf32, #tpu.memory_space<vmem_shared>> -> memref<10112x64xf32, #tpu.memory_space<vmem_shared>>
    tpu.wait_indirect_dma semaphore(%arg27 : memref<!tpu.dma_semaphore, #tpu.memory_space<semaphore_mem>>) src(%arg11 : memref<64x64xf32, #tpu.memory_space<vmem>>) dst(%dma_wait3A_42 : memref<10112x64xf32, #tpu.memory_space<vmem_shared>>)
    %dma_wait3A_43 = arith.constant 0 : i32
    %dma_wait3A_44 = arith.constant 0 : i32
    %dma_wait3A_45 = tpu.memref_slice %arg8[%dma_wait3A_43, %dma_wait3A_44] : memref<16x64xi32, #tpu.memory_space<vmem>> -> memref<1x64xi32, #tpu.memory_space<vmem>>
    %dma_wait3A_46 = tpu.memref_squeeze %dma_wait3A_45 : memref<1x64xi32, #tpu.memory_space<vmem>> -> memref<64xi32, #tpu.memory_space<vmem>>
    %dma_wait3A_47 = arith.constant 0 : i32
    %dma_wait3A_48 = arith.constant 0 : i32
    %dma_wait3A_49 = tpu.memref_slice %arg9[%dma_wait3A_47, %dma_wait3A_48] : memref<10112x64xf32, #tpu.memory_space<vmem_shared>> -> memref<10112x64xf32, #tpu.memory_space<vmem_shared>>
    tpu.wait_indirect_dma semaphore(%arg28 : memref<!tpu.dma_semaphore, #tpu.memory_space<semaphore_mem>>) src(%arg12 : memref<64x64xf32, #tpu.memory_space<vmem>>) dst(%dma_wait3A_49 : memref<10112x64xf32, #tpu.memory_space<vmem_shared>>)
    %dma_wait3A_50 = arith.constant 0 : i32
    %dma_wait3A_51 = arith.constant 0 : i32
    %dma_wait3A_52 = tpu.memref_slice %arg8[%dma_wait3A_50, %dma_wait3A_51] : memref<16x64xi32, #tpu.memory_space<vmem>> -> memref<1x64xi32, #tpu.memory_space<vmem>>
    %dma_wait3A_53 = tpu.memref_squeeze %dma_wait3A_52 : memref<1x64xi32, #tpu.memory_space<vmem>> -> memref<64xi32, #tpu.memory_space<vmem>>
    %dma_wait3A_54 = arith.constant 0 : i32
    %dma_wait3A_55 = arith.constant 0 : i32
    %dma_wait3A_56 = tpu.memref_slice %arg9[%dma_wait3A_54, %dma_wait3A_55] : memref<10112x64xf32, #tpu.memory_space<vmem_shared>> -> memref<10112x64xf32, #tpu.memory_space<vmem_shared>>
    tpu.wait_indirect_dma semaphore(%arg29 : memref<!tpu.dma_semaphore, #tpu.memory_space<semaphore_mem>>) src(%arg13 : memref<64x64xf32, #tpu.memory_space<vmem>>) dst(%dma_wait3A_56 : memref<10112x64xf32, #tpu.memory_space<vmem_shared>>)
    %dma_wait3A_57 = arith.constant 0 : i32
    %dma_wait3A_58 = arith.constant 0 : i32
    %dma_wait3A_59 = tpu.memref_slice %arg8[%dma_wait3A_57, %dma_wait3A_58] : memref<16x64xi32, #tpu.memory_space<vmem>> -> memref<1x64xi32, #tpu.memory_space<vmem>>
    %dma_wait3A_60 = tpu.memref_squeeze %dma_wait3A_59 : memref<1x64xi32, #tpu.memory_space<vmem>> -> memref<64xi32, #tpu.memory_space<vmem>>
    %dma_wait3A_61 = arith.constant 0 : i32
    %dma_wait3A_62 = arith.constant 0 : i32
    %dma_wait3A_63 = tpu.memref_slice %arg9[%dma_wait3A_61, %dma_wait3A_62] : memref<10112x64xf32, #tpu.memory_space<vmem_shared>> -> memref<10112x64xf32, #tpu.memory_space<vmem_shared>>
    tpu.wait_indirect_dma semaphore(%arg30 : memref<!tpu.dma_semaphore, #tpu.memory_space<semaphore_mem>>) src(%arg14 : memref<64x64xf32, #tpu.memory_space<vmem>>) dst(%dma_wait3A_63 : memref<10112x64xf32, #tpu.memory_space<vmem_shared>>)
    %dma_wait3A_64 = arith.constant 0 : i32
    %dma_wait3A_65 = arith.constant 0 : i32
    %dma_wait3A_66 = tpu.memref_slice %arg8[%dma_wait3A_64, %dma_wait3A_65] : memref<16x64xi32, #tpu.memory_space<vmem>> -> memref<1x64xi32, #tpu.memory_space<vmem>>
    %dma_wait3A_67 = tpu.memref_squeeze %dma_wait3A_66 : memref<1x64xi32, #tpu.memory_space<vmem>> -> memref<64xi32, #tpu.memory_space<vmem>>
    %dma_wait3A_68 = arith.constant 0 : i32
    %dma_wait3A_69 = arith.constant 0 : i32
    %dma_wait3A_70 = tpu.memref_slice %arg9[%dma_wait3A_68, %dma_wait3A_69] : memref<10112x64xf32, #tpu.memory_space<vmem_shared>> -> memref<10112x64xf32, #tpu.memory_space<vmem_shared>>
    tpu.wait_indirect_dma semaphore(%arg31 : memref<!tpu.dma_semaphore, #tpu.memory_space<semaphore_mem>>) src(%arg15 : memref<64x64xf32, #tpu.memory_space<vmem>>) dst(%dma_wait3A_70 : memref<10112x64xf32, #tpu.memory_space<vmem_shared>>)
    %dma_wait3A_71 = arith.constant 0 : i32
    %dma_wait3A_72 = arith.constant 0 : i32
    %dma_wait3A_73 = tpu.memref_slice %arg8[%dma_wait3A_71, %dma_wait3A_72] : memref<16x64xi32, #tpu.memory_space<vmem>> -> memref<1x64xi32, #tpu.memory_space<vmem>>
    %dma_wait3A_74 = tpu.memref_squeeze %dma_wait3A_73 : memref<1x64xi32, #tpu.memory_space<vmem>> -> memref<64xi32, #tpu.memory_space<vmem>>
    %dma_wait3A_75 = arith.constant 0 : i32
    %dma_wait3A_76 = arith.constant 0 : i32
    %dma_wait3A_77 = tpu.memref_slice %arg9[%dma_wait3A_75, %dma_wait3A_76] : memref<10112x64xf32, #tpu.memory_space<vmem_shared>> -> memref<10112x64xf32, #tpu.memory_space<vmem_shared>>
    tpu.wait_indirect_dma semaphore(%arg32 : memref<!tpu.dma_semaphore, #tpu.memory_space<semaphore_mem>>) src(%arg16 : memref<64x64xf32, #tpu.memory_space<vmem>>) dst(%dma_wait3A_77 : memref<10112x64xf32, #tpu.memory_space<vmem_shared>>)
    %dma_wait3A_78 = arith.constant 0 : i32
    %dma_wait3A_79 = arith.constant 0 : i32
    %dma_wait3A_80 = tpu.memref_slice %arg8[%dma_wait3A_78, %dma_wait3A_79] : memref<16x64xi32, #tpu.memory_space<vmem>> -> memref<1x64xi32, #tpu.memory_space<vmem>>
    %dma_wait3A_81 = tpu.memref_squeeze %dma_wait3A_80 : memref<1x64xi32, #tpu.memory_space<vmem>> -> memref<64xi32, #tpu.memory_space<vmem>>
    %dma_wait3A_82 = arith.constant 0 : i32
    %dma_wait3A_83 = arith.constant 0 : i32
    %dma_wait3A_84 = tpu.memref_slice %arg9[%dma_wait3A_82, %dma_wait3A_83] : memref<10112x64xf32, #tpu.memory_space<vmem_shared>> -> memref<10112x64xf32, #tpu.memory_space<vmem_shared>>
    tpu.wait_indirect_dma semaphore(%arg33 : memref<!tpu.dma_semaphore, #tpu.memory_space<semaphore_mem>>) src(%arg17 : memref<64x64xf32, #tpu.memory_space<vmem>>) dst(%dma_wait3A_84 : memref<10112x64xf32, #tpu.memory_space<vmem_shared>>)
    %dma_wait3A_85 = arith.constant 0 : i32
    %dma_wait3A_86 = arith.constant 0 : i32
    %dma_wait3A_87 = tpu.memref_slice %arg8[%dma_wait3A_85, %dma_wait3A_86] : memref<16x64xi32, #tpu.memory_space<vmem>> -> memref<1x64xi32, #tpu.memory_space<vmem>>
    %dma_wait3A_88 = tpu.memref_squeeze %dma_wait3A_87 : memref<1x64xi32, #tpu.memory_space<vmem>> -> memref<64xi32, #tpu.memory_space<vmem>>
    %dma_wait3A_89 = arith.constant 0 : i32
    %dma_wait3A_90 = arith.constant 0 : i32
    %dma_wait3A_91 = tpu.memref_slice %arg9[%dma_wait3A_89, %dma_wait3A_90] : memref<10112x64xf32, #tpu.memory_space<vmem_shared>> -> memref<10112x64xf32, #tpu.memory_space<vmem_shared>>
    tpu.wait_indirect_dma semaphore(%arg34 : memref<!tpu.dma_semaphore, #tpu.memory_space<semaphore_mem>>) src(%arg18 : memref<64x64xf32, #tpu.memory_space<vmem>>) dst(%dma_wait3A_91 : memref<10112x64xf32, #tpu.memory_space<vmem_shared>>)
    %dma_wait3A_92 = arith.constant 0 : i32
    %dma_wait3A_93 = arith.constant 0 : i32
    %dma_wait3A_94 = tpu.memref_slice %arg7[%dma_wait3A_92, %dma_wait3A_93] : memref<16x64xi32, #tpu.memory_space<vmem>> -> memref<8x64xi32, #tpu.memory_space<vmem>>
    %dma_wait3A_95 = arith.constant 0 : i32
    %dma_wait3A_96 = arith.constant 0 : i32
    %dma_wait3A_97 = tpu.memref_slice %arg3[%arg1, %dma_wait3A_95, %dma_wait3A_96] : memref<16x328x64xi32, #tpu.memory_space<hbm>> -> memref<1x8x64xi32, #tpu.memory_space<hbm>>
    %dma_wait3A_98 = tpu.memref_squeeze %dma_wait3A_97 : memref<1x8x64xi32, #tpu.memory_space<hbm>> -> memref<8x64xi32, #tpu.memory_space<hbm>>
    %dma_wait3A_99 = arith.constant 0 : i32
    %dma_wait3A_100 = arith.constant 0 : i32
    %dma_wait3A_101 = tpu.memref_slice %arg7[%dma_wait3A_99, %dma_wait3A_100] : memref<16x64xi32, #tpu.memory_space<vmem>> -> memref<8x64xi32, #tpu.memory_space<vmem>>
    %dma_wait3A_102 = arith.constant 0 : i32
    %dma_wait3A_103 = arith.constant 0 : i32
    %dma_wait3A_104 = tpu.memref_slice %arg3[%arg1, %dma_wait3A_102, %dma_wait3A_103] : memref<16x328x64xi32, #tpu.memory_space<hbm>> -> memref<1x8x64xi32, #tpu.memory_space<hbm>>
    %dma_wait3A_105 = tpu.memref_squeeze %dma_wait3A_104 : memref<1x8x64xi32, #tpu.memory_space<hbm>> -> memref<8x64xi32, #tpu.memory_space<hbm>>
    tpu.wait_dma2 semaphore(%arg35 : memref<!tpu.dma_semaphore, #tpu.memory_space<semaphore_mem>>) src(%dma_wait3A_105 : memref<8x64xi32, #tpu.memory_space<hbm>>) dst(%dma_wait3A_101 : memref<8x64xi32, #tpu.memory_space<vmem>>)
    %dma_wait3A_106 = arith.constant 0 : i32
    %dma_wait3A_107 = arith.constant 0 : i32
    %dma_wait3A_108 = tpu.memref_slice %arg7[%dma_wait3A_106, %dma_wait3A_107] : memref<16x64xi32, #tpu.memory_space<vmem>> -> memref<8x64xi32, #tpu.memory_space<vmem>>
    %dma_wait3A_109 = arith.constant 0 : i32
    %dma_wait3A_110 = arith.constant 0 : i32
    %dma_wait3A_111 = tpu.memref_slice %arg3[%arg1, %dma_wait3A_109, %dma_wait3A_110] : memref<16x328x64xi32, #tpu.memory_space<hbm>> -> memref<1x8x64xi32, #tpu.memory_space<hbm>>
    %dma_wait3A_112 = tpu.memref_squeeze %dma_wait3A_111 : memref<1x8x64xi32, #tpu.memory_space<hbm>> -> memref<8x64xi32, #tpu.memory_space<hbm>>
    %dma_wait3A_113 = arith.constant 0 : i32
    %dma_wait3A_114 = arith.constant 0 : i32
    %dma_wait3A_115 = tpu.memref_slice %arg7[%dma_wait3A_113, %dma_wait3A_114] : memref<16x64xi32, #tpu.memory_space<vmem>> -> memref<8x64xi32, #tpu.memory_space<vmem>>
    %dma_wait3A_116 = arith.constant 0 : i32
    %dma_wait3A_117 = arith.constant 0 : i32
    %dma_wait3A_118 = tpu.memref_slice %arg3[%arg1, %dma_wait3A_116, %dma_wait3A_117] : memref<16x328x64xi32, #tpu.memory_space<hbm>> -> memref<1x8x64xi32, #tpu.memory_space<hbm>>
    %dma_wait3A_119 = tpu.memref_squeeze %dma_wait3A_118 : memref<1x8x64xi32, #tpu.memory_space<hbm>> -> memref<8x64xi32, #tpu.memory_space<hbm>>
    tpu.wait_dma2 semaphore(%arg35 : memref<!tpu.dma_semaphore, #tpu.memory_space<semaphore_mem>>) src(%dma_wait3A_119 : memref<8x64xi32, #tpu.memory_space<hbm>>) dst(%dma_wait3A_115 : memref<8x64xi32, #tpu.memory_space<vmem>>)
    %barrier3A_120 = arith.constant 0 : index
    tpu.barrier barrier_id(%barrier3A_120)
    %mul3A_121 = arith.constant 632 : i32
    %mul3A_122 = arith.muli %arg1, %mul3A_121 : i32
    %mul3A_123 = arith.constant 632 : i32
    %mul3A_124 = arith.muli %arg1, %mul3A_123 : i32
    "tpu.region"() ({
      %run_scoped3A = tpu.sem_alloc : memref<!tpu.dma_semaphore, #tpu.memory_space<semaphore_mem>>
      %dma_start3A_125 = arith.constant 0 : i32
      %dma_start3A_126 = tpu.memref_slice %arg6[%arg0, %mul3A_124, %dma_start3A_125] : memref<2x10112x64xf32, #tpu.memory_space<hbm>> -> memref<1x632x64xf32, #tpu.memory_space<hbm>>
      %dma_start3A_127 = tpu.memref_squeeze %dma_start3A_126 : memref<1x632x64xf32, #tpu.memory_space<hbm>> -> memref<632x64xf32, #tpu.memory_space<hbm>>
      %dma_start3A_128 = arith.constant 0 : i32
      %dma_start3A_129 = tpu.memref_slice %arg9[%mul3A_122, %dma_start3A_128] : memref<10112x64xf32, #tpu.memory_space<vmem_shared>> -> memref<632x64xf32, #tpu.memory_space<vmem_shared>>
      tpu.enqueue_dma source(%dma_start3A_129 : memref<632x64xf32, #tpu.memory_space<vmem_shared>>) target(%dma_start3A_127 : memref<632x64xf32, #tpu.memory_space<hbm>>) target_semaphore(%run_scoped3A : memref<!tpu.dma_semaphore, #tpu.memory_space<semaphore_mem>>)
      %dma_wait3A_130 = arith.constant 0 : i32
      %dma_wait3A_131 = tpu.memref_slice %arg6[%arg0, %mul3A_124, %dma_wait3A_130] : memref<2x10112x64xf32, #tpu.memory_space<hbm>> -> memref<1x632x64xf32, #tpu.memory_space<hbm>>
      %dma_wait3A_132 = tpu.memref_squeeze %dma_wait3A_131 : memref<1x632x64xf32, #tpu.memory_space<hbm>> -> memref<632x64xf32, #tpu.memory_space<hbm>>
      %dma_wait3A_133 = arith.constant 0 : i32
      %dma_wait3A_134 = tpu.memref_slice %arg9[%mul3A_122, %dma_wait3A_133] : memref<10112x64xf32, #tpu.memory_space<vmem_shared>> -> memref<632x64xf32, #tpu.memory_space<vmem_shared>>
      tpu.wait_dma2 semaphore(%run_scoped3A : memref<!tpu.dma_semaphore, #tpu.memory_space<semaphore_mem>>) src(%dma_wait3A_134 : memref<632x64xf32, #tpu.memory_space<vmem_shared>>) dst(%dma_wait3A_132 : memref<632x64xf32, #tpu.memory_space<hbm>>)
      tpu.yield
    }) : () -> ()
    return
  }
}

#map = affine_map<(d0, d1) -> (0, 0, 0)>
#map1 = affine_map<(d0, d1) -> (0, 0)>
module attributes {stable_mosaic.version = 14 : i64} {
  func.func @sc_agg(%arg0: i32, %arg1: i32, %arg2: memref<2x10000x64xf32, #tpu.memory_space<hbm>>, %arg3: memref<16x328x64xi32, #tpu.memory_space<hbm>>, %arg4: memref<16x328x64xi32, #tpu.memory_space<hbm>>, %arg5: memref<632x64xf32, #tpu.memory_space<hbm>>, %arg6: memref<2x10112x64xf32, #tpu.memory_space<hbm>>, %arg7: memref<16x64xi32, #tpu.memory_space<vmem>>, %arg8: memref<16x64xi32, #tpu.memory_space<vmem>>, %arg9: memref<10112x64xf32, #tpu.memory_space<vmem_shared>>, %arg10: memref<10000x64xf32, #tpu.memory_space<vmem_shared>>, %arg11: memref<64x64xf32, #tpu.memory_space<vmem>>, %arg12: memref<64x64xf32, #tpu.memory_space<vmem>>, %arg13: memref<64x64xf32, #tpu.memory_space<vmem>>, %arg14: memref<64x64xf32, #tpu.memory_space<vmem>>, %arg15: memref<64x64xf32, #tpu.memory_space<vmem>>, %arg16: memref<64x64xf32, #tpu.memory_space<vmem>>, %arg17: memref<64x64xf32, #tpu.memory_space<vmem>>, %arg18: memref<64x64xf32, #tpu.memory_space<vmem>>, %arg19: memref<!tpu.dma_semaphore, #tpu.memory_space<semaphore_mem>>, %arg20: memref<!tpu.dma_semaphore, #tpu.memory_space<semaphore_mem>>, %arg21: memref<!tpu.dma_semaphore, #tpu.memory_space<semaphore_mem>>, %arg22: memref<!tpu.dma_semaphore, #tpu.memory_space<semaphore_mem>>, %arg23: memref<!tpu.dma_semaphore, #tpu.memory_space<semaphore_mem>>, %arg24: memref<!tpu.dma_semaphore, #tpu.memory_space<semaphore_mem>>, %arg25: memref<!tpu.dma_semaphore, #tpu.memory_space<semaphore_mem>>, %arg26: memref<!tpu.dma_semaphore, #tpu.memory_space<semaphore_mem>>, %arg27: memref<!tpu.dma_semaphore, #tpu.memory_space<semaphore_mem>>, %arg28: memref<!tpu.dma_semaphore, #tpu.memory_space<semaphore_mem>>, %arg29: memref<!tpu.dma_semaphore, #tpu.memory_space<semaphore_mem>>, %arg30: memref<!tpu.dma_semaphore, #tpu.memory_space<semaphore_mem>>, %arg31: memref<!tpu.dma_semaphore, #tpu.memory_space<semaphore_mem>>, %arg32: memref<!tpu.dma_semaphore, #tpu.memory_space<semaphore_mem>>, %arg33: memref<!tpu.dma_semaphore, #tpu.memory_space<semaphore_mem>>, %arg34: memref<!tpu.dma_semaphore, #tpu.memory_space<semaphore_mem>>, %arg35: memref<!tpu.dma_semaphore, #tpu.memory_space<semaphore_mem>>) attributes {dimension_semantics = [#tpu.dimension_semantics<core_parallel>, #tpu.dimension_semantics<subcore_parallel>], iteration_bounds = array<i64: 2, 16>, scalar_prefetch = 0 : i64, scratch_operands = 29 : i64, tpu.core_type = #tpu.core_type<sc_vector_subcore>, window_params = [{transform_indices = #map}, {transform_indices = #map}, {transform_indices = #map}, {transform_indices = #map1}, {transform_indices = #map}]} {
    %mul3A = arith.constant 632 : i32
    %mul3A_0 = arith.muli %arg1, %mul3A : i32
    "tpu.region"() ({
      %run_scoped3A = tpu.sem_alloc : memref<!tpu.dma_semaphore, #tpu.memory_space<semaphore_mem>>
      %dma_start3A_125 = arith.constant 0 : i32
      %dma_start3A_126 = tpu.memref_slice %arg9[%mul3A_0, %dma_start3A_125] : memref<10112x64xf32, #tpu.memory_space<vmem_shared>> -> memref<632x64xf32, #tpu.memory_space<vmem_shared>>
      tpu.enqueue_dma source(%arg5 : memref<632x64xf32, #tpu.memory_space<hbm>>) target(%dma_start3A_126 : memref<632x64xf32, #tpu.memory_space<vmem_shared>>) target_semaphore(%run_scoped3A : memref<!tpu.dma_semaphore, #tpu.memory_space<semaphore_mem>>)
      %dma_wait3A_127 = arith.constant 0 : i32
      %dma_wait3A_128 = tpu.memref_slice %arg9[%mul3A_0, %dma_wait3A_127] : memref<10112x64xf32, #tpu.memory_space<vmem_shared>> -> memref<632x64xf32, #tpu.memory_space<vmem_shared>>
      tpu.wait_dma2 semaphore(%run_scoped3A : memref<!tpu.dma_semaphore, #tpu.memory_space<semaphore_mem>>) src(%arg5 : memref<632x64xf32, #tpu.memory_space<hbm>>) dst(%dma_wait3A_128 : memref<632x64xf32, #tpu.memory_space<vmem_shared>>)
      tpu.yield
    }) : () -> ()
    %mul3A_1 = arith.constant 625 : i32
    %mul3A_2 = arith.muli %arg1, %mul3A_1 : i32
    %mul3A_3 = arith.constant 625 : i32
    %mul3A_4 = arith.muli %arg1, %mul3A_3 : i32
    "tpu.region"() ({
      %run_scoped3A = tpu.sem_alloc : memref<!tpu.dma_semaphore, #tpu.memory_space<semaphore_mem>>
      %dma_start3A_125 = arith.constant 0 : i32
      %dma_start3A_126 = tpu.memref_slice %arg10[%mul3A_4, %dma_start3A_125] : memref<10000x64xf32, #tpu.memory_space<vmem_shared>> -> memref<625x64xf32, #tpu.memory_space<vmem_shared>>
      %dma_start3A_127 = arith.constant 0 : i32
      %dma_start3A_128 = tpu.memref_slice %arg2[%arg0, %mul3A_2, %dma_start3A_127] : memref<2x10000x64xf32, #tpu.memory_space<hbm>> -> memref<1x625x64xf32, #tpu.memory_space<hbm>>
      %dma_start3A_129 = tpu.memref_squeeze %dma_start3A_128 : memref<1x625x64xf32, #tpu.memory_space<hbm>> -> memref<625x64xf32, #tpu.memory_space<hbm>>
      tpu.enqueue_dma source(%dma_start3A_129 : memref<625x64xf32, #tpu.memory_space<hbm>>) target(%dma_start3A_126 : memref<625x64xf32, #tpu.memory_space<vmem_shared>>) target_semaphore(%run_scoped3A : memref<!tpu.dma_semaphore, #tpu.memory_space<semaphore_mem>>)
      %dma_wait3A_130 = arith.constant 0 : i32
      %dma_wait3A_131 = tpu.memref_slice %arg10[%mul3A_4, %dma_wait3A_130] : memref<10000x64xf32, #tpu.memory_space<vmem_shared>> -> memref<625x64xf32, #tpu.memory_space<vmem_shared>>
      %dma_wait3A_132 = arith.constant 0 : i32
      %dma_wait3A_133 = tpu.memref_slice %arg2[%arg0, %mul3A_2, %dma_wait3A_132] : memref<2x10000x64xf32, #tpu.memory_space<hbm>> -> memref<1x625x64xf32, #tpu.memory_space<hbm>>
      %dma_wait3A_134 = tpu.memref_squeeze %dma_wait3A_133 : memref<1x625x64xf32, #tpu.memory_space<hbm>> -> memref<625x64xf32, #tpu.memory_space<hbm>>
      tpu.wait_dma2 semaphore(%run_scoped3A : memref<!tpu.dma_semaphore, #tpu.memory_space<semaphore_mem>>) src(%dma_wait3A_134 : memref<625x64xf32, #tpu.memory_space<hbm>>) dst(%dma_wait3A_131 : memref<625x64xf32, #tpu.memory_space<vmem_shared>>)
      tpu.yield
    }) : () -> ()
    %dma_start3A = arith.constant 0 : i32
    %dma_start3A_5 = arith.constant 0 : i32
    %dma_start3A_6 = tpu.memref_slice %arg7[%dma_start3A, %dma_start3A_5] : memref<16x64xi32, #tpu.memory_space<vmem>> -> memref<8x64xi32, #tpu.memory_space<vmem>>
    %dma_start3A_7 = arith.constant 0 : i32
    %dma_start3A_8 = arith.constant 0 : i32
    %dma_start3A_9 = tpu.memref_slice %arg3[%arg1, %dma_start3A_7, %dma_start3A_8] : memref<16x328x64xi32, #tpu.memory_space<hbm>> -> memref<1x8x64xi32, #tpu.memory_space<hbm>>
    %dma_start3A_10 = tpu.memref_squeeze %dma_start3A_9 : memref<1x8x64xi32, #tpu.memory_space<hbm>> -> memref<8x64xi32, #tpu.memory_space<hbm>>
    %dma_start3A_11 = arith.constant 0 : i32
    %dma_start3A_12 = arith.constant 0 : i32
    %dma_start3A_13 = tpu.memref_slice %arg7[%dma_start3A_11, %dma_start3A_12] : memref<16x64xi32, #tpu.memory_space<vmem>> -> memref<8x64xi32, #tpu.memory_space<vmem>>
    %dma_start3A_14 = arith.constant 0 : i32
    %dma_start3A_15 = arith.constant 0 : i32
    %dma_start3A_16 = tpu.memref_slice %arg3[%arg1, %dma_start3A_14, %dma_start3A_15] : memref<16x328x64xi32, #tpu.memory_space<hbm>> -> memref<1x8x64xi32, #tpu.memory_space<hbm>>
    %dma_start3A_17 = tpu.memref_squeeze %dma_start3A_16 : memref<1x8x64xi32, #tpu.memory_space<hbm>> -> memref<8x64xi32, #tpu.memory_space<hbm>>
    tpu.enqueue_dma source(%dma_start3A_17 : memref<8x64xi32, #tpu.memory_space<hbm>>) target(%dma_start3A_13 : memref<8x64xi32, #tpu.memory_space<vmem>>) target_semaphore(%arg35 : memref<!tpu.dma_semaphore, #tpu.memory_space<semaphore_mem>>)
    %dma_start3A_18 = arith.constant 0 : i32
    %dma_start3A_19 = arith.constant 0 : i32
    %dma_start3A_20 = tpu.memref_slice %arg8[%dma_start3A_18, %dma_start3A_19] : memref<16x64xi32, #tpu.memory_space<vmem>> -> memref<8x64xi32, #tpu.memory_space<vmem>>
    %dma_start3A_21 = arith.constant 0 : i32
    %dma_start3A_22 = arith.constant 0 : i32
    %dma_start3A_23 = tpu.memref_slice %arg4[%arg1, %dma_start3A_21, %dma_start3A_22] : memref<16x328x64xi32, #tpu.memory_space<hbm>> -> memref<1x8x64xi32, #tpu.memory_space<hbm>>
    %dma_start3A_24 = tpu.memref_squeeze %dma_start3A_23 : memref<1x8x64xi32, #tpu.memory_space<hbm>> -> memref<8x64xi32, #tpu.memory_space<hbm>>
    %dma_start3A_25 = arith.constant 0 : i32
    %dma_start3A_26 = arith.constant 0 : i32
    %dma_start3A_27 = tpu.memref_slice %arg8[%dma_start3A_25, %dma_start3A_26] : memref<16x64xi32, #tpu.memory_space<vmem>> -> memref<8x64xi32, #tpu.memory_space<vmem>>
    %dma_start3A_28 = arith.constant 0 : i32
    %dma_start3A_29 = arith.constant 0 : i32
    %dma_start3A_30 = tpu.memref_slice %arg4[%arg1, %dma_start3A_28, %dma_start3A_29] : memref<16x328x64xi32, #tpu.memory_space<hbm>> -> memref<1x8x64xi32, #tpu.memory_space<hbm>>
    %dma_start3A_31 = tpu.memref_squeeze %dma_start3A_30 : memref<1x8x64xi32, #tpu.memory_space<hbm>> -> memref<8x64xi32, #tpu.memory_space<hbm>>
    tpu.enqueue_dma source(%dma_start3A_31 : memref<8x64xi32, #tpu.memory_space<hbm>>) target(%dma_start3A_27 : memref<8x64xi32, #tpu.memory_space<vmem>>) target_semaphore(%arg35 : memref<!tpu.dma_semaphore, #tpu.memory_space<semaphore_mem>>)
    %barrier3A = arith.constant 0 : index
    tpu.barrier barrier_id(%barrier3A)
    %scan3A = arith.constant 0 : i32
    %scan3A_32 = arith.constant 0 : i32
    %scan3A_33 = arith.constant 40 : i32
    %scan3A_34 = arith.addi %scan3A_32, %scan3A_33 : i32
    %scan3A_35 = arith.constant 1 : i32
    scf.for %scan3A_125 = %scan3A_32 to %scan3A_34 step %scan3A_35  : i32 {
      %rem3A = arith.constant 2 : i32
      %rem3A_126 = arith.remsi %scan3A_125, %rem3A : i32
      %mul3A_127 = arith.constant 8 : i32
      %mul3A_128 = arith.muli %rem3A_126, %mul3A_127 : i32
      %sub3A = arith.constant 8 : i32
      %sub3A_129 = arith.subi %sub3A, %mul3A_128 : i32
      %gt3A = arith.constant 0 : i32
      %gt3A_130 = arith.cmpi sgt, %scan3A_125, %gt3A : i32
      %convert_element_type3A = arith.extui %gt3A_130 : i1 to i32
      %cond3A = arith.constant 0 : i32
      %cond3A_131 = arith.cmpi ne, %convert_element_type3A, %cond3A : i32
      scf.if %cond3A_131 {
        %dma_wait3A_371 = arith.constant 0 : i32
        %dma_wait3A_372 = arith.constant 0 : i32
        %dma_wait3A_373 = tpu.memref_slice %arg8[%dma_wait3A_371, %dma_wait3A_372] : memref<16x64xi32, #tpu.memory_space<vmem>> -> memref<1x64xi32, #tpu.memory_space<vmem>>
        %dma_wait3A_374 = tpu.memref_squeeze %dma_wait3A_373 : memref<1x64xi32, #tpu.memory_space<vmem>> -> memref<64xi32, #tpu.memory_space<vmem>>
        %dma_wait3A_375 = arith.constant 0 : i32
        %dma_wait3A_376 = arith.constant 0 : i32
        %dma_wait3A_377 = tpu.memref_slice %arg9[%dma_wait3A_375, %dma_wait3A_376] : memref<10112x64xf32, #tpu.memory_space<vmem_shared>> -> memref<10112x64xf32, #tpu.memory_space<vmem_shared>>
        tpu.wait_indirect_dma semaphore(%arg27 : memref<!tpu.dma_semaphore, #tpu.memory_space<semaphore_mem>>) src(%arg11 : memref<64x64xf32, #tpu.memory_space<vmem>>) dst(%dma_wait3A_377 : memref<10112x64xf32, #tpu.memory_space<vmem_shared>>)
        %dma_wait3A_378 = arith.constant 0 : i32
        %dma_wait3A_379 = arith.constant 0 : i32
        %dma_wait3A_380 = tpu.memref_slice %arg8[%dma_wait3A_378, %dma_wait3A_379] : memref<16x64xi32, #tpu.memory_space<vmem>> -> memref<1x64xi32, #tpu.memory_space<vmem>>
        %dma_wait3A_381 = tpu.memref_squeeze %dma_wait3A_380 : memref<1x64xi32, #tpu.memory_space<vmem>> -> memref<64xi32, #tpu.memory_space<vmem>>
        %dma_wait3A_382 = arith.constant 0 : i32
        %dma_wait3A_383 = arith.constant 0 : i32
        %dma_wait3A_384 = tpu.memref_slice %arg9[%dma_wait3A_382, %dma_wait3A_383] : memref<10112x64xf32, #tpu.memory_space<vmem_shared>> -> memref<10112x64xf32, #tpu.memory_space<vmem_shared>>
        tpu.wait_indirect_dma semaphore(%arg28 : memref<!tpu.dma_semaphore, #tpu.memory_space<semaphore_mem>>) src(%arg12 : memref<64x64xf32, #tpu.memory_space<vmem>>) dst(%dma_wait3A_384 : memref<10112x64xf32, #tpu.memory_space<vmem_shared>>)
        %dma_wait3A_385 = arith.constant 0 : i32
        %dma_wait3A_386 = arith.constant 0 : i32
        %dma_wait3A_387 = tpu.memref_slice %arg8[%dma_wait3A_385, %dma_wait3A_386] : memref<16x64xi32, #tpu.memory_space<vmem>> -> memref<1x64xi32, #tpu.memory_space<vmem>>
        %dma_wait3A_388 = tpu.memref_squeeze %dma_wait3A_387 : memref<1x64xi32, #tpu.memory_space<vmem>> -> memref<64xi32, #tpu.memory_space<vmem>>
        %dma_wait3A_389 = arith.constant 0 : i32
        %dma_wait3A_390 = arith.constant 0 : i32
        %dma_wait3A_391 = tpu.memref_slice %arg9[%dma_wait3A_389, %dma_wait3A_390] : memref<10112x64xf32, #tpu.memory_space<vmem_shared>> -> memref<10112x64xf32, #tpu.memory_space<vmem_shared>>
        tpu.wait_indirect_dma semaphore(%arg29 : memref<!tpu.dma_semaphore, #tpu.memory_space<semaphore_mem>>) src(%arg13 : memref<64x64xf32, #tpu.memory_space<vmem>>) dst(%dma_wait3A_391 : memref<10112x64xf32, #tpu.memory_space<vmem_shared>>)
        %dma_wait3A_392 = arith.constant 0 : i32
        %dma_wait3A_393 = arith.constant 0 : i32
        %dma_wait3A_394 = tpu.memref_slice %arg8[%dma_wait3A_392, %dma_wait3A_393] : memref<16x64xi32, #tpu.memory_space<vmem>> -> memref<1x64xi32, #tpu.memory_space<vmem>>
        %dma_wait3A_395 = tpu.memref_squeeze %dma_wait3A_394 : memref<1x64xi32, #tpu.memory_space<vmem>> -> memref<64xi32, #tpu.memory_space<vmem>>
        %dma_wait3A_396 = arith.constant 0 : i32
        %dma_wait3A_397 = arith.constant 0 : i32
        %dma_wait3A_398 = tpu.memref_slice %arg9[%dma_wait3A_396, %dma_wait3A_397] : memref<10112x64xf32, #tpu.memory_space<vmem_shared>> -> memref<10112x64xf32, #tpu.memory_space<vmem_shared>>
        tpu.wait_indirect_dma semaphore(%arg30 : memref<!tpu.dma_semaphore, #tpu.memory_space<semaphore_mem>>) src(%arg14 : memref<64x64xf32, #tpu.memory_space<vmem>>) dst(%dma_wait3A_398 : memref<10112x64xf32, #tpu.memory_space<vmem_shared>>)
        %dma_wait3A_399 = arith.constant 0 : i32
        %dma_wait3A_400 = arith.constant 0 : i32
        %dma_wait3A_401 = tpu.memref_slice %arg8[%dma_wait3A_399, %dma_wait3A_400] : memref<16x64xi32, #tpu.memory_space<vmem>> -> memref<1x64xi32, #tpu.memory_space<vmem>>
        %dma_wait3A_402 = tpu.memref_squeeze %dma_wait3A_401 : memref<1x64xi32, #tpu.memory_space<vmem>> -> memref<64xi32, #tpu.memory_space<vmem>>
        %dma_wait3A_403 = arith.constant 0 : i32
        %dma_wait3A_404 = arith.constant 0 : i32
        %dma_wait3A_405 = tpu.memref_slice %arg9[%dma_wait3A_403, %dma_wait3A_404] : memref<10112x64xf32, #tpu.memory_space<vmem_shared>> -> memref<10112x64xf32, #tpu.memory_space<vmem_shared>>
        tpu.wait_indirect_dma semaphore(%arg31 : memref<!tpu.dma_semaphore, #tpu.memory_space<semaphore_mem>>) src(%arg15 : memref<64x64xf32, #tpu.memory_space<vmem>>) dst(%dma_wait3A_405 : memref<10112x64xf32, #tpu.memory_space<vmem_shared>>)
        %dma_wait3A_406 = arith.constant 0 : i32
        %dma_wait3A_407 = arith.constant 0 : i32
        %dma_wait3A_408 = tpu.memref_slice %arg8[%dma_wait3A_406, %dma_wait3A_407] : memref<16x64xi32, #tpu.memory_space<vmem>> -> memref<1x64xi32, #tpu.memory_space<vmem>>
        %dma_wait3A_409 = tpu.memref_squeeze %dma_wait3A_408 : memref<1x64xi32, #tpu.memory_space<vmem>> -> memref<64xi32, #tpu.memory_space<vmem>>
        %dma_wait3A_410 = arith.constant 0 : i32
        %dma_wait3A_411 = arith.constant 0 : i32
        %dma_wait3A_412 = tpu.memref_slice %arg9[%dma_wait3A_410, %dma_wait3A_411] : memref<10112x64xf32, #tpu.memory_space<vmem_shared>> -> memref<10112x64xf32, #tpu.memory_space<vmem_shared>>
        tpu.wait_indirect_dma semaphore(%arg32 : memref<!tpu.dma_semaphore, #tpu.memory_space<semaphore_mem>>) src(%arg16 : memref<64x64xf32, #tpu.memory_space<vmem>>) dst(%dma_wait3A_412 : memref<10112x64xf32, #tpu.memory_space<vmem_shared>>)
        %dma_wait3A_413 = arith.constant 0 : i32
        %dma_wait3A_414 = arith.constant 0 : i32
        %dma_wait3A_415 = tpu.memref_slice %arg8[%dma_wait3A_413, %dma_wait3A_414] : memref<16x64xi32, #tpu.memory_space<vmem>> -> memref<1x64xi32, #tpu.memory_space<vmem>>
        %dma_wait3A_416 = tpu.memref_squeeze %dma_wait3A_415 : memref<1x64xi32, #tpu.memory_space<vmem>> -> memref<64xi32, #tpu.memory_space<vmem>>
        %dma_wait3A_417 = arith.constant 0 : i32
        %dma_wait3A_418 = arith.constant 0 : i32
        %dma_wait3A_419 = tpu.memref_slice %arg9[%dma_wait3A_417, %dma_wait3A_418] : memref<10112x64xf32, #tpu.memory_space<vmem_shared>> -> memref<10112x64xf32, #tpu.memory_space<vmem_shared>>
        tpu.wait_indirect_dma semaphore(%arg33 : memref<!tpu.dma_semaphore, #tpu.memory_space<semaphore_mem>>) src(%arg17 : memref<64x64xf32, #tpu.memory_space<vmem>>) dst(%dma_wait3A_419 : memref<10112x64xf32, #tpu.memory_space<vmem_shared>>)
        %dma_wait3A_420 = arith.constant 0 : i32
        %dma_wait3A_421 = arith.constant 0 : i32
        %dma_wait3A_422 = tpu.memref_slice %arg8[%dma_wait3A_420, %dma_wait3A_421] : memref<16x64xi32, #tpu.memory_space<vmem>> -> memref<1x64xi32, #tpu.memory_space<vmem>>
        %dma_wait3A_423 = tpu.memref_squeeze %dma_wait3A_422 : memref<1x64xi32, #tpu.memory_space<vmem>> -> memref<64xi32, #tpu.memory_space<vmem>>
        %dma_wait3A_424 = arith.constant 0 : i32
        %dma_wait3A_425 = arith.constant 0 : i32
        %dma_wait3A_426 = tpu.memref_slice %arg9[%dma_wait3A_424, %dma_wait3A_425] : memref<10112x64xf32, #tpu.memory_space<vmem_shared>> -> memref<10112x64xf32, #tpu.memory_space<vmem_shared>>
        tpu.wait_indirect_dma semaphore(%arg34 : memref<!tpu.dma_semaphore, #tpu.memory_space<semaphore_mem>>) src(%arg18 : memref<64x64xf32, #tpu.memory_space<vmem>>) dst(%dma_wait3A_426 : memref<10112x64xf32, #tpu.memory_space<vmem_shared>>)
      } else {
      }
      %dma_wait3A_132 = arith.constant 0 : i32
      %dma_wait3A_133 = arith.constant 0 : i32
      %dma_wait3A_134 = tpu.memref_slice %arg7[%dma_wait3A_132, %dma_wait3A_133] : memref<16x64xi32, #tpu.memory_space<vmem>> -> memref<8x64xi32, #tpu.memory_space<vmem>>
      %dma_wait3A_135 = arith.constant 0 : i32
      %dma_wait3A_136 = arith.constant 0 : i32
      %dma_wait3A_137 = tpu.memref_slice %arg3[%arg1, %dma_wait3A_135, %dma_wait3A_136] : memref<16x328x64xi32, #tpu.memory_space<hbm>> -> memref<1x8x64xi32, #tpu.memory_space<hbm>>
      %dma_wait3A_138 = tpu.memref_squeeze %dma_wait3A_137 : memref<1x8x64xi32, #tpu.memory_space<hbm>> -> memref<8x64xi32, #tpu.memory_space<hbm>>
      %dma_wait3A_139 = arith.constant 0 : i32
      %dma_wait3A_140 = arith.constant 0 : i32
      %dma_wait3A_141 = tpu.memref_slice %arg7[%dma_wait3A_139, %dma_wait3A_140] : memref<16x64xi32, #tpu.memory_space<vmem>> -> memref<8x64xi32, #tpu.memory_space<vmem>>
      %dma_wait3A_142 = arith.constant 0 : i32
      %dma_wait3A_143 = arith.constant 0 : i32
      %dma_wait3A_144 = tpu.memref_slice %arg3[%arg1, %dma_wait3A_142, %dma_wait3A_143] : memref<16x328x64xi32, #tpu.memory_space<hbm>> -> memref<1x8x64xi32, #tpu.memory_space<hbm>>
      %dma_wait3A_145 = tpu.memref_squeeze %dma_wait3A_144 : memref<1x8x64xi32, #tpu.memory_space<hbm>> -> memref<8x64xi32, #tpu.memory_space<hbm>>
      tpu.wait_dma2 semaphore(%arg35 : memref<!tpu.dma_semaphore, #tpu.memory_space<semaphore_mem>>) src(%dma_wait3A_145 : memref<8x64xi32, #tpu.memory_space<hbm>>) dst(%dma_wait3A_141 : memref<8x64xi32, #tpu.memory_space<vmem>>)
      %dma_wait3A_146 = arith.constant 0 : i32
      %dma_wait3A_147 = arith.constant 0 : i32
      %dma_wait3A_148 = tpu.memref_slice %arg7[%dma_wait3A_146, %dma_wait3A_147] : memref<16x64xi32, #tpu.memory_space<vmem>> -> memref<8x64xi32, #tpu.memory_space<vmem>>
      %dma_wait3A_149 = arith.constant 0 : i32
      %dma_wait3A_150 = arith.constant 0 : i32
      %dma_wait3A_151 = tpu.memref_slice %arg3[%arg1, %dma_wait3A_149, %dma_wait3A_150] : memref<16x328x64xi32, #tpu.memory_space<hbm>> -> memref<1x8x64xi32, #tpu.memory_space<hbm>>
      %dma_wait3A_152 = tpu.memref_squeeze %dma_wait3A_151 : memref<1x8x64xi32, #tpu.memory_space<hbm>> -> memref<8x64xi32, #tpu.memory_space<hbm>>
      %dma_wait3A_153 = arith.constant 0 : i32
      %dma_wait3A_154 = arith.constant 0 : i32
      %dma_wait3A_155 = tpu.memref_slice %arg7[%dma_wait3A_153, %dma_wait3A_154] : memref<16x64xi32, #tpu.memory_space<vmem>> -> memref<8x64xi32, #tpu.memory_space<vmem>>
      %dma_wait3A_156 = arith.constant 0 : i32
      %dma_wait3A_157 = arith.constant 0 : i32
      %dma_wait3A_158 = tpu.memref_slice %arg3[%arg1, %dma_wait3A_156, %dma_wait3A_157] : memref<16x328x64xi32, #tpu.memory_space<hbm>> -> memref<1x8x64xi32, #tpu.memory_space<hbm>>
      %dma_wait3A_159 = tpu.memref_squeeze %dma_wait3A_158 : memref<1x8x64xi32, #tpu.memory_space<hbm>> -> memref<8x64xi32, #tpu.memory_space<hbm>>
      tpu.wait_dma2 semaphore(%arg35 : memref<!tpu.dma_semaphore, #tpu.memory_space<semaphore_mem>>) src(%dma_wait3A_159 : memref<8x64xi32, #tpu.memory_space<hbm>>) dst(%dma_wait3A_155 : memref<8x64xi32, #tpu.memory_space<vmem>>)
      %add3A = arith.constant 1 : i32
      %add3A_160 = arith.addi %scan3A_125, %add3A : i32
      %mul3A_161 = arith.constant 8 : i32
      %mul3A_162 = arith.muli %add3A_160, %mul3A_161 : i32
      %dma_start3A_163 = arith.constant 0 : i32
      %dma_start3A_164 = tpu.memref_slice %arg7[%sub3A_129, %dma_start3A_163] : memref<16x64xi32, #tpu.memory_space<vmem>> -> memref<8x64xi32, #tpu.memory_space<vmem>>
      %dma_start3A_165 = arith.constant 0 : i32
      %dma_start3A_166 = tpu.memref_slice %arg3[%arg1, %mul3A_162, %dma_start3A_165] : memref<16x328x64xi32, #tpu.memory_space<hbm>> -> memref<1x8x64xi32, #tpu.memory_space<hbm>>
      %dma_start3A_167 = tpu.memref_squeeze %dma_start3A_166 : memref<1x8x64xi32, #tpu.memory_space<hbm>> -> memref<8x64xi32, #tpu.memory_space<hbm>>
      %dma_start3A_168 = arith.constant 0 : i32
      %dma_start3A_169 = tpu.memref_slice %arg7[%sub3A_129, %dma_start3A_168] : memref<16x64xi32, #tpu.memory_space<vmem>> -> memref<8x64xi32, #tpu.memory_space<vmem>>
      %dma_start3A_170 = arith.constant 0 : i32
      %dma_start3A_171 = tpu.memref_slice %arg3[%arg1, %mul3A_162, %dma_start3A_170] : memref<16x328x64xi32, #tpu.memory_space<hbm>> -> memref<1x8x64xi32, #tpu.memory_space<hbm>>
      %dma_start3A_172 = tpu.memref_squeeze %dma_start3A_171 : memref<1x8x64xi32, #tpu.memory_space<hbm>> -> memref<8x64xi32, #tpu.memory_space<hbm>>
      tpu.enqueue_dma source(%dma_start3A_172 : memref<8x64xi32, #tpu.memory_space<hbm>>) target(%dma_start3A_169 : memref<8x64xi32, #tpu.memory_space<vmem>>) target_semaphore(%arg35 : memref<!tpu.dma_semaphore, #tpu.memory_space<semaphore_mem>>)
      %add3A_173 = arith.constant 1 : i32
      %add3A_174 = arith.addi %scan3A_125, %add3A_173 : i32
      %mul3A_175 = arith.constant 8 : i32
      %mul3A_176 = arith.muli %add3A_174, %mul3A_175 : i32
      %dma_start3A_177 = arith.constant 0 : i32
      %dma_start3A_178 = tpu.memref_slice %arg8[%sub3A_129, %dma_start3A_177] : memref<16x64xi32, #tpu.memory_space<vmem>> -> memref<8x64xi32, #tpu.memory_space<vmem>>
      %dma_start3A_179 = arith.constant 0 : i32
      %dma_start3A_180 = tpu.memref_slice %arg4[%arg1, %mul3A_176, %dma_start3A_179] : memref<16x328x64xi32, #tpu.memory_space<hbm>> -> memref<1x8x64xi32, #tpu.memory_space<hbm>>
      %dma_start3A_181 = tpu.memref_squeeze %dma_start3A_180 : memref<1x8x64xi32, #tpu.memory_space<hbm>> -> memref<8x64xi32, #tpu.memory_space<hbm>>
      %dma_start3A_182 = arith.constant 0 : i32
      %dma_start3A_183 = tpu.memref_slice %arg8[%sub3A_129, %dma_start3A_182] : memref<16x64xi32, #tpu.memory_space<vmem>> -> memref<8x64xi32, #tpu.memory_space<vmem>>
      %dma_start3A_184 = arith.constant 0 : i32
      %dma_start3A_185 = tpu.memref_slice %arg4[%arg1, %mul3A_176, %dma_start3A_184] : memref<16x328x64xi32, #tpu.memory_space<hbm>> -> memref<1x8x64xi32, #tpu.memory_space<hbm>>
      %dma_start3A_186 = tpu.memref_squeeze %dma_start3A_185 : memref<1x8x64xi32, #tpu.memory_space<hbm>> -> memref<8x64xi32, #tpu.memory_space<hbm>>
      tpu.enqueue_dma source(%dma_start3A_186 : memref<8x64xi32, #tpu.memory_space<hbm>>) target(%dma_start3A_183 : memref<8x64xi32, #tpu.memory_space<vmem>>) target_semaphore(%arg35 : memref<!tpu.dma_semaphore, #tpu.memory_space<semaphore_mem>>)
      %add3A_187 = arith.constant 0 : i32
      %add3A_188 = arith.addi %mul3A_128, %add3A_187 : i32
      %dma_start3A_189 = arith.constant 0 : i32
      %dma_start3A_190 = tpu.memref_slice %arg7[%add3A_188, %dma_start3A_189] : memref<16x64xi32, #tpu.memory_space<vmem>> -> memref<1x64xi32, #tpu.memory_space<vmem>>
      %dma_start3A_191 = tpu.memref_squeeze %dma_start3A_190 : memref<1x64xi32, #tpu.memory_space<vmem>> -> memref<64xi32, #tpu.memory_space<vmem>>
      %dma_start3A_192 = arith.constant 0 : i32
      %dma_start3A_193 = arith.constant 0 : i32
      %dma_start3A_194 = tpu.memref_slice %arg10[%dma_start3A_192, %dma_start3A_193] : memref<10000x64xf32, #tpu.memory_space<vmem_shared>> -> memref<10000x64xf32, #tpu.memory_space<vmem_shared>>
      tpu.enqueue_indirect_dma source(%dma_start3A_194 : memref<10000x64xf32, #tpu.memory_space<vmem_shared>>) target(%arg11 : memref<64x64xf32, #tpu.memory_space<vmem>>) offsets(%dma_start3A_191 : memref<64xi32, #tpu.memory_space<vmem>>) semaphore(%arg19 : memref<!tpu.dma_semaphore, #tpu.memory_space<semaphore_mem>>)
      %add3A_195 = arith.constant 1 : i32
      %add3A_196 = arith.addi %mul3A_128, %add3A_195 : i32
      %dma_start3A_197 = arith.constant 0 : i32
      %dma_start3A_198 = tpu.memref_slice %arg7[%add3A_196, %dma_start3A_197] : memref<16x64xi32, #tpu.memory_space<vmem>> -> memref<1x64xi32, #tpu.memory_space<vmem>>
      %dma_start3A_199 = tpu.memref_squeeze %dma_start3A_198 : memref<1x64xi32, #tpu.memory_space<vmem>> -> memref<64xi32, #tpu.memory_space<vmem>>
      %dma_start3A_200 = arith.constant 0 : i32
      %dma_start3A_201 = arith.constant 0 : i32
      %dma_start3A_202 = tpu.memref_slice %arg10[%dma_start3A_200, %dma_start3A_201] : memref<10000x64xf32, #tpu.memory_space<vmem_shared>> -> memref<10000x64xf32, #tpu.memory_space<vmem_shared>>
      tpu.enqueue_indirect_dma source(%dma_start3A_202 : memref<10000x64xf32, #tpu.memory_space<vmem_shared>>) target(%arg12 : memref<64x64xf32, #tpu.memory_space<vmem>>) offsets(%dma_start3A_199 : memref<64xi32, #tpu.memory_space<vmem>>) semaphore(%arg20 : memref<!tpu.dma_semaphore, #tpu.memory_space<semaphore_mem>>)
      %add3A_203 = arith.constant 2 : i32
      %add3A_204 = arith.addi %mul3A_128, %add3A_203 : i32
      %dma_start3A_205 = arith.constant 0 : i32
      %dma_start3A_206 = tpu.memref_slice %arg7[%add3A_204, %dma_start3A_205] : memref<16x64xi32, #tpu.memory_space<vmem>> -> memref<1x64xi32, #tpu.memory_space<vmem>>
      %dma_start3A_207 = tpu.memref_squeeze %dma_start3A_206 : memref<1x64xi32, #tpu.memory_space<vmem>> -> memref<64xi32, #tpu.memory_space<vmem>>
      %dma_start3A_208 = arith.constant 0 : i32
      %dma_start3A_209 = arith.constant 0 : i32
      %dma_start3A_210 = tpu.memref_slice %arg10[%dma_start3A_208, %dma_start3A_209] : memref<10000x64xf32, #tpu.memory_space<vmem_shared>> -> memref<10000x64xf32, #tpu.memory_space<vmem_shared>>
      tpu.enqueue_indirect_dma source(%dma_start3A_210 : memref<10000x64xf32, #tpu.memory_space<vmem_shared>>) target(%arg13 : memref<64x64xf32, #tpu.memory_space<vmem>>) offsets(%dma_start3A_207 : memref<64xi32, #tpu.memory_space<vmem>>) semaphore(%arg21 : memref<!tpu.dma_semaphore, #tpu.memory_space<semaphore_mem>>)
      %add3A_211 = arith.constant 3 : i32
      %add3A_212 = arith.addi %mul3A_128, %add3A_211 : i32
      %dma_start3A_213 = arith.constant 0 : i32
      %dma_start3A_214 = tpu.memref_slice %arg7[%add3A_212, %dma_start3A_213] : memref<16x64xi32, #tpu.memory_space<vmem>> -> memref<1x64xi32, #tpu.memory_space<vmem>>
      %dma_start3A_215 = tpu.memref_squeeze %dma_start3A_214 : memref<1x64xi32, #tpu.memory_space<vmem>> -> memref<64xi32, #tpu.memory_space<vmem>>
      %dma_start3A_216 = arith.constant 0 : i32
      %dma_start3A_217 = arith.constant 0 : i32
      %dma_start3A_218 = tpu.memref_slice %arg10[%dma_start3A_216, %dma_start3A_217] : memref<10000x64xf32, #tpu.memory_space<vmem_shared>> -> memref<10000x64xf32, #tpu.memory_space<vmem_shared>>
      tpu.enqueue_indirect_dma source(%dma_start3A_218 : memref<10000x64xf32, #tpu.memory_space<vmem_shared>>) target(%arg14 : memref<64x64xf32, #tpu.memory_space<vmem>>) offsets(%dma_start3A_215 : memref<64xi32, #tpu.memory_space<vmem>>) semaphore(%arg22 : memref<!tpu.dma_semaphore, #tpu.memory_space<semaphore_mem>>)
      %add3A_219 = arith.constant 4 : i32
      %add3A_220 = arith.addi %mul3A_128, %add3A_219 : i32
      %dma_start3A_221 = arith.constant 0 : i32
      %dma_start3A_222 = tpu.memref_slice %arg7[%add3A_220, %dma_start3A_221] : memref<16x64xi32, #tpu.memory_space<vmem>> -> memref<1x64xi32, #tpu.memory_space<vmem>>
      %dma_start3A_223 = tpu.memref_squeeze %dma_start3A_222 : memref<1x64xi32, #tpu.memory_space<vmem>> -> memref<64xi32, #tpu.memory_space<vmem>>
      %dma_start3A_224 = arith.constant 0 : i32
      %dma_start3A_225 = arith.constant 0 : i32
      %dma_start3A_226 = tpu.memref_slice %arg10[%dma_start3A_224, %dma_start3A_225] : memref<10000x64xf32, #tpu.memory_space<vmem_shared>> -> memref<10000x64xf32, #tpu.memory_space<vmem_shared>>
      tpu.enqueue_indirect_dma source(%dma_start3A_226 : memref<10000x64xf32, #tpu.memory_space<vmem_shared>>) target(%arg15 : memref<64x64xf32, #tpu.memory_space<vmem>>) offsets(%dma_start3A_223 : memref<64xi32, #tpu.memory_space<vmem>>) semaphore(%arg23 : memref<!tpu.dma_semaphore, #tpu.memory_space<semaphore_mem>>)
      %add3A_227 = arith.constant 5 : i32
      %add3A_228 = arith.addi %mul3A_128, %add3A_227 : i32
      %dma_start3A_229 = arith.constant 0 : i32
      %dma_start3A_230 = tpu.memref_slice %arg7[%add3A_228, %dma_start3A_229] : memref<16x64xi32, #tpu.memory_space<vmem>> -> memref<1x64xi32, #tpu.memory_space<vmem>>
      %dma_start3A_231 = tpu.memref_squeeze %dma_start3A_230 : memref<1x64xi32, #tpu.memory_space<vmem>> -> memref<64xi32, #tpu.memory_space<vmem>>
      %dma_start3A_232 = arith.constant 0 : i32
      %dma_start3A_233 = arith.constant 0 : i32
      %dma_start3A_234 = tpu.memref_slice %arg10[%dma_start3A_232, %dma_start3A_233] : memref<10000x64xf32, #tpu.memory_space<vmem_shared>> -> memref<10000x64xf32, #tpu.memory_space<vmem_shared>>
      tpu.enqueue_indirect_dma source(%dma_start3A_234 : memref<10000x64xf32, #tpu.memory_space<vmem_shared>>) target(%arg16 : memref<64x64xf32, #tpu.memory_space<vmem>>) offsets(%dma_start3A_231 : memref<64xi32, #tpu.memory_space<vmem>>) semaphore(%arg24 : memref<!tpu.dma_semaphore, #tpu.memory_space<semaphore_mem>>)
      %add3A_235 = arith.constant 6 : i32
      %add3A_236 = arith.addi %mul3A_128, %add3A_235 : i32
      %dma_start3A_237 = arith.constant 0 : i32
      %dma_start3A_238 = tpu.memref_slice %arg7[%add3A_236, %dma_start3A_237] : memref<16x64xi32, #tpu.memory_space<vmem>> -> memref<1x64xi32, #tpu.memory_space<vmem>>
      %dma_start3A_239 = tpu.memref_squeeze %dma_start3A_238 : memref<1x64xi32, #tpu.memory_space<vmem>> -> memref<64xi32, #tpu.memory_space<vmem>>
      %dma_start3A_240 = arith.constant 0 : i32
      %dma_start3A_241 = arith.constant 0 : i32
      %dma_start3A_242 = tpu.memref_slice %arg10[%dma_start3A_240, %dma_start3A_241] : memref<10000x64xf32, #tpu.memory_space<vmem_shared>> -> memref<10000x64xf32, #tpu.memory_space<vmem_shared>>
      tpu.enqueue_indirect_dma source(%dma_start3A_242 : memref<10000x64xf32, #tpu.memory_space<vmem_shared>>) target(%arg17 : memref<64x64xf32, #tpu.memory_space<vmem>>) offsets(%dma_start3A_239 : memref<64xi32, #tpu.memory_space<vmem>>) semaphore(%arg25 : memref<!tpu.dma_semaphore, #tpu.memory_space<semaphore_mem>>)
      %add3A_243 = arith.constant 7 : i32
      %add3A_244 = arith.addi %mul3A_128, %add3A_243 : i32
      %dma_start3A_245 = arith.constant 0 : i32
      %dma_start3A_246 = tpu.memref_slice %arg7[%add3A_244, %dma_start3A_245] : memref<16x64xi32, #tpu.memory_space<vmem>> -> memref<1x64xi32, #tpu.memory_space<vmem>>
      %dma_start3A_247 = tpu.memref_squeeze %dma_start3A_246 : memref<1x64xi32, #tpu.memory_space<vmem>> -> memref<64xi32, #tpu.memory_space<vmem>>
      %dma_start3A_248 = arith.constant 0 : i32
      %dma_start3A_249 = arith.constant 0 : i32
      %dma_start3A_250 = tpu.memref_slice %arg10[%dma_start3A_248, %dma_start3A_249] : memref<10000x64xf32, #tpu.memory_space<vmem_shared>> -> memref<10000x64xf32, #tpu.memory_space<vmem_shared>>
      tpu.enqueue_indirect_dma source(%dma_start3A_250 : memref<10000x64xf32, #tpu.memory_space<vmem_shared>>) target(%arg18 : memref<64x64xf32, #tpu.memory_space<vmem>>) offsets(%dma_start3A_247 : memref<64xi32, #tpu.memory_space<vmem>>) semaphore(%arg26 : memref<!tpu.dma_semaphore, #tpu.memory_space<semaphore_mem>>)
      %dma_wait3A_251 = arith.constant 0 : i32
      %dma_wait3A_252 = arith.constant 0 : i32
      %dma_wait3A_253 = tpu.memref_slice %arg7[%dma_wait3A_251, %dma_wait3A_252] : memref<16x64xi32, #tpu.memory_space<vmem>> -> memref<1x64xi32, #tpu.memory_space<vmem>>
      %dma_wait3A_254 = tpu.memref_squeeze %dma_wait3A_253 : memref<1x64xi32, #tpu.memory_space<vmem>> -> memref<64xi32, #tpu.memory_space<vmem>>
      %dma_wait3A_255 = arith.constant 0 : i32
      %dma_wait3A_256 = arith.constant 0 : i32
      %dma_wait3A_257 = tpu.memref_slice %arg10[%dma_wait3A_255, %dma_wait3A_256] : memref<10000x64xf32, #tpu.memory_space<vmem_shared>> -> memref<10000x64xf32, #tpu.memory_space<vmem_shared>>
      tpu.wait_indirect_dma semaphore(%arg19 : memref<!tpu.dma_semaphore, #tpu.memory_space<semaphore_mem>>) src(%dma_wait3A_257 : memref<10000x64xf32, #tpu.memory_space<vmem_shared>>) dst(%arg11 : memref<64x64xf32, #tpu.memory_space<vmem>>)
      %add3A_258 = arith.constant 0 : i32
      %add3A_259 = arith.addi %mul3A_128, %add3A_258 : i32
      %dma_start3A_260 = arith.constant 0 : i32
      %dma_start3A_261 = tpu.memref_slice %arg8[%add3A_259, %dma_start3A_260] : memref<16x64xi32, #tpu.memory_space<vmem>> -> memref<1x64xi32, #tpu.memory_space<vmem>>
      %dma_start3A_262 = tpu.memref_squeeze %dma_start3A_261 : memref<1x64xi32, #tpu.memory_space<vmem>> -> memref<64xi32, #tpu.memory_space<vmem>>
      %dma_start3A_263 = arith.constant 0 : i32
      %dma_start3A_264 = arith.constant 0 : i32
      %dma_start3A_265 = tpu.memref_slice %arg9[%dma_start3A_263, %dma_start3A_264] : memref<10112x64xf32, #tpu.memory_space<vmem_shared>> -> memref<10112x64xf32, #tpu.memory_space<vmem_shared>>
      tpu.enqueue_indirect_dma source(%arg11 : memref<64x64xf32, #tpu.memory_space<vmem>>) target(%dma_start3A_265 : memref<10112x64xf32, #tpu.memory_space<vmem_shared>>) offsets(%dma_start3A_262 : memref<64xi32, #tpu.memory_space<vmem>>) semaphore(%arg27 : memref<!tpu.dma_semaphore, #tpu.memory_space<semaphore_mem>>) {add = true}
      %dma_wait3A_266 = arith.constant 0 : i32
      %dma_wait3A_267 = arith.constant 0 : i32
      %dma_wait3A_268 = tpu.memref_slice %arg7[%dma_wait3A_266, %dma_wait3A_267] : memref<16x64xi32, #tpu.memory_space<vmem>> -> memref<1x64xi32, #tpu.memory_space<vmem>>
      %dma_wait3A_269 = tpu.memref_squeeze %dma_wait3A_268 : memref<1x64xi32, #tpu.memory_space<vmem>> -> memref<64xi32, #tpu.memory_space<vmem>>
      %dma_wait3A_270 = arith.constant 0 : i32
      %dma_wait3A_271 = arith.constant 0 : i32
      %dma_wait3A_272 = tpu.memref_slice %arg10[%dma_wait3A_270, %dma_wait3A_271] : memref<10000x64xf32, #tpu.memory_space<vmem_shared>> -> memref<10000x64xf32, #tpu.memory_space<vmem_shared>>
      tpu.wait_indirect_dma semaphore(%arg20 : memref<!tpu.dma_semaphore, #tpu.memory_space<semaphore_mem>>) src(%dma_wait3A_272 : memref<10000x64xf32, #tpu.memory_space<vmem_shared>>) dst(%arg12 : memref<64x64xf32, #tpu.memory_space<vmem>>)
      %add3A_273 = arith.constant 1 : i32
      %add3A_274 = arith.addi %mul3A_128, %add3A_273 : i32
      %dma_start3A_275 = arith.constant 0 : i32
      %dma_start3A_276 = tpu.memref_slice %arg8[%add3A_274, %dma_start3A_275] : memref<16x64xi32, #tpu.memory_space<vmem>> -> memref<1x64xi32, #tpu.memory_space<vmem>>
      %dma_start3A_277 = tpu.memref_squeeze %dma_start3A_276 : memref<1x64xi32, #tpu.memory_space<vmem>> -> memref<64xi32, #tpu.memory_space<vmem>>
      %dma_start3A_278 = arith.constant 0 : i32
      %dma_start3A_279 = arith.constant 0 : i32
      %dma_start3A_280 = tpu.memref_slice %arg9[%dma_start3A_278, %dma_start3A_279] : memref<10112x64xf32, #tpu.memory_space<vmem_shared>> -> memref<10112x64xf32, #tpu.memory_space<vmem_shared>>
      tpu.enqueue_indirect_dma source(%arg12 : memref<64x64xf32, #tpu.memory_space<vmem>>) target(%dma_start3A_280 : memref<10112x64xf32, #tpu.memory_space<vmem_shared>>) offsets(%dma_start3A_277 : memref<64xi32, #tpu.memory_space<vmem>>) semaphore(%arg28 : memref<!tpu.dma_semaphore, #tpu.memory_space<semaphore_mem>>) {add = true}
      %dma_wait3A_281 = arith.constant 0 : i32
      %dma_wait3A_282 = arith.constant 0 : i32
      %dma_wait3A_283 = tpu.memref_slice %arg7[%dma_wait3A_281, %dma_wait3A_282] : memref<16x64xi32, #tpu.memory_space<vmem>> -> memref<1x64xi32, #tpu.memory_space<vmem>>
      %dma_wait3A_284 = tpu.memref_squeeze %dma_wait3A_283 : memref<1x64xi32, #tpu.memory_space<vmem>> -> memref<64xi32, #tpu.memory_space<vmem>>
      %dma_wait3A_285 = arith.constant 0 : i32
      %dma_wait3A_286 = arith.constant 0 : i32
      %dma_wait3A_287 = tpu.memref_slice %arg10[%dma_wait3A_285, %dma_wait3A_286] : memref<10000x64xf32, #tpu.memory_space<vmem_shared>> -> memref<10000x64xf32, #tpu.memory_space<vmem_shared>>
      tpu.wait_indirect_dma semaphore(%arg21 : memref<!tpu.dma_semaphore, #tpu.memory_space<semaphore_mem>>) src(%dma_wait3A_287 : memref<10000x64xf32, #tpu.memory_space<vmem_shared>>) dst(%arg13 : memref<64x64xf32, #tpu.memory_space<vmem>>)
      %add3A_288 = arith.constant 2 : i32
      %add3A_289 = arith.addi %mul3A_128, %add3A_288 : i32
      %dma_start3A_290 = arith.constant 0 : i32
      %dma_start3A_291 = tpu.memref_slice %arg8[%add3A_289, %dma_start3A_290] : memref<16x64xi32, #tpu.memory_space<vmem>> -> memref<1x64xi32, #tpu.memory_space<vmem>>
      %dma_start3A_292 = tpu.memref_squeeze %dma_start3A_291 : memref<1x64xi32, #tpu.memory_space<vmem>> -> memref<64xi32, #tpu.memory_space<vmem>>
      %dma_start3A_293 = arith.constant 0 : i32
      %dma_start3A_294 = arith.constant 0 : i32
      %dma_start3A_295 = tpu.memref_slice %arg9[%dma_start3A_293, %dma_start3A_294] : memref<10112x64xf32, #tpu.memory_space<vmem_shared>> -> memref<10112x64xf32, #tpu.memory_space<vmem_shared>>
      tpu.enqueue_indirect_dma source(%arg13 : memref<64x64xf32, #tpu.memory_space<vmem>>) target(%dma_start3A_295 : memref<10112x64xf32, #tpu.memory_space<vmem_shared>>) offsets(%dma_start3A_292 : memref<64xi32, #tpu.memory_space<vmem>>) semaphore(%arg29 : memref<!tpu.dma_semaphore, #tpu.memory_space<semaphore_mem>>) {add = true}
      %dma_wait3A_296 = arith.constant 0 : i32
      %dma_wait3A_297 = arith.constant 0 : i32
      %dma_wait3A_298 = tpu.memref_slice %arg7[%dma_wait3A_296, %dma_wait3A_297] : memref<16x64xi32, #tpu.memory_space<vmem>> -> memref<1x64xi32, #tpu.memory_space<vmem>>
      %dma_wait3A_299 = tpu.memref_squeeze %dma_wait3A_298 : memref<1x64xi32, #tpu.memory_space<vmem>> -> memref<64xi32, #tpu.memory_space<vmem>>
      %dma_wait3A_300 = arith.constant 0 : i32
      %dma_wait3A_301 = arith.constant 0 : i32
      %dma_wait3A_302 = tpu.memref_slice %arg10[%dma_wait3A_300, %dma_wait3A_301] : memref<10000x64xf32, #tpu.memory_space<vmem_shared>> -> memref<10000x64xf32, #tpu.memory_space<vmem_shared>>
      tpu.wait_indirect_dma semaphore(%arg22 : memref<!tpu.dma_semaphore, #tpu.memory_space<semaphore_mem>>) src(%dma_wait3A_302 : memref<10000x64xf32, #tpu.memory_space<vmem_shared>>) dst(%arg14 : memref<64x64xf32, #tpu.memory_space<vmem>>)
      %add3A_303 = arith.constant 3 : i32
      %add3A_304 = arith.addi %mul3A_128, %add3A_303 : i32
      %dma_start3A_305 = arith.constant 0 : i32
      %dma_start3A_306 = tpu.memref_slice %arg8[%add3A_304, %dma_start3A_305] : memref<16x64xi32, #tpu.memory_space<vmem>> -> memref<1x64xi32, #tpu.memory_space<vmem>>
      %dma_start3A_307 = tpu.memref_squeeze %dma_start3A_306 : memref<1x64xi32, #tpu.memory_space<vmem>> -> memref<64xi32, #tpu.memory_space<vmem>>
      %dma_start3A_308 = arith.constant 0 : i32
      %dma_start3A_309 = arith.constant 0 : i32
      %dma_start3A_310 = tpu.memref_slice %arg9[%dma_start3A_308, %dma_start3A_309] : memref<10112x64xf32, #tpu.memory_space<vmem_shared>> -> memref<10112x64xf32, #tpu.memory_space<vmem_shared>>
      tpu.enqueue_indirect_dma source(%arg14 : memref<64x64xf32, #tpu.memory_space<vmem>>) target(%dma_start3A_310 : memref<10112x64xf32, #tpu.memory_space<vmem_shared>>) offsets(%dma_start3A_307 : memref<64xi32, #tpu.memory_space<vmem>>) semaphore(%arg30 : memref<!tpu.dma_semaphore, #tpu.memory_space<semaphore_mem>>) {add = true}
      %dma_wait3A_311 = arith.constant 0 : i32
      %dma_wait3A_312 = arith.constant 0 : i32
      %dma_wait3A_313 = tpu.memref_slice %arg7[%dma_wait3A_311, %dma_wait3A_312] : memref<16x64xi32, #tpu.memory_space<vmem>> -> memref<1x64xi32, #tpu.memory_space<vmem>>
      %dma_wait3A_314 = tpu.memref_squeeze %dma_wait3A_313 : memref<1x64xi32, #tpu.memory_space<vmem>> -> memref<64xi32, #tpu.memory_space<vmem>>
      %dma_wait3A_315 = arith.constant 0 : i32
      %dma_wait3A_316 = arith.constant 0 : i32
      %dma_wait3A_317 = tpu.memref_slice %arg10[%dma_wait3A_315, %dma_wait3A_316] : memref<10000x64xf32, #tpu.memory_space<vmem_shared>> -> memref<10000x64xf32, #tpu.memory_space<vmem_shared>>
      tpu.wait_indirect_dma semaphore(%arg23 : memref<!tpu.dma_semaphore, #tpu.memory_space<semaphore_mem>>) src(%dma_wait3A_317 : memref<10000x64xf32, #tpu.memory_space<vmem_shared>>) dst(%arg15 : memref<64x64xf32, #tpu.memory_space<vmem>>)
      %add3A_318 = arith.constant 4 : i32
      %add3A_319 = arith.addi %mul3A_128, %add3A_318 : i32
      %dma_start3A_320 = arith.constant 0 : i32
      %dma_start3A_321 = tpu.memref_slice %arg8[%add3A_319, %dma_start3A_320] : memref<16x64xi32, #tpu.memory_space<vmem>> -> memref<1x64xi32, #tpu.memory_space<vmem>>
      %dma_start3A_322 = tpu.memref_squeeze %dma_start3A_321 : memref<1x64xi32, #tpu.memory_space<vmem>> -> memref<64xi32, #tpu.memory_space<vmem>>
      %dma_start3A_323 = arith.constant 0 : i32
      %dma_start3A_324 = arith.constant 0 : i32
      %dma_start3A_325 = tpu.memref_slice %arg9[%dma_start3A_323, %dma_start3A_324] : memref<10112x64xf32, #tpu.memory_space<vmem_shared>> -> memref<10112x64xf32, #tpu.memory_space<vmem_shared>>
      tpu.enqueue_indirect_dma source(%arg15 : memref<64x64xf32, #tpu.memory_space<vmem>>) target(%dma_start3A_325 : memref<10112x64xf32, #tpu.memory_space<vmem_shared>>) offsets(%dma_start3A_322 : memref<64xi32, #tpu.memory_space<vmem>>) semaphore(%arg31 : memref<!tpu.dma_semaphore, #tpu.memory_space<semaphore_mem>>) {add = true}
      %dma_wait3A_326 = arith.constant 0 : i32
      %dma_wait3A_327 = arith.constant 0 : i32
      %dma_wait3A_328 = tpu.memref_slice %arg7[%dma_wait3A_326, %dma_wait3A_327] : memref<16x64xi32, #tpu.memory_space<vmem>> -> memref<1x64xi32, #tpu.memory_space<vmem>>
      %dma_wait3A_329 = tpu.memref_squeeze %dma_wait3A_328 : memref<1x64xi32, #tpu.memory_space<vmem>> -> memref<64xi32, #tpu.memory_space<vmem>>
      %dma_wait3A_330 = arith.constant 0 : i32
      %dma_wait3A_331 = arith.constant 0 : i32
      %dma_wait3A_332 = tpu.memref_slice %arg10[%dma_wait3A_330, %dma_wait3A_331] : memref<10000x64xf32, #tpu.memory_space<vmem_shared>> -> memref<10000x64xf32, #tpu.memory_space<vmem_shared>>
      tpu.wait_indirect_dma semaphore(%arg24 : memref<!tpu.dma_semaphore, #tpu.memory_space<semaphore_mem>>) src(%dma_wait3A_332 : memref<10000x64xf32, #tpu.memory_space<vmem_shared>>) dst(%arg16 : memref<64x64xf32, #tpu.memory_space<vmem>>)
      %add3A_333 = arith.constant 5 : i32
      %add3A_334 = arith.addi %mul3A_128, %add3A_333 : i32
      %dma_start3A_335 = arith.constant 0 : i32
      %dma_start3A_336 = tpu.memref_slice %arg8[%add3A_334, %dma_start3A_335] : memref<16x64xi32, #tpu.memory_space<vmem>> -> memref<1x64xi32, #tpu.memory_space<vmem>>
      %dma_start3A_337 = tpu.memref_squeeze %dma_start3A_336 : memref<1x64xi32, #tpu.memory_space<vmem>> -> memref<64xi32, #tpu.memory_space<vmem>>
      %dma_start3A_338 = arith.constant 0 : i32
      %dma_start3A_339 = arith.constant 0 : i32
      %dma_start3A_340 = tpu.memref_slice %arg9[%dma_start3A_338, %dma_start3A_339] : memref<10112x64xf32, #tpu.memory_space<vmem_shared>> -> memref<10112x64xf32, #tpu.memory_space<vmem_shared>>
      tpu.enqueue_indirect_dma source(%arg16 : memref<64x64xf32, #tpu.memory_space<vmem>>) target(%dma_start3A_340 : memref<10112x64xf32, #tpu.memory_space<vmem_shared>>) offsets(%dma_start3A_337 : memref<64xi32, #tpu.memory_space<vmem>>) semaphore(%arg32 : memref<!tpu.dma_semaphore, #tpu.memory_space<semaphore_mem>>) {add = true}
      %dma_wait3A_341 = arith.constant 0 : i32
      %dma_wait3A_342 = arith.constant 0 : i32
      %dma_wait3A_343 = tpu.memref_slice %arg7[%dma_wait3A_341, %dma_wait3A_342] : memref<16x64xi32, #tpu.memory_space<vmem>> -> memref<1x64xi32, #tpu.memory_space<vmem>>
      %dma_wait3A_344 = tpu.memref_squeeze %dma_wait3A_343 : memref<1x64xi32, #tpu.memory_space<vmem>> -> memref<64xi32, #tpu.memory_space<vmem>>
      %dma_wait3A_345 = arith.constant 0 : i32
      %dma_wait3A_346 = arith.constant 0 : i32
      %dma_wait3A_347 = tpu.memref_slice %arg10[%dma_wait3A_345, %dma_wait3A_346] : memref<10000x64xf32, #tpu.memory_space<vmem_shared>> -> memref<10000x64xf32, #tpu.memory_space<vmem_shared>>
      tpu.wait_indirect_dma semaphore(%arg25 : memref<!tpu.dma_semaphore, #tpu.memory_space<semaphore_mem>>) src(%dma_wait3A_347 : memref<10000x64xf32, #tpu.memory_space<vmem_shared>>) dst(%arg17 : memref<64x64xf32, #tpu.memory_space<vmem>>)
      %add3A_348 = arith.constant 6 : i32
      %add3A_349 = arith.addi %mul3A_128, %add3A_348 : i32
      %dma_start3A_350 = arith.constant 0 : i32
      %dma_start3A_351 = tpu.memref_slice %arg8[%add3A_349, %dma_start3A_350] : memref<16x64xi32, #tpu.memory_space<vmem>> -> memref<1x64xi32, #tpu.memory_space<vmem>>
      %dma_start3A_352 = tpu.memref_squeeze %dma_start3A_351 : memref<1x64xi32, #tpu.memory_space<vmem>> -> memref<64xi32, #tpu.memory_space<vmem>>
      %dma_start3A_353 = arith.constant 0 : i32
      %dma_start3A_354 = arith.constant 0 : i32
      %dma_start3A_355 = tpu.memref_slice %arg9[%dma_start3A_353, %dma_start3A_354] : memref<10112x64xf32, #tpu.memory_space<vmem_shared>> -> memref<10112x64xf32, #tpu.memory_space<vmem_shared>>
      tpu.enqueue_indirect_dma source(%arg17 : memref<64x64xf32, #tpu.memory_space<vmem>>) target(%dma_start3A_355 : memref<10112x64xf32, #tpu.memory_space<vmem_shared>>) offsets(%dma_start3A_352 : memref<64xi32, #tpu.memory_space<vmem>>) semaphore(%arg33 : memref<!tpu.dma_semaphore, #tpu.memory_space<semaphore_mem>>) {add = true}
      %dma_wait3A_356 = arith.constant 0 : i32
      %dma_wait3A_357 = arith.constant 0 : i32
      %dma_wait3A_358 = tpu.memref_slice %arg7[%dma_wait3A_356, %dma_wait3A_357] : memref<16x64xi32, #tpu.memory_space<vmem>> -> memref<1x64xi32, #tpu.memory_space<vmem>>
      %dma_wait3A_359 = tpu.memref_squeeze %dma_wait3A_358 : memref<1x64xi32, #tpu.memory_space<vmem>> -> memref<64xi32, #tpu.memory_space<vmem>>
      %dma_wait3A_360 = arith.constant 0 : i32
      %dma_wait3A_361 = arith.constant 0 : i32
      %dma_wait3A_362 = tpu.memref_slice %arg10[%dma_wait3A_360, %dma_wait3A_361] : memref<10000x64xf32, #tpu.memory_space<vmem_shared>> -> memref<10000x64xf32, #tpu.memory_space<vmem_shared>>
      tpu.wait_indirect_dma semaphore(%arg26 : memref<!tpu.dma_semaphore, #tpu.memory_space<semaphore_mem>>) src(%dma_wait3A_362 : memref<10000x64xf32, #tpu.memory_space<vmem_shared>>) dst(%arg18 : memref<64x64xf32, #tpu.memory_space<vmem>>)
      %add3A_363 = arith.constant 7 : i32
      %add3A_364 = arith.addi %mul3A_128, %add3A_363 : i32
      %dma_start3A_365 = arith.constant 0 : i32
      %dma_start3A_366 = tpu.memref_slice %arg8[%add3A_364, %dma_start3A_365] : memref<16x64xi32, #tpu.memory_space<vmem>> -> memref<1x64xi32, #tpu.memory_space<vmem>>
      %dma_start3A_367 = tpu.memref_squeeze %dma_start3A_366 : memref<1x64xi32, #tpu.memory_space<vmem>> -> memref<64xi32, #tpu.memory_space<vmem>>
      %dma_start3A_368 = arith.constant 0 : i32
      %dma_start3A_369 = arith.constant 0 : i32
      %dma_start3A_370 = tpu.memref_slice %arg9[%dma_start3A_368, %dma_start3A_369] : memref<10112x64xf32, #tpu.memory_space<vmem_shared>> -> memref<10112x64xf32, #tpu.memory_space<vmem_shared>>
      tpu.enqueue_indirect_dma source(%arg18 : memref<64x64xf32, #tpu.memory_space<vmem>>) target(%dma_start3A_370 : memref<10112x64xf32, #tpu.memory_space<vmem_shared>>) offsets(%dma_start3A_367 : memref<64xi32, #tpu.memory_space<vmem>>) semaphore(%arg34 : memref<!tpu.dma_semaphore, #tpu.memory_space<semaphore_mem>>) {add = true}
    }
    %scan3A_36 = arith.constant 40 : i32
    %dma_wait3A = arith.constant 0 : i32
    %dma_wait3A_37 = arith.constant 0 : i32
    %dma_wait3A_38 = tpu.memref_slice %arg8[%dma_wait3A, %dma_wait3A_37] : memref<16x64xi32, #tpu.memory_space<vmem>> -> memref<1x64xi32, #tpu.memory_space<vmem>>
    %dma_wait3A_39 = tpu.memref_squeeze %dma_wait3A_38 : memref<1x64xi32, #tpu.memory_space<vmem>> -> memref<64xi32, #tpu.memory_space<vmem>>
    %dma_wait3A_40 = arith.constant 0 : i32
    %dma_wait3A_41 = arith.constant 0 : i32
    %dma_wait3A_42 = tpu.memref_slice %arg9[%dma_wait3A_40, %dma_wait3A_41] : memref<10112x64xf32, #tpu.memory_space<vmem_shared>> -> memref<10112x64xf32, #tpu.memory_space<vmem_shared>>
    tpu.wait_indirect_dma semaphore(%arg27 : memref<!tpu.dma_semaphore, #tpu.memory_space<semaphore_mem>>) src(%arg11 : memref<64x64xf32, #tpu.memory_space<vmem>>) dst(%dma_wait3A_42 : memref<10112x64xf32, #tpu.memory_space<vmem_shared>>)
    %dma_wait3A_43 = arith.constant 0 : i32
    %dma_wait3A_44 = arith.constant 0 : i32
    %dma_wait3A_45 = tpu.memref_slice %arg8[%dma_wait3A_43, %dma_wait3A_44] : memref<16x64xi32, #tpu.memory_space<vmem>> -> memref<1x64xi32, #tpu.memory_space<vmem>>
    %dma_wait3A_46 = tpu.memref_squeeze %dma_wait3A_45 : memref<1x64xi32, #tpu.memory_space<vmem>> -> memref<64xi32, #tpu.memory_space<vmem>>
    %dma_wait3A_47 = arith.constant 0 : i32
    %dma_wait3A_48 = arith.constant 0 : i32
    %dma_wait3A_49 = tpu.memref_slice %arg9[%dma_wait3A_47, %dma_wait3A_48] : memref<10112x64xf32, #tpu.memory_space<vmem_shared>> -> memref<10112x64xf32, #tpu.memory_space<vmem_shared>>
    tpu.wait_indirect_dma semaphore(%arg28 : memref<!tpu.dma_semaphore, #tpu.memory_space<semaphore_mem>>) src(%arg12 : memref<64x64xf32, #tpu.memory_space<vmem>>) dst(%dma_wait3A_49 : memref<10112x64xf32, #tpu.memory_space<vmem_shared>>)
    %dma_wait3A_50 = arith.constant 0 : i32
    %dma_wait3A_51 = arith.constant 0 : i32
    %dma_wait3A_52 = tpu.memref_slice %arg8[%dma_wait3A_50, %dma_wait3A_51] : memref<16x64xi32, #tpu.memory_space<vmem>> -> memref<1x64xi32, #tpu.memory_space<vmem>>
    %dma_wait3A_53 = tpu.memref_squeeze %dma_wait3A_52 : memref<1x64xi32, #tpu.memory_space<vmem>> -> memref<64xi32, #tpu.memory_space<vmem>>
    %dma_wait3A_54 = arith.constant 0 : i32
    %dma_wait3A_55 = arith.constant 0 : i32
    %dma_wait3A_56 = tpu.memref_slice %arg9[%dma_wait3A_54, %dma_wait3A_55] : memref<10112x64xf32, #tpu.memory_space<vmem_shared>> -> memref<10112x64xf32, #tpu.memory_space<vmem_shared>>
    tpu.wait_indirect_dma semaphore(%arg29 : memref<!tpu.dma_semaphore, #tpu.memory_space<semaphore_mem>>) src(%arg13 : memref<64x64xf32, #tpu.memory_space<vmem>>) dst(%dma_wait3A_56 : memref<10112x64xf32, #tpu.memory_space<vmem_shared>>)
    %dma_wait3A_57 = arith.constant 0 : i32
    %dma_wait3A_58 = arith.constant 0 : i32
    %dma_wait3A_59 = tpu.memref_slice %arg8[%dma_wait3A_57, %dma_wait3A_58] : memref<16x64xi32, #tpu.memory_space<vmem>> -> memref<1x64xi32, #tpu.memory_space<vmem>>
    %dma_wait3A_60 = tpu.memref_squeeze %dma_wait3A_59 : memref<1x64xi32, #tpu.memory_space<vmem>> -> memref<64xi32, #tpu.memory_space<vmem>>
    %dma_wait3A_61 = arith.constant 0 : i32
    %dma_wait3A_62 = arith.constant 0 : i32
    %dma_wait3A_63 = tpu.memref_slice %arg9[%dma_wait3A_61, %dma_wait3A_62] : memref<10112x64xf32, #tpu.memory_space<vmem_shared>> -> memref<10112x64xf32, #tpu.memory_space<vmem_shared>>
    tpu.wait_indirect_dma semaphore(%arg30 : memref<!tpu.dma_semaphore, #tpu.memory_space<semaphore_mem>>) src(%arg14 : memref<64x64xf32, #tpu.memory_space<vmem>>) dst(%dma_wait3A_63 : memref<10112x64xf32, #tpu.memory_space<vmem_shared>>)
    %dma_wait3A_64 = arith.constant 0 : i32
    %dma_wait3A_65 = arith.constant 0 : i32
    %dma_wait3A_66 = tpu.memref_slice %arg8[%dma_wait3A_64, %dma_wait3A_65] : memref<16x64xi32, #tpu.memory_space<vmem>> -> memref<1x64xi32, #tpu.memory_space<vmem>>
    %dma_wait3A_67 = tpu.memref_squeeze %dma_wait3A_66 : memref<1x64xi32, #tpu.memory_space<vmem>> -> memref<64xi32, #tpu.memory_space<vmem>>
    %dma_wait3A_68 = arith.constant 0 : i32
    %dma_wait3A_69 = arith.constant 0 : i32
    %dma_wait3A_70 = tpu.memref_slice %arg9[%dma_wait3A_68, %dma_wait3A_69] : memref<10112x64xf32, #tpu.memory_space<vmem_shared>> -> memref<10112x64xf32, #tpu.memory_space<vmem_shared>>
    tpu.wait_indirect_dma semaphore(%arg31 : memref<!tpu.dma_semaphore, #tpu.memory_space<semaphore_mem>>) src(%arg15 : memref<64x64xf32, #tpu.memory_space<vmem>>) dst(%dma_wait3A_70 : memref<10112x64xf32, #tpu.memory_space<vmem_shared>>)
    %dma_wait3A_71 = arith.constant 0 : i32
    %dma_wait3A_72 = arith.constant 0 : i32
    %dma_wait3A_73 = tpu.memref_slice %arg8[%dma_wait3A_71, %dma_wait3A_72] : memref<16x64xi32, #tpu.memory_space<vmem>> -> memref<1x64xi32, #tpu.memory_space<vmem>>
    %dma_wait3A_74 = tpu.memref_squeeze %dma_wait3A_73 : memref<1x64xi32, #tpu.memory_space<vmem>> -> memref<64xi32, #tpu.memory_space<vmem>>
    %dma_wait3A_75 = arith.constant 0 : i32
    %dma_wait3A_76 = arith.constant 0 : i32
    %dma_wait3A_77 = tpu.memref_slice %arg9[%dma_wait3A_75, %dma_wait3A_76] : memref<10112x64xf32, #tpu.memory_space<vmem_shared>> -> memref<10112x64xf32, #tpu.memory_space<vmem_shared>>
    tpu.wait_indirect_dma semaphore(%arg32 : memref<!tpu.dma_semaphore, #tpu.memory_space<semaphore_mem>>) src(%arg16 : memref<64x64xf32, #tpu.memory_space<vmem>>) dst(%dma_wait3A_77 : memref<10112x64xf32, #tpu.memory_space<vmem_shared>>)
    %dma_wait3A_78 = arith.constant 0 : i32
    %dma_wait3A_79 = arith.constant 0 : i32
    %dma_wait3A_80 = tpu.memref_slice %arg8[%dma_wait3A_78, %dma_wait3A_79] : memref<16x64xi32, #tpu.memory_space<vmem>> -> memref<1x64xi32, #tpu.memory_space<vmem>>
    %dma_wait3A_81 = tpu.memref_squeeze %dma_wait3A_80 : memref<1x64xi32, #tpu.memory_space<vmem>> -> memref<64xi32, #tpu.memory_space<vmem>>
    %dma_wait3A_82 = arith.constant 0 : i32
    %dma_wait3A_83 = arith.constant 0 : i32
    %dma_wait3A_84 = tpu.memref_slice %arg9[%dma_wait3A_82, %dma_wait3A_83] : memref<10112x64xf32, #tpu.memory_space<vmem_shared>> -> memref<10112x64xf32, #tpu.memory_space<vmem_shared>>
    tpu.wait_indirect_dma semaphore(%arg33 : memref<!tpu.dma_semaphore, #tpu.memory_space<semaphore_mem>>) src(%arg17 : memref<64x64xf32, #tpu.memory_space<vmem>>) dst(%dma_wait3A_84 : memref<10112x64xf32, #tpu.memory_space<vmem_shared>>)
    %dma_wait3A_85 = arith.constant 0 : i32
    %dma_wait3A_86 = arith.constant 0 : i32
    %dma_wait3A_87 = tpu.memref_slice %arg8[%dma_wait3A_85, %dma_wait3A_86] : memref<16x64xi32, #tpu.memory_space<vmem>> -> memref<1x64xi32, #tpu.memory_space<vmem>>
    %dma_wait3A_88 = tpu.memref_squeeze %dma_wait3A_87 : memref<1x64xi32, #tpu.memory_space<vmem>> -> memref<64xi32, #tpu.memory_space<vmem>>
    %dma_wait3A_89 = arith.constant 0 : i32
    %dma_wait3A_90 = arith.constant 0 : i32
    %dma_wait3A_91 = tpu.memref_slice %arg9[%dma_wait3A_89, %dma_wait3A_90] : memref<10112x64xf32, #tpu.memory_space<vmem_shared>> -> memref<10112x64xf32, #tpu.memory_space<vmem_shared>>
    tpu.wait_indirect_dma semaphore(%arg34 : memref<!tpu.dma_semaphore, #tpu.memory_space<semaphore_mem>>) src(%arg18 : memref<64x64xf32, #tpu.memory_space<vmem>>) dst(%dma_wait3A_91 : memref<10112x64xf32, #tpu.memory_space<vmem_shared>>)
    %dma_wait3A_92 = arith.constant 0 : i32
    %dma_wait3A_93 = arith.constant 0 : i32
    %dma_wait3A_94 = tpu.memref_slice %arg7[%dma_wait3A_92, %dma_wait3A_93] : memref<16x64xi32, #tpu.memory_space<vmem>> -> memref<8x64xi32, #tpu.memory_space<vmem>>
    %dma_wait3A_95 = arith.constant 0 : i32
    %dma_wait3A_96 = arith.constant 0 : i32
    %dma_wait3A_97 = tpu.memref_slice %arg3[%arg1, %dma_wait3A_95, %dma_wait3A_96] : memref<16x328x64xi32, #tpu.memory_space<hbm>> -> memref<1x8x64xi32, #tpu.memory_space<hbm>>
    %dma_wait3A_98 = tpu.memref_squeeze %dma_wait3A_97 : memref<1x8x64xi32, #tpu.memory_space<hbm>> -> memref<8x64xi32, #tpu.memory_space<hbm>>
    %dma_wait3A_99 = arith.constant 0 : i32
    %dma_wait3A_100 = arith.constant 0 : i32
    %dma_wait3A_101 = tpu.memref_slice %arg7[%dma_wait3A_99, %dma_wait3A_100] : memref<16x64xi32, #tpu.memory_space<vmem>> -> memref<8x64xi32, #tpu.memory_space<vmem>>
    %dma_wait3A_102 = arith.constant 0 : i32
    %dma_wait3A_103 = arith.constant 0 : i32
    %dma_wait3A_104 = tpu.memref_slice %arg3[%arg1, %dma_wait3A_102, %dma_wait3A_103] : memref<16x328x64xi32, #tpu.memory_space<hbm>> -> memref<1x8x64xi32, #tpu.memory_space<hbm>>
    %dma_wait3A_105 = tpu.memref_squeeze %dma_wait3A_104 : memref<1x8x64xi32, #tpu.memory_space<hbm>> -> memref<8x64xi32, #tpu.memory_space<hbm>>
    tpu.wait_dma2 semaphore(%arg35 : memref<!tpu.dma_semaphore, #tpu.memory_space<semaphore_mem>>) src(%dma_wait3A_105 : memref<8x64xi32, #tpu.memory_space<hbm>>) dst(%dma_wait3A_101 : memref<8x64xi32, #tpu.memory_space<vmem>>)
    %dma_wait3A_106 = arith.constant 0 : i32
    %dma_wait3A_107 = arith.constant 0 : i32
    %dma_wait3A_108 = tpu.memref_slice %arg7[%dma_wait3A_106, %dma_wait3A_107] : memref<16x64xi32, #tpu.memory_space<vmem>> -> memref<8x64xi32, #tpu.memory_space<vmem>>
    %dma_wait3A_109 = arith.constant 0 : i32
    %dma_wait3A_110 = arith.constant 0 : i32
    %dma_wait3A_111 = tpu.memref_slice %arg3[%arg1, %dma_wait3A_109, %dma_wait3A_110] : memref<16x328x64xi32, #tpu.memory_space<hbm>> -> memref<1x8x64xi32, #tpu.memory_space<hbm>>
    %dma_wait3A_112 = tpu.memref_squeeze %dma_wait3A_111 : memref<1x8x64xi32, #tpu.memory_space<hbm>> -> memref<8x64xi32, #tpu.memory_space<hbm>>
    %dma_wait3A_113 = arith.constant 0 : i32
    %dma_wait3A_114 = arith.constant 0 : i32
    %dma_wait3A_115 = tpu.memref_slice %arg7[%dma_wait3A_113, %dma_wait3A_114] : memref<16x64xi32, #tpu.memory_space<vmem>> -> memref<8x64xi32, #tpu.memory_space<vmem>>
    %dma_wait3A_116 = arith.constant 0 : i32
    %dma_wait3A_117 = arith.constant 0 : i32
    %dma_wait3A_118 = tpu.memref_slice %arg3[%arg1, %dma_wait3A_116, %dma_wait3A_117] : memref<16x328x64xi32, #tpu.memory_space<hbm>> -> memref<1x8x64xi32, #tpu.memory_space<hbm>>
    %dma_wait3A_119 = tpu.memref_squeeze %dma_wait3A_118 : memref<1x8x64xi32, #tpu.memory_space<hbm>> -> memref<8x64xi32, #tpu.memory_space<hbm>>
    tpu.wait_dma2 semaphore(%arg35 : memref<!tpu.dma_semaphore, #tpu.memory_space<semaphore_mem>>) src(%dma_wait3A_119 : memref<8x64xi32, #tpu.memory_space<hbm>>) dst(%dma_wait3A_115 : memref<8x64xi32, #tpu.memory_space<vmem>>)
    %barrier3A_120 = arith.constant 0 : index
    tpu.barrier barrier_id(%barrier3A_120)
    %mul3A_121 = arith.constant 632 : i32
    %mul3A_122 = arith.muli %arg1, %mul3A_121 : i32
    %mul3A_123 = arith.constant 632 : i32
    %mul3A_124 = arith.muli %arg1, %mul3A_123 : i32
    "tpu.region"() ({
      %run_scoped3A = tpu.sem_alloc : memref<!tpu.dma_semaphore, #tpu.memory_space<semaphore_mem>>
      %dma_start3A_125 = arith.constant 0 : i32
      %dma_start3A_126 = tpu.memref_slice %arg6[%arg0, %mul3A_124, %dma_start3A_125] : memref<2x10112x64xf32, #tpu.memory_space<hbm>> -> memref<1x632x64xf32, #tpu.memory_space<hbm>>
      %dma_start3A_127 = tpu.memref_squeeze %dma_start3A_126 : memref<1x632x64xf32, #tpu.memory_space<hbm>> -> memref<632x64xf32, #tpu.memory_space<hbm>>
      %dma_start3A_128 = arith.constant 0 : i32
      %dma_start3A_129 = tpu.memref_slice %arg9[%mul3A_122, %dma_start3A_128] : memref<10112x64xf32, #tpu.memory_space<vmem_shared>> -> memref<632x64xf32, #tpu.memory_space<vmem_shared>>
      tpu.enqueue_dma source(%dma_start3A_129 : memref<632x64xf32, #tpu.memory_space<vmem_shared>>) target(%dma_start3A_127 : memref<632x64xf32, #tpu.memory_space<hbm>>) target_semaphore(%run_scoped3A : memref<!tpu.dma_semaphore, #tpu.memory_space<semaphore_mem>>)
      %dma_wait3A_130 = arith.constant 0 : i32
      %dma_wait3A_131 = tpu.memref_slice %arg6[%arg0, %mul3A_124, %dma_wait3A_130] : memref<2x10112x64xf32, #tpu.memory_space<hbm>> -> memref<1x632x64xf32, #tpu.memory_space<hbm>>
      %dma_wait3A_132 = tpu.memref_squeeze %dma_wait3A_131 : memref<1x632x64xf32, #tpu.memory_space<hbm>> -> memref<632x64xf32, #tpu.memory_space<hbm>>
      %dma_wait3A_133 = arith.constant 0 : i32
      %dma_wait3A_134 = tpu.memref_slice %arg9[%mul3A_122, %dma_wait3A_133] : memref<10112x64xf32, #tpu.memory_space<vmem_shared>> -> memref<632x64xf32, #tpu.memory_space<vmem_shared>>
      tpu.wait_dma2 semaphore(%run_scoped3A : memref<!tpu.dma_semaphore, #tpu.memory_space<semaphore_mem>>) src(%dma_wait3A_134 : memref<632x64xf32, #tpu.memory_space<vmem_shared>>) dst(%dma_wait3A_132 : memref<632x64xf32, #tpu.memory_space<hbm>>)
      tpu.yield
    }) : () -> ()
    return
  }
}

module attributes {stable_mosaic.version = 14 : i64} {
  func.func @_tc_layer_body(%arg0: memref<2x10000x64xf32, #tpu.memory_space<vmem>>, %arg1: memref<2x10112x64xf32, #tpu.memory_space<vmem>>, %arg2: memref<128x128xf32, #tpu.memory_space<vmem>>, %arg3: memref<1x128xf32, #tpu.memory_space<vmem>>, %arg4: memref<128x128xf32, #tpu.memory_space<vmem>>, %arg5: memref<1x128xf32, #tpu.memory_space<vmem>>, %arg6: memref<1x128xf32, #tpu.memory_space<vmem>>, %arg7: memref<1x128xf32, #tpu.memory_space<vmem>>, %arg8: memref<2x10000x64xf32, #tpu.memory_space<vmem>>) attributes {dimension_semantics = [], scalar_prefetch = 0 : i64, scratch_operands = 0 : i64, tpu.core_type = #tpu.core_type<tc>} {
    %get3A = arith.constant 0 : index
    %get3A_0 = arith.constant 0 : index
    %get3A_1 = arith.constant 0 : index
    %get3A_2 = vector.load %arg0[%get3A, %get3A_0, %get3A_1] : memref<2x10000x64xf32, #tpu.memory_space<vmem>>, vector<1x10000x64xf32>
    %get3A_3 = vector.shape_cast %get3A_2 : vector<1x10000x64xf32> to vector<10000x64xf32>
    %get3A_4 = arith.constant 1 : index
    %get3A_5 = arith.constant 0 : index
    %get3A_6 = arith.constant 0 : index
    %get3A_7 = vector.load %arg0[%get3A_4, %get3A_5, %get3A_6] : memref<2x10000x64xf32, #tpu.memory_space<vmem>>, vector<1x10000x64xf32>
    %get3A_8 = vector.shape_cast %get3A_7 : vector<1x10000x64xf32> to vector<10000x64xf32>
    %concatenate3A = tpu.concatenate %get3A_3, %get3A_8 in 1 : vector<10000x64xf32>, vector<10000x64xf32> -> vector<10000x128xf32>
    %get3A_9 = arith.constant 0 : index
    %get3A_10 = arith.constant 0 : index
    %get3A_11 = arith.constant 0 : index
    %get3A_12 = vector.load %arg1[%get3A_9, %get3A_10, %get3A_11] : memref<2x10112x64xf32, #tpu.memory_space<vmem>>, vector<1x10000x64xf32>
    %get3A_13 = vector.shape_cast %get3A_12 : vector<1x10000x64xf32> to vector<10000x64xf32>
    %get3A_14 = arith.constant 1 : index
    %get3A_15 = arith.constant 0 : index
    %get3A_16 = arith.constant 0 : index
    %get3A_17 = vector.load %arg1[%get3A_14, %get3A_15, %get3A_16] : memref<2x10112x64xf32, #tpu.memory_space<vmem>>, vector<1x10000x64xf32>
    %get3A_18 = vector.shape_cast %get3A_17 : vector<1x10000x64xf32> to vector<10000x64xf32>
    %get3A_19 = arith.constant 0 : index
    %get3A_20 = arith.constant 0 : index
    %get3A_21 = vector.load %arg2[%get3A_19, %get3A_20] : memref<128x128xf32, #tpu.memory_space<vmem>>, vector<128x128xf32>
    %get3A_22 = arith.constant 0 : index
    %get3A_23 = arith.constant 0 : index
    %get3A_24 = vector.load %arg3[%get3A_22, %get3A_23] : memref<1x128xf32, #tpu.memory_space<vmem>>, vector<1x128xf32>
    %get3A_25 = arith.constant 0 : index
    %get3A_26 = arith.constant 0 : index
    %get3A_27 = vector.load %arg4[%get3A_25, %get3A_26] : memref<128x128xf32, #tpu.memory_space<vmem>>, vector<128x128xf32>
    %get3A_28 = arith.constant 0 : index
    %get3A_29 = arith.constant 0 : index
    %get3A_30 = vector.load %arg5[%get3A_28, %get3A_29] : memref<1x128xf32, #tpu.memory_space<vmem>>, vector<1x128xf32>
    %get3A_31 = arith.constant 0 : index
    %get3A_32 = arith.constant 0 : index
    %get3A_33 = vector.load %arg6[%get3A_31, %get3A_32] : memref<1x128xf32, #tpu.memory_space<vmem>>, vector<1x128xf32>
    %get3A_34 = arith.constant 0 : index
    %get3A_35 = arith.constant 0 : index
    %get3A_36 = vector.load %arg7[%get3A_34, %get3A_35] : memref<1x128xf32, #tpu.memory_space<vmem>>, vector<1x128xf32>
    %slice3A = vector.extract_strided_slice %concatenate3A {offsets = [0, 0], sizes = [10000, 64], strides = [1, 1]} : vector<10000x128xf32> to vector<10000x64xf32>
    %add3A = arith.addf %slice3A, %get3A_13 : vector<10000x64xf32>
    %slice3A_37 = vector.extract_strided_slice %concatenate3A {offsets = [0, 64], sizes = [10000, 64], strides = [1, 1]} : vector<10000x128xf32> to vector<10000x64xf32>
    %add3A_38 = arith.addf %slice3A_37, %get3A_18 : vector<10000x64xf32>
    %concatenate3A_39 = tpu.concatenate %add3A, %add3A_38 in 1 : vector<10000x64xf32>, vector<10000x64xf32> -> vector<10000x128xf32>
    %dot_general3A = arith.constant dense<0.000000e+00> : vector<10000x128xf32>
    %dot_general3A_40 = tpu.matmul %concatenate3A_39, %get3A_21, %dot_general3A {dimension_numbers = #tpu.dot_dimension_numbers<[1], [0], [0], [1], [0, 0, 1, 1], [], []>, transpose_lhs_hint = false} : vector<10000x128xf32>, vector<128x128xf32>, vector<10000x128xf32> -> vector<10000x128xf32>
    %add3A_41 = vector.broadcast %get3A_24 : vector<1x128xf32> to vector<10000x128xf32>
    %add3A_42 = arith.addf %dot_general3A_40, %add3A_41 : vector<10000x128xf32>
    %max3A = arith.constant 0.000000e+00 : f32
    %max3A_43 = vector.broadcast %max3A : f32 to vector<10000x128xf32>
    %max3A_44 = arith.maximumf %add3A_42, %max3A_43 : vector<10000x128xf32>
    %dot_general3A_45 = arith.constant dense<0.000000e+00> : vector<10000x128xf32>
    %dot_general3A_46 = tpu.matmul %max3A_44, %get3A_27, %dot_general3A_45 {dimension_numbers = #tpu.dot_dimension_numbers<[1], [0], [0], [1], [0, 0, 1, 1], [], []>, transpose_lhs_hint = false} : vector<10000x128xf32>, vector<128x128xf32>, vector<10000x128xf32> -> vector<10000x128xf32>
    %add3A_47 = vector.broadcast %get3A_30 : vector<1x128xf32> to vector<10000x128xf32>
    %add3A_48 = arith.addf %dot_general3A_46, %add3A_47 : vector<10000x128xf32>
    %max3A_49 = arith.constant 0.000000e+00 : f32
    %max3A_50 = vector.broadcast %max3A_49 : f32 to vector<10000x128xf32>
    %max3A_51 = arith.maximumf %add3A_48, %max3A_50 : vector<10000x128xf32>
    %reduce_sum3A = arith.constant dense<0.000000e+00> : vector<128xf32>
    %reduce_sum3A_52 = vector.multi_reduction <add>, %max3A_51, %reduce_sum3A [0] : vector<10000x128xf32> to vector<128xf32>
    %broadcast_in_dim3A = vector.shape_cast %reduce_sum3A_52 : vector<128xf32> to vector<1x128xf32>
    %div3A = arith.constant 1.000000e+04 : f32
    %div3A_53 = vector.broadcast %div3A : f32 to vector<1x128xf32>
    %div3A_54 = arith.divf %broadcast_in_dim3A, %div3A_53 : vector<1x128xf32>
    %sub3A = vector.broadcast %div3A_54 : vector<1x128xf32> to vector<10000x128xf32>
    %sub3A_55 = arith.subf %max3A_51, %sub3A : vector<10000x128xf32>
    %square3A = arith.mulf %sub3A_55, %sub3A_55 : vector<10000x128xf32>
    %reduce_sum3A_56 = arith.constant dense<0.000000e+00> : vector<128xf32>
    %reduce_sum3A_57 = vector.multi_reduction <add>, %square3A, %reduce_sum3A_56 [0] : vector<10000x128xf32> to vector<128xf32>
    %broadcast_in_dim3A_58 = vector.shape_cast %reduce_sum3A_57 : vector<128xf32> to vector<1x128xf32>
    %div3A_59 = arith.constant 1.000000e+04 : f32
    %div3A_60 = vector.broadcast %div3A_59 : f32 to vector<1x128xf32>
    %div3A_61 = arith.divf %broadcast_in_dim3A_58, %div3A_60 : vector<1x128xf32>
    %sub3A_62 = vector.broadcast %div3A_54 : vector<1x128xf32> to vector<10000x128xf32>
    %sub3A_63 = arith.subf %max3A_51, %sub3A_62 : vector<10000x128xf32>
    %mul3A = vector.broadcast %get3A_33 : vector<1x128xf32> to vector<10000x128xf32>
    %mul3A_64 = arith.mulf %mul3A, %sub3A_63 : vector<10000x128xf32>
    %add3A_65 = arith.constant 9.99999974E-6 : f32
    %add3A_66 = vector.broadcast %add3A_65 : f32 to vector<1x128xf32>
    %add3A_67 = arith.addf %div3A_61, %add3A_66 : vector<1x128xf32>
    %rsqrt3A = math.rsqrt %add3A_67 : vector<1x128xf32>
    %mul3A_68 = vector.broadcast %rsqrt3A : vector<1x128xf32> to vector<10000x128xf32>
    %mul3A_69 = arith.mulf %mul3A_64, %mul3A_68 : vector<10000x128xf32>
    %add3A_70 = vector.broadcast %get3A_36 : vector<1x128xf32> to vector<10000x128xf32>
    %add3A_71 = arith.addf %mul3A_69, %add3A_70 : vector<10000x128xf32>
    %slice3A_72 = vector.extract_strided_slice %add3A_71 {offsets = [0, 0], sizes = [10000, 64], strides = [1, 1]} : vector<10000x128xf32> to vector<10000x64xf32>
    %swap3A = arith.constant 0 : index
    %swap3A_73 = arith.constant 0 : index
    %swap3A_74 = arith.constant 0 : index
    %swap3A_75 = vector.load %arg8[%swap3A, %swap3A_73, %swap3A_74] : memref<2x10000x64xf32, #tpu.memory_space<vmem>>, vector<1x10000x64xf32>
    %swap3A_76 = vector.shape_cast %swap3A_75 : vector<1x10000x64xf32> to vector<10000x64xf32>
    %swap3A_77 = vector.shape_cast %slice3A_72 : vector<10000x64xf32> to vector<1x10000x64xf32>
    tpu.vector_store %arg8[%swap3A, %swap3A_73, %swap3A_74], %swap3A_77 {strides = array<i32>} : memref<2x10000x64xf32, #tpu.memory_space<vmem>>, vector<1x10000x64xf32>,
    %slice3A_78 = vector.extract_strided_slice %add3A_71 {offsets = [0, 64], sizes = [10000, 64], strides = [1, 1]} : vector<10000x128xf32> to vector<10000x64xf32>
    %swap3A_79 = arith.constant 1 : index
    %swap3A_80 = arith.constant 0 : index
    %swap3A_81 = arith.constant 0 : index
    %swap3A_82 = vector.load %arg8[%swap3A_79, %swap3A_80, %swap3A_81] : memref<2x10000x64xf32, #tpu.memory_space<vmem>>, vector<1x10000x64xf32>
    %swap3A_83 = vector.shape_cast %swap3A_82 : vector<1x10000x64xf32> to vector<10000x64xf32>
    %swap3A_84 = vector.shape_cast %slice3A_78 : vector<10000x64xf32> to vector<1x10000x64xf32>
    tpu.vector_store %arg8[%swap3A_79, %swap3A_80, %swap3A_81], %swap3A_84 {strides = array<i32>} : memref<2x10000x64xf32, #tpu.memory_space<vmem>>, vector<1x10000x64xf32>,
    return
  }
}

module attributes {stable_mosaic.version = 14 : i64} {
  func.func @_tc_last_body(%arg0: memref<2x10000x64xf32, #tpu.memory_space<vmem>>, %arg1: memref<2x10112x64xf32, #tpu.memory_space<vmem>>, %arg2: memref<128x128xf32, #tpu.memory_space<vmem>>, %arg3: memref<1x128xf32, #tpu.memory_space<vmem>>, %arg4: memref<128x128xf32, #tpu.memory_space<vmem>>, %arg5: memref<1x128xf32, #tpu.memory_space<vmem>>, %arg6: memref<1x128xf32, #tpu.memory_space<vmem>>, %arg7: memref<1x128xf32, #tpu.memory_space<vmem>>, %arg8: memref<10000x1xi32, #tpu.memory_space<vmem>>, %arg9: memref<128x256xf32, #tpu.memory_space<vmem>>, %arg10: memref<1x256xf32, #tpu.memory_space<vmem>>, %arg11: memref<10000x128xf32, #tpu.memory_space<vmem>>, %arg12: memref<128x256xf32, #tpu.memory_space<vmem>>) attributes {dimension_semantics = [], scalar_prefetch = 0 : i64, scratch_operands = 0 : i64, tpu.core_type = #tpu.core_type<tc>} {
    %get3A = arith.constant 0 : index
    %get3A_0 = arith.constant 0 : index
    %get3A_1 = arith.constant 0 : index
    %get3A_2 = vector.load %arg0[%get3A, %get3A_0, %get3A_1] : memref<2x10000x64xf32, #tpu.memory_space<vmem>>, vector<1x10000x64xf32>
    %get3A_3 = vector.shape_cast %get3A_2 : vector<1x10000x64xf32> to vector<10000x64xf32>
    %get3A_4 = arith.constant 1 : index
    %get3A_5 = arith.constant 0 : index
    %get3A_6 = arith.constant 0 : index
    %get3A_7 = vector.load %arg0[%get3A_4, %get3A_5, %get3A_6] : memref<2x10000x64xf32, #tpu.memory_space<vmem>>, vector<1x10000x64xf32>
    %get3A_8 = vector.shape_cast %get3A_7 : vector<1x10000x64xf32> to vector<10000x64xf32>
    %concatenate3A = tpu.concatenate %get3A_3, %get3A_8 in 1 : vector<10000x64xf32>, vector<10000x64xf32> -> vector<10000x128xf32>
    %get3A_9 = arith.constant 0 : index
    %get3A_10 = arith.constant 0 : index
    %get3A_11 = arith.constant 0 : index
    %get3A_12 = vector.load %arg1[%get3A_9, %get3A_10, %get3A_11] : memref<2x10112x64xf32, #tpu.memory_space<vmem>>, vector<1x10000x64xf32>
    %get3A_13 = vector.shape_cast %get3A_12 : vector<1x10000x64xf32> to vector<10000x64xf32>
    %get3A_14 = arith.constant 1 : index
    %get3A_15 = arith.constant 0 : index
    %get3A_16 = arith.constant 0 : index
    %get3A_17 = vector.load %arg1[%get3A_14, %get3A_15, %get3A_16] : memref<2x10112x64xf32, #tpu.memory_space<vmem>>, vector<1x10000x64xf32>
    %get3A_18 = vector.shape_cast %get3A_17 : vector<1x10000x64xf32> to vector<10000x64xf32>
    %get3A_19 = arith.constant 0 : index
    %get3A_20 = arith.constant 0 : index
    %get3A_21 = vector.load %arg2[%get3A_19, %get3A_20] : memref<128x128xf32, #tpu.memory_space<vmem>>, vector<128x128xf32>
    %get3A_22 = arith.constant 0 : index
    %get3A_23 = arith.constant 0 : index
    %get3A_24 = vector.load %arg3[%get3A_22, %get3A_23] : memref<1x128xf32, #tpu.memory_space<vmem>>, vector<1x128xf32>
    %get3A_25 = arith.constant 0 : index
    %get3A_26 = arith.constant 0 : index
    %get3A_27 = vector.load %arg4[%get3A_25, %get3A_26] : memref<128x128xf32, #tpu.memory_space<vmem>>, vector<128x128xf32>
    %get3A_28 = arith.constant 0 : index
    %get3A_29 = arith.constant 0 : index
    %get3A_30 = vector.load %arg5[%get3A_28, %get3A_29] : memref<1x128xf32, #tpu.memory_space<vmem>>, vector<1x128xf32>
    %get3A_31 = arith.constant 0 : index
    %get3A_32 = arith.constant 0 : index
    %get3A_33 = vector.load %arg6[%get3A_31, %get3A_32] : memref<1x128xf32, #tpu.memory_space<vmem>>, vector<1x128xf32>
    %get3A_34 = arith.constant 0 : index
    %get3A_35 = arith.constant 0 : index
    %get3A_36 = vector.load %arg7[%get3A_34, %get3A_35] : memref<1x128xf32, #tpu.memory_space<vmem>>, vector<1x128xf32>
    %slice3A = vector.extract_strided_slice %concatenate3A {offsets = [0, 0], sizes = [10000, 64], strides = [1, 1]} : vector<10000x128xf32> to vector<10000x64xf32>
    %add3A = arith.addf %slice3A, %get3A_13 : vector<10000x64xf32>
    %slice3A_37 = vector.extract_strided_slice %concatenate3A {offsets = [0, 64], sizes = [10000, 64], strides = [1, 1]} : vector<10000x128xf32> to vector<10000x64xf32>
    %add3A_38 = arith.addf %slice3A_37, %get3A_18 : vector<10000x64xf32>
    %concatenate3A_39 = tpu.concatenate %add3A, %add3A_38 in 1 : vector<10000x64xf32>, vector<10000x64xf32> -> vector<10000x128xf32>
    %dot_general3A = arith.constant dense<0.000000e+00> : vector<10000x128xf32>
    %dot_general3A_40 = tpu.matmul %concatenate3A_39, %get3A_21, %dot_general3A {dimension_numbers = #tpu.dot_dimension_numbers<[1], [0], [0], [1], [0, 0, 1, 1], [], []>, transpose_lhs_hint = false} : vector<10000x128xf32>, vector<128x128xf32>, vector<10000x128xf32> -> vector<10000x128xf32>
    %add3A_41 = vector.broadcast %get3A_24 : vector<1x128xf32> to vector<10000x128xf32>
    %add3A_42 = arith.addf %dot_general3A_40, %add3A_41 : vector<10000x128xf32>
    %max3A = arith.constant 0.000000e+00 : f32
    %max3A_43 = vector.broadcast %max3A : f32 to vector<10000x128xf32>
    %max3A_44 = arith.maximumf %add3A_42, %max3A_43 : vector<10000x128xf32>
    %dot_general3A_45 = arith.constant dense<0.000000e+00> : vector<10000x128xf32>
    %dot_general3A_46 = tpu.matmul %max3A_44, %get3A_27, %dot_general3A_45 {dimension_numbers = #tpu.dot_dimension_numbers<[1], [0], [0], [1], [0, 0, 1, 1], [], []>, transpose_lhs_hint = false} : vector<10000x128xf32>, vector<128x128xf32>, vector<10000x128xf32> -> vector<10000x128xf32>
    %add3A_47 = vector.broadcast %get3A_30 : vector<1x128xf32> to vector<10000x128xf32>
    %add3A_48 = arith.addf %dot_general3A_46, %add3A_47 : vector<10000x128xf32>
    %max3A_49 = arith.constant 0.000000e+00 : f32
    %max3A_50 = vector.broadcast %max3A_49 : f32 to vector<10000x128xf32>
    %max3A_51 = arith.maximumf %add3A_48, %max3A_50 : vector<10000x128xf32>
    %reduce_sum3A = arith.constant dense<0.000000e+00> : vector<128xf32>
    %reduce_sum3A_52 = vector.multi_reduction <add>, %max3A_51, %reduce_sum3A [0] : vector<10000x128xf32> to vector<128xf32>
    %broadcast_in_dim3A = vector.shape_cast %reduce_sum3A_52 : vector<128xf32> to vector<1x128xf32>
    %div3A = arith.constant 1.000000e+04 : f32
    %div3A_53 = vector.broadcast %div3A : f32 to vector<1x128xf32>
    %div3A_54 = arith.divf %broadcast_in_dim3A, %div3A_53 : vector<1x128xf32>
    %sub3A = vector.broadcast %div3A_54 : vector<1x128xf32> to vector<10000x128xf32>
    %sub3A_55 = arith.subf %max3A_51, %sub3A : vector<10000x128xf32>
    %square3A = arith.mulf %sub3A_55, %sub3A_55 : vector<10000x128xf32>
    %reduce_sum3A_56 = arith.constant dense<0.000000e+00> : vector<128xf32>
    %reduce_sum3A_57 = vector.multi_reduction <add>, %square3A, %reduce_sum3A_56 [0] : vector<10000x128xf32> to vector<128xf32>
    %broadcast_in_dim3A_58 = vector.shape_cast %reduce_sum3A_57 : vector<128xf32> to vector<1x128xf32>
    %div3A_59 = arith.constant 1.000000e+04 : f32
    %div3A_60 = vector.broadcast %div3A_59 : f32 to vector<1x128xf32>
    %div3A_61 = arith.divf %broadcast_in_dim3A_58, %div3A_60 : vector<1x128xf32>
    %sub3A_62 = vector.broadcast %div3A_54 : vector<1x128xf32> to vector<10000x128xf32>
    %sub3A_63 = arith.subf %max3A_51, %sub3A_62 : vector<10000x128xf32>
    %mul3A = vector.broadcast %get3A_33 : vector<1x128xf32> to vector<10000x128xf32>
    %mul3A_64 = arith.mulf %mul3A, %sub3A_63 : vector<10000x128xf32>
    %add3A_65 = arith.constant 9.99999974E-6 : f32
    %add3A_66 = vector.broadcast %add3A_65 : f32 to vector<1x128xf32>
    %add3A_67 = arith.addf %div3A_61, %add3A_66 : vector<1x128xf32>
    %rsqrt3A = math.rsqrt %add3A_67 : vector<1x128xf32>
    %mul3A_68 = vector.broadcast %rsqrt3A : vector<1x128xf32> to vector<10000x128xf32>
    %mul3A_69 = arith.mulf %mul3A_64, %mul3A_68 : vector<10000x128xf32>
    %add3A_70 = vector.broadcast %get3A_36 : vector<1x128xf32> to vector<10000x128xf32>
    %add3A_71 = arith.addf %mul3A_69, %add3A_70 : vector<10000x128xf32>
    %swap3A = arith.constant 0 : index
    %swap3A_72 = arith.constant 0 : index
    %swap3A_73 = vector.load %arg11[%swap3A, %swap3A_72] : memref<10000x128xf32, #tpu.memory_space<vmem>>, vector<10000x128xf32>
    tpu.vector_store %arg11[%swap3A, %swap3A_72], %add3A_71 {strides = array<i32>} : memref<10000x128xf32, #tpu.memory_space<vmem>>, vector<10000x128xf32>,
    %get3A_74 = arith.constant 0 : index
    %get3A_75 = arith.constant 0 : index
    %get3A_76 = vector.load %arg8[%get3A_74, %get3A_75] : memref<10000x1xi32, #tpu.memory_space<vmem>>, vector<10000x1xi32>
    %iota3A = tpu.iota {dimensions = array<i32: 1>} : vector<10000x128xi32>
    %eq3A = vector.broadcast %get3A_76 : vector<10000x1xi32> to vector<10000x128xi32>
    %eq3A_77 = arith.cmpi eq, %eq3A, %iota3A : vector<10000x128xi32>
    %convert_element_type3A = arith.extui %eq3A_77 : vector<10000x128xi1> to vector<10000x128xi32>
    %convert_element_type3A_78 = arith.sitofp %convert_element_type3A : vector<10000x128xi32> to vector<10000x128xf32>
    %dot_general3A_79 = arith.constant dense<0.000000e+00> : vector<128x128xf32>
    %dot_general3A_80 = tpu.matmul %convert_element_type3A_78, %add3A_71, %dot_general3A_79 {dimension_numbers = #tpu.dot_dimension_numbers<[0], [0], [1], [1], [0, 1, 1, 1], [], []>, transpose_lhs_hint = false} : vector<10000x128xf32>, vector<10000x128xf32>, vector<128x128xf32> -> vector<128x128xf32>
    %get3A_81 = arith.constant 0 : index
    %get3A_82 = arith.constant 0 : index
    %get3A_83 = vector.load %arg9[%get3A_81, %get3A_82] : memref<128x256xf32, #tpu.memory_space<vmem>>, vector<128x256xf32>
    %dot_general3A_84 = arith.constant dense<0.000000e+00> : vector<128x256xf32>
    %dot_general3A_85 = tpu.matmul %dot_general3A_80, %get3A_83, %dot_general3A_84 {dimension_numbers = #tpu.dot_dimension_numbers<[1], [0], [0], [1], [0, 0, 1, 1], [], []>, transpose_lhs_hint = false} : vector<128x128xf32>, vector<128x256xf32>, vector<128x256xf32> -> vector<128x256xf32>
    %get3A_86 = arith.constant 0 : index
    %get3A_87 = arith.constant 0 : index
    %get3A_88 = vector.load %arg10[%get3A_86, %get3A_87] : memref<1x256xf32, #tpu.memory_space<vmem>>, vector<1x256xf32>
    %add3A_89 = vector.broadcast %get3A_88 : vector<1x256xf32> to vector<128x256xf32>
    %add3A_90 = arith.addf %dot_general3A_85, %add3A_89 : vector<128x256xf32>
    %swap3A_91 = arith.constant 0 : index
    %swap3A_92 = arith.constant 0 : index
    %swap3A_93 = vector.load %arg12[%swap3A_91, %swap3A_92] : memref<128x256xf32, #tpu.memory_space<vmem>>, vector<128x256xf32>
    tpu.vector_store %arg12[%swap3A_91, %swap3A_92], %add3A_90 {strides = array<i32>} : memref<128x256xf32, #tpu.memory_space<vmem>>, vector<128x256xf32>,
    return
  }
}

</mosaic_0001>

<sc_bundles>
// kernel: kernel.11.cloned.1.call-start
scs
__scs_entry_jumppad:
0x0: {  	(pc) =	sbr.rel $0x88, $3  }
0x1: {  	(tag) =	ssettag $0x0;
	lr =	simm.s32 $0x1  }
0x2: {  	[smem:$0x3F8A] =	sst lr;
	_ =	strace $0xD0000000  }
0x3: {  	_ = 	snop  }
0x4: {  	_ = 	snop  }
0x5: {  	_ = 	snop  }
0x6: {  	_ = 	snop  }
0x7: {  	_ = 	snop  }
__scs_overlays_trampoline_lowered:
0x8: {  	[smem:$0x3F99] =	sst s0  }
0x9: {  	[smem:$0x3F9A] =	sst s1  }
0xa: {  	[smem:$0x3F9B] =	sst s2  }
0xb: {  	[smem:$0x3F9C] =	sst s3  }
0xc: {  	[smem:$0x3F9D] =	sst s4  }
0xd: {  	[smem:$0x3F9E] =	sst s5  }
0xe: {  	[smem:$0x3F9F] =	sst s6  }
0xf: {  	[smem:$0x3FA0] =	sst s7  }
0x10: {  	[smem:$0x3FA1] =	sst s8  }
0x11: {  	[smem:$0x3FA2] =	sst s9;
	s0 =	simm.s32 @!p0 $0x0  }
0x12: {  	s1 =	sld [smem:$0x3F88];
	s0 =	simm.s32 @p0 $0x1  }
0x13: {  	[smem:$0x3FA3] =	sst s0;
	s0 =	simm.s32 @!p1 $0x0  }
0x14: {  	s2 =	sld [smem:$0x3F87];
	s0 =	simm.s32 @p1 $0x1  }
0x15: {  	[smem:$0x3FA4] =	sst s0;
	s0 =	simm.s32 @!p2 $0x0  }
0x16: {  	s3 =	sld [smem:$0x3FDB];
	s0 =	simm.s32 @p2 $0x1  }
0x17: {  	s4 =	simm.s32 $0x1BF5;
	[smem:$0x3FA6] =	sst s0  }
0x18: {  	s0 =	sld [smem:$0x3F89];
	_ =	swait.ge [sflag:s4], $0x0  }
0x19: {  	s7 =	sld [smem:$0x3F8A]  }
0x1a: {  	s8 =	sadd.s32 $0xFFFFE003, lr  }
0x1b: {  	s9 =	sadd.s32 $0xFFFFFEF7, lr;
	s5 =	simm.s32 $0xFFFFFFFF;
	p2 =	slt.u32 s8, $0xFFFFF086  }
0x1c: {  	p1 =	slt.u32 s9, $0xF7A;
	s5 =	simm.s32 @!p2 $0x0  }
0x1d: {  	s5 =	simm.s32 @p1 $0x1;
	p0 =	seq.s32 s7, s2  }
0x1e: {  	s7 =	smul.u32 @!p0 $0xF7A, s2;
	p2 =	seq.s32 @!p0 s5, $0x0  }
0x1f: {  	s9 =	smul.u32 $0xF7A, s1;
	s8 =	simm.s32 @!p0 $0x1BF5;
	p2 =	por !p2, p0  }
0x20: {  	[sflag:s8] =	ssyncset.s32 @!p0 $0xFFFFF086;
	s6 =	sadd.s32 @!p0 s3, s7;
	s7 =	simm.s32 @!p0 $0x108  }
0x21: {  	s3 =	sadd.s32 s3, s9;
	s6 =	sadd.s32 @!p0 $0x88, s6;
	s7 =	simm.s32 @p2 $0x1082  }
0x22: {  	[simem:s7], [sflag:s8] =	dma.local @!p0 [hbm:s6], $0xF7A  }
0x23: {  	s9 =	sor.u32 $0xD0000000, s2;
	s6 =	simm.s32 $0x108;
	_ =	swait.ge @!p0 [sflag:s8], $0x0  }
0x24: {  	s3 =	sadd.s32 $0x88, s3;
	s6 =	simm.s32 @!p1 $0x1082;
	[sflag:s4] =	ssyncset.s32 $0xFFFFF086  }
0x25: {  	[simem:s6], [sflag:s4] =	dma.local [hbm:s3], $0xF7A  }
0x26: {  	[smem:$0x3F8A] =	sst s1;
	(tag) =	ssettag s2;
	_ =	strace s9  }
0x27: {  	s1 =	sld [smem:$0x3F9A]  }
0x28: {  	s2 =	sld [smem:$0x3F9B]  }
0x29: {  	s4 =	sld [smem:$0x3F9D]  }
0x2a: {  	p0 =	seq.s32 s5, $0x0;
	s5 =	sld [smem:$0x3F9E]  }
0x2b: {  	s6 =	sld [smem:$0x3F9F]  }
0x2c: {  	s7 =	sld [smem:$0x3FA0]  }
0x2d: {  	s3 =	simm.s32 $0x108;
	s8 =	sld [smem:$0x3FA1]  }
0x2e: {  	s3 =	simm.s32 @!p0 $0x1082;
	s9 =	sld [smem:$0x3FA2]  }
0x2f: {  	lr =	sadd.s32 s0, s3;
	s0 =	sld [smem:$0x3F99]  }
0x30: {  	s3 =	sld [smem:$0x3F9C]  }
0x31: {  	[smem:$0x3FA5] =	sst s10  }
0x32: {  	s10 =	sld [smem:$0x3FA3];
	_ =	sdelay $0x3  }
0x33: {  	p0 =	seq.s32 s10, $0x1;
	s10 =	sld [smem:$0x3FA5];
	_ =	sdelay $0x3  }
0x34: {  	[smem:$0x3FA5] =	sst s10  }
0x35: {  	s10 =	sld [smem:$0x3FA4];
	_ =	sdelay $0x3  }
0x36: {  	p1 =	seq.s32 s10, $0x1;
	s10 =	sld [smem:$0x3FA5];
	_ =	sdelay $0x3  }
0x37: {  	[smem:$0x3FA5] =	sst s10  }
0x38: {  	s10 =	sld [smem:$0x3FA6]  }
0x39: {  	_ = 	snop;
	(pc) =	sbr.ind lr, $3  }
0x3a: {  	_ = 	snop  }
0x3b: {  	_ = 	snop  }
0x3c: {  	p2 =	seq.s32 s10, $0x1;
	s10 =	sld [smem:$0x3FA5]  }
0x3d: {  	_ =	shalt  }
0x3e: {  	_ =	shalt  }
0x3f: {  	_ =	shalt  }
0x40: {  	_ =	shalt  }
0x41: {  	_ =	shalt  }
0x42: {  	_ =	shalt  }
0x43: {  	_ =	shalt  }
0x44: {  	_ =	shalt  }
0x45: {  	_ =	shalt  }
0x46: {  	_ =	shalt  }
0x47: {  	_ =	shalt  }
0x48: {  	_ =	shalt  }
0x49: {  	_ =	shalt  }
0x4a: {  	_ =	shalt  }
0x4b: {  	_ =	shalt  }
0x4c: {  	_ =	shalt  }
0x4d: {  	_ =	shalt  }
0x4e: {  	_ =	shalt  }
0x4f: {  	_ =	shalt  }
0x50: {  	_ =	shalt  }
0x51: {  	_ =	shalt  }
0x52: {  	_ =	shalt  }
0x53: {  	_ =	shalt  }
0x54: {  	_ =	shalt  }
0x55: {  	_ =	shalt  }
0x56: {  	_ =	shalt  }
0x57: {  	_ =	shalt  }
0x58: {  	_ =	shalt  }
0x59: {  	_ =	shalt  }
0x5a: {  	_ =	shalt  }
0x5b: {  	_ =	shalt  }
0x5c: {  	_ =	shalt  }
0x5d: {  	_ =	shalt  }
0x5e: {  	_ =	shalt  }
0x5f: {  	_ =	shalt  }
0x60: {  	_ =	shalt  }
0x61: {  	_ =	shalt  }
0x62: {  	_ =	shalt  }
0x63: {  	_ =	shalt  }
0x64: {  	_ =	shalt  }
0x65: {  	_ =	shalt  }
0x66: {  	_ =	shalt  }
0x67: {  	_ =	shalt  }
0x68: {  	_ =	shalt  }
0x69: {  	_ =	shalt  }
0x6a: {  	_ =	shalt  }
0x6b: {  	_ =	shalt  }
0x6c: {  	_ =	shalt  }
0x6d: {  	_ =	shalt  }
0x6e: {  	_ =	shalt  }
0x6f: {  	_ =	shalt  }
0x70: {  	_ =	shalt  }
0x71: {  	_ =	shalt  }
0x72: {  	_ =	shalt  }
0x73: {  	_ =	shalt  }
0x74: {  	_ =	shalt  }
0x75: {  	_ =	shalt  }
0x76: {  	_ =	shalt  }
0x77: {  	_ =	shalt  }
0x78: {  	_ =	shalt  }
0x79: {  	_ =	shalt  }
0x7a: {  	_ =	shalt  }
0x7b: {  	_ =	shalt  }
0x7c: {  	_ =	shalt  }
0x7d: {  	_ =	shalt  }
0x7e: {  	_ =	shalt  }
0x7f: {  	_ =	shalt  }
0x80: {  	_ =	shalt  }
0x81: {  	_ =	shalt  }
0x82: {  	_ =	shalt  }
0x83: {  	_ =	shalt  }
0x84: {  	_ =	shalt  }
0x85: {  	_ =	shalt  }
0x86: {  	_ =	shalt  }
0x87: {  	_ =	shalt  }
.Lfunc_end0:
.L_simem_size_0:
called_computation.1_lowered:
.L_overlay_start_0:
0x88: {  	s2 =	sld [smem:$0x3FD9]  }
0x89: {  	s3 =	sld [smem:$0x3FFE];
	_ =	sdelay $0x1  }
0x8a: {  	s1 =	srdreg.scid  }
0x8b: {  	s0 =	sand.u32 $0x1, s1  }
0x8c: {  	s14 =	sshll.u32 s0, $0xA;
	s2 =	sadd.s32 s3, s2  }
0x8d: {  	s2 =	sadd.s32 s2, s14  }
0x8e: {  	[smem:$0x3FB1] =	sst s2  }
0x8f: {  	_ = 	snop  }
0x90: {  	s2 =	sld [smem:$0x3FD0];
	_ =	sdelay $0x2  }
0x91: {  	s15 =	simm.s32 $0xA;
	s4 =	simm.s32 $0x10  }
0x92: {  	[smem:s4], [sflag:s15] =	dma.local [hbm:s2], $0x1  }
0x93: {  	_ =	swait.eq [sflag:s15], $0x1  }
0x94: {  	[sflag:s15] =	ssyncset.done $0x0  }
0x95: {  	[sflag:s15] =	ssyncadd.s32 $0xFFFFFFFF  }
0x96: {  	s16 =	sld [smem:$0x11];
	(tm) =	ssettm $0x1  }
0x97: {  	s17 =	sld [smem:$0x3FFB];
	_ =	sdelay $0x3  }
0x98: {  	_ =	strace s17  }
0x99: {  	s3 =	sld [smem:$0x3FFC];
	_ =	sdelay $0x3  }
0x9a: {  	_ =	strace s3  }
0x9b: {  	s3 =	sld [smem:$0x3FFD];
	_ =	sdelay $0x3  }
0x9c: {  	_ =	strace s3  }
0x9d: {  	_ =	strace $0x8FFFFFFF  }
0x9e: {  	s18 =	sld [smem:$0x3FDB];
	_ =	sdelay $0x1  }
0x9f: {  	s19 =	simm.s32 $_scs_section_size  }
0xa0: {  	s5 =	simm.s32 $_size__tile_overlayer_lowered;
	s6 =	simm.s32 $_tile_overlayer_lowered  }
0xa1: {  	s22 =	simm.s32 $0x1BFF;
	s21 =	sshll.u32 s6, $0x1;
	s3 =	sadd.s32 s19, s18  }
0xa2: {  	s7 =	simm.s32 $0x0;
	s20 =	sshll.u32 s5, $0x1;
	s5 =	sadd.s32 s21, s3  }
0xa3: {  	[timem:s7], [sflag:s22] =	dma.local [hbm:s5], s20  }
0xa4: {  	_ =	swait.ge [sflag:s22], s20  }
0xa5: {  	s4 =	ssub.s32 $0x0, s20;
	[sflag:s22] =	ssyncset.done $0x0  }
0xa6: {  	[sflag:s22] =	ssyncadd.s32 s4;
	_ =	sdelay $0x1  }
0xa7: {  	s23 =	simm.s32 $0x1B8B  }
0xa8: {  	_ =	swait.ge [sflag:s23], $0x1  }
0xa9: {  	[sflag:s23] =	ssyncset.done $0x0  }
0xaa: {  	s25 =	simm.s32 $0x1B8E;
	s24 =	sld [smem:$0x3FFE];
	[sflag:s23] =	ssyncadd.s32 $0xFFFFFFFF  }
0xab: {  	s26 =	simm.s32 $execute0_lowered;
	[smem:$0x3FD2] =	sst s25  }
0xac: {  	s5 =	sshll.u32 s26, $0x1;
	_ =	strace $0x80000049;
	[dreg:$0x1] =	wrdreg $0xFFFFFFFF  }
0xad: {  	s28 =	simm.s32 $_size_execute0_lowered;
	s3 =	sadd.s32 s3, s5;
	[dreg:$0x0] =	wrdreg $0x0  }
0xae: {  	s5 =	sshll.u32 s28, $0x1;
	[dreg:$0x2] =	wrdreg s3  }
0xaf: {  	[dreg:$0x3] =	wrdreg s5  }
0xb0: {  	[dreg:$0x4] =	wrdreg $0xC0  }
0xb1: {  	_ =	task [dreg:s7], $0x5FFFF  }
0xb2: {  	[dreg:$0x1] =	wrdreg $0xFFFFFFFF  }
0xb3: {  	[dreg:$0x0] =	wrdreg $0x60  }
0xb4: {  	[dreg:$0x2] =	wrdreg s16  }
0xb5: {  	[dreg:$0x3] =	wrdreg s24  }
0xb6: {  	[dreg:$0x4] =	wrdreg $0x8000  }
0xb7: {  	[dreg:$0x5] =	wrdreg $0xA6000  }
0xb8: {  	[dreg:$0x6] =	wrdreg $0x9  }
0xb9: {  	_ =	task.clear_ibuf [dreg:s7], $0x7FFFF;
	_ =	strace $0x90000049  }
0xba: {  	s29 =	simm.s32 $0x9;
	_ =	strace $0x8000004B  }
0xbb: {  	_ =	swait.ge [sflag:s29], $0x1  }
0xbc: {  	[sflag:s29] =	ssyncadd.s32 $0xFFFFFFFF  }
0xbd: {  	_ =	strace $0x9000004B  }
0xbe: {  	_ =	sfence  }
0xbf: {  	s30 =	sld [smem:$0x0];
	_ =	sdelay $0x2  }
0xc0: {  	s31 =	sshll.u32 s1, $0xD;
	s1 =	sshrl.u32 s1, $0x2  }
0xc1: {  	s3 =	sand.u32 $0x4000, s31;
	s1 =	sadd.s32 s1, s30  }
0xc2: {  	s0 =	sor.u32 s3, s0;
	s1 =	sshll.u32 s1, $0x11  }
0xc3: {  	s0 =	sor.u32 s1, s0  }
0xc4: {  	s0 =	sadd.s32 $0x8F2B, s0  }
0xc5: {  	[sflag:s0] =	ssyncadd.remote.s32 $0x1  }
0xc6: {  	_ =	sfence.sel $0xFFFF  }
0xc7: {  	[dreg:$0x0] =	wrdreg $0xFFFFFFFF;
	(pc) =	sbr.abs _section_cstart, $3  }
0xc8: {  	[dreg:$0x1] =	wrdreg $0xFFFFFFFF  }
0xc9: {  	_ =	task.clear_ibuf [dreg:s7], $0x2FFFF;
	_ =	strace $0x9FFFFFFF  }
0xca: {  	(tm) =	ssettm $0x7FFFFFFF  }
0xcb: {  	_ =	shalt  }
tec
execute0_lowered:
.L_overlay_start_1:
0x0: {  	(tag) =	ssettag $0x1  }
0x1: {  	s0 =	rddreg [dreg:$0x0]  }
0x2: {  	s2 =	rddreg [dreg:$0x1]  }
0x3: {  	s1 =	rddreg [dreg:$0x2]  }
0x4: {  	s3 =	rddreg [dreg:$0x3]  }
0x5: {  	s4 =	simm.s32 $0x0;
	s5 =	srdreg.scid;
	s13 =	stileid.u32  }
0x6: {  	s28 =	simm.s32 $0x1B240;
	s29 =	simm.s32 $0x1;
	s30 =	simm.s32 $0x2  }
0x7: {  	s31 =	simm.s32 $0x3;
	[smem:$0x7FF] =	sst s4;
	s6 =	smul.u32 $0x9E00, s13  }
0x8: {  	s5 =	sand.u32 $0x1, s5;
	s8 =	sadd.s32 $0xE600, s2;
	s12 =	smul.u32 $0x9C40, s13  }
0x9: {  	s9 =	sadd.s32 $0x4200, s2;
	s10 =	sadd.s32 $0x18A00, s2;
	s18 =	smul.u32 $0x5200, s13  }
0xa: {  	s17 =	sshll.u32 s13, $0x6;
	s20 =	smul.u32 $0xA40, s13;
	_ =	strace $0x8000004A  }
0xb: {  	s7 =	smul.u32 $0x9E000, s5;
	[dreg:$0x5] =	wrdreg s10;
	s14 =	ssub.s32 $0x2, s5  }
0xc: {  	s5 =	smul.u32 $0x9C400, s5;
	s11 =	sshrl.u32 s14, $0x1;
	s16 =	sadd.s32 s6, s1  }
0xd: {  	s19 =	sshrl.u32 s18, $0x3;
	s23 =	sadd.s32 s20, s9;
	s24 =	sadd.s32 s20, s8  }
0xe: {  	s18 =	simm.s32 $0x11;
	s20 =	simm.s32 $0x14240;
	s7 =	sadd.s32 s6, s7  }
0xf: {  	s15 =	ssub.s32 s14, s11;
	s5 =	sadd.s32 s12, s5;
	s6 =	sor.u32 $0x1C12, s17  }
0x10: {  	s12 =	sadd.s32 s12, s3;
	s11 =	sadd.s32 s8, s19;
	s25 =	sadd.s32 $0x40, s24  }
0x11: {  	s24 =	simm.s32 $0x18240;
	s17 =	simm.s32 $0x6;
	s7 =	sshrl.u32 s7, $0x3  }
0x12: {  	s5 =	sshrl.u32 s5, $0x3;
	[dreg:$0x7] =	wrdreg s11;
	s22 =	smax.u32 s15, $0x1  }
0x13: {  	[dreg:$0xc] =	wrdreg s25;
	s15 =	simm.s32 $0x12;
	s26 =	sshrl.u32 s12, $0x3  }
0x14: {  	s25 =	simm.s32 $0x19240;
	s11 =	simm.s32 $0x0;
	[dreg:$0xa] =	wrdreg s22  }
0x15: {  	s2 =	sadd.s32 s7, s2;
	s0 =	sadd.s32 s0, s5;
	[dreg:$0xe] =	wrdreg s26  }
0x16: {  	s22 =	simm.s32 $0x16240;
	s26 =	simm.s32 $0x1A240;
	s5 =	simm.s32 $0x7  }
0x17: {  	s7 =	simm.s32 $0x8;
	[dreg:$0x6] =	wrdreg s0;
	s0 =	sadd.s32 s9, s19  }
0x18: {  	s21 =	sadd.s32 $0x68000, s2;
	s9 =	sshrl.u32 s16, $0x3;
	[dreg:$0x8] =	wrdreg s0  }
0x19: {  	s19 =	simm.s32 $0x40;
	s2 =	simm.s32 $0x5;
	[dreg:$0x9] =	wrdreg s21  }
0x1a: {  	s0 =	sadd.s32 $0x40, s23;
	s21 =	simm.s32 $0x15240;
	[dreg:$0xd] =	wrdreg s9  }
0x1b: {  	s23 =	simm.s32 $0x17240;
	[dreg:$0xb] =	wrdreg s0;
	s0 =	simm.s32 $0x4  }
.LBB2_1:
0x1c: {  	s8 =	rddreg [dreg:$0x5]  }
0x1d: {  	[spmem:s9], [sflag:s6] =	dma.local [hbm:s8], $0x13C0  }
0x1e: {  	_ =	swait.ge [sflag:s15], $0x13C0  }
0x1f: {  	[sflag:s15] =	ssyncset.done $0x0;
	s9 =	rddreg [dreg:$0x6]  }
0x20: {  	s10 =	rddreg [dreg:$0xe];
	[sflag:s15] =	ssyncadd.s32 $0xFFFFEC40  }
0x21: {  	[spmem:s10], [sflag:s6] =	dma.local [hbm:s9], $0x1388  }
0x22: {  	_ =	swait.ge [sflag:s15], $0x1388  }
0x23: {  	[sflag:s15] =	ssyncset.done $0x0  }
0x24: {  	s12 =	rddreg [dreg:$0x7];
	[sflag:s15] =	ssyncadd.s32 $0xFFFFEC78  }
0x25: {  	[tilespmem:s4], [sflag:$0x11] =	stream.linear.gather [hbm4b:s12+s4], $0x200, $0x38;
	[tilespmem:$0x1C240] =	vst v63  }
0x26: {  	s14 =	simm.s32 $0x400;
	p0 =	por $0x1, $0x1;
	s13 =	rddreg [dreg:$0x8]  }
0x27: {  	[tilespmem:s14], [sflag:$0x11] =	stream.linear.gather [hbm4b:s13+s4], $0x200, $0x38;
	[tilespmem:$0x1C240] =	vst v63  }
0x28: {  	s8 =	simm.s32 @!p0 $0x9;
	[bflag:$0x0] =	sbarrier.arrive $0xFFFF  }
0x29: {  	_ =	swait.ge @!p0 [sflag:s8], $0x1000  }
0x2a: {  	[sflag:s8] =	ssyncset.done @!p0 $0x0  }
0x2b: {  	[sflag:s8] =	ssyncadd.s32 @!p0 $0xFFFFF000;
	s8 =	simm.s32 @!p0 $0xA  }
0x2c: {  	_ =	swait.ge @!p0 [sflag:s8], $0x1000  }
0x2d: {  	[sflag:s8] =	ssyncset.done @!p0 $0x0  }
0x2e: {  	[sflag:s8] =	ssyncadd.s32 @!p0 $0xFFFFF000;
	s8 =	simm.s32 @!p0 $0xB  }
0x2f: {  	_ =	swait.ge @!p0 [sflag:s8], $0x1000  }
0x30: {  	[sflag:s8] =	ssyncset.done @!p0 $0x0  }
0x31: {  	[sflag:s8] =	ssyncadd.s32 @!p0 $0xFFFFF000;
	s8 =	simm.s32 @!p0 $0xC  }
0x32: {  	_ =	swait.ge @!p0 [sflag:s8], $0x1000  }
0x33: {  	[sflag:s8] =	ssyncset.done @!p0 $0x0  }
0x34: {  	[sflag:s8] =	ssyncadd.s32 @!p0 $0xFFFFF000;
	s8 =	simm.s32 @!p0 $0xD  }
0x35: {  	_ =	swait.ge @!p0 [sflag:s8], $0x1000  }
0x36: {  	[sflag:s8] =	ssyncset.done @!p0 $0x0  }
0x37: {  	[sflag:s8] =	ssyncadd.s32 @!p0 $0xFFFFF000;
	s8 =	simm.s32 @!p0 $0xE  }
0x38: {  	_ =	swait.ge @!p0 [sflag:s8], $0x1000  }
0x39: {  	[sflag:s8] =	ssyncset.done @!p0 $0x0  }
0x3a: {  	[sflag:s8] =	ssyncadd.s32 @!p0 $0xFFFFF000;
	s8 =	simm.s32 @!p0 $0xF  }
0x3b: {  	_ =	swait.ge @!p0 [sflag:s8], $0x1000  }
0x3c: {  	[sflag:s8] =	ssyncset.done @!p0 $0x0  }
0x3d: {  	[sflag:s8] =	ssyncadd.s32 @!p0 $0xFFFFF000;
	s8 =	simm.s32 @!p0 $0x10  }
0x3e: {  	_ =	swait.ge @!p0 [sflag:s8], $0x1000  }
0x3f: {  	[sflag:s8] =	ssyncset.done @!p0 $0x0  }
0x40: {  	[sflag:s8] =	ssyncadd.s32 @!p0 $0xFFFFF000  }
0x41: {  	_ =	swait.ge [sflag:s18], $0x200  }
0x42: {  	[sflag:s18] =	ssyncset.done $0x0  }
0x43: {  	[sflag:s18] =	ssyncadd.s32 $0xFFFFFE00  }
0x44: {  	_ =	swait.ge [sflag:s18], $0x200  }
0x45: {  	s12 =	sand.u32 $0x200, s4;
	[sflag:s18] =	ssyncset.done $0x0  }
0x46: {  	s16 =	ssub.s32 $0x200, s12;
	s14 =	rddreg [dreg:$0xc];
	[sflag:s18] =	ssyncadd.s32 $0xFFFFFE00  }
0x47: {  	[tilespmem:s16], [sflag:$0x11] =	stream.linear.gather [hbm4b:s14+s4], $0x200, $0x38;
	[tilespmem:$0x1C240] =	vst v63  }
0x48: {  	s9 =	ssub.s32 $0x600, s12;
	s13 =	rddreg [dreg:$0xb]  }
0x49: {  	[tilespmem:s9], [sflag:$0x11] =	stream.linear.gather [hbm4b:s13+s4], $0x200, $0x38;
	[tilespmem:$0x1C240] =	vst v63  }
0x4a: {  	_ = 	snop  }
0x4b: {  	[tilespmem:s20], [sflag:$0x1] =	stream.indirect.gather [spmem:s3], $0x40, s12, s19, $0xb8;
	[tilespmem:$0x1C240] =	vst v63  }
0x4c: {  	s10 =	sor.u32 $0x40, s12  }
0x4d: {  	[tilespmem:s21], [sflag:$0x2] =	stream.indirect.gather [spmem:s3], $0x40, s10, s19, $0xb8;
	[tilespmem:$0x1C240] =	vst v63  }
0x4e: {  	s16 =	sor.u32 $0x80, s12  }
0x4f: {  	[tilespmem:s22], [sflag:$0x3] =	stream.indirect.gather [spmem:s3], $0x40, s16, s19, $0xb8;
	[tilespmem:$0x1C240] =	vst v63  }
0x50: {  	s9 =	sor.u32 $0xC0, s12  }
0x51: {  	[tilespmem:s23], [sflag:$0x4] =	stream.indirect.gather [spmem:s3], $0x40, s9, s19, $0xb8;
	[tilespmem:$0x1C240] =	vst v63  }
0x52: {  	s10 =	sor.u32 $0x100, s12  }
0x53: {  	[tilespmem:s24], [sflag:$0x5] =	stream.indirect.gather [spmem:s3], $0x40, s10, s19, $0xb8;
	[tilespmem:$0x1C240] =	vst v63  }
0x54: {  	s16 =	sor.u32 $0x140, s12  }
0x55: {  	[tilespmem:s25], [sflag:$0x6] =	stream.indirect.gather [spmem:s3], $0x40, s16, s19, $0xb8;
	[tilespmem:$0x1C240] =	vst v63  }
0x56: {  	s9 =	sor.u32 $0x180, s12  }
0x57: {  	[tilespmem:s26], [sflag:$0x7] =	stream.indirect.gather [spmem:s3], $0x40, s9, s19, $0xb8;
	[tilespmem:$0x1C240] =	vst v63  }
0x58: {  	s10 =	sor.u32 $0x1C0, s12  }
0x59: {  	[tilespmem:s28], [sflag:$0x8] =	stream.indirect.gather [spmem:s3], $0x40, s10, s19, $0xb8;
	[tilespmem:$0x1C240] =	vst v63  }
0x5a: {  	_ =	swait.ge [sflag:s29], $0x1000  }
0x5b: {  	[sflag:s29] =	ssyncset.done $0x0  }
0x5c: {  	s16 =	sor.u32 $0x400, s12;
	[sflag:s29] =	ssyncadd.s32 $0xFFFFF000  }
0x5d: {  	[spmem:s1] =	stream.indirect.scatter.add.f32 [tilespmem:s20], [sflag:$0x9], $0x40, s16, s19, $0xb8;
	[tilespmem:$0x1C240] =	vst v63  }
0x5e: {  	_ =	swait.ge [sflag:s30], $0x1000  }
0x5f: {  	[sflag:s30] =	ssyncset.done $0x0  }
0x60: {  	s9 =	sor.u32 $0x440, s12;
	[sflag:s30] =	ssyncadd.s32 $0xFFFFF000  }
0x61: {  	[spmem:s1] =	stream.indirect.scatter.add.f32 [tilespmem:s21], [sflag:$0xA], $0x40, s9, s19, $0xb8;
	[tilespmem:$0x1C240] =	vst v63  }
0x62: {  	_ =	swait.ge [sflag:s31], $0x1000  }
0x63: {  	[sflag:s31] =	ssyncset.done $0x0  }
0x64: {  	s10 =	sor.u32 $0x480, s12;
	[sflag:s31] =	ssyncadd.s32 $0xFFFFF000  }
0x65: {  	[spmem:s1] =	stream.indirect.scatter.add.f32 [tilespmem:s22], [sflag:$0xB], $0x40, s10, s19, $0xb8;
	[tilespmem:$0x1C240] =	vst v63  }
0x66: {  	_ =	swait.ge [sflag:s0], $0x1000  }
0x67: {  	[sflag:s0] =	ssyncset.done $0x0  }
0x68: {  	s16 =	sor.u32 $0x4C0, s12;
	[sflag:s0] =	ssyncadd.s32 $0xFFFFF000  }
0x69: {  	[spmem:s1] =	stream.indirect.scatter.add.f32 [tilespmem:s23], [sflag:$0xC], $0x40, s16, s19, $0xb8;
	[tilespmem:$0x1C240] =	vst v63  }
0x6a: {  	_ =	swait.ge [sflag:s2], $0x1000  }
0x6b: {  	[sflag:s2] =	ssyncset.done $0x0  }
0x6c: {  	s9 =	sor.u32 $0x500, s12;
	[sflag:s2] =	ssyncadd.s32 $0xFFFFF000  }
0x6d: {  	[spmem:s1] =	stream.indirect.scatter.add.f32 [tilespmem:s24], [sflag:$0xD], $0x40, s9, s19, $0xb8;
	[tilespmem:$0x1C240] =	vst v63  }
0x6e: {  	_ =	swait.ge [sflag:s17], $0x1000  }
0x6f: {  	[sflag:s17] =	ssyncset.done $0x0  }
0x70: {  	s10 =	sor.u32 $0x540, s12;
	[sflag:s17] =	ssyncadd.s32 $0xFFFFF000  }
0x71: {  	[spmem:s1] =	stream.indirect.scatter.add.f32 [tilespmem:s25], [sflag:$0xE], $0x40, s10, s19, $0xb8;
	[tilespmem:$0x1C240] =	vst v63  }
0x72: {  	_ =	swait.ge [sflag:s5], $0x1000  }
0x73: {  	p1 =	por $0x0, $0x0;
	[sflag:s5] =	ssyncset.done $0x0  }
0x74: {  	s8 =	simm.s32 $0x200;
	s16 =	sor.u32 $0x580, s12;
	[sflag:s5] =	ssyncadd.s32 $0xFFFFF000  }
0x75: {  	[spmem:s1] =	stream.indirect.scatter.add.f32 [tilespmem:s26], [sflag:$0xF], $0x40, s16, s19, $0xb8;
	[tilespmem:$0x1C240] =	vst v63  }
0x76: {  	s12 =	sor.u32 $0x5C0, s12;
	s9 =	sadd.s32 $0x40, s14;
	_ =	swait.ge [sflag:s7], $0x1000  }
0x77: {  	s10 =	simm.s32 $0x400;
	s16 =	sadd.s32 $0x40, s13;
	[sflag:s7] =	ssyncset.done $0x0  }
.LBB2_2:
0x78: {  	s14 =	simm.s32 @!p1 $0x9  }
0x79: {  	[sflag:s7] =	ssyncadd.s32 $0xFFFFF000;
	s13 =	smov.u32 s10;
	s10 =	sadd.s32 $0x200, s10  }
0x7a: {  	[spmem:s1] =	stream.indirect.scatter.add.f32 [tilespmem:s28], [sflag:$0x10], $0x40, s12, s19, $0xb8;
	[tilespmem:$0x1C240] =	vst v63  }
0x7b: {  	p0 =	sne.s32 s10, $0x5000;
	_ =	swait.ge @!p1 [sflag:s14], $0x1000  }
0x7c: {  	[sflag:s14] =	ssyncset.done @!p1 $0x0  }
0x7d: {  	s12 =	simm.s32 @!p1 $0xA;
	[sflag:s14] =	ssyncadd.s32 @!p1 $0xFFFFF000  }
0x7e: {  	_ =	swait.ge @!p1 [sflag:s12], $0x1000  }
0x7f: {  	[sflag:s12] =	ssyncset.done @!p1 $0x0  }
0x80: {  	[sflag:s12] =	ssyncadd.s32 @!p1 $0xFFFFF000;
	s12 =	simm.s32 @!p1 $0xB  }
0x81: {  	_ =	swait.ge @!p1 [sflag:s12], $0x1000  }
0x82: {  	[sflag:s12] =	ssyncset.done @!p1 $0x0  }
0x83: {  	[sflag:s12] =	ssyncadd.s32 @!p1 $0xFFFFF000;
	s12 =	simm.s32 @!p1 $0xC  }
0x84: {  	_ =	swait.ge @!p1 [sflag:s12], $0x1000  }
0x85: {  	[sflag:s12] =	ssyncset.done @!p1 $0x0  }
0x86: {  	[sflag:s12] =	ssyncadd.s32 @!p1 $0xFFFFF000;
	s12 =	simm.s32 @!p1 $0xD  }
0x87: {  	_ =	swait.ge @!p1 [sflag:s12], $0x1000  }
0x88: {  	[sflag:s12] =	ssyncset.done @!p1 $0x0  }
0x89: {  	[sflag:s12] =	ssyncadd.s32 @!p1 $0xFFFFF000;
	s12 =	simm.s32 @!p1 $0xE  }
0x8a: {  	_ =	swait.ge @!p1 [sflag:s12], $0x1000  }
0x8b: {  	[sflag:s12] =	ssyncset.done @!p1 $0x0  }
0x8c: {  	[sflag:s12] =	ssyncadd.s32 @!p1 $0xFFFFF000;
	s12 =	simm.s32 @!p1 $0xF  }
0x8d: {  	_ =	swait.ge @!p1 [sflag:s12], $0x1000  }
0x8e: {  	[sflag:s12] =	ssyncset.done @!p1 $0x0  }
0x8f: {  	[sflag:s12] =	ssyncadd.s32 @!p1 $0xFFFFF000;
	s12 =	simm.s32 @!p1 $0x10  }
0x90: {  	_ =	swait.ge @!p1 [sflag:s12], $0x1000  }
0x91: {  	[sflag:s12] =	ssyncset.done @!p1 $0x0  }
0x92: {  	[sflag:s12] =	ssyncadd.s32 @!p1 $0xFFFFF000  }
0x93: {  	_ =	swait.ge [sflag:s18], $0x200  }
0x94: {  	[sflag:s18] =	ssyncset.done $0x0  }
0x95: {  	[sflag:s18] =	ssyncadd.s32 $0xFFFFFE00  }
0x96: {  	_ =	swait.ge [sflag:s18], $0x200  }
0x97: {  	s12 =	sand.u32 $0x200, s8;
	s8 =	smov.u32 s13;
	[sflag:s18] =	ssyncset.done $0x0  }
0x98: {  	s13 =	ssub.s32 $0x200, s12;
	[sflag:s18] =	ssyncadd.s32 $0xFFFFFE00  }
0x99: {  	[tilespmem:s13], [sflag:$0x11] =	stream.linear.gather [hbm4b:s9+s4], $0x200, $0x38;
	[tilespmem:$0x1C240] =	vst v63  }
0x9a: {  	s13 =	ssub.s32 $0x600, s12  }
0x9b: {  	[tilespmem:s13], [sflag:$0x11] =	stream.linear.gather [hbm4b:s16+s4], $0x200, $0x38;
	[tilespmem:$0x1C240] =	vst v63  }
0x9c: {  	_ = 	snop  }
0x9d: {  	[tilespmem:s20], [sflag:$0x1] =	stream.indirect.gather [spmem:s3], $0x40, s12, s19, $0xb8;
	[tilespmem:$0x1C240] =	vst v63  }
0x9e: {  	s13 =	sor.u32 $0x40, s12  }
0x9f: {  	[tilespmem:s21], [sflag:$0x2] =	stream.indirect.gather [spmem:s3], $0x40, s13, s19, $0xb8;
	[tilespmem:$0x1C240] =	vst v63  }
0xa0: {  	s13 =	sor.u32 $0x80, s12  }
0xa1: {  	[tilespmem:s22], [sflag:$0x3] =	stream.indirect.gather [spmem:s3], $0x40, s13, s19, $0xb8;
	[tilespmem:$0x1C240] =	vst v63  }
0xa2: {  	s13 =	sor.u32 $0xC0, s12  }
0xa3: {  	[tilespmem:s23], [sflag:$0x4] =	stream.indirect.gather [spmem:s3], $0x40, s13, s19, $0xb8;
	[tilespmem:$0x1C240] =	vst v63  }
0xa4: {  	s13 =	sor.u32 $0x100, s12  }
0xa5: {  	[tilespmem:s24], [sflag:$0x5] =	stream.indirect.gather [spmem:s3], $0x40, s13, s19, $0xb8;
	[tilespmem:$0x1C240] =	vst v63  }
0xa6: {  	s13 =	sor.u32 $0x140, s12  }
0xa7: {  	[tilespmem:s25], [sflag:$0x6] =	stream.indirect.gather [spmem:s3], $0x40, s13, s19, $0xb8;
	[tilespmem:$0x1C240] =	vst v63  }
0xa8: {  	s13 =	sor.u32 $0x180, s12  }
0xa9: {  	[tilespmem:s26], [sflag:$0x7] =	stream.indirect.gather [spmem:s3], $0x40, s13, s19, $0xb8;
	[tilespmem:$0x1C240] =	vst v63  }
0xaa: {  	s13 =	sor.u32 $0x1C0, s12  }
0xab: {  	[tilespmem:s28], [sflag:$0x8] =	stream.indirect.gather [spmem:s3], $0x40, s13, s19, $0xb8;
	[tilespmem:$0x1C240] =	vst v63  }
0xac: {  	_ =	swait.ge [sflag:s29], $0x1000  }
0xad: {  	[sflag:s29] =	ssyncset.done $0x0  }
0xae: {  	s13 =	sor.u32 $0x400, s12;
	[sflag:s29] =	ssyncadd.s32 $0xFFFFF000  }
0xaf: {  	[spmem:s1] =	stream.indirect.scatter.add.f32 [tilespmem:s20], [sflag:$0x9], $0x40, s13, s19, $0xb8;
	[tilespmem:$0x1C240] =	vst v63  }
0xb0: {  	_ =	swait.ge [sflag:s30], $0x1000  }
0xb1: {  	[sflag:s30] =	ssyncset.done $0x0  }
0xb2: {  	s13 =	sor.u32 $0x440, s12;
	[sflag:s30] =	ssyncadd.s32 $0xFFFFF000  }
0xb3: {  	[spmem:s1] =	stream.indirect.scatter.add.f32 [tilespmem:s21], [sflag:$0xA], $0x40, s13, s19, $0xb8;
	[tilespmem:$0x1C240] =	vst v63  }
0xb4: {  	_ =	swait.ge [sflag:s31], $0x1000  }
0xb5: {  	[sflag:s31] =	ssyncset.done $0x0  }
0xb6: {  	s13 =	sor.u32 $0x480, s12;
	[sflag:s31] =	ssyncadd.s32 $0xFFFFF000  }
0xb7: {  	[spmem:s1] =	stream.indirect.scatter.add.f32 [tilespmem:s22], [sflag:$0xB], $0x40, s13, s19, $0xb8;
	[tilespmem:$0x1C240] =	vst v63  }
0xb8: {  	_ =	swait.ge [sflag:s0], $0x1000  }
0xb9: {  	[sflag:s0] =	ssyncset.done $0x0  }
0xba: {  	s13 =	sor.u32 $0x4C0, s12;
	[sflag:s0] =	ssyncadd.s32 $0xFFFFF000  }
0xbb: {  	[spmem:s1] =	stream.indirect.scatter.add.f32 [tilespmem:s23], [sflag:$0xC], $0x40, s13, s19, $0xb8;
	[tilespmem:$0x1C240] =	vst v63  }
0xbc: {  	_ =	swait.ge [sflag:s2], $0x1000  }
0xbd: {  	[sflag:s2] =	ssyncset.done $0x0  }
0xbe: {  	s13 =	sor.u32 $0x500, s12;
	[sflag:s2] =	ssyncadd.s32 $0xFFFFF000  }
0xbf: {  	[spmem:s1] =	stream.indirect.scatter.add.f32 [tilespmem:s24], [sflag:$0xD], $0x40, s13, s19, $0xb8;
	[tilespmem:$0x1C240] =	vst v63  }
0xc0: {  	_ =	swait.ge [sflag:s17], $0x1000  }
0xc1: {  	[sflag:s17] =	ssyncset.done $0x0  }
0xc2: {  	s13 =	sor.u32 $0x540, s12;
	[sflag:s17] =	ssyncadd.s32 $0xFFFFF000  }
0xc3: {  	[spmem:s1] =	stream.indirect.scatter.add.f32 [tilespmem:s25], [sflag:$0xE], $0x40, s13, s19, $0xb8;
	[tilespmem:$0x1C240] =	vst v63  }
0xc4: {  	_ =	swait.ge [sflag:s5], $0x1000  }
.Ltmp0:
0xc5: {  	[sflag:s5] =	ssyncset.done $0x0;
	(pc) =	sbr.rel @p0 .LBB2_2-.Ltmp0, $4  }
0xc6: {  	s13 =	sor.u32 $0x580, s12;
	[sflag:s5] =	ssyncadd.s32 $0xFFFFF000  }
0xc7: {  	[spmem:s1] =	stream.indirect.scatter.add.f32 [tilespmem:s26], [sflag:$0xF], $0x40, s13, s19, $0xb8;
	[tilespmem:$0x1C240] =	vst v63  }
0xc8: {  	s9 =	sadd.s32 $0x40, s9;
	s16 =	sadd.s32 $0x40, s16;
	_ =	swait.ge [sflag:s7], $0x1000  }
0xc9: {  	p1 =	seq.s32 s8, $0x0;
	s12 =	sor.u32 $0x5C0, s12;
	[sflag:s7] =	ssyncset.done $0x0  }
0xca: {  	[sflag:s7] =	ssyncadd.s32 $0xFFFFF000;
	s10 =	simm.s32 @!p1 $0x9  }
0xcb: {  	[spmem:s1] =	stream.indirect.scatter.add.f32 [tilespmem:s28], [sflag:$0x10], $0x40, s12, s19, $0xb8;
	[tilespmem:$0x1C240] =	vst v63  }
0xcc: {  	_ =	swait.ge @!p1 [sflag:s10], $0x1000  }
0xcd: {  	[sflag:s10] =	ssyncset.done @!p1 $0x0  }
0xce: {  	[sflag:s10] =	ssyncadd.s32 @!p1 $0xFFFFF000;
	s10 =	simm.s32 @!p1 $0xA  }
0xcf: {  	_ =	swait.ge @!p1 [sflag:s10], $0x1000  }
0xd0: {  	[sflag:s10] =	ssyncset.done @!p1 $0x0  }
0xd1: {  	[sflag:s10] =	ssyncadd.s32 @!p1 $0xFFFFF000;
	s10 =	simm.s32 @!p1 $0xB  }
0xd2: {  	_ =	swait.ge @!p1 [sflag:s10], $0x1000  }
0xd3: {  	[sflag:s10] =	ssyncset.done @!p1 $0x0  }
0xd4: {  	[sflag:s10] =	ssyncadd.s32 @!p1 $0xFFFFF000;
	s10 =	simm.s32 @!p1 $0xC  }
0xd5: {  	_ =	swait.ge @!p1 [sflag:s10], $0x1000  }
0xd6: {  	[sflag:s10] =	ssyncset.done @!p1 $0x0  }
0xd7: {  	[sflag:s10] =	ssyncadd.s32 @!p1 $0xFFFFF000;
	s10 =	simm.s32 @!p1 $0xD  }
0xd8: {  	_ =	swait.ge @!p1 [sflag:s10], $0x1000  }
0xd9: {  	[sflag:s10] =	ssyncset.done @!p1 $0x0  }
0xda: {  	[sflag:s10] =	ssyncadd.s32 @!p1 $0xFFFFF000;
	s10 =	simm.s32 @!p1 $0xE  }
0xdb: {  	_ =	swait.ge @!p1 [sflag:s10], $0x1000  }
0xdc: {  	[sflag:s10] =	ssyncset.done @!p1 $0x0  }
0xdd: {  	[sflag:s10] =	ssyncadd.s32 @!p1 $0xFFFFF000;
	s10 =	simm.s32 @!p1 $0xF  }
0xde: {  	_ =	swait.ge @!p1 [sflag:s10], $0x1000  }
0xdf: {  	[sflag:s10] =	ssyncset.done @!p1 $0x0  }
0xe0: {  	[sflag:s10] =	ssyncadd.s32 @!p1 $0xFFFFF000;
	s10 =	simm.s32 @!p1 $0x10  }
0xe1: {  	_ =	swait.ge @!p1 [sflag:s10], $0x1000  }
0xe2: {  	[sflag:s10] =	ssyncset.done @!p1 $0x0  }
0xe3: {  	[sflag:s10] =	ssyncadd.s32 @!p1 $0xFFFFF000  }
0xe4: {  	_ =	swait.ge [sflag:s18], $0x200  }
0xe5: {  	[sflag:s18] =	ssyncset.done $0x0  }
0xe6: {  	[sflag:s18] =	ssyncadd.s32 $0xFFFFFE00  }
0xe7: {  	_ =	swait.ge [sflag:s18], $0x200  }
0xe8: {  	s8 =	sand.u32 $0x200, s8;
	[sflag:s18] =	ssyncset.done $0x0  }
0xe9: {  	s14 =	ssub.s32 $0x200, s8;
	[sflag:s18] =	ssyncadd.s32 $0xFFFFFE00  }
0xea: {  	[tilespmem:s14], [sflag:$0x11] =	stream.linear.gather [hbm4b:s9+s4], $0x200, $0x38;
	[tilespmem:$0x1C240] =	vst v63  }
0xeb: {  	s12 =	ssub.s32 $0x600, s8  }
0xec: {  	[tilespmem:s12], [sflag:$0x11] =	stream.linear.gather [hbm4b:s16+s4], $0x200, $0x38;
	[tilespmem:$0x1C240] =	vst v63  }
0xed: {  	_ = 	snop  }
0xee: {  	[tilespmem:s20], [sflag:$0x1] =	stream.indirect.gather [spmem:s3], $0x40, s8, s19, $0xb8;
	[tilespmem:$0x1C240] =	vst v63  }
0xef: {  	s13 =	sor.u32 $0x40, s8  }
0xf0: {  	[tilespmem:s21], [sflag:$0x2] =	stream.indirect.gather [spmem:s3], $0x40, s13, s19, $0xb8;
	[tilespmem:$0x1C240] =	vst v63  }
0xf1: {  	s14 =	sor.u32 $0x80, s8  }
0xf2: {  	[tilespmem:s22], [sflag:$0x3] =	stream.indirect.gather [spmem:s3], $0x40, s14, s19, $0xb8;
	[tilespmem:$0x1C240] =	vst v63  }
0xf3: {  	s16 =	sor.u32 $0xC0, s8  }
0xf4: {  	[tilespmem:s23], [sflag:$0x4] =	stream.indirect.gather [spmem:s3], $0x40, s16, s19, $0xb8;
	[tilespmem:$0x1C240] =	vst v63  }
0xf5: {  	s10 =	sor.u32 $0x100, s8  }
0xf6: {  	[tilespmem:s24], [sflag:$0x5] =	stream.indirect.gather [spmem:s3], $0x40, s10, s19, $0xb8;
	[tilespmem:$0x1C240] =	vst v63  }
0xf7: {  	s12 =	sor.u32 $0x140, s8  }
0xf8: {  	[tilespmem:s25], [sflag:$0x6] =	stream.indirect.gather [spmem:s3], $0x40, s12, s19, $0xb8;
	[tilespmem:$0x1C240] =	vst v63  }
0xf9: {  	s13 =	sor.u32 $0x180, s8  }
0xfa: {  	[tilespmem:s26], [sflag:$0x7] =	stream.indirect.gather [spmem:s3], $0x40, s13, s19, $0xb8;
	[tilespmem:$0x1C240] =	vst v63  }
0xfb: {  	s14 =	sor.u32 $0x1C0, s8  }
0xfc: {  	[tilespmem:s28], [sflag:$0x8] =	stream.indirect.gather [spmem:s3], $0x40, s14, s19, $0xb8;
	[tilespmem:$0x1C240] =	vst v63  }
0xfd: {  	_ =	swait.ge [sflag:s29], $0x1000  }
0xfe: {  	[sflag:s29] =	ssyncset.done $0x0  }
0xff: {  	s16 =	sor.u32 $0x400, s8;
	[sflag:s29] =	ssyncadd.s32 $0xFFFFF000  }
0x100: {  	[spmem:s1] =	stream.indirect.scatter.add.f32 [tilespmem:s20], [sflag:$0x9], $0x40, s16, s19, $0xb8;
	[tilespmem:$0x1C240] =	vst v63  }
0x101: {  	_ =	swait.ge [sflag:s30], $0x1000  }
0x102: {  	[sflag:s30] =	ssyncset.done $0x0  }
0x103: {  	s10 =	sor.u32 $0x440, s8;
	[sflag:s30] =	ssyncadd.s32 $0xFFFFF000  }
0x104: {  	[spmem:s1] =	stream.indirect.scatter.add.f32 [tilespmem:s21], [sflag:$0xA], $0x40, s10, s19, $0xb8;
	[tilespmem:$0x1C240] =	vst v63  }
0x105: {  	_ =	swait.ge [sflag:s31], $0x1000  }
0x106: {  	[sflag:s31] =	ssyncset.done $0x0  }
0x107: {  	s12 =	sor.u32 $0x480, s8;
	[sflag:s31] =	ssyncadd.s32 $0xFFFFF000  }
0x108: {  	[spmem:s1] =	stream.indirect.scatter.add.f32 [tilespmem:s22], [sflag:$0xB], $0x40, s12, s19, $0xb8;
	[tilespmem:$0x1C240] =	vst v63  }
0x109: {  	_ =	swait.ge [sflag:s0], $0x1000  }
0x10a: {  	[sflag:s0] =	ssyncset.done $0x0  }
0x10b: {  	s13 =	sor.u32 $0x4C0, s8;
	[sflag:s0] =	ssyncadd.s32 $0xFFFFF000  }
0x10c: {  	[spmem:s1] =	stream.indirect.scatter.add.f32 [tilespmem:s23], [sflag:$0xC], $0x40, s13, s19, $0xb8;
	[tilespmem:$0x1C240] =	vst v63  }
0x10d: {  	_ =	swait.ge [sflag:s2], $0x1000  }
0x10e: {  	[sflag:s2] =	ssyncset.done $0x0  }
0x10f: {  	s14 =	sor.u32 $0x500, s8;
	[sflag:s2] =	ssyncadd.s32 $0xFFFFF000  }
0x110: {  	[spmem:s1] =	stream.indirect.scatter.add.f32 [tilespmem:s24], [sflag:$0xD], $0x40, s14, s19, $0xb8;
	[tilespmem:$0x1C240] =	vst v63  }
0x111: {  	_ =	swait.ge [sflag:s17], $0x1000  }
0x112: {  	[sflag:s17] =	ssyncset.done $0x0  }
0x113: {  	s16 =	sor.u32 $0x540, s8;
	[sflag:s17] =	ssyncadd.s32 $0xFFFFF000  }
0x114: {  	[spmem:s1] =	stream.indirect.scatter.add.f32 [tilespmem:s25], [sflag:$0xE], $0x40, s16, s19, $0xb8;
	[tilespmem:$0x1C240] =	vst v63  }
0x115: {  	_ =	swait.ge [sflag:s5], $0x1000  }
0x116: {  	[sflag:s5] =	ssyncset.done $0x0  }
0x117: {  	s10 =	sor.u32 $0x580, s8;
	[sflag:s5] =	ssyncadd.s32 $0xFFFFF000  }
0x118: {  	[spmem:s1] =	stream.indirect.scatter.add.f32 [tilespmem:s26], [sflag:$0xF], $0x40, s10, s19, $0xb8;
	[tilespmem:$0x1C240] =	vst v63  }
0x119: {  	_ =	swait.ge [sflag:s7], $0x1000  }
0x11a: {  	[sflag:s7] =	ssyncset.done $0x0  }
0x11b: {  	s8 =	sor.u32 $0x5C0, s8;
	s12 =	simm.s32 $0x9;
	[sflag:s7] =	ssyncadd.s32 $0xFFFFF000  }
0x11c: {  	[spmem:s1] =	stream.indirect.scatter.add.f32 [tilespmem:s28], [sflag:$0x10], $0x40, s8, s19, $0xb8;
	[tilespmem:$0x1C240] =	vst v63  }
0x11d: {  	_ =	swait.ge [sflag:s12], $0x1000  }
0x11e: {  	[sflag:s12] =	ssyncset.done $0x0  }
0x11f: {  	s13 =	simm.s32 $0xA;
	[sflag:s12] =	ssyncadd.s32 $0xFFFFF000  }
0x120: {  	_ =	swait.ge [sflag:s13], $0x1000  }
0x121: {  	[sflag:s13] =	ssyncset.done $0x0  }
0x122: {  	s14 =	simm.s32 $0xB;
	[sflag:s13] =	ssyncadd.s32 $0xFFFFF000  }
0x123: {  	_ =	swait.ge [sflag:s14], $0x1000  }
0x124: {  	[sflag:s14] =	ssyncset.done $0x0  }
0x125: {  	s16 =	simm.s32 $0xC;
	[sflag:s14] =	ssyncadd.s32 $0xFFFFF000  }
0x126: {  	_ =	swait.ge [sflag:s16], $0x1000  }
0x127: {  	[sflag:s16] =	ssyncset.done $0x0  }
0x128: {  	s9 =	simm.s32 $0xD;
	[sflag:s16] =	ssyncadd.s32 $0xFFFFF000  }
0x129: {  	_ =	swait.ge [sflag:s9], $0x1000  }
0x12a: {  	[sflag:s9] =	ssyncset.done $0x0  }
0x12b: {  	s10 =	simm.s32 $0xE;
	[sflag:s9] =	ssyncadd.s32 $0xFFFFF000  }
0x12c: {  	_ =	swait.ge [sflag:s10], $0x1000  }
0x12d: {  	[sflag:s10] =	ssyncset.done $0x0  }
0x12e: {  	s12 =	simm.s32 $0xF;
	[sflag:s10] =	ssyncadd.s32 $0xFFFFF000  }
0x12f: {  	_ =	swait.ge [sflag:s12], $0x1000  }
0x130: {  	[sflag:s12] =	ssyncset.done $0x0  }
0x131: {  	s13 =	simm.s32 $0x10;
	[sflag:s12] =	ssyncadd.s32 $0xFFFFF000  }
0x132: {  	_ =	swait.ge [sflag:s13], $0x1000  }
0x133: {  	[sflag:s13] =	ssyncset.done $0x0  }
0x134: {  	[sflag:s13] =	ssyncadd.s32 $0xFFFFF000  }
0x135: {  	_ =	swait.ge [sflag:s18], $0x200  }
0x136: {  	[sflag:s18] =	ssyncset.done $0x0  }
0x137: {  	[sflag:s18] =	ssyncadd.s32 $0xFFFFFE00  }
0x138: {  	_ =	swait.ge [sflag:s18], $0x200  }
0x139: {  	[sflag:s18] =	ssyncset.done $0x0  }
0x13a: {  	[sflag:s18] =	ssyncadd.s32 $0xFFFFFE00  }
0x13b: {  	[bflag:$0x0] =	sbarrier.arrive $0xFFFF  }
0x13c: {  	s14 =	rddreg [dreg:$0x9]  }
0x13d: {  	s9 =	rddreg [dreg:$0xd]  }
0x13e: {  	[hbm:s14], [sflag:s6] =	dma.local [spmem:s9], $0x13C0  }
0x13f: {  	_ =	swait.ge [sflag:s15], $0x13C0  }
0x140: {  	s11 =	sadd.s32 $0x1, s11;
	s16 =	rddreg [dreg:$0xa]  }
0x141: {  	p0 =	sne.s32 s11, s16  }
.Ltmp1:
0x142: {  	_ = 	snop;
	(pc) =	sbr.rel @p0 .LBB2_1-.Ltmp1, $3  }
0x143: {  	_ =	sdelay $0x1  }
0x144: {  	[sflag:s15] =	ssyncset.done $0x0  }
0x145: {  	[sflag:s15] =	ssyncadd.s32 $0xFFFFEC40  }
0x146: {  	_ =	sfence.sel $0x180000  }
0x147: {  	[bflag:$0x0] =	sbarrier.arrive $0xFFFF  }
0x148: {  	_ =	strace $0x9000004A  }
0x149: {  	s0 =	stileid.u32;
	[bflag:$0x2] =	sbarrier.arrive $0xFFFF  }
0x14a: {  	p0 =	sne.s32 s0, $0x0;
	s0 =	rddreg [dreg:$0x4]  }
0x14b: {  	s0 =	sadd.s32 @!p0 $0x100000, s0  }
0x14c: {  	[sflag:s0] =	ssyncadd.tile.s32 @!p0 $0x1;
	_ =	shalt  }
.Lfunc_end2:
_tile_overlayer_lowered:
.L_overlay_start_2:
0x14d: {  	(tag) =	ssettag $0x2  }
0x14e: {  	s0 =	rddreg [dreg:$0x0];
	s2 =	stileid.u32  }
0x14f: {  	s1 =	rddreg [dreg:$0x1];
	p0 =	sne.s32 s2, $0x0  }
0x150: {  	s3 =	rddreg [dreg:$0x2];
	[bflag:$0x3] =	sbarrier.arrive $0xFFFF;
	s2 =	simm.s32 @!p0 $0x1C12  }
0x151: {  	[timem:s3], [sflag:s2] =	dma.local @!p0 [hbm:s0], s1  }
0x152: {  	s0 =	simm.s32 @!p0 $0x12  }
0x153: {  	_ =	swait.ge @!p0 [sflag:s0], s1  }
0x154: {  	s1 =	ssub.s32 @!p0 $0x0, s1;
	[sflag:s0] =	ssyncset.done @!p0 $0x0  }
0x155: {  	[sflag:s0] =	ssyncadd.s32 @!p0 s1  }
0x156: {  	[bflag:$0x3] =	sbarrier.arrive $0xFFFF  }
0x157: {  	_ =	shalt  }

// kernel: kernel.14.cloned.1.call-start
scs
__scs_entry_jumppad:
0x0: {  	(pc) =	sbr.rel $0x88, $3  }
0x1: {  	(tag) =	ssettag $0x0;
	lr =	simm.s32 $0x1  }
0x2: {  	[smem:$0x3F8A] =	sst lr;
	_ =	strace $0xD0000000  }
0x3: {  	_ = 	snop  }
0x4: {  	_ = 	snop  }
0x5: {  	_ = 	snop  }
0x6: {  	_ = 	snop  }
0x7: {  	_ = 	snop  }
__scs_overlays_trampoline_lowered:
0x8: {  	[smem:$0x3F99] =	sst s0  }
0x9: {  	[smem:$0x3F9A] =	sst s1  }
0xa: {  	[smem:$0x3F9B] =	sst s2  }
0xb: {  	[smem:$0x3F9C] =	sst s3  }
0xc: {  	[smem:$0x3F9D] =	sst s4  }
0xd: {  	[smem:$0x3F9E] =	sst s5  }
0xe: {  	[smem:$0x3F9F] =	sst s6  }
0xf: {  	[smem:$0x3FA0] =	sst s7  }
0x10: {  	[smem:$0x3FA1] =	sst s8  }
0x11: {  	[smem:$0x3FA2] =	sst s9;
	s0 =	simm.s32 @!p0 $0x0  }
0x12: {  	s1 =	sld [smem:$0x3F88];
	s0 =	simm.s32 @p0 $0x1  }
0x13: {  	[smem:$0x3FA3] =	sst s0;
	s0 =	simm.s32 @!p1 $0x0  }
0x14: {  	s2 =	sld [smem:$0x3F87];
	s0 =	simm.s32 @p1 $0x1  }
0x15: {  	[smem:$0x3FA4] =	sst s0;
	s0 =	simm.s32 @!p2 $0x0  }
0x16: {  	s3 =	sld [smem:$0x3FDB];
	s0 =	simm.s32 @p2 $0x1  }
0x17: {  	s4 =	simm.s32 $0x1BF5;
	[smem:$0x3FA6] =	sst s0  }
0x18: {  	s0 =	sld [smem:$0x3F89];
	_ =	swait.ge [sflag:s4], $0x0  }
0x19: {  	s7 =	sld [smem:$0x3F8A]  }
0x1a: {  	s8 =	sadd.s32 $0xFFFFE003, lr  }
0x1b: {  	s9 =	sadd.s32 $0xFFFFFEF7, lr;
	s5 =	simm.s32 $0xFFFFFFFF;
	p2 =	slt.u32 s8, $0xFFFFF086  }
0x1c: {  	p1 =	slt.u32 s9, $0xF7A;
	s5 =	simm.s32 @!p2 $0x0  }
0x1d: {  	s5 =	simm.s32 @p1 $0x1;
	p0 =	seq.s32 s7, s2  }
0x1e: {  	s7 =	smul.u32 @!p0 $0xF7A, s2;
	p2 =	seq.s32 @!p0 s5, $0x0  }
0x1f: {  	s9 =	smul.u32 $0xF7A, s1;
	s8 =	simm.s32 @!p0 $0x1BF5;
	p2 =	por !p2, p0  }
0x20: {  	[sflag:s8] =	ssyncset.s32 @!p0 $0xFFFFF086;
	s6 =	sadd.s32 @!p0 s3, s7;
	s7 =	simm.s32 @!p0 $0x108  }
0x21: {  	s3 =	sadd.s32 s3, s9;
	s6 =	sadd.s32 @!p0 $0x88, s6;
	s7 =	simm.s32 @p2 $0x1082  }
0x22: {  	[simem:s7], [sflag:s8] =	dma.local @!p0 [hbm:s6], $0xF7A  }
0x23: {  	s9 =	sor.u32 $0xD0000000, s2;
	s6 =	simm.s32 $0x108;
	_ =	swait.ge @!p0 [sflag:s8], $0x0  }
0x24: {  	s3 =	sadd.s32 $0x88, s3;
	s6 =	simm.s32 @!p1 $0x1082;
	[sflag:s4] =	ssyncset.s32 $0xFFFFF086  }
0x25: {  	[simem:s6], [sflag:s4] =	dma.local [hbm:s3], $0xF7A  }
0x26: {  	[smem:$0x3F8A] =	sst s1;
	(tag) =	ssettag s2;
	_ =	strace s9  }
0x27: {  	s1 =	sld [smem:$0x3F9A]  }
0x28: {  	s2 =	sld [smem:$0x3F9B]  }
0x29: {  	s4 =	sld [smem:$0x3F9D]  }
0x2a: {  	p0 =	seq.s32 s5, $0x0;
	s5 =	sld [smem:$0x3F9E]  }
0x2b: {  	s6 =	sld [smem:$0x3F9F]  }
0x2c: {  	s7 =	sld [smem:$0x3FA0]  }
0x2d: {  	s3 =	simm.s32 $0x108;
	s8 =	sld [smem:$0x3FA1]  }
0x2e: {  	s3 =	simm.s32 @!p0 $0x1082;
	s9 =	sld [smem:$0x3FA2]  }
0x2f: {  	lr =	sadd.s32 s0, s3;
	s0 =	sld [smem:$0x3F99]  }
0x30: {  	s3 =	sld [smem:$0x3F9C]  }
0x31: {  	[smem:$0x3FA5] =	sst s10  }
0x32: {  	s10 =	sld [smem:$0x3FA3];
	_ =	sdelay $0x3  }
0x33: {  	p0 =	seq.s32 s10, $0x1;
	s10 =	sld [smem:$0x3FA5];
	_ =	sdelay $0x3  }
0x34: {  	[smem:$0x3FA5] =	sst s10  }
0x35: {  	s10 =	sld [smem:$0x3FA4];
	_ =	sdelay $0x3  }
0x36: {  	p1 =	seq.s32 s10, $0x1;
	s10 =	sld [smem:$0x3FA5];
	_ =	sdelay $0x3  }
0x37: {  	[smem:$0x3FA5] =	sst s10  }
0x38: {  	s10 =	sld [smem:$0x3FA6]  }
0x39: {  	_ = 	snop;
	(pc) =	sbr.ind lr, $3  }
0x3a: {  	_ = 	snop  }
0x3b: {  	_ = 	snop  }
0x3c: {  	p2 =	seq.s32 s10, $0x1;
	s10 =	sld [smem:$0x3FA5]  }
0x3d: {  	_ =	shalt  }
0x3e: {  	_ =	shalt  }
0x3f: {  	_ =	shalt  }
0x40: {  	_ =	shalt  }
0x41: {  	_ =	shalt  }
0x42: {  	_ =	shalt  }
0x43: {  	_ =	shalt  }
0x44: {  	_ =	shalt  }
0x45: {  	_ =	shalt  }
0x46: {  	_ =	shalt  }
0x47: {  	_ =	shalt  }
0x48: {  	_ =	shalt  }
0x49: {  	_ =	shalt  }
0x4a: {  	_ =	shalt  }
0x4b: {  	_ =	shalt  }
0x4c: {  	_ =	shalt  }
0x4d: {  	_ =	shalt  }
0x4e: {  	_ =	shalt  }
0x4f: {  	_ =	shalt  }
0x50: {  	_ =	shalt  }
0x51: {  	_ =	shalt  }
0x52: {  	_ =	shalt  }
0x53: {  	_ =	shalt  }
0x54: {  	_ =	shalt  }
0x55: {  	_ =	shalt  }
0x56: {  	_ =	shalt  }
0x57: {  	_ =	shalt  }
0x58: {  	_ =	shalt  }
0x59: {  	_ =	shalt  }
0x5a: {  	_ =	shalt  }
0x5b: {  	_ =	shalt  }
0x5c: {  	_ =	shalt  }
0x5d: {  	_ =	shalt  }
0x5e: {  	_ =	shalt  }
0x5f: {  	_ =	shalt  }
0x60: {  	_ =	shalt  }
0x61: {  	_ =	shalt  }
0x62: {  	_ =	shalt  }
0x63: {  	_ =	shalt  }
0x64: {  	_ =	shalt  }
0x65: {  	_ =	shalt  }
0x66: {  	_ =	shalt  }
0x67: {  	_ =	shalt  }
0x68: {  	_ =	shalt  }
0x69: {  	_ =	shalt  }
0x6a: {  	_ =	shalt  }
0x6b: {  	_ =	shalt  }
0x6c: {  	_ =	shalt  }
0x6d: {  	_ =	shalt  }
0x6e: {  	_ =	shalt  }
0x6f: {  	_ =	shalt  }
0x70: {  	_ =	shalt  }
0x71: {  	_ =	shalt  }
0x72: {  	_ =	shalt  }
0x73: {  	_ =	shalt  }
0x74: {  	_ =	shalt  }
0x75: {  	_ =	shalt  }
0x76: {  	_ =	shalt  }
0x77: {  	_ =	shalt  }
0x78: {  	_ =	shalt  }
0x79: {  	_ =	shalt  }
0x7a: {  	_ =	shalt  }
0x7b: {  	_ =	shalt  }
0x7c: {  	_ =	shalt  }
0x7d: {  	_ =	shalt  }
0x7e: {  	_ =	shalt  }
0x7f: {  	_ =	shalt  }
0x80: {  	_ =	shalt  }
0x81: {  	_ =	shalt  }
0x82: {  	_ =	shalt  }
0x83: {  	_ =	shalt  }
0x84: {  	_ =	shalt  }
0x85: {  	_ =	shalt  }
0x86: {  	_ =	shalt  }
0x87: {  	_ =	shalt  }
.Lfunc_end0:
.L_simem_size_0:
called_computation.2_lowered:
.L_overlay_start_0:
0x88: {  	s2 =	sld [smem:$0x3FD9]  }
0x89: {  	s3 =	sld [smem:$0x3FFE];
	_ =	sdelay $0x1  }
0x8a: {  	s1 =	srdreg.scid  }
0x8b: {  	s0 =	sand.u32 $0x1, s1  }
0x8c: {  	s14 =	sshll.u32 s0, $0xA;
	s2 =	sadd.s32 s3, s2  }
0x8d: {  	s2 =	sadd.s32 s2, s14  }
0x8e: {  	[smem:$0x3FB1] =	sst s2  }
0x8f: {  	_ = 	snop  }
0x90: {  	s2 =	sld [smem:$0x3FD0];
	_ =	sdelay $0x2  }
0x91: {  	s15 =	simm.s32 $0xA;
	s4 =	simm.s32 $0x10  }
0x92: {  	[smem:s4], [sflag:s15] =	dma.local [hbm:s2], $0x1  }
0x93: {  	_ =	swait.eq [sflag:s15], $0x1  }
0x94: {  	[sflag:s15] =	ssyncset.done $0x0  }
0x95: {  	[sflag:s15] =	ssyncadd.s32 $0xFFFFFFFF  }
0x96: {  	s16 =	sld [smem:$0x11];
	(tm) =	ssettm $0x1  }
0x97: {  	s17 =	sld [smem:$0x3FFB];
	_ =	sdelay $0x3  }
0x98: {  	_ =	strace s17  }
0x99: {  	s3 =	sld [smem:$0x3FFC];
	_ =	sdelay $0x3  }
0x9a: {  	_ =	strace s3  }
0x9b: {  	s3 =	sld [smem:$0x3FFD];
	_ =	sdelay $0x3  }
0x9c: {  	_ =	strace s3  }
0x9d: {  	_ =	strace $0x8FFFFFFF  }
0x9e: {  	s18 =	sld [smem:$0x3FDB];
	_ =	sdelay $0x1  }
0x9f: {  	s19 =	simm.s32 $_scs_section_size  }
0xa0: {  	s5 =	simm.s32 $_size__tile_overlayer_lowered;
	s6 =	simm.s32 $_tile_overlayer_lowered  }
0xa1: {  	s22 =	simm.s32 $0x1BFF;
	s21 =	sshll.u32 s6, $0x1;
	s3 =	sadd.s32 s19, s18  }
0xa2: {  	s7 =	simm.s32 $0x0;
	s20 =	sshll.u32 s5, $0x1;
	s5 =	sadd.s32 s21, s3  }
0xa3: {  	[timem:s7], [sflag:s22] =	dma.local [hbm:s5], s20  }
0xa4: {  	_ =	swait.ge [sflag:s22], s20  }
0xa5: {  	s4 =	ssub.s32 $0x0, s20;
	[sflag:s22] =	ssyncset.done $0x0  }
0xa6: {  	[sflag:s22] =	ssyncadd.s32 s4;
	_ =	sdelay $0x1  }
0xa7: {  	s23 =	simm.s32 $0x1B8B  }
0xa8: {  	_ =	swait.ge [sflag:s23], $0x1  }
0xa9: {  	[sflag:s23] =	ssyncset.done $0x0  }
0xaa: {  	s25 =	simm.s32 $0x1B8E;
	s24 =	sld [smem:$0x3FFE];
	[sflag:s23] =	ssyncadd.s32 $0xFFFFFFFF  }
0xab: {  	s26 =	simm.s32 $execute0_lowered;
	[smem:$0x3FD2] =	sst s25  }
0xac: {  	s5 =	sshll.u32 s26, $0x1;
	_ =	strace $0x8000004C;
	[dreg:$0x1] =	wrdreg $0xFFFFFFFF  }
0xad: {  	s28 =	simm.s32 $_size_execute0_lowered;
	s3 =	sadd.s32 s3, s5;
	[dreg:$0x0] =	wrdreg $0x0  }
0xae: {  	s5 =	sshll.u32 s28, $0x1;
	[dreg:$0x2] =	wrdreg s3  }
0xaf: {  	[dreg:$0x3] =	wrdreg s5  }
0xb0: {  	[dreg:$0x4] =	wrdreg $0xC0  }
0xb1: {  	_ =	task [dreg:s7], $0x5FFFF  }
0xb2: {  	[dreg:$0x1] =	wrdreg $0xFFFFFFFF  }
0xb3: {  	[dreg:$0x0] =	wrdreg $0x60  }
0xb4: {  	[dreg:$0x2] =	wrdreg s16  }
0xb5: {  	[dreg:$0x3] =	wrdreg s24  }
0xb6: {  	[dreg:$0x4] =	wrdreg $0x8000  }
0xb7: {  	[dreg:$0x5] =	wrdreg $0xA6000  }
0xb8: {  	[dreg:$0x6] =	wrdreg $0x9  }
0xb9: {  	_ =	task.clear_ibuf [dreg:s7], $0x7FFFF;
	_ =	strace $0x9000004C  }
0xba: {  	s29 =	simm.s32 $0x9;
	_ =	strace $0x8000004E  }
0xbb: {  	_ =	swait.ge [sflag:s29], $0x1  }
0xbc: {  	[sflag:s29] =	ssyncadd.s32 $0xFFFFFFFF  }
0xbd: {  	_ =	strace $0x9000004E  }
0xbe: {  	_ =	sfence  }
0xbf: {  	s30 =	sld [smem:$0x0];
	_ =	sdelay $0x2  }
0xc0: {  	s31 =	sshll.u32 s1, $0xD;
	s1 =	sshrl.u32 s1, $0x2  }
0xc1: {  	s3 =	sand.u32 $0x4000, s31;
	s1 =	sadd.s32 s1, s30  }
0xc2: {  	s0 =	sor.u32 s3, s0;
	s1 =	sshll.u32 s1, $0x11  }
0xc3: {  	s0 =	sor.u32 s1, s0  }
0xc4: {  	s0 =	sadd.s32 $0x8F2B, s0  }
0xc5: {  	[sflag:s0] =	ssyncadd.remote.s32 $0x1  }
0xc6: {  	_ =	sfence.sel $0xFFFF  }
0xc7: {  	[dreg:$0x0] =	wrdreg $0xFFFFFFFF;
	(pc) =	sbr.abs _section_cstart, $3  }
0xc8: {  	[dreg:$0x1] =	wrdreg $0xFFFFFFFF  }
0xc9: {  	_ =	task.clear_ibuf [dreg:s7], $0x2FFFF;
	_ =	strace $0x9FFFFFFF  }
0xca: {  	(tm) =	ssettm $0x7FFFFFFF  }
0xcb: {  	_ =	shalt  }
tec
execute0_lowered:
.L_overlay_start_1:
0x0: {  	(tag) =	ssettag $0x1  }
0x1: {  	s0 =	rddreg [dreg:$0x0]  }
0x2: {  	s2 =	rddreg [dreg:$0x1]  }
0x3: {  	s1 =	rddreg [dreg:$0x2]  }
0x4: {  	s3 =	rddreg [dreg:$0x3]  }
0x5: {  	s4 =	simm.s32 $0x0;
	s5 =	srdreg.scid;
	s13 =	stileid.u32  }
0x6: {  	s28 =	simm.s32 $0x1B240;
	s29 =	simm.s32 $0x1;
	s30 =	simm.s32 $0x2  }
0x7: {  	s31 =	simm.s32 $0x3;
	[smem:$0x7FF] =	sst s4;
	s6 =	smul.u32 $0x9E00, s13  }
0x8: {  	s5 =	sand.u32 $0x1, s5;
	s8 =	sadd.s32 $0xE600, s2;
	s12 =	smul.u32 $0x9C40, s13  }
0x9: {  	s9 =	sadd.s32 $0x4200, s2;
	s10 =	sadd.s32 $0x18A00, s2;
	s18 =	smul.u32 $0x5200, s13  }
0xa: {  	s17 =	sshll.u32 s13, $0x6;
	s20 =	smul.u32 $0xA40, s13;
	_ =	strace $0x8000004D  }
0xb: {  	s7 =	smul.u32 $0x9E000, s5;
	[dreg:$0x5] =	wrdreg s10;
	s14 =	ssub.s32 $0x2, s5  }
0xc: {  	s5 =	smul.u32 $0x9C400, s5;
	s11 =	sshrl.u32 s14, $0x1;
	s16 =	sadd.s32 s6, s1  }
0xd: {  	s19 =	sshrl.u32 s18, $0x3;
	s23 =	sadd.s32 s20, s9;
	s24 =	sadd.s32 s20, s8  }
0xe: {  	s18 =	simm.s32 $0x11;
	s20 =	simm.s32 $0x14240;
	s7 =	sadd.s32 s6, s7  }
0xf: {  	s15 =	ssub.s32 s14, s11;
	s5 =	sadd.s32 s12, s5;
	s6 =	sor.u32 $0x1C12, s17  }
0x10: {  	s12 =	sadd.s32 s12, s3;
	s11 =	sadd.s32 s8, s19;
	s25 =	sadd.s32 $0x40, s24  }
0x11: {  	s24 =	simm.s32 $0x18240;
	s17 =	simm.s32 $0x6;
	s7 =	sshrl.u32 s7, $0x3  }
0x12: {  	s5 =	sshrl.u32 s5, $0x3;
	[dreg:$0x7] =	wrdreg s11;
	s22 =	smax.u32 s15, $0x1  }
0x13: {  	[dreg:$0xc] =	wrdreg s25;
	s15 =	simm.s32 $0x12;
	s26 =	sshrl.u32 s12, $0x3  }
0x14: {  	s25 =	simm.s32 $0x19240;
	s11 =	simm.s32 $0x0;
	[dreg:$0xa] =	wrdreg s22  }
0x15: {  	s2 =	sadd.s32 s7, s2;
	s0 =	sadd.s32 s0, s5;
	[dreg:$0xe] =	wrdreg s26  }
0x16: {  	s22 =	simm.s32 $0x16240;
	s26 =	simm.s32 $0x1A240;
	s5 =	simm.s32 $0x7  }
0x17: {  	s7 =	simm.s32 $0x8;
	[dreg:$0x6] =	wrdreg s0;
	s0 =	sadd.s32 s9, s19  }
0x18: {  	s21 =	sadd.s32 $0x19E00, s2;
	s9 =	sshrl.u32 s16, $0x3;
	[dreg:$0x8] =	wrdreg s0  }
0x19: {  	s19 =	simm.s32 $0x40;
	s2 =	simm.s32 $0x5;
	[dreg:$0x9] =	wrdreg s21  }
0x1a: {  	s0 =	sadd.s32 $0x40, s23;
	s21 =	simm.s32 $0x15240;
	[dreg:$0xd] =	wrdreg s9  }
0x1b: {  	s23 =	simm.s32 $0x17240;
	[dreg:$0xb] =	wrdreg s0;
	s0 =	simm.s32 $0x4  }
.LBB2_1:
0x1c: {  	s8 =	rddreg [dreg:$0x5]  }
0x1d: {  	[spmem:s9], [sflag:s6] =	dma.local [hbm:s8], $0x13C0  }
0x1e: {  	_ =	swait.ge [sflag:s15], $0x13C0  }
0x1f: {  	[sflag:s15] =	ssyncset.done $0x0;
	s9 =	rddreg [dreg:$0x6]  }
0x20: {  	s10 =	rddreg [dreg:$0xe];
	[sflag:s15] =	ssyncadd.s32 $0xFFFFEC40  }
0x21: {  	[spmem:s10], [sflag:s6] =	dma.local [hbm:s9], $0x1388  }
0x22: {  	_ =	swait.ge [sflag:s15], $0x1388  }
0x23: {  	[sflag:s15] =	ssyncset.done $0x0  }
0x24: {  	s12 =	rddreg [dreg:$0x7];
	[sflag:s15] =	ssyncadd.s32 $0xFFFFEC78  }
0x25: {  	[tilespmem:s4], [sflag:$0x11] =	stream.linear.gather [hbm4b:s12+s4], $0x200, $0x38;
	[tilespmem:$0x1C240] =	vst v63  }
0x26: {  	s14 =	simm.s32 $0x400;
	p0 =	por $0x1, $0x1;
	s13 =	rddreg [dreg:$0x8]  }
0x27: {  	[tilespmem:s14], [sflag:$0x11] =	stream.linear.gather [hbm4b:s13+s4], $0x200, $0x38;
	[tilespmem:$0x1C240] =	vst v63  }
0x28: {  	s8 =	simm.s32 @!p0 $0x9;
	[bflag:$0x0] =	sbarrier.arrive $0xFFFF  }
0x29: {  	_ =	swait.ge @!p0 [sflag:s8], $0x1000  }
0x2a: {  	[sflag:s8] =	ssyncset.done @!p0 $0x0  }
0x2b: {  	[sflag:s8] =	ssyncadd.s32 @!p0 $0xFFFFF000;
	s8 =	simm.s32 @!p0 $0xA  }
0x2c: {  	_ =	swait.ge @!p0 [sflag:s8], $0x1000  }
0x2d: {  	[sflag:s8] =	ssyncset.done @!p0 $0x0  }
0x2e: {  	[sflag:s8] =	ssyncadd.s32 @!p0 $0xFFFFF000;
	s8 =	simm.s32 @!p0 $0xB  }
0x2f: {  	_ =	swait.ge @!p0 [sflag:s8], $0x1000  }
0x30: {  	[sflag:s8] =	ssyncset.done @!p0 $0x0  }
0x31: {  	[sflag:s8] =	ssyncadd.s32 @!p0 $0xFFFFF000;
	s8 =	simm.s32 @!p0 $0xC  }
0x32: {  	_ =	swait.ge @!p0 [sflag:s8], $0x1000  }
0x33: {  	[sflag:s8] =	ssyncset.done @!p0 $0x0  }
0x34: {  	[sflag:s8] =	ssyncadd.s32 @!p0 $0xFFFFF000;
	s8 =	simm.s32 @!p0 $0xD  }
0x35: {  	_ =	swait.ge @!p0 [sflag:s8], $0x1000  }
0x36: {  	[sflag:s8] =	ssyncset.done @!p0 $0x0  }
0x37: {  	[sflag:s8] =	ssyncadd.s32 @!p0 $0xFFFFF000;
	s8 =	simm.s32 @!p0 $0xE  }
0x38: {  	_ =	swait.ge @!p0 [sflag:s8], $0x1000  }
0x39: {  	[sflag:s8] =	ssyncset.done @!p0 $0x0  }
0x3a: {  	[sflag:s8] =	ssyncadd.s32 @!p0 $0xFFFFF000;
	s8 =	simm.s32 @!p0 $0xF  }
0x3b: {  	_ =	swait.ge @!p0 [sflag:s8], $0x1000  }
0x3c: {  	[sflag:s8] =	ssyncset.done @!p0 $0x0  }
0x3d: {  	[sflag:s8] =	ssyncadd.s32 @!p0 $0xFFFFF000;
	s8 =	simm.s32 @!p0 $0x10  }
0x3e: {  	_ =	swait.ge @!p0 [sflag:s8], $0x1000  }
0x3f: {  	[sflag:s8] =	ssyncset.done @!p0 $0x0  }
0x40: {  	[sflag:s8] =	ssyncadd.s32 @!p0 $0xFFFFF000  }
0x41: {  	_ =	swait.ge [sflag:s18], $0x200  }
0x42: {  	[sflag:s18] =	ssyncset.done $0x0  }
0x43: {  	[sflag:s18] =	ssyncadd.s32 $0xFFFFFE00  }
0x44: {  	_ =	swait.ge [sflag:s18], $0x200  }
0x45: {  	s12 =	sand.u32 $0x200, s4;
	[sflag:s18] =	ssyncset.done $0x0  }
0x46: {  	s16 =	ssub.s32 $0x200, s12;
	s14 =	rddreg [dreg:$0xc];
	[sflag:s18] =	ssyncadd.s32 $0xFFFFFE00  }
0x47: {  	[tilespmem:s16], [sflag:$0x11] =	stream.linear.gather [hbm4b:s14+s4], $0x200, $0x38;
	[tilespmem:$0x1C240] =	vst v63  }
0x48: {  	s9 =	ssub.s32 $0x600, s12;
	s13 =	rddreg [dreg:$0xb]  }
0x49: {  	[tilespmem:s9], [sflag:$0x11] =	stream.linear.gather [hbm4b:s13+s4], $0x200, $0x38;
	[tilespmem:$0x1C240] =	vst v63  }
0x4a: {  	_ = 	snop  }
0x4b: {  	[tilespmem:s20], [sflag:$0x1] =	stream.indirect.gather [spmem:s3], $0x40, s12, s19, $0xb8;
	[tilespmem:$0x1C240] =	vst v63  }
0x4c: {  	s10 =	sor.u32 $0x40, s12  }
0x4d: {  	[tilespmem:s21], [sflag:$0x2] =	stream.indirect.gather [spmem:s3], $0x40, s10, s19, $0xb8;
	[tilespmem:$0x1C240] =	vst v63  }
0x4e: {  	s16 =	sor.u32 $0x80, s12  }
0x4f: {  	[tilespmem:s22], [sflag:$0x3] =	stream.indirect.gather [spmem:s3], $0x40, s16, s19, $0xb8;
	[tilespmem:$0x1C240] =	vst v63  }
0x50: {  	s9 =	sor.u32 $0xC0, s12  }
0x51: {  	[tilespmem:s23], [sflag:$0x4] =	stream.indirect.gather [spmem:s3], $0x40, s9, s19, $0xb8;
	[tilespmem:$0x1C240] =	vst v63  }
0x52: {  	s10 =	sor.u32 $0x100, s12  }
0x53: {  	[tilespmem:s24], [sflag:$0x5] =	stream.indirect.gather [spmem:s3], $0x40, s10, s19, $0xb8;
	[tilespmem:$0x1C240] =	vst v63  }
0x54: {  	s16 =	sor.u32 $0x140, s12  }
0x55: {  	[tilespmem:s25], [sflag:$0x6] =	stream.indirect.gather [spmem:s3], $0x40, s16, s19, $0xb8;
	[tilespmem:$0x1C240] =	vst v63  }
0x56: {  	s9 =	sor.u32 $0x180, s12  }
0x57: {  	[tilespmem:s26], [sflag:$0x7] =	stream.indirect.gather [spmem:s3], $0x40, s9, s19, $0xb8;
	[tilespmem:$0x1C240] =	vst v63  }
0x58: {  	s10 =	sor.u32 $0x1C0, s12  }
0x59: {  	[tilespmem:s28], [sflag:$0x8] =	stream.indirect.gather [spmem:s3], $0x40, s10, s19, $0xb8;
	[tilespmem:$0x1C240] =	vst v63  }
0x5a: {  	_ =	swait.ge [sflag:s29], $0x1000  }
0x5b: {  	[sflag:s29] =	ssyncset.done $0x0  }
0x5c: {  	s16 =	sor.u32 $0x400, s12;
	[sflag:s29] =	ssyncadd.s32 $0xFFFFF000  }
0x5d: {  	[spmem:s1] =	stream.indirect.scatter.add.f32 [tilespmem:s20], [sflag:$0x9], $0x40, s16, s19, $0xb8;
	[tilespmem:$0x1C240] =	vst v63  }
0x5e: {  	_ =	swait.ge [sflag:s30], $0x1000  }
0x5f: {  	[sflag:s30] =	ssyncset.done $0x0  }
0x60: {  	s9 =	sor.u32 $0x440, s12;
	[sflag:s30] =	ssyncadd.s32 $0xFFFFF000  }
0x61: {  	[spmem:s1] =	stream.indirect.scatter.add.f32 [tilespmem:s21], [sflag:$0xA], $0x40, s9, s19, $0xb8;
	[tilespmem:$0x1C240] =	vst v63  }
0x62: {  	_ =	swait.ge [sflag:s31], $0x1000  }
0x63: {  	[sflag:s31] =	ssyncset.done $0x0  }
0x64: {  	s10 =	sor.u32 $0x480, s12;
	[sflag:s31] =	ssyncadd.s32 $0xFFFFF000  }
0x65: {  	[spmem:s1] =	stream.indirect.scatter.add.f32 [tilespmem:s22], [sflag:$0xB], $0x40, s10, s19, $0xb8;
	[tilespmem:$0x1C240] =	vst v63  }
0x66: {  	_ =	swait.ge [sflag:s0], $0x1000  }
0x67: {  	[sflag:s0] =	ssyncset.done $0x0  }
0x68: {  	s16 =	sor.u32 $0x4C0, s12;
	[sflag:s0] =	ssyncadd.s32 $0xFFFFF000  }
0x69: {  	[spmem:s1] =	stream.indirect.scatter.add.f32 [tilespmem:s23], [sflag:$0xC], $0x40, s16, s19, $0xb8;
	[tilespmem:$0x1C240] =	vst v63  }
0x6a: {  	_ =	swait.ge [sflag:s2], $0x1000  }
0x6b: {  	[sflag:s2] =	ssyncset.done $0x0  }
0x6c: {  	s9 =	sor.u32 $0x500, s12;
	[sflag:s2] =	ssyncadd.s32 $0xFFFFF000  }
0x6d: {  	[spmem:s1] =	stream.indirect.scatter.add.f32 [tilespmem:s24], [sflag:$0xD], $0x40, s9, s19, $0xb8;
	[tilespmem:$0x1C240] =	vst v63  }
0x6e: {  	_ =	swait.ge [sflag:s17], $0x1000  }
0x6f: {  	[sflag:s17] =	ssyncset.done $0x0  }
0x70: {  	s10 =	sor.u32 $0x540, s12;
	[sflag:s17] =	ssyncadd.s32 $0xFFFFF000  }
0x71: {  	[spmem:s1] =	stream.indirect.scatter.add.f32 [tilespmem:s25], [sflag:$0xE], $0x40, s10, s19, $0xb8;
	[tilespmem:$0x1C240] =	vst v63  }
0x72: {  	_ =	swait.ge [sflag:s5], $0x1000  }
0x73: {  	p1 =	por $0x0, $0x0;
	[sflag:s5] =	ssyncset.done $0x0  }
0x74: {  	s8 =	simm.s32 $0x200;
	s16 =	sor.u32 $0x580, s12;
	[sflag:s5] =	ssyncadd.s32 $0xFFFFF000  }
0x75: {  	[spmem:s1] =	stream.indirect.scatter.add.f32 [tilespmem:s26], [sflag:$0xF], $0x40, s16, s19, $0xb8;
	[tilespmem:$0x1C240] =	vst v63  }
0x76: {  	s12 =	sor.u32 $0x5C0, s12;
	s9 =	sadd.s32 $0x40, s14;
	_ =	swait.ge [sflag:s7], $0x1000  }
0x77: {  	s10 =	simm.s32 $0x400;
	s16 =	sadd.s32 $0x40, s13;
	[sflag:s7] =	ssyncset.done $0x0  }
.LBB2_2:
0x78: {  	s14 =	simm.s32 @!p1 $0x9  }
0x79: {  	[sflag:s7] =	ssyncadd.s32 $0xFFFFF000;
	s13 =	smov.u32 s10;
	s10 =	sadd.s32 $0x200, s10  }
0x7a: {  	[spmem:s1] =	stream.indirect.scatter.add.f32 [tilespmem:s28], [sflag:$0x10], $0x40, s12, s19, $0xb8;
	[tilespmem:$0x1C240] =	vst v63  }
0x7b: {  	p0 =	sne.s32 s10, $0x5000;
	_ =	swait.ge @!p1 [sflag:s14], $0x1000  }
0x7c: {  	[sflag:s14] =	ssyncset.done @!p1 $0x0  }
0x7d: {  	s12 =	simm.s32 @!p1 $0xA;
	[sflag:s14] =	ssyncadd.s32 @!p1 $0xFFFFF000  }
0x7e: {  	_ =	swait.ge @!p1 [sflag:s12], $0x1000  }
0x7f: {  	[sflag:s12] =	ssyncset.done @!p1 $0x0  }
0x80: {  	[sflag:s12] =	ssyncadd.s32 @!p1 $0xFFFFF000;
	s12 =	simm.s32 @!p1 $0xB  }
0x81: {  	_ =	swait.ge @!p1 [sflag:s12], $0x1000  }
0x82: {  	[sflag:s12] =	ssyncset.done @!p1 $0x0  }
0x83: {  	[sflag:s12] =	ssyncadd.s32 @!p1 $0xFFFFF000;
	s12 =	simm.s32 @!p1 $0xC  }
0x84: {  	_ =	swait.ge @!p1 [sflag:s12], $0x1000  }
0x85: {  	[sflag:s12] =	ssyncset.done @!p1 $0x0  }
0x86: {  	[sflag:s12] =	ssyncadd.s32 @!p1 $0xFFFFF000;
	s12 =	simm.s32 @!p1 $0xD  }
0x87: {  	_ =	swait.ge @!p1 [sflag:s12], $0x1000  }
0x88: {  	[sflag:s12] =	ssyncset.done @!p1 $0x0  }
0x89: {  	[sflag:s12] =	ssyncadd.s32 @!p1 $0xFFFFF000;
	s12 =	simm.s32 @!p1 $0xE  }
0x8a: {  	_ =	swait.ge @!p1 [sflag:s12], $0x1000  }
0x8b: {  	[sflag:s12] =	ssyncset.done @!p1 $0x0  }
0x8c: {  	[sflag:s12] =	ssyncadd.s32 @!p1 $0xFFFFF000;
	s12 =	simm.s32 @!p1 $0xF  }
0x8d: {  	_ =	swait.ge @!p1 [sflag:s12], $0x1000  }
0x8e: {  	[sflag:s12] =	ssyncset.done @!p1 $0x0  }
0x8f: {  	[sflag:s12] =	ssyncadd.s32 @!p1 $0xFFFFF000;
	s12 =	simm.s32 @!p1 $0x10  }
0x90: {  	_ =	swait.ge @!p1 [sflag:s12], $0x1000  }
0x91: {  	[sflag:s12] =	ssyncset.done @!p1 $0x0  }
0x92: {  	[sflag:s12] =	ssyncadd.s32 @!p1 $0xFFFFF000  }
0x93: {  	_ =	swait.ge [sflag:s18], $0x200  }
0x94: {  	[sflag:s18] =	ssyncset.done $0x0  }
0x95: {  	[sflag:s18] =	ssyncadd.s32 $0xFFFFFE00  }
0x96: {  	_ =	swait.ge [sflag:s18], $0x200  }
0x97: {  	s12 =	sand.u32 $0x200, s8;
	s8 =	smov.u32 s13;
	[sflag:s18] =	ssyncset.done $0x0  }
0x98: {  	s13 =	ssub.s32 $0x200, s12;
	[sflag:s18] =	ssyncadd.s32 $0xFFFFFE00  }
0x99: {  	[tilespmem:s13], [sflag:$0x11] =	stream.linear.gather [hbm4b:s9+s4], $0x200, $0x38;
	[tilespmem:$0x1C240] =	vst v63  }
0x9a: {  	s13 =	ssub.s32 $0x600, s12  }
0x9b: {  	[tilespmem:s13], [sflag:$0x11] =	stream.linear.gather [hbm4b:s16+s4], $0x200, $0x38;
	[tilespmem:$0x1C240] =	vst v63  }
0x9c: {  	_ = 	snop  }
0x9d: {  	[tilespmem:s20], [sflag:$0x1] =	stream.indirect.gather [spmem:s3], $0x40, s12, s19, $0xb8;
	[tilespmem:$0x1C240] =	vst v63  }
0x9e: {  	s13 =	sor.u32 $0x40, s12  }
0x9f: {  	[tilespmem:s21], [sflag:$0x2] =	stream.indirect.gather [spmem:s3], $0x40, s13, s19, $0xb8;
	[tilespmem:$0x1C240] =	vst v63  }
0xa0: {  	s13 =	sor.u32 $0x80, s12  }
0xa1: {  	[tilespmem:s22], [sflag:$0x3] =	stream.indirect.gather [spmem:s3], $0x40, s13, s19, $0xb8;
	[tilespmem:$0x1C240] =	vst v63  }
0xa2: {  	s13 =	sor.u32 $0xC0, s12  }
0xa3: {  	[tilespmem:s23], [sflag:$0x4] =	stream.indirect.gather [spmem:s3], $0x40, s13, s19, $0xb8;
	[tilespmem:$0x1C240] =	vst v63  }
0xa4: {  	s13 =	sor.u32 $0x100, s12  }
0xa5: {  	[tilespmem:s24], [sflag:$0x5] =	stream.indirect.gather [spmem:s3], $0x40, s13, s19, $0xb8;
	[tilespmem:$0x1C240] =	vst v63  }
0xa6: {  	s13 =	sor.u32 $0x140, s12  }
0xa7: {  	[tilespmem:s25], [sflag:$0x6] =	stream.indirect.gather [spmem:s3], $0x40, s13, s19, $0xb8;
	[tilespmem:$0x1C240] =	vst v63  }
0xa8: {  	s13 =	sor.u32 $0x180, s12  }
0xa9: {  	[tilespmem:s26], [sflag:$0x7] =	stream.indirect.gather [spmem:s3], $0x40, s13, s19, $0xb8;
	[tilespmem:$0x1C240] =	vst v63  }
0xaa: {  	s13 =	sor.u32 $0x1C0, s12  }
0xab: {  	[tilespmem:s28], [sflag:$0x8] =	stream.indirect.gather [spmem:s3], $0x40, s13, s19, $0xb8;
	[tilespmem:$0x1C240] =	vst v63  }
0xac: {  	_ =	swait.ge [sflag:s29], $0x1000  }
0xad: {  	[sflag:s29] =	ssyncset.done $0x0  }
0xae: {  	s13 =	sor.u32 $0x400, s12;
	[sflag:s29] =	ssyncadd.s32 $0xFFFFF000  }
0xaf: {  	[spmem:s1] =	stream.indirect.scatter.add.f32 [tilespmem:s20], [sflag:$0x9], $0x40, s13, s19, $0xb8;
	[tilespmem:$0x1C240] =	vst v63  }
0xb0: {  	_ =	swait.ge [sflag:s30], $0x1000  }
0xb1: {  	[sflag:s30] =	ssyncset.done $0x0  }
0xb2: {  	s13 =	sor.u32 $0x440, s12;
	[sflag:s30] =	ssyncadd.s32 $0xFFFFF000  }
0xb3: {  	[spmem:s1] =	stream.indirect.scatter.add.f32 [tilespmem:s21], [sflag:$0xA], $0x40, s13, s19, $0xb8;
	[tilespmem:$0x1C240] =	vst v63  }
0xb4: {  	_ =	swait.ge [sflag:s31], $0x1000  }
0xb5: {  	[sflag:s31] =	ssyncset.done $0x0  }
0xb6: {  	s13 =	sor.u32 $0x480, s12;
	[sflag:s31] =	ssyncadd.s32 $0xFFFFF000  }
0xb7: {  	[spmem:s1] =	stream.indirect.scatter.add.f32 [tilespmem:s22], [sflag:$0xB], $0x40, s13, s19, $0xb8;
	[tilespmem:$0x1C240] =	vst v63  }
0xb8: {  	_ =	swait.ge [sflag:s0], $0x1000  }
0xb9: {  	[sflag:s0] =	ssyncset.done $0x0  }
0xba: {  	s13 =	sor.u32 $0x4C0, s12;
	[sflag:s0] =	ssyncadd.s32 $0xFFFFF000  }
0xbb: {  	[spmem:s1] =	stream.indirect.scatter.add.f32 [tilespmem:s23], [sflag:$0xC], $0x40, s13, s19, $0xb8;
	[tilespmem:$0x1C240] =	vst v63  }
0xbc: {  	_ =	swait.ge [sflag:s2], $0x1000  }
0xbd: {  	[sflag:s2] =	ssyncset.done $0x0  }
0xbe: {  	s13 =	sor.u32 $0x500, s12;
	[sflag:s2] =	ssyncadd.s32 $0xFFFFF000  }
0xbf: {  	[spmem:s1] =	stream.indirect.scatter.add.f32 [tilespmem:s24], [sflag:$0xD], $0x40, s13, s19, $0xb8;
	[tilespmem:$0x1C240] =	vst v63  }
0xc0: {  	_ =	swait.ge [sflag:s17], $0x1000  }
0xc1: {  	[sflag:s17] =	ssyncset.done $0x0  }
0xc2: {  	s13 =	sor.u32 $0x540, s12;
	[sflag:s17] =	ssyncadd.s32 $0xFFFFF000  }
0xc3: {  	[spmem:s1] =	stream.indirect.scatter.add.f32 [tilespmem:s25], [sflag:$0xE], $0x40, s13, s19, $0xb8;
	[tilespmem:$0x1C240] =	vst v63  }
0xc4: {  	_ =	swait.ge [sflag:s5], $0x1000  }
.Ltmp0:
0xc5: {  	[sflag:s5] =	ssyncset.done $0x0;
	(pc) =	sbr.rel @p0 .LBB2_2-.Ltmp0, $4  }
0xc6: {  	s13 =	sor.u32 $0x580, s12;
	[sflag:s5] =	ssyncadd.s32 $0xFFFFF000  }
0xc7: {  	[spmem:s1] =	stream.indirect.scatter.add.f32 [tilespmem:s26], [sflag:$0xF], $0x40, s13, s19, $0xb8;
	[tilespmem:$0x1C240] =	vst v63  }
0xc8: {  	s9 =	sadd.s32 $0x40, s9;
	s16 =	sadd.s32 $0x40, s16;
	_ =	swait.ge [sflag:s7], $0x1000  }
0xc9: {  	p1 =	seq.s32 s8, $0x0;
	s12 =	sor.u32 $0x5C0, s12;
	[sflag:s7] =	ssyncset.done $0x0  }
0xca: {  	[sflag:s7] =	ssyncadd.s32 $0xFFFFF000;
	s10 =	simm.s32 @!p1 $0x9  }
0xcb: {  	[spmem:s1] =	stream.indirect.scatter.add.f32 [tilespmem:s28], [sflag:$0x10], $0x40, s12, s19, $0xb8;
	[tilespmem:$0x1C240] =	vst v63  }
0xcc: {  	_ =	swait.ge @!p1 [sflag:s10], $0x1000  }
0xcd: {  	[sflag:s10] =	ssyncset.done @!p1 $0x0  }
0xce: {  	[sflag:s10] =	ssyncadd.s32 @!p1 $0xFFFFF000;
	s10 =	simm.s32 @!p1 $0xA  }
0xcf: {  	_ =	swait.ge @!p1 [sflag:s10], $0x1000  }
0xd0: {  	[sflag:s10] =	ssyncset.done @!p1 $0x0  }
0xd1: {  	[sflag:s10] =	ssyncadd.s32 @!p1 $0xFFFFF000;
	s10 =	simm.s32 @!p1 $0xB  }
0xd2: {  	_ =	swait.ge @!p1 [sflag:s10], $0x1000  }
0xd3: {  	[sflag:s10] =	ssyncset.done @!p1 $0x0  }
0xd4: {  	[sflag:s10] =	ssyncadd.s32 @!p1 $0xFFFFF000;
	s10 =	simm.s32 @!p1 $0xC  }
0xd5: {  	_ =	swait.ge @!p1 [sflag:s10], $0x1000  }
0xd6: {  	[sflag:s10] =	ssyncset.done @!p1 $0x0  }
0xd7: {  	[sflag:s10] =	ssyncadd.s32 @!p1 $0xFFFFF000;
	s10 =	simm.s32 @!p1 $0xD  }
0xd8: {  	_ =	swait.ge @!p1 [sflag:s10], $0x1000  }
0xd9: {  	[sflag:s10] =	ssyncset.done @!p1 $0x0  }
0xda: {  	[sflag:s10] =	ssyncadd.s32 @!p1 $0xFFFFF000;
	s10 =	simm.s32 @!p1 $0xE  }
0xdb: {  	_ =	swait.ge @!p1 [sflag:s10], $0x1000  }
0xdc: {  	[sflag:s10] =	ssyncset.done @!p1 $0x0  }
0xdd: {  	[sflag:s10] =	ssyncadd.s32 @!p1 $0xFFFFF000;
	s10 =	simm.s32 @!p1 $0xF  }
0xde: {  	_ =	swait.ge @!p1 [sflag:s10], $0x1000  }
0xdf: {  	[sflag:s10] =	ssyncset.done @!p1 $0x0  }
0xe0: {  	[sflag:s10] =	ssyncadd.s32 @!p1 $0xFFFFF000;
	s10 =	simm.s32 @!p1 $0x10  }
0xe1: {  	_ =	swait.ge @!p1 [sflag:s10], $0x1000  }
0xe2: {  	[sflag:s10] =	ssyncset.done @!p1 $0x0  }
0xe3: {  	[sflag:s10] =	ssyncadd.s32 @!p1 $0xFFFFF000  }
0xe4: {  	_ =	swait.ge [sflag:s18], $0x200  }
0xe5: {  	[sflag:s18] =	ssyncset.done $0x0  }
0xe6: {  	[sflag:s18] =	ssyncadd.s32 $0xFFFFFE00  }
0xe7: {  	_ =	swait.ge [sflag:s18], $0x200  }
0xe8: {  	s8 =	sand.u32 $0x200, s8;
	[sflag:s18] =	ssyncset.done $0x0  }
0xe9: {  	s14 =	ssub.s32 $0x200, s8;
	[sflag:s18] =	ssyncadd.s32 $0xFFFFFE00  }
0xea: {  	[tilespmem:s14], [sflag:$0x11] =	stream.linear.gather [hbm4b:s9+s4], $0x200, $0x38;
	[tilespmem:$0x1C240] =	vst v63  }
0xeb: {  	s12 =	ssub.s32 $0x600, s8  }
0xec: {  	[tilespmem:s12], [sflag:$0x11] =	stream.linear.gather [hbm4b:s16+s4], $0x200, $0x38;
	[tilespmem:$0x1C240] =	vst v63  }
0xed: {  	_ = 	snop  }
0xee: {  	[tilespmem:s20], [sflag:$0x1] =	stream.indirect.gather [spmem:s3], $0x40, s8, s19, $0xb8;
	[tilespmem:$0x1C240] =	vst v63  }
0xef: {  	s13 =	sor.u32 $0x40, s8  }
0xf0: {  	[tilespmem:s21], [sflag:$0x2] =	stream.indirect.gather [spmem:s3], $0x40, s13, s19, $0xb8;
	[tilespmem:$0x1C240] =	vst v63  }
0xf1: {  	s14 =	sor.u32 $0x80, s8  }
0xf2: {  	[tilespmem:s22], [sflag:$0x3] =	stream.indirect.gather [spmem:s3], $0x40, s14, s19, $0xb8;
	[tilespmem:$0x1C240] =	vst v63  }
0xf3: {  	s16 =	sor.u32 $0xC0, s8  }
0xf4: {  	[tilespmem:s23], [sflag:$0x4] =	stream.indirect.gather [spmem:s3], $0x40, s16, s19, $0xb8;
	[tilespmem:$0x1C240] =	vst v63  }
0xf5: {  	s10 =	sor.u32 $0x100, s8  }
0xf6: {  	[tilespmem:s24], [sflag:$0x5] =	stream.indirect.gather [spmem:s3], $0x40, s10, s19, $0xb8;
	[tilespmem:$0x1C240] =	vst v63  }
0xf7: {  	s12 =	sor.u32 $0x140, s8  }
0xf8: {  	[tilespmem:s25], [sflag:$0x6] =	stream.indirect.gather [spmem:s3], $0x40, s12, s19, $0xb8;
	[tilespmem:$0x1C240] =	vst v63  }
0xf9: {  	s13 =	sor.u32 $0x180, s8  }
0xfa: {  	[tilespmem:s26], [sflag:$0x7] =	stream.indirect.gather [spmem:s3], $0x40, s13, s19, $0xb8;
	[tilespmem:$0x1C240] =	vst v63  }
0xfb: {  	s14 =	sor.u32 $0x1C0, s8  }
0xfc: {  	[tilespmem:s28], [sflag:$0x8] =	stream.indirect.gather [spmem:s3], $0x40, s14, s19, $0xb8;
	[tilespmem:$0x1C240] =	vst v63  }
0xfd: {  	_ =	swait.ge [sflag:s29], $0x1000  }
0xfe: {  	[sflag:s29] =	ssyncset.done $0x0  }
0xff: {  	s16 =	sor.u32 $0x400, s8;
	[sflag:s29] =	ssyncadd.s32 $0xFFFFF000  }
0x100: {  	[spmem:s1] =	stream.indirect.scatter.add.f32 [tilespmem:s20], [sflag:$0x9], $0x40, s16, s19, $0xb8;
	[tilespmem:$0x1C240] =	vst v63  }
0x101: {  	_ =	swait.ge [sflag:s30], $0x1000  }
0x102: {  	[sflag:s30] =	ssyncset.done $0x0  }
0x103: {  	s10 =	sor.u32 $0x440, s8;
	[sflag:s30] =	ssyncadd.s32 $0xFFFFF000  }
0x104: {  	[spmem:s1] =	stream.indirect.scatter.add.f32 [tilespmem:s21], [sflag:$0xA], $0x40, s10, s19, $0xb8;
	[tilespmem:$0x1C240] =	vst v63  }
0x105: {  	_ =	swait.ge [sflag:s31], $0x1000  }
0x106: {  	[sflag:s31] =	ssyncset.done $0x0  }
0x107: {  	s12 =	sor.u32 $0x480, s8;
	[sflag:s31] =	ssyncadd.s32 $0xFFFFF000  }
0x108: {  	[spmem:s1] =	stream.indirect.scatter.add.f32 [tilespmem:s22], [sflag:$0xB], $0x40, s12, s19, $0xb8;
	[tilespmem:$0x1C240] =	vst v63  }
0x109: {  	_ =	swait.ge [sflag:s0], $0x1000  }
0x10a: {  	[sflag:s0] =	ssyncset.done $0x0  }
0x10b: {  	s13 =	sor.u32 $0x4C0, s8;
	[sflag:s0] =	ssyncadd.s32 $0xFFFFF000  }
0x10c: {  	[spmem:s1] =	stream.indirect.scatter.add.f32 [tilespmem:s23], [sflag:$0xC], $0x40, s13, s19, $0xb8;
	[tilespmem:$0x1C240] =	vst v63  }
0x10d: {  	_ =	swait.ge [sflag:s2], $0x1000  }
0x10e: {  	[sflag:s2] =	ssyncset.done $0x0  }
0x10f: {  	s14 =	sor.u32 $0x500, s8;
	[sflag:s2] =	ssyncadd.s32 $0xFFFFF000  }
0x110: {  	[spmem:s1] =	stream.indirect.scatter.add.f32 [tilespmem:s24], [sflag:$0xD], $0x40, s14, s19, $0xb8;
	[tilespmem:$0x1C240] =	vst v63  }
0x111: {  	_ =	swait.ge [sflag:s17], $0x1000  }
0x112: {  	[sflag:s17] =	ssyncset.done $0x0  }
0x113: {  	s16 =	sor.u32 $0x540, s8;
	[sflag:s17] =	ssyncadd.s32 $0xFFFFF000  }
0x114: {  	[spmem:s1] =	stream.indirect.scatter.add.f32 [tilespmem:s25], [sflag:$0xE], $0x40, s16, s19, $0xb8;
	[tilespmem:$0x1C240] =	vst v63  }
0x115: {  	_ =	swait.ge [sflag:s5], $0x1000  }
0x116: {  	[sflag:s5] =	ssyncset.done $0x0  }
0x117: {  	s10 =	sor.u32 $0x580, s8;
	[sflag:s5] =	ssyncadd.s32 $0xFFFFF000  }
0x118: {  	[spmem:s1] =	stream.indirect.scatter.add.f32 [tilespmem:s26], [sflag:$0xF], $0x40, s10, s19, $0xb8;
	[tilespmem:$0x1C240] =	vst v63  }
0x119: {  	_ =	swait.ge [sflag:s7], $0x1000  }
0x11a: {  	[sflag:s7] =	ssyncset.done $0x0  }
0x11b: {  	s8 =	sor.u32 $0x5C0, s8;
	s12 =	simm.s32 $0x9;
	[sflag:s7] =	ssyncadd.s32 $0xFFFFF000  }
0x11c: {  	[spmem:s1] =	stream.indirect.scatter.add.f32 [tilespmem:s28], [sflag:$0x10], $0x40, s8, s19, $0xb8;
	[tilespmem:$0x1C240] =	vst v63  }
0x11d: {  	_ =	swait.ge [sflag:s12], $0x1000  }
0x11e: {  	[sflag:s12] =	ssyncset.done $0x0  }
0x11f: {  	s13 =	simm.s32 $0xA;
	[sflag:s12] =	ssyncadd.s32 $0xFFFFF000  }
0x120: {  	_ =	swait.ge [sflag:s13], $0x1000  }
0x121: {  	[sflag:s13] =	ssyncset.done $0x0  }
0x122: {  	s14 =	simm.s32 $0xB;
	[sflag:s13] =	ssyncadd.s32 $0xFFFFF000  }
0x123: {  	_ =	swait.ge [sflag:s14], $0x1000  }
0x124: {  	[sflag:s14] =	ssyncset.done $0x0  }
0x125: {  	s16 =	simm.s32 $0xC;
	[sflag:s14] =	ssyncadd.s32 $0xFFFFF000  }
0x126: {  	_ =	swait.ge [sflag:s16], $0x1000  }
0x127: {  	[sflag:s16] =	ssyncset.done $0x0  }
0x128: {  	s9 =	simm.s32 $0xD;
	[sflag:s16] =	ssyncadd.s32 $0xFFFFF000  }
0x129: {  	_ =	swait.ge [sflag:s9], $0x1000  }
0x12a: {  	[sflag:s9] =	ssyncset.done $0x0  }
0x12b: {  	s10 =	simm.s32 $0xE;
	[sflag:s9] =	ssyncadd.s32 $0xFFFFF000  }
0x12c: {  	_ =	swait.ge [sflag:s10], $0x1000  }
0x12d: {  	[sflag:s10] =	ssyncset.done $0x0  }
0x12e: {  	s12 =	simm.s32 $0xF;
	[sflag:s10] =	ssyncadd.s32 $0xFFFFF000  }
0x12f: {  	_ =	swait.ge [sflag:s12], $0x1000  }
0x130: {  	[sflag:s12] =	ssyncset.done $0x0  }
0x131: {  	s13 =	simm.s32 $0x10;
	[sflag:s12] =	ssyncadd.s32 $0xFFFFF000  }
0x132: {  	_ =	swait.ge [sflag:s13], $0x1000  }
0x133: {  	[sflag:s13] =	ssyncset.done $0x0  }
0x134: {  	[sflag:s13] =	ssyncadd.s32 $0xFFFFF000  }
0x135: {  	_ =	swait.ge [sflag:s18], $0x200  }
0x136: {  	[sflag:s18] =	ssyncset.done $0x0  }
0x137: {  	[sflag:s18] =	ssyncadd.s32 $0xFFFFFE00  }
0x138: {  	_ =	swait.ge [sflag:s18], $0x200  }
0x139: {  	[sflag:s18] =	ssyncset.done $0x0  }
0x13a: {  	[sflag:s18] =	ssyncadd.s32 $0xFFFFFE00  }
0x13b: {  	[bflag:$0x0] =	sbarrier.arrive $0xFFFF  }
0x13c: {  	s14 =	rddreg [dreg:$0x9]  }
0x13d: {  	s9 =	rddreg [dreg:$0xd]  }
0x13e: {  	[hbm:s14], [sflag:s6] =	dma.local [spmem:s9], $0x13C0  }
0x13f: {  	_ =	swait.ge [sflag:s15], $0x13C0  }
0x140: {  	s11 =	sadd.s32 $0x1, s11;
	s16 =	rddreg [dreg:$0xa]  }
0x141: {  	p0 =	sne.s32 s11, s16  }
.Ltmp1:
0x142: {  	_ = 	snop;
	(pc) =	sbr.rel @p0 .LBB2_1-.Ltmp1, $3  }
0x143: {  	_ =	sdelay $0x1  }
0x144: {  	[sflag:s15] =	ssyncset.done $0x0  }
0x145: {  	[sflag:s15] =	ssyncadd.s32 $0xFFFFEC40  }
0x146: {  	_ =	sfence.sel $0x180000  }
0x147: {  	[bflag:$0x0] =	sbarrier.arrive $0xFFFF  }
0x148: {  	_ =	strace $0x9000004D  }
0x149: {  	s0 =	stileid.u32;
	[bflag:$0x2] =	sbarrier.arrive $0xFFFF  }
0x14a: {  	p0 =	sne.s32 s0, $0x0;
	s0 =	rddreg [dreg:$0x4]  }
0x14b: {  	s0 =	sadd.s32 @!p0 $0x100000, s0  }
0x14c: {  	[sflag:s0] =	ssyncadd.tile.s32 @!p0 $0x1;
	_ =	shalt  }
.Lfunc_end2:
_tile_overlayer_lowered:
.L_overlay_start_2:
0x14d: {  	(tag) =	ssettag $0x2  }
0x14e: {  	s0 =	rddreg [dreg:$0x0];
	s2 =	stileid.u32  }
0x14f: {  	s1 =	rddreg [dreg:$0x1];
	p0 =	sne.s32 s2, $0x0  }
0x150: {  	s3 =	rddreg [dreg:$0x2];
	[bflag:$0x3] =	sbarrier.arrive $0xFFFF;
	s2 =	simm.s32 @!p0 $0x1C12  }
0x151: {  	[timem:s3], [sflag:s2] =	dma.local @!p0 [hbm:s0], s1  }
0x152: {  	s0 =	simm.s32 @!p0 $0x12  }
0x153: {  	_ =	swait.ge @!p0 [sflag:s0], s1  }
0x154: {  	s1 =	ssub.s32 @!p0 $0x0, s1;
	[sflag:s0] =	ssyncset.done @!p0 $0x0  }
0x155: {  	[sflag:s0] =	ssyncadd.s32 @!p0 s1  }
0x156: {  	[bflag:$0x3] =	sbarrier.arrive $0xFFFF  }
0x157: {  	_ =	shalt  }

// kernel: kernel.8.cloned.1.call-start
scs
__scs_entry_jumppad:
0x0: {  	(pc) =	sbr.rel $0x88, $3  }
0x1: {  	(tag) =	ssettag $0x0;
	lr =	simm.s32 $0x1  }
0x2: {  	[smem:$0x3F8A] =	sst lr;
	_ =	strace $0xD0000000  }
0x3: {  	_ = 	snop  }
0x4: {  	_ = 	snop  }
0x5: {  	_ = 	snop  }
0x6: {  	_ = 	snop  }
0x7: {  	_ = 	snop  }
__scs_overlays_trampoline_lowered:
0x8: {  	[smem:$0x3F99] =	sst s0  }
0x9: {  	[smem:$0x3F9A] =	sst s1  }
0xa: {  	[smem:$0x3F9B] =	sst s2  }
0xb: {  	[smem:$0x3F9C] =	sst s3  }
0xc: {  	[smem:$0x3F9D] =	sst s4  }
0xd: {  	[smem:$0x3F9E] =	sst s5  }
0xe: {  	[smem:$0x3F9F] =	sst s6  }
0xf: {  	[smem:$0x3FA0] =	sst s7  }
0x10: {  	[smem:$0x3FA1] =	sst s8  }
0x11: {  	[smem:$0x3FA2] =	sst s9;
	s0 =	simm.s32 @!p0 $0x0  }
0x12: {  	s1 =	sld [smem:$0x3F88];
	s0 =	simm.s32 @p0 $0x1  }
0x13: {  	[smem:$0x3FA3] =	sst s0;
	s0 =	simm.s32 @!p1 $0x0  }
0x14: {  	s2 =	sld [smem:$0x3F87];
	s0 =	simm.s32 @p1 $0x1  }
0x15: {  	[smem:$0x3FA4] =	sst s0;
	s0 =	simm.s32 @!p2 $0x0  }
0x16: {  	s3 =	sld [smem:$0x3FDB];
	s0 =	simm.s32 @p2 $0x1  }
0x17: {  	s4 =	simm.s32 $0x1BF5;
	[smem:$0x3FA6] =	sst s0  }
0x18: {  	s0 =	sld [smem:$0x3F89];
	_ =	swait.ge [sflag:s4], $0x0  }
0x19: {  	s7 =	sld [smem:$0x3F8A]  }
0x1a: {  	s8 =	sadd.s32 $0xFFFFE003, lr  }
0x1b: {  	s9 =	sadd.s32 $0xFFFFFEF7, lr;
	s5 =	simm.s32 $0xFFFFFFFF;
	p2 =	slt.u32 s8, $0xFFFFF086  }
0x1c: {  	p1 =	slt.u32 s9, $0xF7A;
	s5 =	simm.s32 @!p2 $0x0  }
0x1d: {  	s5 =	simm.s32 @p1 $0x1;
	p0 =	seq.s32 s7, s2  }
0x1e: {  	s7 =	smul.u32 @!p0 $0xF7A, s2;
	p2 =	seq.s32 @!p0 s5, $0x0  }
0x1f: {  	s9 =	smul.u32 $0xF7A, s1;
	s8 =	simm.s32 @!p0 $0x1BF5;
	p2 =	por !p2, p0  }
0x20: {  	[sflag:s8] =	ssyncset.s32 @!p0 $0xFFFFF086;
	s6 =	sadd.s32 @!p0 s3, s7;
	s7 =	simm.s32 @!p0 $0x108  }
0x21: {  	s3 =	sadd.s32 s3, s9;
	s6 =	sadd.s32 @!p0 $0x88, s6;
	s7 =	simm.s32 @p2 $0x1082  }
0x22: {  	[simem:s7], [sflag:s8] =	dma.local @!p0 [hbm:s6], $0xF7A  }
0x23: {  	s9 =	sor.u32 $0xD0000000, s2;
	s6 =	simm.s32 $0x108;
	_ =	swait.ge @!p0 [sflag:s8], $0x0  }
0x24: {  	s3 =	sadd.s32 $0x88, s3;
	s6 =	simm.s32 @!p1 $0x1082;
	[sflag:s4] =	ssyncset.s32 $0xFFFFF086  }
0x25: {  	[simem:s6], [sflag:s4] =	dma.local [hbm:s3], $0xF7A  }
0x26: {  	[smem:$0x3F8A] =	sst s1;
	(tag) =	ssettag s2;
	_ =	strace s9  }
0x27: {  	s1 =	sld [smem:$0x3F9A]  }
0x28: {  	s2 =	sld [smem:$0x3F9B]  }
0x29: {  	s4 =	sld [smem:$0x3F9D]  }
0x2a: {  	p0 =	seq.s32 s5, $0x0;
	s5 =	sld [smem:$0x3F9E]  }
0x2b: {  	s6 =	sld [smem:$0x3F9F]  }
0x2c: {  	s7 =	sld [smem:$0x3FA0]  }
0x2d: {  	s3 =	simm.s32 $0x108;
	s8 =	sld [smem:$0x3FA1]  }
0x2e: {  	s3 =	simm.s32 @!p0 $0x1082;
	s9 =	sld [smem:$0x3FA2]  }
0x2f: {  	lr =	sadd.s32 s0, s3;
	s0 =	sld [smem:$0x3F99]  }
0x30: {  	s3 =	sld [smem:$0x3F9C]  }
0x31: {  	[smem:$0x3FA5] =	sst s10  }
0x32: {  	s10 =	sld [smem:$0x3FA3];
	_ =	sdelay $0x3  }
0x33: {  	p0 =	seq.s32 s10, $0x1;
	s10 =	sld [smem:$0x3FA5];
	_ =	sdelay $0x3  }
0x34: {  	[smem:$0x3FA5] =	sst s10  }
0x35: {  	s10 =	sld [smem:$0x3FA4];
	_ =	sdelay $0x3  }
0x36: {  	p1 =	seq.s32 s10, $0x1;
	s10 =	sld [smem:$0x3FA5];
	_ =	sdelay $0x3  }
0x37: {  	[smem:$0x3FA5] =	sst s10  }
0x38: {  	s10 =	sld [smem:$0x3FA6]  }
0x39: {  	_ = 	snop;
	(pc) =	sbr.ind lr, $3  }
0x3a: {  	_ = 	snop  }
0x3b: {  	_ = 	snop  }
0x3c: {  	p2 =	seq.s32 s10, $0x1;
	s10 =	sld [smem:$0x3FA5]  }
0x3d: {  	_ =	shalt  }
0x3e: {  	_ =	shalt  }
0x3f: {  	_ =	shalt  }
0x40: {  	_ =	shalt  }
0x41: {  	_ =	shalt  }
0x42: {  	_ =	shalt  }
0x43: {  	_ =	shalt  }
0x44: {  	_ =	shalt  }
0x45: {  	_ =	shalt  }
0x46: {  	_ =	shalt  }
0x47: {  	_ =	shalt  }
0x48: {  	_ =	shalt  }
0x49: {  	_ =	shalt  }
0x4a: {  	_ =	shalt  }
0x4b: {  	_ =	shalt  }
0x4c: {  	_ =	shalt  }
0x4d: {  	_ =	shalt  }
0x4e: {  	_ =	shalt  }
0x4f: {  	_ =	shalt  }
0x50: {  	_ =	shalt  }
0x51: {  	_ =	shalt  }
0x52: {  	_ =	shalt  }
0x53: {  	_ =	shalt  }
0x54: {  	_ =	shalt  }
0x55: {  	_ =	shalt  }
0x56: {  	_ =	shalt  }
0x57: {  	_ =	shalt  }
0x58: {  	_ =	shalt  }
0x59: {  	_ =	shalt  }
0x5a: {  	_ =	shalt  }
0x5b: {  	_ =	shalt  }
0x5c: {  	_ =	shalt  }
0x5d: {  	_ =	shalt  }
0x5e: {  	_ =	shalt  }
0x5f: {  	_ =	shalt  }
0x60: {  	_ =	shalt  }
0x61: {  	_ =	shalt  }
0x62: {  	_ =	shalt  }
0x63: {  	_ =	shalt  }
0x64: {  	_ =	shalt  }
0x65: {  	_ =	shalt  }
0x66: {  	_ =	shalt  }
0x67: {  	_ =	shalt  }
0x68: {  	_ =	shalt  }
0x69: {  	_ =	shalt  }
0x6a: {  	_ =	shalt  }
0x6b: {  	_ =	shalt  }
0x6c: {  	_ =	shalt  }
0x6d: {  	_ =	shalt  }
0x6e: {  	_ =	shalt  }
0x6f: {  	_ =	shalt  }
0x70: {  	_ =	shalt  }
0x71: {  	_ =	shalt  }
0x72: {  	_ =	shalt  }
0x73: {  	_ =	shalt  }
0x74: {  	_ =	shalt  }
0x75: {  	_ =	shalt  }
0x76: {  	_ =	shalt  }
0x77: {  	_ =	shalt  }
0x78: {  	_ =	shalt  }
0x79: {  	_ =	shalt  }
0x7a: {  	_ =	shalt  }
0x7b: {  	_ =	shalt  }
0x7c: {  	_ =	shalt  }
0x7d: {  	_ =	shalt  }
0x7e: {  	_ =	shalt  }
0x7f: {  	_ =	shalt  }
0x80: {  	_ =	shalt  }
0x81: {  	_ =	shalt  }
0x82: {  	_ =	shalt  }
0x83: {  	_ =	shalt  }
0x84: {  	_ =	shalt  }
0x85: {  	_ =	shalt  }
0x86: {  	_ =	shalt  }
0x87: {  	_ =	shalt  }
.Lfunc_end0:
.L_simem_size_0:
called_computation_lowered:
.L_overlay_start_0:
0x88: {  	s2 =	sld [smem:$0x3FD9]  }
0x89: {  	s3 =	sld [smem:$0x3FFE];
	_ =	sdelay $0x1  }
0x8a: {  	s1 =	srdreg.scid  }
0x8b: {  	s0 =	sand.u32 $0x1, s1  }
0x8c: {  	s14 =	sshll.u32 s0, $0xA;
	s2 =	sadd.s32 s3, s2  }
0x8d: {  	s2 =	sadd.s32 s2, s14  }
0x8e: {  	[smem:$0x3FB1] =	sst s2  }
0x8f: {  	_ = 	snop  }
0x90: {  	s2 =	sld [smem:$0x3FD0];
	_ =	sdelay $0x2  }
0x91: {  	s15 =	simm.s32 $0xA;
	s4 =	simm.s32 $0x10  }
0x92: {  	[smem:s4], [sflag:s15] =	dma.local [hbm:s2], $0x1  }
0x93: {  	_ =	swait.eq [sflag:s15], $0x1  }
0x94: {  	[sflag:s15] =	ssyncset.done $0x0  }
0x95: {  	[sflag:s15] =	ssyncadd.s32 $0xFFFFFFFF  }
0x96: {  	s16 =	sld [smem:$0x11];
	(tm) =	ssettm $0x1  }
0x97: {  	s17 =	sld [smem:$0x3FFB];
	_ =	sdelay $0x3  }
0x98: {  	_ =	strace s17  }
0x99: {  	s3 =	sld [smem:$0x3FFC];
	_ =	sdelay $0x3  }
0x9a: {  	_ =	strace s3  }
0x9b: {  	s3 =	sld [smem:$0x3FFD];
	_ =	sdelay $0x3  }
0x9c: {  	_ =	strace s3  }
0x9d: {  	_ =	strace $0x8FFFFFFF  }
0x9e: {  	s18 =	sld [smem:$0x3FDB];
	_ =	sdelay $0x1  }
0x9f: {  	s19 =	simm.s32 $_scs_section_size  }
0xa0: {  	s5 =	simm.s32 $_size__tile_overlayer_lowered;
	s6 =	simm.s32 $_tile_overlayer_lowered  }
0xa1: {  	s22 =	simm.s32 $0x1BFF;
	s21 =	sshll.u32 s6, $0x1;
	s3 =	sadd.s32 s19, s18  }
0xa2: {  	s7 =	simm.s32 $0x0;
	s20 =	sshll.u32 s5, $0x1;
	s5 =	sadd.s32 s21, s3  }
0xa3: {  	[timem:s7], [sflag:s22] =	dma.local [hbm:s5], s20  }
0xa4: {  	_ =	swait.ge [sflag:s22], s20  }
0xa5: {  	s4 =	ssub.s32 $0x0, s20;
	[sflag:s22] =	ssyncset.done $0x0  }
0xa6: {  	[sflag:s22] =	ssyncadd.s32 s4;
	_ =	sdelay $0x1  }
0xa7: {  	s23 =	simm.s32 $0x1B8B  }
0xa8: {  	_ =	swait.ge [sflag:s23], $0x1  }
0xa9: {  	[sflag:s23] =	ssyncset.done $0x0  }
0xaa: {  	s25 =	simm.s32 $0x1B8E;
	s24 =	sld [smem:$0x3FFE];
	[sflag:s23] =	ssyncadd.s32 $0xFFFFFFFF  }
0xab: {  	s26 =	simm.s32 $execute0_lowered;
	[smem:$0x3FD2] =	sst s25  }
0xac: {  	s5 =	sshll.u32 s26, $0x1;
	_ =	strace $0x80000046;
	[dreg:$0x1] =	wrdreg $0xFFFFFFFF  }
0xad: {  	s28 =	simm.s32 $_size_execute0_lowered;
	s3 =	sadd.s32 s3, s5;
	[dreg:$0x0] =	wrdreg $0x0  }
0xae: {  	s5 =	sshll.u32 s28, $0x1;
	[dreg:$0x2] =	wrdreg s3  }
0xaf: {  	[dreg:$0x3] =	wrdreg s5  }
0xb0: {  	[dreg:$0x4] =	wrdreg $0xC0  }
0xb1: {  	_ =	task [dreg:s7], $0x5FFFF  }
0xb2: {  	[dreg:$0x1] =	wrdreg $0xFFFFFFFF  }
0xb3: {  	[dreg:$0x0] =	wrdreg $0x60  }
0xb4: {  	[dreg:$0x2] =	wrdreg s16  }
0xb5: {  	[dreg:$0x3] =	wrdreg s24  }
0xb6: {  	[dreg:$0x4] =	wrdreg $0x8000  }
0xb7: {  	[dreg:$0x5] =	wrdreg $0xA6000  }
0xb8: {  	[dreg:$0x6] =	wrdreg $0x9  }
0xb9: {  	_ =	task.clear_ibuf [dreg:s7], $0x7FFFF;
	_ =	strace $0x90000046  }
0xba: {  	s29 =	simm.s32 $0x9;
	_ =	strace $0x80000048  }
0xbb: {  	_ =	swait.ge [sflag:s29], $0x1  }
0xbc: {  	[sflag:s29] =	ssyncadd.s32 $0xFFFFFFFF  }
0xbd: {  	_ =	strace $0x90000048  }
0xbe: {  	_ =	sfence  }
0xbf: {  	s30 =	sld [smem:$0x0];
	_ =	sdelay $0x2  }
0xc0: {  	s31 =	sshll.u32 s1, $0xD;
	s1 =	sshrl.u32 s1, $0x2  }
0xc1: {  	s3 =	sand.u32 $0x4000, s31;
	s1 =	sadd.s32 s1, s30  }
0xc2: {  	s0 =	sor.u32 s3, s0;
	s1 =	sshll.u32 s1, $0x11  }
0xc3: {  	s0 =	sor.u32 s1, s0  }
0xc4: {  	s0 =	sadd.s32 $0x8F2B, s0  }
0xc5: {  	[sflag:s0] =	ssyncadd.remote.s32 $0x1  }
0xc6: {  	_ =	sfence.sel $0xFFFF  }
0xc7: {  	[dreg:$0x0] =	wrdreg $0xFFFFFFFF;
	(pc) =	sbr.abs _section_cstart, $3  }
0xc8: {  	[dreg:$0x1] =	wrdreg $0xFFFFFFFF  }
0xc9: {  	_ =	task.clear_ibuf [dreg:s7], $0x2FFFF;
	_ =	strace $0x9FFFFFFF  }
0xca: {  	(tm) =	ssettm $0x7FFFFFFF  }
0xcb: {  	_ =	shalt  }
tec
execute0_lowered:
.L_overlay_start_1:
0x0: {  	(tag) =	ssettag $0x1  }
0x1: {  	s0 =	rddreg [dreg:$0x0]  }
0x2: {  	s2 =	rddreg [dreg:$0x1]  }
0x3: {  	s1 =	rddreg [dreg:$0x2]  }
0x4: {  	s3 =	rddreg [dreg:$0x3]  }
0x5: {  	s4 =	simm.s32 $0x0;
	s5 =	srdreg.scid;
	s13 =	stileid.u32  }
0x6: {  	s28 =	simm.s32 $0x1B240;
	s29 =	simm.s32 $0x1;
	s30 =	simm.s32 $0x2  }
0x7: {  	s31 =	simm.s32 $0x3;
	[smem:$0x7FF] =	sst s4;
	s6 =	smul.u32 $0x9E00, s13  }
0x8: {  	s5 =	sand.u32 $0x1, s5;
	s8 =	sadd.s32 $0xE600, s2;
	s12 =	smul.u32 $0x9C40, s13  }
0x9: {  	s9 =	sadd.s32 $0x4200, s2;
	s10 =	sadd.s32 $0x18A00, s2;
	s18 =	smul.u32 $0x5200, s13  }
0xa: {  	s17 =	sshll.u32 s13, $0x6;
	s20 =	smul.u32 $0xA40, s13;
	_ =	strace $0x80000047  }
0xb: {  	s7 =	smul.u32 $0x9E000, s5;
	[dreg:$0x5] =	wrdreg s10;
	s14 =	ssub.s32 $0x2, s5  }
0xc: {  	s5 =	smul.u32 $0x9C400, s5;
	s11 =	sshrl.u32 s14, $0x1;
	s16 =	sadd.s32 s6, s1  }
0xd: {  	s19 =	sshrl.u32 s18, $0x3;
	s23 =	sadd.s32 s20, s9;
	s24 =	sadd.s32 s20, s8  }
0xe: {  	s18 =	simm.s32 $0x11;
	s20 =	simm.s32 $0x14240;
	s7 =	sadd.s32 s6, s7  }
0xf: {  	s15 =	ssub.s32 s14, s11;
	s5 =	sadd.s32 s12, s5;
	s6 =	sor.u32 $0x1C12, s17  }
0x10: {  	s12 =	sadd.s32 s12, s3;
	s11 =	sadd.s32 s8, s19;
	s25 =	sadd.s32 $0x40, s24  }
0x11: {  	s24 =	simm.s32 $0x18240;
	s17 =	simm.s32 $0x6;
	s7 =	sshrl.u32 s7, $0x3  }
0x12: {  	s5 =	sshrl.u32 s5, $0x3;
	[dreg:$0x7] =	wrdreg s11;
	s22 =	smax.u32 s15, $0x1  }
0x13: {  	[dreg:$0xc] =	wrdreg s25;
	s15 =	simm.s32 $0x12;
	s26 =	sshrl.u32 s12, $0x3  }
0x14: {  	s25 =	simm.s32 $0x19240;
	s11 =	simm.s32 $0x0;
	[dreg:$0xa] =	wrdreg s22  }
0x15: {  	s2 =	sadd.s32 s7, s2;
	s0 =	sadd.s32 s0, s5;
	[dreg:$0xe] =	wrdreg s26  }
0x16: {  	s22 =	simm.s32 $0x16240;
	s26 =	simm.s32 $0x1A240;
	s5 =	simm.s32 $0x7  }
0x17: {  	s7 =	simm.s32 $0x8;
	[dreg:$0x6] =	wrdreg s0;
	s0 =	sadd.s32 s9, s19  }
0x18: {  	s21 =	sadd.s32 $0x19E00, s2;
	s9 =	sshrl.u32 s16, $0x3;
	[dreg:$0x8] =	wrdreg s0  }
0x19: {  	s19 =	simm.s32 $0x40;
	s2 =	simm.s32 $0x5;
	[dreg:$0x9] =	wrdreg s21  }
0x1a: {  	s0 =	sadd.s32 $0x40, s23;
	s21 =	simm.s32 $0x15240;
	[dreg:$0xd] =	wrdreg s9  }
0x1b: {  	s23 =	simm.s32 $0x17240;
	[dreg:$0xb] =	wrdreg s0;
	s0 =	simm.s32 $0x4  }
.LBB2_1:
0x1c: {  	s8 =	rddreg [dreg:$0x5]  }
0x1d: {  	[spmem:s9], [sflag:s6] =	dma.local [hbm:s8], $0x13C0  }
0x1e: {  	_ =	swait.ge [sflag:s15], $0x13C0  }
0x1f: {  	[sflag:s15] =	ssyncset.done $0x0;
	s9 =	rddreg [dreg:$0x6]  }
0x20: {  	s10 =	rddreg [dreg:$0xe];
	[sflag:s15] =	ssyncadd.s32 $0xFFFFEC40  }
0x21: {  	[spmem:s10], [sflag:s6] =	dma.local [hbm:s9], $0x1388  }
0x22: {  	_ =	swait.ge [sflag:s15], $0x1388  }
0x23: {  	[sflag:s15] =	ssyncset.done $0x0  }
0x24: {  	s12 =	rddreg [dreg:$0x7];
	[sflag:s15] =	ssyncadd.s32 $0xFFFFEC78  }
0x25: {  	[tilespmem:s4], [sflag:$0x11] =	stream.linear.gather [hbm4b:s12+s4], $0x200, $0x38;
	[tilespmem:$0x1C240] =	vst v63  }
0x26: {  	s14 =	simm.s32 $0x400;
	p0 =	por $0x1, $0x1;
	s13 =	rddreg [dreg:$0x8]  }
0x27: {  	[tilespmem:s14], [sflag:$0x11] =	stream.linear.gather [hbm4b:s13+s4], $0x200, $0x38;
	[tilespmem:$0x1C240] =	vst v63  }
0x28: {  	s8 =	simm.s32 @!p0 $0x9;
	[bflag:$0x0] =	sbarrier.arrive $0xFFFF  }
0x29: {  	_ =	swait.ge @!p0 [sflag:s8], $0x1000  }
0x2a: {  	[sflag:s8] =	ssyncset.done @!p0 $0x0  }
0x2b: {  	[sflag:s8] =	ssyncadd.s32 @!p0 $0xFFFFF000;
	s8 =	simm.s32 @!p0 $0xA  }
0x2c: {  	_ =	swait.ge @!p0 [sflag:s8], $0x1000  }
0x2d: {  	[sflag:s8] =	ssyncset.done @!p0 $0x0  }
0x2e: {  	[sflag:s8] =	ssyncadd.s32 @!p0 $0xFFFFF000;
	s8 =	simm.s32 @!p0 $0xB  }
0x2f: {  	_ =	swait.ge @!p0 [sflag:s8], $0x1000  }
0x30: {  	[sflag:s8] =	ssyncset.done @!p0 $0x0  }
0x31: {  	[sflag:s8] =	ssyncadd.s32 @!p0 $0xFFFFF000;
	s8 =	simm.s32 @!p0 $0xC  }
0x32: {  	_ =	swait.ge @!p0 [sflag:s8], $0x1000  }
0x33: {  	[sflag:s8] =	ssyncset.done @!p0 $0x0  }
0x34: {  	[sflag:s8] =	ssyncadd.s32 @!p0 $0xFFFFF000;
	s8 =	simm.s32 @!p0 $0xD  }
0x35: {  	_ =	swait.ge @!p0 [sflag:s8], $0x1000  }
0x36: {  	[sflag:s8] =	ssyncset.done @!p0 $0x0  }
0x37: {  	[sflag:s8] =	ssyncadd.s32 @!p0 $0xFFFFF000;
	s8 =	simm.s32 @!p0 $0xE  }
0x38: {  	_ =	swait.ge @!p0 [sflag:s8], $0x1000  }
0x39: {  	[sflag:s8] =	ssyncset.done @!p0 $0x0  }
0x3a: {  	[sflag:s8] =	ssyncadd.s32 @!p0 $0xFFFFF000;
	s8 =	simm.s32 @!p0 $0xF  }
0x3b: {  	_ =	swait.ge @!p0 [sflag:s8], $0x1000  }
0x3c: {  	[sflag:s8] =	ssyncset.done @!p0 $0x0  }
0x3d: {  	[sflag:s8] =	ssyncadd.s32 @!p0 $0xFFFFF000;
	s8 =	simm.s32 @!p0 $0x10  }
0x3e: {  	_ =	swait.ge @!p0 [sflag:s8], $0x1000  }
0x3f: {  	[sflag:s8] =	ssyncset.done @!p0 $0x0  }
0x40: {  	[sflag:s8] =	ssyncadd.s32 @!p0 $0xFFFFF000  }
0x41: {  	_ =	swait.ge [sflag:s18], $0x200  }
0x42: {  	[sflag:s18] =	ssyncset.done $0x0  }
0x43: {  	[sflag:s18] =	ssyncadd.s32 $0xFFFFFE00  }
0x44: {  	_ =	swait.ge [sflag:s18], $0x200  }
0x45: {  	s12 =	sand.u32 $0x200, s4;
	[sflag:s18] =	ssyncset.done $0x0  }
0x46: {  	s16 =	ssub.s32 $0x200, s12;
	s14 =	rddreg [dreg:$0xc];
	[sflag:s18] =	ssyncadd.s32 $0xFFFFFE00  }
0x47: {  	[tilespmem:s16], [sflag:$0x11] =	stream.linear.gather [hbm4b:s14+s4], $0x200, $0x38;
	[tilespmem:$0x1C240] =	vst v63  }
0x48: {  	s9 =	ssub.s32 $0x600, s12;
	s13 =	rddreg [dreg:$0xb]  }
0x49: {  	[tilespmem:s9], [sflag:$0x11] =	stream.linear.gather [hbm4b:s13+s4], $0x200, $0x38;
	[tilespmem:$0x1C240] =	vst v63  }
0x4a: {  	_ = 	snop  }
0x4b: {  	[tilespmem:s20], [sflag:$0x1] =	stream.indirect.gather [spmem:s3], $0x40, s12, s19, $0xb8;
	[tilespmem:$0x1C240] =	vst v63  }
0x4c: {  	s10 =	sor.u32 $0x40, s12  }
0x4d: {  	[tilespmem:s21], [sflag:$0x2] =	stream.indirect.gather [spmem:s3], $0x40, s10, s19, $0xb8;
	[tilespmem:$0x1C240] =	vst v63  }
0x4e: {  	s16 =	sor.u32 $0x80, s12  }
0x4f: {  	[tilespmem:s22], [sflag:$0x3] =	stream.indirect.gather [spmem:s3], $0x40, s16, s19, $0xb8;
	[tilespmem:$0x1C240] =	vst v63  }
0x50: {  	s9 =	sor.u32 $0xC0, s12  }
0x51: {  	[tilespmem:s23], [sflag:$0x4] =	stream.indirect.gather [spmem:s3], $0x40, s9, s19, $0xb8;
	[tilespmem:$0x1C240] =	vst v63  }
0x52: {  	s10 =	sor.u32 $0x100, s12  }
0x53: {  	[tilespmem:s24], [sflag:$0x5] =	stream.indirect.gather [spmem:s3], $0x40, s10, s19, $0xb8;
	[tilespmem:$0x1C240] =	vst v63  }
0x54: {  	s16 =	sor.u32 $0x140, s12  }
0x55: {  	[tilespmem:s25], [sflag:$0x6] =	stream.indirect.gather [spmem:s3], $0x40, s16, s19, $0xb8;
	[tilespmem:$0x1C240] =	vst v63  }
0x56: {  	s9 =	sor.u32 $0x180, s12  }
0x57: {  	[tilespmem:s26], [sflag:$0x7] =	stream.indirect.gather [spmem:s3], $0x40, s9, s19, $0xb8;
	[tilespmem:$0x1C240] =	vst v63  }
0x58: {  	s10 =	sor.u32 $0x1C0, s12  }
0x59: {  	[tilespmem:s28], [sflag:$0x8] =	stream.indirect.gather [spmem:s3], $0x40, s10, s19, $0xb8;
	[tilespmem:$0x1C240] =	vst v63  }
0x5a: {  	_ =	swait.ge [sflag:s29], $0x1000  }
0x5b: {  	[sflag:s29] =	ssyncset.done $0x0  }
0x5c: {  	s16 =	sor.u32 $0x400, s12;
	[sflag:s29] =	ssyncadd.s32 $0xFFFFF000  }
0x5d: {  	[spmem:s1] =	stream.indirect.scatter.add.f32 [tilespmem:s20], [sflag:$0x9], $0x40, s16, s19, $0xb8;
	[tilespmem:$0x1C240] =	vst v63  }
0x5e: {  	_ =	swait.ge [sflag:s30], $0x1000  }
0x5f: {  	[sflag:s30] =	ssyncset.done $0x0  }
0x60: {  	s9 =	sor.u32 $0x440, s12;
	[sflag:s30] =	ssyncadd.s32 $0xFFFFF000  }
0x61: {  	[spmem:s1] =	stream.indirect.scatter.add.f32 [tilespmem:s21], [sflag:$0xA], $0x40, s9, s19, $0xb8;
	[tilespmem:$0x1C240] =	vst v63  }
0x62: {  	_ =	swait.ge [sflag:s31], $0x1000  }
0x63: {  	[sflag:s31] =	ssyncset.done $0x0  }
0x64: {  	s10 =	sor.u32 $0x480, s12;
	[sflag:s31] =	ssyncadd.s32 $0xFFFFF000  }
0x65: {  	[spmem:s1] =	stream.indirect.scatter.add.f32 [tilespmem:s22], [sflag:$0xB], $0x40, s10, s19, $0xb8;
	[tilespmem:$0x1C240] =	vst v63  }
0x66: {  	_ =	swait.ge [sflag:s0], $0x1000  }
0x67: {  	[sflag:s0] =	ssyncset.done $0x0  }
0x68: {  	s16 =	sor.u32 $0x4C0, s12;
	[sflag:s0] =	ssyncadd.s32 $0xFFFFF000  }
0x69: {  	[spmem:s1] =	stream.indirect.scatter.add.f32 [tilespmem:s23], [sflag:$0xC], $0x40, s16, s19, $0xb8;
	[tilespmem:$0x1C240] =	vst v63  }
0x6a: {  	_ =	swait.ge [sflag:s2], $0x1000  }
0x6b: {  	[sflag:s2] =	ssyncset.done $0x0  }
0x6c: {  	s9 =	sor.u32 $0x500, s12;
	[sflag:s2] =	ssyncadd.s32 $0xFFFFF000  }
0x6d: {  	[spmem:s1] =	stream.indirect.scatter.add.f32 [tilespmem:s24], [sflag:$0xD], $0x40, s9, s19, $0xb8;
	[tilespmem:$0x1C240] =	vst v63  }
0x6e: {  	_ =	swait.ge [sflag:s17], $0x1000  }
0x6f: {  	[sflag:s17] =	ssyncset.done $0x0  }
0x70: {  	s10 =	sor.u32 $0x540, s12;
	[sflag:s17] =	ssyncadd.s32 $0xFFFFF000  }
0x71: {  	[spmem:s1] =	stream.indirect.scatter.add.f32 [tilespmem:s25], [sflag:$0xE], $0x40, s10, s19, $0xb8;
	[tilespmem:$0x1C240] =	vst v63  }
0x72: {  	_ =	swait.ge [sflag:s5], $0x1000  }
0x73: {  	p1 =	por $0x0, $0x0;
	[sflag:s5] =	ssyncset.done $0x0  }
0x74: {  	s8 =	simm.s32 $0x200;
	s16 =	sor.u32 $0x580, s12;
	[sflag:s5] =	ssyncadd.s32 $0xFFFFF000  }
0x75: {  	[spmem:s1] =	stream.indirect.scatter.add.f32 [tilespmem:s26], [sflag:$0xF], $0x40, s16, s19, $0xb8;
	[tilespmem:$0x1C240] =	vst v63  }
0x76: {  	s12 =	sor.u32 $0x5C0, s12;
	s9 =	sadd.s32 $0x40, s14;
	_ =	swait.ge [sflag:s7], $0x1000  }
0x77: {  	s10 =	simm.s32 $0x400;
	s16 =	sadd.s32 $0x40, s13;
	[sflag:s7] =	ssyncset.done $0x0  }
.LBB2_2:
0x78: {  	s14 =	simm.s32 @!p1 $0x9  }
0x79: {  	[sflag:s7] =	ssyncadd.s32 $0xFFFFF000;
	s13 =	smov.u32 s10;
	s10 =	sadd.s32 $0x200, s10  }
0x7a: {  	[spmem:s1] =	stream.indirect.scatter.add.f32 [tilespmem:s28], [sflag:$0x10], $0x40, s12, s19, $0xb8;
	[tilespmem:$0x1C240] =	vst v63  }
0x7b: {  	p0 =	sne.s32 s10, $0x5000;
	_ =	swait.ge @!p1 [sflag:s14], $0x1000  }
0x7c: {  	[sflag:s14] =	ssyncset.done @!p1 $0x0  }
0x7d: {  	s12 =	simm.s32 @!p1 $0xA;
	[sflag:s14] =	ssyncadd.s32 @!p1 $0xFFFFF000  }
0x7e: {  	_ =	swait.ge @!p1 [sflag:s12], $0x1000  }
0x7f: {  	[sflag:s12] =	ssyncset.done @!p1 $0x0  }
0x80: {  	[sflag:s12] =	ssyncadd.s32 @!p1 $0xFFFFF000;
	s12 =	simm.s32 @!p1 $0xB  }
0x81: {  	_ =	swait.ge @!p1 [sflag:s12], $0x1000  }
0x82: {  	[sflag:s12] =	ssyncset.done @!p1 $0x0  }
0x83: {  	[sflag:s12] =	ssyncadd.s32 @!p1 $0xFFFFF000;
	s12 =	simm.s32 @!p1 $0xC  }
0x84: {  	_ =	swait.ge @!p1 [sflag:s12], $0x1000  }
0x85: {  	[sflag:s12] =	ssyncset.done @!p1 $0x0  }
0x86: {  	[sflag:s12] =	ssyncadd.s32 @!p1 $0xFFFFF000;
	s12 =	simm.s32 @!p1 $0xD  }
0x87: {  	_ =	swait.ge @!p1 [sflag:s12], $0x1000  }
0x88: {  	[sflag:s12] =	ssyncset.done @!p1 $0x0  }
0x89: {  	[sflag:s12] =	ssyncadd.s32 @!p1 $0xFFFFF000;
	s12 =	simm.s32 @!p1 $0xE  }
0x8a: {  	_ =	swait.ge @!p1 [sflag:s12], $0x1000  }
0x8b: {  	[sflag:s12] =	ssyncset.done @!p1 $0x0  }
0x8c: {  	[sflag:s12] =	ssyncadd.s32 @!p1 $0xFFFFF000;
	s12 =	simm.s32 @!p1 $0xF  }
0x8d: {  	_ =	swait.ge @!p1 [sflag:s12], $0x1000  }
0x8e: {  	[sflag:s12] =	ssyncset.done @!p1 $0x0  }
0x8f: {  	[sflag:s12] =	ssyncadd.s32 @!p1 $0xFFFFF000;
	s12 =	simm.s32 @!p1 $0x10  }
0x90: {  	_ =	swait.ge @!p1 [sflag:s12], $0x1000  }
0x91: {  	[sflag:s12] =	ssyncset.done @!p1 $0x0  }
0x92: {  	[sflag:s12] =	ssyncadd.s32 @!p1 $0xFFFFF000  }
0x93: {  	_ =	swait.ge [sflag:s18], $0x200  }
0x94: {  	[sflag:s18] =	ssyncset.done $0x0  }
0x95: {  	[sflag:s18] =	ssyncadd.s32 $0xFFFFFE00  }
0x96: {  	_ =	swait.ge [sflag:s18], $0x200  }
0x97: {  	s12 =	sand.u32 $0x200, s8;
	s8 =	smov.u32 s13;
	[sflag:s18] =	ssyncset.done $0x0  }
0x98: {  	s13 =	ssub.s32 $0x200, s12;
	[sflag:s18] =	ssyncadd.s32 $0xFFFFFE00  }
0x99: {  	[tilespmem:s13], [sflag:$0x11] =	stream.linear.gather [hbm4b:s9+s4], $0x200, $0x38;
	[tilespmem:$0x1C240] =	vst v63  }
0x9a: {  	s13 =	ssub.s32 $0x600, s12  }
0x9b: {  	[tilespmem:s13], [sflag:$0x11] =	stream.linear.gather [hbm4b:s16+s4], $0x200, $0x38;
	[tilespmem:$0x1C240] =	vst v63  }
0x9c: {  	_ = 	snop  }
0x9d: {  	[tilespmem:s20], [sflag:$0x1] =	stream.indirect.gather [spmem:s3], $0x40, s12, s19, $0xb8;
	[tilespmem:$0x1C240] =	vst v63  }
0x9e: {  	s13 =	sor.u32 $0x40, s12  }
0x9f: {  	[tilespmem:s21], [sflag:$0x2] =	stream.indirect.gather [spmem:s3], $0x40, s13, s19, $0xb8;
	[tilespmem:$0x1C240] =	vst v63  }
0xa0: {  	s13 =	sor.u32 $0x80, s12  }
0xa1: {  	[tilespmem:s22], [sflag:$0x3] =	stream.indirect.gather [spmem:s3], $0x40, s13, s19, $0xb8;
	[tilespmem:$0x1C240] =	vst v63  }
0xa2: {  	s13 =	sor.u32 $0xC0, s12  }
0xa3: {  	[tilespmem:s23], [sflag:$0x4] =	stream.indirect.gather [spmem:s3], $0x40, s13, s19, $0xb8;
	[tilespmem:$0x1C240] =	vst v63  }
0xa4: {  	s13 =	sor.u32 $0x100, s12  }
0xa5: {  	[tilespmem:s24], [sflag:$0x5] =	stream.indirect.gather [spmem:s3], $0x40, s13, s19, $0xb8;
	[tilespmem:$0x1C240] =	vst v63  }
0xa6: {  	s13 =	sor.u32 $0x140, s12  }
0xa7: {  	[tilespmem:s25], [sflag:$0x6] =	stream.indirect.gather [spmem:s3], $0x40, s13, s19, $0xb8;
	[tilespmem:$0x1C240] =	vst v63  }
0xa8: {  	s13 =	sor.u32 $0x180, s12  }
0xa9: {  	[tilespmem:s26], [sflag:$0x7] =	stream.indirect.gather [spmem:s3], $0x40, s13, s19, $0xb8;
	[tilespmem:$0x1C240] =	vst v63  }
0xaa: {  	s13 =	sor.u32 $0x1C0, s12  }
0xab: {  	[tilespmem:s28], [sflag:$0x8] =	stream.indirect.gather [spmem:s3], $0x40, s13, s19, $0xb8;
	[tilespmem:$0x1C240] =	vst v63  }
0xac: {  	_ =	swait.ge [sflag:s29], $0x1000  }
0xad: {  	[sflag:s29] =	ssyncset.done $0x0  }
0xae: {  	s13 =	sor.u32 $0x400, s12;
	[sflag:s29] =	ssyncadd.s32 $0xFFFFF000  }
0xaf: {  	[spmem:s1] =	stream.indirect.scatter.add.f32 [tilespmem:s20], [sflag:$0x9], $0x40, s13, s19, $0xb8;
	[tilespmem:$0x1C240] =	vst v63  }
0xb0: {  	_ =	swait.ge [sflag:s30], $0x1000  }
0xb1: {  	[sflag:s30] =	ssyncset.done $0x0  }
0xb2: {  	s13 =	sor.u32 $0x440, s12;
	[sflag:s30] =	ssyncadd.s32 $0xFFFFF000  }
0xb3: {  	[spmem:s1] =	stream.indirect.scatter.add.f32 [tilespmem:s21], [sflag:$0xA], $0x40, s13, s19, $0xb8;
	[tilespmem:$0x1C240] =	vst v63  }
0xb4: {  	_ =	swait.ge [sflag:s31], $0x1000  }
0xb5: {  	[sflag:s31] =	ssyncset.done $0x0  }
0xb6: {  	s13 =	sor.u32 $0x480, s12;
	[sflag:s31] =	ssyncadd.s32 $0xFFFFF000  }
0xb7: {  	[spmem:s1] =	stream.indirect.scatter.add.f32 [tilespmem:s22], [sflag:$0xB], $0x40, s13, s19, $0xb8;
	[tilespmem:$0x1C240] =	vst v63  }
0xb8: {  	_ =	swait.ge [sflag:s0], $0x1000  }
0xb9: {  	[sflag:s0] =	ssyncset.done $0x0  }
0xba: {  	s13 =	sor.u32 $0x4C0, s12;
	[sflag:s0] =	ssyncadd.s32 $0xFFFFF000  }
0xbb: {  	[spmem:s1] =	stream.indirect.scatter.add.f32 [tilespmem:s23], [sflag:$0xC], $0x40, s13, s19, $0xb8;
	[tilespmem:$0x1C240] =	vst v63  }
0xbc: {  	_ =	swait.ge [sflag:s2], $0x1000  }
0xbd: {  	[sflag:s2] =	ssyncset.done $0x0  }
0xbe: {  	s13 =	sor.u32 $0x500, s12;
	[sflag:s2] =	ssyncadd.s32 $0xFFFFF000  }
0xbf: {  	[spmem:s1] =	stream.indirect.scatter.add.f32 [tilespmem:s24], [sflag:$0xD], $0x40, s13, s19, $0xb8;
	[tilespmem:$0x1C240] =	vst v63  }
0xc0: {  	_ =	swait.ge [sflag:s17], $0x1000  }
0xc1: {  	[sflag:s17] =	ssyncset.done $0x0  }
0xc2: {  	s13 =	sor.u32 $0x540, s12;
	[sflag:s17] =	ssyncadd.s32 $0xFFFFF000  }
0xc3: {  	[spmem:s1] =	stream.indirect.scatter.add.f32 [tilespmem:s25], [sflag:$0xE], $0x40, s13, s19, $0xb8;
	[tilespmem:$0x1C240] =	vst v63  }
0xc4: {  	_ =	swait.ge [sflag:s5], $0x1000  }
.Ltmp0:
0xc5: {  	[sflag:s5] =	ssyncset.done $0x0;
	(pc) =	sbr.rel @p0 .LBB2_2-.Ltmp0, $4  }
0xc6: {  	s13 =	sor.u32 $0x580, s12;
	[sflag:s5] =	ssyncadd.s32 $0xFFFFF000  }
0xc7: {  	[spmem:s1] =	stream.indirect.scatter.add.f32 [tilespmem:s26], [sflag:$0xF], $0x40, s13, s19, $0xb8;
	[tilespmem:$0x1C240] =	vst v63  }
0xc8: {  	s9 =	sadd.s32 $0x40, s9;
	s16 =	sadd.s32 $0x40, s16;
	_ =	swait.ge [sflag:s7], $0x1000  }
0xc9: {  	p1 =	seq.s32 s8, $0x0;
	s12 =	sor.u32 $0x5C0, s12;
	[sflag:s7] =	ssyncset.done $0x0  }
0xca: {  	[sflag:s7] =	ssyncadd.s32 $0xFFFFF000;
	s10 =	simm.s32 @!p1 $0x9  }
0xcb: {  	[spmem:s1] =	stream.indirect.scatter.add.f32 [tilespmem:s28], [sflag:$0x10], $0x40, s12, s19, $0xb8;
	[tilespmem:$0x1C240] =	vst v63  }
0xcc: {  	_ =	swait.ge @!p1 [sflag:s10], $0x1000  }
0xcd: {  	[sflag:s10] =	ssyncset.done @!p1 $0x0  }
0xce: {  	[sflag:s10] =	ssyncadd.s32 @!p1 $0xFFFFF000;
	s10 =	simm.s32 @!p1 $0xA  }
0xcf: {  	_ =	swait.ge @!p1 [sflag:s10], $0x1000  }
0xd0: {  	[sflag:s10] =	ssyncset.done @!p1 $0x0  }
0xd1: {  	[sflag:s10] =	ssyncadd.s32 @!p1 $0xFFFFF000;
	s10 =	simm.s32 @!p1 $0xB  }
0xd2: {  	_ =	swait.ge @!p1 [sflag:s10], $0x1000  }
0xd3: {  	[sflag:s10] =	ssyncset.done @!p1 $0x0  }
0xd4: {  	[sflag:s10] =	ssyncadd.s32 @!p1 $0xFFFFF000;
	s10 =	simm.s32 @!p1 $0xC  }
0xd5: {  	_ =	swait.ge @!p1 [sflag:s10], $0x1000  }
0xd6: {  	[sflag:s10] =	ssyncset.done @!p1 $0x0  }
0xd7: {  	[sflag:s10] =	ssyncadd.s32 @!p1 $0xFFFFF000;
	s10 =	simm.s32 @!p1 $0xD  }
0xd8: {  	_ =	swait.ge @!p1 [sflag:s10], $0x1000  }
0xd9: {  	[sflag:s10] =	ssyncset.done @!p1 $0x0  }
0xda: {  	[sflag:s10] =	ssyncadd.s32 @!p1 $0xFFFFF000;
	s10 =	simm.s32 @!p1 $0xE  }
0xdb: {  	_ =	swait.ge @!p1 [sflag:s10], $0x1000  }
0xdc: {  	[sflag:s10] =	ssyncset.done @!p1 $0x0  }
0xdd: {  	[sflag:s10] =	ssyncadd.s32 @!p1 $0xFFFFF000;
	s10 =	simm.s32 @!p1 $0xF  }
0xde: {  	_ =	swait.ge @!p1 [sflag:s10], $0x1000  }
0xdf: {  	[sflag:s10] =	ssyncset.done @!p1 $0x0  }
0xe0: {  	[sflag:s10] =	ssyncadd.s32 @!p1 $0xFFFFF000;
	s10 =	simm.s32 @!p1 $0x10  }
0xe1: {  	_ =	swait.ge @!p1 [sflag:s10], $0x1000  }
0xe2: {  	[sflag:s10] =	ssyncset.done @!p1 $0x0  }
0xe3: {  	[sflag:s10] =	ssyncadd.s32 @!p1 $0xFFFFF000  }
0xe4: {  	_ =	swait.ge [sflag:s18], $0x200  }
0xe5: {  	[sflag:s18] =	ssyncset.done $0x0  }
0xe6: {  	[sflag:s18] =	ssyncadd.s32 $0xFFFFFE00  }
0xe7: {  	_ =	swait.ge [sflag:s18], $0x200  }
0xe8: {  	s8 =	sand.u32 $0x200, s8;
	[sflag:s18] =	ssyncset.done $0x0  }
0xe9: {  	s14 =	ssub.s32 $0x200, s8;
	[sflag:s18] =	ssyncadd.s32 $0xFFFFFE00  }
0xea: {  	[tilespmem:s14], [sflag:$0x11] =	stream.linear.gather [hbm4b:s9+s4], $0x200, $0x38;
	[tilespmem:$0x1C240] =	vst v63  }
0xeb: {  	s12 =	ssub.s32 $0x600, s8  }
0xec: {  	[tilespmem:s12], [sflag:$0x11] =	stream.linear.gather [hbm4b:s16+s4], $0x200, $0x38;
	[tilespmem:$0x1C240] =	vst v63  }
0xed: {  	_ = 	snop  }
0xee: {  	[tilespmem:s20], [sflag:$0x1] =	stream.indirect.gather [spmem:s3], $0x40, s8, s19, $0xb8;
	[tilespmem:$0x1C240] =	vst v63  }
0xef: {  	s13 =	sor.u32 $0x40, s8  }
0xf0: {  	[tilespmem:s21], [sflag:$0x2] =	stream.indirect.gather [spmem:s3], $0x40, s13, s19, $0xb8;
	[tilespmem:$0x1C240] =	vst v63  }
0xf1: {  	s14 =	sor.u32 $0x80, s8  }
0xf2: {  	[tilespmem:s22], [sflag:$0x3] =	stream.indirect.gather [spmem:s3], $0x40, s14, s19, $0xb8;
	[tilespmem:$0x1C240] =	vst v63  }
0xf3: {  	s16 =	sor.u32 $0xC0, s8  }
0xf4: {  	[tilespmem:s23], [sflag:$0x4] =	stream.indirect.gather [spmem:s3], $0x40, s16, s19, $0xb8;
	[tilespmem:$0x1C240] =	vst v63  }
0xf5: {  	s10 =	sor.u32 $0x100, s8  }
0xf6: {  	[tilespmem:s24], [sflag:$0x5] =	stream.indirect.gather [spmem:s3], $0x40, s10, s19, $0xb8;
	[tilespmem:$0x1C240] =	vst v63  }
0xf7: {  	s12 =	sor.u32 $0x140, s8  }
0xf8: {  	[tilespmem:s25], [sflag:$0x6] =	stream.indirect.gather [spmem:s3], $0x40, s12, s19, $0xb8;
	[tilespmem:$0x1C240] =	vst v63  }
0xf9: {  	s13 =	sor.u32 $0x180, s8  }
0xfa: {  	[tilespmem:s26], [sflag:$0x7] =	stream.indirect.gather [spmem:s3], $0x40, s13, s19, $0xb8;
	[tilespmem:$0x1C240] =	vst v63  }
0xfb: {  	s14 =	sor.u32 $0x1C0, s8  }
0xfc: {  	[tilespmem:s28], [sflag:$0x8] =	stream.indirect.gather [spmem:s3], $0x40, s14, s19, $0xb8;
	[tilespmem:$0x1C240] =	vst v63  }
0xfd: {  	_ =	swait.ge [sflag:s29], $0x1000  }
0xfe: {  	[sflag:s29] =	ssyncset.done $0x0  }
0xff: {  	s16 =	sor.u32 $0x400, s8;
	[sflag:s29] =	ssyncadd.s32 $0xFFFFF000  }
0x100: {  	[spmem:s1] =	stream.indirect.scatter.add.f32 [tilespmem:s20], [sflag:$0x9], $0x40, s16, s19, $0xb8;
	[tilespmem:$0x1C240] =	vst v63  }
0x101: {  	_ =	swait.ge [sflag:s30], $0x1000  }
0x102: {  	[sflag:s30] =	ssyncset.done $0x0  }
0x103: {  	s10 =	sor.u32 $0x440, s8;
	[sflag:s30] =	ssyncadd.s32 $0xFFFFF000  }
0x104: {  	[spmem:s1] =	stream.indirect.scatter.add.f32 [tilespmem:s21], [sflag:$0xA], $0x40, s10, s19, $0xb8;
	[tilespmem:$0x1C240] =	vst v63  }
0x105: {  	_ =	swait.ge [sflag:s31], $0x1000  }
0x106: {  	[sflag:s31] =	ssyncset.done $0x0  }
0x107: {  	s12 =	sor.u32 $0x480, s8;
	[sflag:s31] =	ssyncadd.s32 $0xFFFFF000  }
0x108: {  	[spmem:s1] =	stream.indirect.scatter.add.f32 [tilespmem:s22], [sflag:$0xB], $0x40, s12, s19, $0xb8;
	[tilespmem:$0x1C240] =	vst v63  }
0x109: {  	_ =	swait.ge [sflag:s0], $0x1000  }
0x10a: {  	[sflag:s0] =	ssyncset.done $0x0  }
0x10b: {  	s13 =	sor.u32 $0x4C0, s8;
	[sflag:s0] =	ssyncadd.s32 $0xFFFFF000  }
0x10c: {  	[spmem:s1] =	stream.indirect.scatter.add.f32 [tilespmem:s23], [sflag:$0xC], $0x40, s13, s19, $0xb8;
	[tilespmem:$0x1C240] =	vst v63  }
0x10d: {  	_ =	swait.ge [sflag:s2], $0x1000  }
0x10e: {  	[sflag:s2] =	ssyncset.done $0x0  }
0x10f: {  	s14 =	sor.u32 $0x500, s8;
	[sflag:s2] =	ssyncadd.s32 $0xFFFFF000  }
0x110: {  	[spmem:s1] =	stream.indirect.scatter.add.f32 [tilespmem:s24], [sflag:$0xD], $0x40, s14, s19, $0xb8;
	[tilespmem:$0x1C240] =	vst v63  }
0x111: {  	_ =	swait.ge [sflag:s17], $0x1000  }
0x112: {  	[sflag:s17] =	ssyncset.done $0x0  }
0x113: {  	s16 =	sor.u32 $0x540, s8;
	[sflag:s17] =	ssyncadd.s32 $0xFFFFF000  }
0x114: {  	[spmem:s1] =	stream.indirect.scatter.add.f32 [tilespmem:s25], [sflag:$0xE], $0x40, s16, s19, $0xb8;
	[tilespmem:$0x1C240] =	vst v63  }
0x115: {  	_ =	swait.ge [sflag:s5], $0x1000  }
0x116: {  	[sflag:s5] =	ssyncset.done $0x0  }
0x117: {  	s10 =	sor.u32 $0x580, s8;
	[sflag:s5] =	ssyncadd.s32 $0xFFFFF000  }
0x118: {  	[spmem:s1] =	stream.indirect.scatter.add.f32 [tilespmem:s26], [sflag:$0xF], $0x40, s10, s19, $0xb8;
	[tilespmem:$0x1C240] =	vst v63  }
0x119: {  	_ =	swait.ge [sflag:s7], $0x1000  }
0x11a: {  	[sflag:s7] =	ssyncset.done $0x0  }
0x11b: {  	s8 =	sor.u32 $0x5C0, s8;
	s12 =	simm.s32 $0x9;
	[sflag:s7] =	ssyncadd.s32 $0xFFFFF000  }
0x11c: {  	[spmem:s1] =	stream.indirect.scatter.add.f32 [tilespmem:s28], [sflag:$0x10], $0x40, s8, s19, $0xb8;
	[tilespmem:$0x1C240] =	vst v63  }
0x11d: {  	_ =	swait.ge [sflag:s12], $0x1000  }
0x11e: {  	[sflag:s12] =	ssyncset.done $0x0  }
0x11f: {  	s13 =	simm.s32 $0xA;
	[sflag:s12] =	ssyncadd.s32 $0xFFFFF000  }
0x120: {  	_ =	swait.ge [sflag:s13], $0x1000  }
0x121: {  	[sflag:s13] =	ssyncset.done $0x0  }
0x122: {  	s14 =	simm.s32 $0xB;
	[sflag:s13] =	ssyncadd.s32 $0xFFFFF000  }
0x123: {  	_ =	swait.ge [sflag:s14], $0x1000  }
0x124: {  	[sflag:s14] =	ssyncset.done $0x0  }
0x125: {  	s16 =	simm.s32 $0xC;
	[sflag:s14] =	ssyncadd.s32 $0xFFFFF000  }
0x126: {  	_ =	swait.ge [sflag:s16], $0x1000  }
0x127: {  	[sflag:s16] =	ssyncset.done $0x0  }
0x128: {  	s9 =	simm.s32 $0xD;
	[sflag:s16] =	ssyncadd.s32 $0xFFFFF000  }
0x129: {  	_ =	swait.ge [sflag:s9], $0x1000  }
0x12a: {  	[sflag:s9] =	ssyncset.done $0x0  }
0x12b: {  	s10 =	simm.s32 $0xE;
	[sflag:s9] =	ssyncadd.s32 $0xFFFFF000  }
0x12c: {  	_ =	swait.ge [sflag:s10], $0x1000  }
0x12d: {  	[sflag:s10] =	ssyncset.done $0x0  }
0x12e: {  	s12 =	simm.s32 $0xF;
	[sflag:s10] =	ssyncadd.s32 $0xFFFFF000  }
0x12f: {  	_ =	swait.ge [sflag:s12], $0x1000  }
0x130: {  	[sflag:s12] =	ssyncset.done $0x0  }
0x131: {  	s13 =	simm.s32 $0x10;
	[sflag:s12] =	ssyncadd.s32 $0xFFFFF000  }
0x132: {  	_ =	swait.ge [sflag:s13], $0x1000  }
0x133: {  	[sflag:s13] =	ssyncset.done $0x0  }
0x134: {  	[sflag:s13] =	ssyncadd.s32 $0xFFFFF000  }
0x135: {  	_ =	swait.ge [sflag:s18], $0x200  }
0x136: {  	[sflag:s18] =	ssyncset.done $0x0  }
0x137: {  	[sflag:s18] =	ssyncadd.s32 $0xFFFFFE00  }
0x138: {  	_ =	swait.ge [sflag:s18], $0x200  }
0x139: {  	[sflag:s18] =	ssyncset.done $0x0  }
0x13a: {  	[sflag:s18] =	ssyncadd.s32 $0xFFFFFE00  }
0x13b: {  	[bflag:$0x0] =	sbarrier.arrive $0xFFFF  }
0x13c: {  	s14 =	rddreg [dreg:$0x9]  }
0x13d: {  	s9 =	rddreg [dreg:$0xd]  }
0x13e: {  	[hbm:s14], [sflag:s6] =	dma.local [spmem:s9], $0x13C0  }
0x13f: {  	_ =	swait.ge [sflag:s15], $0x13C0  }
0x140: {  	s11 =	sadd.s32 $0x1, s11;
	s16 =	rddreg [dreg:$0xa]  }
0x141: {  	p0 =	sne.s32 s11, s16  }
.Ltmp1:
0x142: {  	_ = 	snop;
	(pc) =	sbr.rel @p0 .LBB2_1-.Ltmp1, $3  }
0x143: {  	_ =	sdelay $0x1  }
0x144: {  	[sflag:s15] =	ssyncset.done $0x0  }
0x145: {  	[sflag:s15] =	ssyncadd.s32 $0xFFFFEC40  }
0x146: {  	_ =	sfence.sel $0x180000  }
0x147: {  	[bflag:$0x0] =	sbarrier.arrive $0xFFFF  }
0x148: {  	_ =	strace $0x90000047  }
0x149: {  	s0 =	stileid.u32;
	[bflag:$0x2] =	sbarrier.arrive $0xFFFF  }
0x14a: {  	p0 =	sne.s32 s0, $0x0;
	s0 =	rddreg [dreg:$0x4]  }
0x14b: {  	s0 =	sadd.s32 @!p0 $0x100000, s0  }
0x14c: {  	[sflag:s0] =	ssyncadd.tile.s32 @!p0 $0x1;
	_ =	shalt  }
.Lfunc_end2:
_tile_overlayer_lowered:
.L_overlay_start_2:
0x14d: {  	(tag) =	ssettag $0x2  }
0x14e: {  	s0 =	rddreg [dreg:$0x0];
	s2 =	stileid.u32  }
0x14f: {  	s1 =	rddreg [dreg:$0x1];
	p0 =	sne.s32 s2, $0x0  }
0x150: {  	s3 =	rddreg [dreg:$0x2];
	[bflag:$0x3] =	sbarrier.arrive $0xFFFF;
	s2 =	simm.s32 @!p0 $0x1C12  }
0x151: {  	[timem:s3], [sflag:s2] =	dma.local @!p0 [hbm:s0], s1  }
0x152: {  	s0 =	simm.s32 @!p0 $0x12  }
0x153: {  	_ =	swait.ge @!p0 [sflag:s0], s1  }
0x154: {  	s1 =	ssub.s32 @!p0 $0x0, s1;
	[sflag:s0] =	ssyncset.done @!p0 $0x0  }
0x155: {  	[sflag:s0] =	ssyncadd.s32 @!p0 s1  }
0x156: {  	[bflag:$0x3] =	sbarrier.arrive $0xFFFF  }
0x157: {  	_ =	shalt  }

</sc_bundles>
